<compile_context>
chip_gen: v7x
topology: tpu7x:2x2x1
jax: 0.10.2.dev20260603
libtpu: 0.0.44.dev20260713+nightly
codegen_flags: <defaults>
</compile_context>

<pallas_src>
import functools

import jax
import jax.numpy as jnp
from jax import lax
from jax.experimental import pallas as pl
from jax.experimental.pallas import tpu as pltpu
from jax.experimental.pallas import tpu_sc as plsc

N = 10000
E = 320000
D_IN = 128
H = 8
D = 16
ROW = H * D
AROW = ROW + 16

NC = 2
NS = 16
NW = NC * NS
EPW = E // NW
CHUNK = 40
NCHUNK = EPW // CHUNK
NPAD = 10240
RPT = NPAD // NS
WCH = 40
SCBYTES = CHUNK * AROW * 4
assert EPW % CHUNK == 0 and NCHUNK % 2 == 0 and RPT % WCH == 0


def _mm_body(f_ref, w_ref, o_ref):
    o_ref[...] = (jnp.dot(f_ref[...], w_ref[...],
                          preferred_element_type=jnp.float32)
                  * 0.5).astype(jnp.bfloat16)


def _matmul(feat, W):
    blk = 2000
    return pl.pallas_call(
        _mm_body,
        grid=(N // blk,),
        in_specs=[pl.BlockSpec((blk, D_IN), lambda i: (i, 0)),
                  pl.BlockSpec((D_IN, ROW), lambda i: (0, 0))],
        out_specs=pl.BlockSpec((blk, ROW), lambda i: (i, 0)),
        out_shape=jax.ShapeDtypeStruct((N, ROW), jnp.bfloat16),
    )(feat, W)


def _edge_kernel_body(ft_hbm, ei_hbm, out_hbm,
                      src_i0, src_i1, dst_i0, dst_i1, sdst0, sdst1,
                      srows0, srows1, drows0, drows1, arows0, arows1,
                      acc_sh, sem_g0, sem_g1, sem_s0, sem_s1,
                      sem_i0, sem_i1):
    cid = lax.axis_index("c")
    sid = lax.axis_index("s")
    wid = cid * NS + sid
    ebase = wid * EPW

    src_i = (src_i0, src_i1)
    dst_i = (dst_i0, dst_i1)
    sdst = (sdst0, sdst1)
    srows = (srows0, srows1)
    drows = (drows0, drows1)
    arows = (arows0, arows1)
    sem_g = (sem_g0, sem_g1)
    sem_s = (sem_s0, sem_s1)
    sem_i = (sem_i0, sem_i1)

    for r in range(WCH):
        for c in range(AROW // 16):
            arows0[r, pl.ds(16 * c, 16)] = jnp.zeros((16,), jnp.float32)

    def _zero_body(i, _):
        pltpu.sync_copy(arows0, acc_sh.at[pl.ds(sid * RPT + i * WCH, WCH)])
        return 0
    lax.fori_loop(0, RPT // WCH, _zero_body, 0)
    plsc.subcore_barrier()

    one_hot = [(lax.iota(jnp.int32, 16) == h).astype(jnp.float32)
               for h in range(H)]

    pltpu.sync_copy(ei_hbm.at[0, pl.ds(ebase, CHUNK)], src_i0)
    pltpu.sync_copy(ei_hbm.at[1, pl.ds(ebase, CHUNK)], dst_i0)
    pltpu.async_copy(ft_hbm.at[src_i0], srows0, sem_g0)
    pltpu.async_copy(ft_hbm.at[dst_i0], drows0, sem_g0)
    pltpu.async_copy(ei_hbm.at[0, pl.ds(ebase + CHUNK, CHUNK)], src_i1,
                     sem_i1)
    pltpu.async_copy(ei_hbm.at[1, pl.ds(ebase + CHUNK, CHUNK)], dst_i1,
                     sem_i1)

    def _half_body(j, b):
        o = 1 - b
        pltpu.make_async_copy(ei_hbm.at[0, pl.ds(ebase, CHUNK)],
                              src_i[o], sem_i[o]).wait()
        pltpu.make_async_copy(ei_hbm.at[1, pl.ds(ebase, CHUNK)],
                              dst_i[o], sem_i[o]).wait()
        pltpu.async_copy(ft_hbm.at[src_i[o]], srows[o], sem_g[o])
        pltpu.async_copy(ft_hbm.at[dst_i[o]], drows[o], sem_g[o])
        pltpu.make_async_copy(ft_hbm.at[src_i[b]], srows[b], sem_g[b]).wait()
        pltpu.make_async_copy(ft_hbm.at[dst_i[b]], drows[b], sem_g[b]).wait()

        @pl.when(j >= 2)
        def _wait_prev_scatter():
            pltpu.make_async_copy(
                arows[b], acc_sh.at[sdst[b]], sem_s[b]).wait()

        for k in (0, 16, CHUNK - 16):
            sdst[b][pl.ds(k, 16)] = dst_i[b][pl.ds(k, 16)]
        nbase = ebase + jnp.minimum(j + 2, NCHUNK - 1) * CHUNK
        pltpu.async_copy(ei_hbm.at[0, pl.ds(nbase, CHUNK)], src_i[b],
                         sem_i[b])
        pltpu.async_copy(ei_hbm.at[1, pl.ds(nbase, CHUNK)], dst_i[b],
                         sem_i[b])

        @plsc.parallel_loop(0, CHUNK, 1, unroll=2)
        def _edge_body(e):
            sv, dv = [], []
            for g in range(H // 2):
                sp = plsc.unpack(
                    srows[b][e, pl.ds(32 * g, 32)],
                    format=plsc.PackFormat.INTERLEAVED,
                    preferred_element_type=jnp.float32)
                dp = plsc.unpack(
                    drows[b][e, pl.ds(32 * g, 32)],
                    format=plsc.PackFormat.INTERLEAVED,
                    preferred_element_type=jnp.float32)
                sv += [sp[0], sp[1]]
                dv += [dp[0], dp[1]]
            cs = [plsc.cumsum(sv[h] * dv[h]) for h in range(H)]
            m = [one_hot[h] * cs[h][15] for h in range(H)]
            a_vec = ((m[0] + m[1]) + (m[2] + m[3])) + \
                    ((m[4] + m[5]) + (m[6] + m[7]))
            ex = jnp.exp(a_vec)
            arows[b][e, pl.ds(ROW, 16)] = ex
            for h in range(H):
                arows[b][e, pl.ds(16 * h, 16)] = sv[h] * ex[h]

        pltpu.async_copy(arows[b], acc_sh.at[sdst[b]], sem_s[b], add=True)

    def _pair_body(jj, _):
        _half_body(jj * 2, 0)
        _half_body(jj * 2 + 1, 1)
        return 0
    lax.fori_loop(0, NCHUNK // 2, _pair_body, 0)

    pltpu.make_async_copy(arows0, acc_sh.at[sdst0], sem_s0).wait()
    pltpu.make_async_copy(arows1, acc_sh.at[sdst1], sem_s1).wait()
    pltpu.make_async_copy(ft_hbm.at[src_i0], srows0, sem_g0).wait()
    pltpu.make_async_copy(ft_hbm.at[dst_i0], drows0, sem_g0).wait()
    pltpu.make_async_copy(ei_hbm.at[0, pl.ds(ebase, CHUNK)],
                          src_i1, sem_i1).wait()
    pltpu.make_async_copy(ei_hbm.at[1, pl.ds(ebase, CHUNK)],
                          dst_i1, sem_i1).wait()
    plsc.subcore_barrier()

    def _out_body(i, _):
        rbase = sid * RPT + i * WCH
        pltpu.sync_copy(acc_sh.at[pl.ds(rbase, WCH)], arows0)
        pltpu.sync_copy(arows0, out_hbm.at[cid, pl.ds(rbase, WCH)])
        return 0
    lax.fori_loop(0, RPT // WCH, _out_body, 0)


def _edge_pass(ft, edge_index):
    mesh = plsc.VectorSubcoreMesh(core_axis_name="c", subcore_axis_name="s")
    k = functools.partial(
        pl.kernel,
        mesh=mesh,
        out_type=jax.ShapeDtypeStruct((NC, NPAD, AROW), jnp.float32),
        scratch_types=[
            pltpu.VMEM((CHUNK,), jnp.int32),
            pltpu.VMEM((CHUNK,), jnp.int32),
            pltpu.VMEM((CHUNK,), jnp.int32),
            pltpu.VMEM((CHUNK,), jnp.int32),
            pltpu.VMEM((CHUNK,), jnp.int32),
            pltpu.VMEM((CHUNK,), jnp.int32),
            pltpu.VMEM((CHUNK, ROW), jnp.bfloat16),
            pltpu.VMEM((CHUNK, ROW), jnp.bfloat16),
            pltpu.VMEM((CHUNK, ROW), jnp.bfloat16),
            pltpu.VMEM((CHUNK, ROW), jnp.bfloat16),
            pltpu.VMEM((CHUNK, AROW), jnp.float32),
            pltpu.VMEM((CHUNK, AROW), jnp.float32),
            pltpu.VMEM_SHARED((NPAD, AROW), jnp.float32),
            pltpu.SemaphoreType.DMA,
            pltpu.SemaphoreType.DMA,
            pltpu.SemaphoreType.DMA,
            pltpu.SemaphoreType.DMA,
            pltpu.SemaphoreType.DMA,
            pltpu.SemaphoreType.DMA,
        ],
        compiler_params=pltpu.CompilerParams(
            use_tc_tiling_on_sc=False, needs_layout_passes=False),
    )(_edge_kernel_body)
    return k(ft, edge_index)


def _fin_body(u_ref, f_ref, o_ref):
    u = u_ref[0] + u_ref[1]
    den_pieces = []
    for h in range(H):
        d = u[:, ROW + h:ROW + h + 1]
        den_pieces.append(jnp.broadcast_to(d, (d.shape[0], 16)))
    den = jnp.concatenate(den_pieces, axis=1)
    num = u[:, :ROW]
    scaled = jnp.where(den > 0.0, num / jnp.where(den > 0.0, den, 1.0), 0.0)
    f = f_ref[...]
    att = scaled[:, 0:16]
    res = f[:, 0:16]
    for h in range(1, H):
        att = att + scaled[:, 16 * h:16 * (h + 1)]
        res = res + f[:, 16 * h:16 * (h + 1)]
    o_ref[...] = att * (2.0 / H) + res * (1.0 / H)


def _finalize(u, feat):
    blk = 2000
    return pl.pallas_call(
        _fin_body,
        grid=(N // blk,),
        in_specs=[pl.BlockSpec((NC, blk, AROW), lambda i: (0, i, 0)),
                  pl.BlockSpec((blk, D_IN), lambda i: (i, 0))],
        out_specs=pl.BlockSpec((blk, D), lambda i: (i, 0)),
        out_shape=jax.ShapeDtypeStruct((N, D), jnp.float32),
    )(u, feat)


_PERM = [0] * ROW
for _g in range(H // 2):
    for _k in range(16):
        _PERM[32 * _g + 2 * _k] = 32 * _g + _k
        _PERM[32 * _g + 2 * _k + 1] = 32 * _g + 16 + _k


def kernel(feat, edge_index, W):
    ft = _matmul(feat, W[:, jnp.array(_PERM)])
    u = _edge_pass(ft, edge_index)
    return _finalize(u, feat)

# --- scband reference (transcript-rebuilt; emitter-appended) ---
"""Pipeline reference for scband-dot-gat-conv-49606872269210 (READ-ONLY COPY).

The authoritative reference and input builder live on the scoring server;
editing this copy changes nothing except your own understanding.
"""

import jax, jax.numpy as jnp
import numpy as np

N = 10000
E = 320000
D_IN = 128
H = 8
D = 16


def setup_inputs(seed: int = 0) -> dict:
    key = jax.random.key(seed)
    k1, k2, k3 = jax.random.split(key, 3)
    feat = jax.random.normal(k1, (N, D_IN), dtype=jnp.float32)
    edge_index = jax.random.randint(k2, (2, E), 0, N, dtype=jnp.int32)
    # fc weight: nn.Linear(in_feats, out_feats*num_heads, bias=False), stored as (D_IN, H*D) for x @ W
    W = jax.random.normal(k3, (D_IN, H * D), dtype=jnp.float32) * 0.05
    return {"feat": feat, "edge_index": edge_index, "W": W}


def reference(feat, edge_index, W):
    src = edge_index[0]
    dst = edge_index[1]
    # feat_drop is identity (p=0.0)
    ft = (feat @ W).reshape(-1, H, D)  # (N, H, D), feat_src == feat_dst
    # apply_edges: u_dot_v -> (E, H), scaled by 1/sqrt(out_feats)
    a = jnp.sum(ft[src] * ft[dst], axis=-1) / jnp.sqrt(float(D))  # (E, H)
    # edge_softmax over incoming edges of each dst node, per head
    amax = jax.ops.segment_max(a, dst, num_segments=N)  # (N, H)
    amax = jnp.where(jnp.isfinite(amax), amax, 0.0)
    amax = jax.lax.stop_gradient(amax)
    ex = jnp.exp(a - amax[dst])
    denom = jax.ops.segment_sum(ex, dst, num_segments=N)  # (N, H)
    sa = ex / denom[dst]  # (E, H); attn_drop is identity (p=0.0)
    # update_all: u_mul_e then sum over incoming edges
    agg = jax.ops.segment_sum(ft[src] * sa[:, :, None], dst, num_segments=N)  # (N, H, D)
    # residual: in_dst_feats (128) == num_heads*out_feats (128) -> res_fc = Identity
    resval = feat.reshape(N, -1, D)  # (N, H, D)
    rst = agg + resval
    # concat_out=False -> mean over heads
    rst = jnp.mean(rst, axis=1)  # (N, D)
    # norm=None, activation=None
    return rst


if False:  # reference __main__ guard neutralized (emitter)
    out = reference(**setup_inputs())
    print(out.shape, out.dtype)

if __name__ == "__main__":
    import jax
    _d = setup_inputs()
    print(jax.jit(kernel)(*tuple(_d.values())))

</pallas_src>

<mosaic_0001>
#map = affine_map<(d0, d1) -> (0, 0)>
#map1 = affine_map<(d0, d1) -> (0, 0, 0)>
module attributes {stable_mosaic.version = 14 : i64} {
  func.func @_edge_kernel_body(%arg0: i32, %arg1: i32, %arg2: memref<10000x128xbf16, #tpu.memory_space<hbm>>, %arg3: memref<2x320000xi32, #tpu.memory_space<hbm>>, %arg4: memref<2x10240x144xf32, #tpu.memory_space<hbm>>, %arg5: memref<40xi32, #tpu.memory_space<vmem>>, %arg6: memref<40xi32, #tpu.memory_space<vmem>>, %arg7: memref<40xi32, #tpu.memory_space<vmem>>, %arg8: memref<40xi32, #tpu.memory_space<vmem>>, %arg9: memref<40xi32, #tpu.memory_space<vmem>>, %arg10: memref<40xi32, #tpu.memory_space<vmem>>, %arg11: memref<40x128xbf16, #tpu.memory_space<vmem>>, %arg12: memref<40x128xbf16, #tpu.memory_space<vmem>>, %arg13: memref<40x128xbf16, #tpu.memory_space<vmem>>, %arg14: memref<40x128xbf16, #tpu.memory_space<vmem>>, %arg15: memref<40x144xf32, #tpu.memory_space<vmem>>, %arg16: memref<40x144xf32, #tpu.memory_space<vmem>>, %arg17: memref<10240x144xf32, #tpu.memory_space<vmem_shared>>, %arg18: memref<!tpu.dma_semaphore, #tpu.memory_space<semaphore_mem>>, %arg19: memref<!tpu.dma_semaphore, #tpu.memory_space<semaphore_mem>>, %arg20: memref<!tpu.dma_semaphore, #tpu.memory_space<semaphore_mem>>, %arg21: memref<!tpu.dma_semaphore, #tpu.memory_space<semaphore_mem>>, %arg22: memref<!tpu.dma_semaphore, #tpu.memory_space<semaphore_mem>>, %arg23: memref<!tpu.dma_semaphore, #tpu.memory_space<semaphore_mem>>) attributes {dimension_semantics = [#tpu.dimension_semantics<core_parallel>, #tpu.dimension_semantics<subcore_parallel>], iteration_bounds = array<i64: 2, 16>, scalar_prefetch = 0 : i64, scratch_operands = 19 : i64, tpu.core_type = #tpu.core_type<sc_vector_subcore>, window_params = [{transform_indices = #map}, {transform_indices = #map}, {transform_indices = #map1}]} {
    %mul3A = arith.constant 16 : i32
    %mul3A_0 = arith.muli %arg0, %mul3A : i32
    %add3A = arith.addi %mul3A_0, %arg1 : i32
    %mul3A_1 = arith.constant 10000 : i32
    %mul3A_2 = arith.muli %add3A, %mul3A_1 : i32
    %broadcast_in_dim3A = arith.constant 0.000000e+00 : f32
    %broadcast_in_dim3A_3 = vector.broadcast %broadcast_in_dim3A : f32 to vector<16xf32>
    %swap3A = arith.constant 0 : i32
    %swap3A_4 = arith.index_cast %swap3A : i32 to index
    %swap3A_5 = arith.constant 0 : index
    %swap3A_6 = tpu.vector_load %arg15[%swap3A_4, %swap3A_5] {strides = array<i32>} : memref<40x144xf32, #tpu.memory_space<vmem>>, vector<16xf32>,
    tpu.vector_store %arg15[%swap3A_4, %swap3A_5], %broadcast_in_dim3A_3 {strides = array<i32>} : memref<40x144xf32, #tpu.memory_space<vmem>>, vector<16xf32>,
    %broadcast_in_dim3A_7 = arith.constant 0.000000e+00 : f32
    %broadcast_in_dim3A_8 = vector.broadcast %broadcast_in_dim3A_7 : f32 to vector<16xf32>
    %swap3A_9 = arith.constant 0 : i32
    %swap3A_10 = arith.index_cast %swap3A_9 : i32 to index
    %swap3A_11 = arith.constant 16 : index
    %swap3A_12 = tpu.vector_load %arg15[%swap3A_10, %swap3A_11] {strides = array<i32>} : memref<40x144xf32, #tpu.memory_space<vmem>>, vector<16xf32>,
    tpu.vector_store %arg15[%swap3A_10, %swap3A_11], %broadcast_in_dim3A_8 {strides = array<i32>} : memref<40x144xf32, #tpu.memory_space<vmem>>, vector<16xf32>,
    %broadcast_in_dim3A_13 = arith.constant 0.000000e+00 : f32
    %broadcast_in_dim3A_14 = vector.broadcast %broadcast_in_dim3A_13 : f32 to vector<16xf32>
    %swap3A_15 = arith.constant 0 : i32
    %swap3A_16 = arith.index_cast %swap3A_15 : i32 to index
    %swap3A_17 = arith.constant 32 : index
    %swap3A_18 = tpu.vector_load %arg15[%swap3A_16, %swap3A_17] {strides = array<i32>} : memref<40x144xf32, #tpu.memory_space<vmem>>, vector<16xf32>,
    tpu.vector_store %arg15[%swap3A_16, %swap3A_17], %broadcast_in_dim3A_14 {strides = array<i32>} : memref<40x144xf32, #tpu.memory_space<vmem>>, vector<16xf32>,
    %broadcast_in_dim3A_19 = arith.constant 0.000000e+00 : f32
    %broadcast_in_dim3A_20 = vector.broadcast %broadcast_in_dim3A_19 : f32 to vector<16xf32>
    %swap3A_21 = arith.constant 0 : i32
    %swap3A_22 = arith.index_cast %swap3A_21 : i32 to index
    %swap3A_23 = arith.constant 48 : index
    %swap3A_24 = tpu.vector_load %arg15[%swap3A_22, %swap3A_23] {strides = array<i32>} : memref<40x144xf32, #tpu.memory_space<vmem>>, vector<16xf32>,
    tpu.vector_store %arg15[%swap3A_22, %swap3A_23], %broadcast_in_dim3A_20 {strides = array<i32>} : memref<40x144xf32, #tpu.memory_space<vmem>>, vector<16xf32>,
    %broadcast_in_dim3A_25 = arith.constant 0.000000e+00 : f32
    %broadcast_in_dim3A_26 = vector.broadcast %broadcast_in_dim3A_25 : f32 to vector<16xf32>
    %swap3A_27 = arith.constant 0 : i32
    %swap3A_28 = arith.index_cast %swap3A_27 : i32 to index
    %swap3A_29 = arith.constant 64 : index
    %swap3A_30 = tpu.vector_load %arg15[%swap3A_28, %swap3A_29] {strides = array<i32>} : memref<40x144xf32, #tpu.memory_space<vmem>>, vector<16xf32>,
    tpu.vector_store %arg15[%swap3A_28, %swap3A_29], %broadcast_in_dim3A_26 {strides = array<i32>} : memref<40x144xf32, #tpu.memory_space<vmem>>, vector<16xf32>,
    %broadcast_in_dim3A_31 = arith.constant 0.000000e+00 : f32
    %broadcast_in_dim3A_32 = vector.broadcast %broadcast_in_dim3A_31 : f32 to vector<16xf32>
    %swap3A_33 = arith.constant 0 : i32
    %swap3A_34 = arith.index_cast %swap3A_33 : i32 to index
    %swap3A_35 = arith.constant 80 : index
    %swap3A_36 = tpu.vector_load %arg15[%swap3A_34, %swap3A_35] {strides = array<i32>} : memref<40x144xf32, #tpu.memory_space<vmem>>, vector<16xf32>,
    tpu.vector_store %arg15[%swap3A_34, %swap3A_35], %broadcast_in_dim3A_32 {strides = array<i32>} : memref<40x144xf32, #tpu.memory_space<vmem>>, vector<16xf32>,
    %broadcast_in_dim3A_37 = arith.constant 0.000000e+00 : f32
    %broadcast_in_dim3A_38 = vector.broadcast %broadcast_in_dim3A_37 : f32 to vector<16xf32>
    %swap3A_39 = arith.constant 0 : i32
    %swap3A_40 = arith.index_cast %swap3A_39 : i32 to index
    %swap3A_41 = arith.constant 96 : index
    %swap3A_42 = tpu.vector_load %arg15[%swap3A_40, %swap3A_41] {strides = array<i32>} : memref<40x144xf32, #tpu.memory_space<vmem>>, vector<16xf32>,
    tpu.vector_store %arg15[%swap3A_40, %swap3A_41], %broadcast_in_dim3A_38 {strides = array<i32>} : memref<40x144xf32, #tpu.memory_space<vmem>>, vector<16xf32>,
    %broadcast_in_dim3A_43 = arith.constant 0.000000e+00 : f32
    %broadcast_in_dim3A_44 = vector.broadcast %broadcast_in_dim3A_43 : f32 to vector<16xf32>
    %swap3A_45 = arith.constant 0 : i32
    %swap3A_46 = arith.index_cast %swap3A_45 : i32 to index
    %swap3A_47 = arith.constant 112 : index
    %swap3A_48 = tpu.vector_load %arg15[%swap3A_46, %swap3A_47] {strides = array<i32>} : memref<40x144xf32, #tpu.memory_space<vmem>>, vector<16xf32>,
    tpu.vector_store %arg15[%swap3A_46, %swap3A_47], %broadcast_in_dim3A_44 {strides = array<i32>} : memref<40x144xf32, #tpu.memory_space<vmem>>, vector<16xf32>,
    %broadcast_in_dim3A_49 = arith.constant 0.000000e+00 : f32
    %broadcast_in_dim3A_50 = vector.broadcast %broadcast_in_dim3A_49 : f32 to vector<16xf32>
    %swap3A_51 = arith.constant 0 : i32
    %swap3A_52 = arith.index_cast %swap3A_51 : i32 to index
    %swap3A_53 = arith.constant 128 : index
    %swap3A_54 = tpu.vector_load %arg15[%swap3A_52, %swap3A_53] {strides = array<i32>} : memref<40x144xf32, #tpu.memory_space<vmem>>, vector<16xf32>,
    tpu.vector_store %arg15[%swap3A_52, %swap3A_53], %broadcast_in_dim3A_50 {strides = array<i32>} : memref<40x144xf32, #tpu.memory_space<vmem>>, vector<16xf32>,
    %broadcast_in_dim3A_55 = arith.constant 0.000000e+00 : f32
    %broadcast_in_dim3A_56 = vector.broadcast %broadcast_in_dim3A_55 : f32 to vector<16xf32>
    %swap3A_57 = arith.constant 1 : i32
    %swap3A_58 = arith.index_cast %swap3A_57 : i32 to index
    %swap3A_59 = arith.constant 0 : index
    %swap3A_60 = tpu.vector_load %arg15[%swap3A_58, %swap3A_59] {strides = array<i32>} : memref<40x144xf32, #tpu.memory_space<vmem>>, vector<16xf32>,
    tpu.vector_store %arg15[%swap3A_58, %swap3A_59], %broadcast_in_dim3A_56 {strides = array<i32>} : memref<40x144xf32, #tpu.memory_space<vmem>>, vector<16xf32>,
    %broadcast_in_dim3A_61 = arith.constant 0.000000e+00 : f32
    %broadcast_in_dim3A_62 = vector.broadcast %broadcast_in_dim3A_61 : f32 to vector<16xf32>
    %swap3A_63 = arith.constant 1 : i32
    %swap3A_64 = arith.index_cast %swap3A_63 : i32 to index
    %swap3A_65 = arith.constant 16 : index
    %swap3A_66 = tpu.vector_load %arg15[%swap3A_64, %swap3A_65] {strides = array<i32>} : memref<40x144xf32, #tpu.memory_space<vmem>>, vector<16xf32>,
    tpu.vector_store %arg15[%swap3A_64, %swap3A_65], %broadcast_in_dim3A_62 {strides = array<i32>} : memref<40x144xf32, #tpu.memory_space<vmem>>, vector<16xf32>,
    %broadcast_in_dim3A_67 = arith.constant 0.000000e+00 : f32
    %broadcast_in_dim3A_68 = vector.broadcast %broadcast_in_dim3A_67 : f32 to vector<16xf32>
    %swap3A_69 = arith.constant 1 : i32
    %swap3A_70 = arith.index_cast %swap3A_69 : i32 to index
    %swap3A_71 = arith.constant 32 : index
    %swap3A_72 = tpu.vector_load %arg15[%swap3A_70, %swap3A_71] {strides = array<i32>} : memref<40x144xf32, #tpu.memory_space<vmem>>, vector<16xf32>,
    tpu.vector_store %arg15[%swap3A_70, %swap3A_71], %broadcast_in_dim3A_68 {strides = array<i32>} : memref<40x144xf32, #tpu.memory_space<vmem>>, vector<16xf32>,
    %broadcast_in_dim3A_73 = arith.constant 0.000000e+00 : f32
    %broadcast_in_dim3A_74 = vector.broadcast %broadcast_in_dim3A_73 : f32 to vector<16xf32>
    %swap3A_75 = arith.constant 1 : i32
    %swap3A_76 = arith.index_cast %swap3A_75 : i32 to index
    %swap3A_77 = arith.constant 48 : index
    %swap3A_78 = tpu.vector_load %arg15[%swap3A_76, %swap3A_77] {strides = array<i32>} : memref<40x144xf32, #tpu.memory_space<vmem>>, vector<16xf32>,
    tpu.vector_store %arg15[%swap3A_76, %swap3A_77], %broadcast_in_dim3A_74 {strides = array<i32>} : memref<40x144xf32, #tpu.memory_space<vmem>>, vector<16xf32>,
    %broadcast_in_dim3A_79 = arith.constant 0.000000e+00 : f32
    %broadcast_in_dim3A_80 = vector.broadcast %broadcast_in_dim3A_79 : f32 to vector<16xf32>
    %swap3A_81 = arith.constant 1 : i32
    %swap3A_82 = arith.index_cast %swap3A_81 : i32 to index
    %swap3A_83 = arith.constant 64 : index
    %swap3A_84 = tpu.vector_load %arg15[%swap3A_82, %swap3A_83] {strides = array<i32>} : memref<40x144xf32, #tpu.memory_space<vmem>>, vector<16xf32>,
    tpu.vector_store %arg15[%swap3A_82, %swap3A_83], %broadcast_in_dim3A_80 {strides = array<i32>} : memref<40x144xf32, #tpu.memory_space<vmem>>, vector<16xf32>,
    %broadcast_in_dim3A_85 = arith.constant 0.000000e+00 : f32
    %broadcast_in_dim3A_86 = vector.broadcast %broadcast_in_dim3A_85 : f32 to vector<16xf32>
    %swap3A_87 = arith.constant 1 : i32
    %swap3A_88 = arith.index_cast %swap3A_87 : i32 to index
    %swap3A_89 = arith.constant 80 : index
    %swap3A_90 = tpu.vector_load %arg15[%swap3A_88, %swap3A_89] {strides = array<i32>} : memref<40x144xf32, #tpu.memory_space<vmem>>, vector<16xf32>,
    tpu.vector_store %arg15[%swap3A_88, %swap3A_89], %broadcast_in_dim3A_86 {strides = array<i32>} : memref<40x144xf32, #tpu.memory_space<vmem>>, vector<16xf32>,
    %broadcast_in_dim3A_91 = arith.constant 0.000000e+00 : f32
    %broadcast_in_dim3A_92 = vector.broadcast %broadcast_in_dim3A_91 : f32 to vector<16xf32>
    %swap3A_93 = arith.constant 1 : i32
    %swap3A_94 = arith.index_cast %swap3A_93 : i32 to index
    %swap3A_95 = arith.constant 96 : index
    %swap3A_96 = tpu.vector_load %arg15[%swap3A_94, %swap3A_95] {strides = array<i32>} : memref<40x144xf32, #tpu.memory_space<vmem>>, vector<16xf32>,
    tpu.vector_store %arg15[%swap3A_94, %swap3A_95], %broadcast_in_dim3A_92 {strides = array<i32>} : memref<40x144xf32, #tpu.memory_space<vmem>>, vector<16xf32>,
    %broadcast_in_dim3A_97 = arith.constant 0.000000e+00 : f32
    %broadcast_in_dim3A_98 = vector.broadcast %broadcast_in_dim3A_97 : f32 to vector<16xf32>
    %swap3A_99 = arith.constant 1 : i32
    %swap3A_100 = arith.index_cast %swap3A_99 : i32 to index
    %swap3A_101 = arith.constant 112 : index
    %swap3A_102 = tpu.vector_load %arg15[%swap3A_100, %swap3A_101] {strides = array<i32>} : memref<40x144xf32, #tpu.memory_space<vmem>>, vector<16xf32>,
    tpu.vector_store %arg15[%swap3A_100, %swap3A_101], %broadcast_in_dim3A_98 {strides = array<i32>} : memref<40x144xf32, #tpu.memory_space<vmem>>, vector<16xf32>,
    %broadcast_in_dim3A_103 = arith.constant 0.000000e+00 : f32
    %broadcast_in_dim3A_104 = vector.broadcast %broadcast_in_dim3A_103 : f32 to vector<16xf32>
    %swap3A_105 = arith.constant 1 : i32
    %swap3A_106 = arith.index_cast %swap3A_105 : i32 to index
    %swap3A_107 = arith.constant 128 : index
    %swap3A_108 = tpu.vector_load %arg15[%swap3A_106, %swap3A_107] {strides = array<i32>} : memref<40x144xf32, #tpu.memory_space<vmem>>, vector<16xf32>,
    tpu.vector_store %arg15[%swap3A_106, %swap3A_107], %broadcast_in_dim3A_104 {strides = array<i32>} : memref<40x144xf32, #tpu.memory_space<vmem>>, vector<16xf32>,
    %broadcast_in_dim3A_109 = arith.constant 0.000000e+00 : f32
    %broadcast_in_dim3A_110 = vector.broadcast %broadcast_in_dim3A_109 : f32 to vector<16xf32>
    %swap3A_111 = arith.constant 2 : i32
    %swap3A_112 = arith.index_cast %swap3A_111 : i32 to index
    %swap3A_113 = arith.constant 0 : index
    %swap3A_114 = tpu.vector_load %arg15[%swap3A_112, %swap3A_113] {strides = array<i32>} : memref<40x144xf32, #tpu.memory_space<vmem>>, vector<16xf32>,
    tpu.vector_store %arg15[%swap3A_112, %swap3A_113], %broadcast_in_dim3A_110 {strides = array<i32>} : memref<40x144xf32, #tpu.memory_space<vmem>>, vector<16xf32>,
    %broadcast_in_dim3A_115 = arith.constant 0.000000e+00 : f32
    %broadcast_in_dim3A_116 = vector.broadcast %broadcast_in_dim3A_115 : f32 to vector<16xf32>
    %swap3A_117 = arith.constant 2 : i32
    %swap3A_118 = arith.index_cast %swap3A_117 : i32 to index
    %swap3A_119 = arith.constant 16 : index
    %swap3A_120 = tpu.vector_load %arg15[%swap3A_118, %swap3A_119] {strides = array<i32>} : memref<40x144xf32, #tpu.memory_space<vmem>>, vector<16xf32>,
    tpu.vector_store %arg15[%swap3A_118, %swap3A_119], %broadcast_in_dim3A_116 {strides = array<i32>} : memref<40x144xf32, #tpu.memory_space<vmem>>, vector<16xf32>,
    %broadcast_in_dim3A_121 = arith.constant 0.000000e+00 : f32
    %broadcast_in_dim3A_122 = vector.broadcast %broadcast_in_dim3A_121 : f32 to vector<16xf32>
    %swap3A_123 = arith.constant 2 : i32
    %swap3A_124 = arith.index_cast %swap3A_123 : i32 to index
    %swap3A_125 = arith.constant 32 : index
    %swap3A_126 = tpu.vector_load %arg15[%swap3A_124, %swap3A_125] {strides = array<i32>} : memref<40x144xf32, #tpu.memory_space<vmem>>, vector<16xf32>,
    tpu.vector_store %arg15[%swap3A_124, %swap3A_125], %broadcast_in_dim3A_122 {strides = array<i32>} : memref<40x144xf32, #tpu.memory_space<vmem>>, vector<16xf32>,
    %broadcast_in_dim3A_127 = arith.constant 0.000000e+00 : f32
    %broadcast_in_dim3A_128 = vector.broadcast %broadcast_in_dim3A_127 : f32 to vector<16xf32>
    %swap3A_129 = arith.constant 2 : i32
    %swap3A_130 = arith.index_cast %swap3A_129 : i32 to index
    %swap3A_131 = arith.constant 48 : index
    %swap3A_132 = tpu.vector_load %arg15[%swap3A_130, %swap3A_131] {strides = array<i32>} : memref<40x144xf32, #tpu.memory_space<vmem>>, vector<16xf32>,
    tpu.vector_store %arg15[%swap3A_130, %swap3A_131], %broadcast_in_dim3A_128 {strides = array<i32>} : memref<40x144xf32, #tpu.memory_space<vmem>>, vector<16xf32>,
    %broadcast_in_dim3A_133 = arith.constant 0.000000e+00 : f32
    %broadcast_in_dim3A_134 = vector.broadcast %broadcast_in_dim3A_133 : f32 to vector<16xf32>
    %swap3A_135 = arith.constant 2 : i32
    %swap3A_136 = arith.index_cast %swap3A_135 : i32 to index
    %swap3A_137 = arith.constant 64 : index
    %swap3A_138 = tpu.vector_load %arg15[%swap3A_136, %swap3A_137] {strides = array<i32>} : memref<40x144xf32, #tpu.memory_space<vmem>>, vector<16xf32>,
    tpu.vector_store %arg15[%swap3A_136, %swap3A_137], %broadcast_in_dim3A_134 {strides = array<i32>} : memref<40x144xf32, #tpu.memory_space<vmem>>, vector<16xf32>,
    %broadcast_in_dim3A_139 = arith.constant 0.000000e+00 : f32
    %broadcast_in_dim3A_140 = vector.broadcast %broadcast_in_dim3A_139 : f32 to vector<16xf32>
    %swap3A_141 = arith.constant 2 : i32
    %swap3A_142 = arith.index_cast %swap3A_141 : i32 to index
    %swap3A_143 = arith.constant 80 : index
    %swap3A_144 = tpu.vector_load %arg15[%swap3A_142, %swap3A_143] {strides = array<i32>} : memref<40x144xf32, #tpu.memory_space<vmem>>, vector<16xf32>,
    tpu.vector_store %arg15[%swap3A_142, %swap3A_143], %broadcast_in_dim3A_140 {strides = array<i32>} : memref<40x144xf32, #tpu.memory_space<vmem>>, vector<16xf32>,
    %broadcast_in_dim3A_145 = arith.constant 0.000000e+00 : f32
    %broadcast_in_dim3A_146 = vector.broadcast %broadcast_in_dim3A_145 : f32 to vector<16xf32>
    %swap3A_147 = arith.constant 2 : i32
    %swap3A_148 = arith.index_cast %swap3A_147 : i32 to index
    %swap3A_149 = arith.constant 96 : index
    %swap3A_150 = tpu.vector_load %arg15[%swap3A_148, %swap3A_149] {strides = array<i32>} : memref<40x144xf32, #tpu.memory_space<vmem>>, vector<16xf32>,
    tpu.vector_store %arg15[%swap3A_148, %swap3A_149], %broadcast_in_dim3A_146 {strides = array<i32>} : memref<40x144xf32, #tpu.memory_space<vmem>>, vector<16xf32>,
    %broadcast_in_dim3A_151 = arith.constant 0.000000e+00 : f32
    %broadcast_in_dim3A_152 = vector.broadcast %broadcast_in_dim3A_151 : f32 to vector<16xf32>
    %swap3A_153 = arith.constant 2 : i32
    %swap3A_154 = arith.index_cast %swap3A_153 : i32 to index
    %swap3A_155 = arith.constant 112 : index
    %swap3A_156 = tpu.vector_load %arg15[%swap3A_154, %swap3A_155] {strides = array<i32>} : memref<40x144xf32, #tpu.memory_space<vmem>>, vector<16xf32>,
    tpu.vector_store %arg15[%swap3A_154, %swap3A_155], %broadcast_in_dim3A_152 {strides = array<i32>} : memref<40x144xf32, #tpu.memory_space<vmem>>, vector<16xf32>,
    %broadcast_in_dim3A_157 = arith.constant 0.000000e+00 : f32
    %broadcast_in_dim3A_158 = vector.broadcast %broadcast_in_dim3A_157 : f32 to vector<16xf32>
    %swap3A_159 = arith.constant 2 : i32
    %swap3A_160 = arith.index_cast %swap3A_159 : i32 to index
    %swap3A_161 = arith.constant 128 : index
    %swap3A_162 = tpu.vector_load %arg15[%swap3A_160, %swap3A_161] {strides = array<i32>} : memref<40x144xf32, #tpu.memory_space<vmem>>, vector<16xf32>,
    tpu.vector_store %arg15[%swap3A_160, %swap3A_161], %broadcast_in_dim3A_158 {strides = array<i32>} : memref<40x144xf32, #tpu.memory_space<vmem>>, vector<16xf32>,
    %broadcast_in_dim3A_163 = arith.constant 0.000000e+00 : f32
    %broadcast_in_dim3A_164 = vector.broadcast %broadcast_in_dim3A_163 : f32 to vector<16xf32>
    %swap3A_165 = arith.constant 3 : i32
    %swap3A_166 = arith.index_cast %swap3A_165 : i32 to index
    %swap3A_167 = arith.constant 0 : index
    %swap3A_168 = tpu.vector_load %arg15[%swap3A_166, %swap3A_167] {strides = array<i32>} : memref<40x144xf32, #tpu.memory_space<vmem>>, vector<16xf32>,
    tpu.vector_store %arg15[%swap3A_166, %swap3A_167], %broadcast_in_dim3A_164 {strides = array<i32>} : memref<40x144xf32, #tpu.memory_space<vmem>>, vector<16xf32>,
    %broadcast_in_dim3A_169 = arith.constant 0.000000e+00 : f32
    %broadcast_in_dim3A_170 = vector.broadcast %broadcast_in_dim3A_169 : f32 to vector<16xf32>
    %swap3A_171 = arith.constant 3 : i32
    %swap3A_172 = arith.index_cast %swap3A_171 : i32 to index
    %swap3A_173 = arith.constant 16 : index
    %swap3A_174 = tpu.vector_load %arg15[%swap3A_172, %swap3A_173] {strides = array<i32>} : memref<40x144xf32, #tpu.memory_space<vmem>>, vector<16xf32>,
    tpu.vector_store %arg15[%swap3A_172, %swap3A_173], %broadcast_in_dim3A_170 {strides = array<i32>} : memref<40x144xf32, #tpu.memory_space<vmem>>, vector<16xf32>,
    %broadcast_in_dim3A_175 = arith.constant 0.000000e+00 : f32
    %broadcast_in_dim3A_176 = vector.broadcast %broadcast_in_dim3A_175 : f32 to vector<16xf32>
    %swap3A_177 = arith.constant 3 : i32
    %swap3A_178 = arith.index_cast %swap3A_177 : i32 to index
    %swap3A_179 = arith.constant 32 : index
    %swap3A_180 = tpu.vector_load %arg15[%swap3A_178, %swap3A_179] {strides = array<i32>} : memref<40x144xf32, #tpu.memory_space<vmem>>, vector<16xf32>,
    tpu.vector_store %arg15[%swap3A_178, %swap3A_179], %broadcast_in_dim3A_176 {strides = array<i32>} : memref<40x144xf32, #tpu.memory_space<vmem>>, vector<16xf32>,
    %broadcast_in_dim3A_181 = arith.constant 0.000000e+00 : f32
    %broadcast_in_dim3A_182 = vector.broadcast %broadcast_in_dim3A_181 : f32 to vector<16xf32>
    %swap3A_183 = arith.constant 3 : i32
    %swap3A_184 = arith.index_cast %swap3A_183 : i32 to index
    %swap3A_185 = arith.constant 48 : index
    %swap3A_186 = tpu.vector_load %arg15[%swap3A_184, %swap3A_185] {strides = array<i32>} : memref<40x144xf32, #tpu.memory_space<vmem>>, vector<16xf32>,
    tpu.vector_store %arg15[%swap3A_184, %swap3A_185], %broadcast_in_dim3A_182 {strides = array<i32>} : memref<40x144xf32, #tpu.memory_space<vmem>>, vector<16xf32>,
    %broadcast_in_dim3A_187 = arith.constant 0.000000e+00 : f32
    %broadcast_in_dim3A_188 = vector.broadcast %broadcast_in_dim3A_187 : f32 to vector<16xf32>
    %swap3A_189 = arith.constant 3 : i32
    %swap3A_190 = arith.index_cast %swap3A_189 : i32 to index
    %swap3A_191 = arith.constant 64 : index
    %swap3A_192 = tpu.vector_load %arg15[%swap3A_190, %swap3A_191] {strides = array<i32>} : memref<40x144xf32, #tpu.memory_space<vmem>>, vector<16xf32>,
    tpu.vector_store %arg15[%swap3A_190, %swap3A_191], %broadcast_in_dim3A_188 {strides = array<i32>} : memref<40x144xf32, #tpu.memory_space<vmem>>, vector<16xf32>,
    %broadcast_in_dim3A_193 = arith.constant 0.000000e+00 : f32
    %broadcast_in_dim3A_194 = vector.broadcast %broadcast_in_dim3A_193 : f32 to vector<16xf32>
    %swap3A_195 = arith.constant 3 : i32
    %swap3A_196 = arith.index_cast %swap3A_195 : i32 to index
    %swap3A_197 = arith.constant 80 : index
    %swap3A_198 = tpu.vector_load %arg15[%swap3A_196, %swap3A_197] {strides = array<i32>} : memref<40x144xf32, #tpu.memory_space<vmem>>, vector<16xf32>,
    tpu.vector_store %arg15[%swap3A_196, %swap3A_197], %broadcast_in_dim3A_194 {strides = array<i32>} : memref<40x144xf32, #tpu.memory_space<vmem>>, vector<16xf32>,
    %broadcast_in_dim3A_199 = arith.constant 0.000000e+00 : f32
    %broadcast_in_dim3A_200 = vector.broadcast %broadcast_in_dim3A_199 : f32 to vector<16xf32>
    %swap3A_201 = arith.constant 3 : i32
    %swap3A_202 = arith.index_cast %swap3A_201 : i32 to index
    %swap3A_203 = arith.constant 96 : index
    %swap3A_204 = tpu.vector_load %arg15[%swap3A_202, %swap3A_203] {strides = array<i32>} : memref<40x144xf32, #tpu.memory_space<vmem>>, vector<16xf32>,
    tpu.vector_store %arg15[%swap3A_202, %swap3A_203], %broadcast_in_dim3A_200 {strides = array<i32>} : memref<40x144xf32, #tpu.memory_space<vmem>>, vector<16xf32>,
    %broadcast_in_dim3A_205 = arith.constant 0.000000e+00 : f32
    %broadcast_in_dim3A_206 = vector.broadcast %broadcast_in_dim3A_205 : f32 to vector<16xf32>
    %swap3A_207 = arith.constant 3 : i32
    %swap3A_208 = arith.index_cast %swap3A_207 : i32 to index
    %swap3A_209 = arith.constant 112 : index
    %swap3A_210 = tpu.vector_load %arg15[%swap3A_208, %swap3A_209] {strides = array<i32>} : memref<40x144xf32, #tpu.memory_space<vmem>>, vector<16xf32>,
    tpu.vector_store %arg15[%swap3A_208, %swap3A_209], %broadcast_in_dim3A_206 {strides = array<i32>} : memref<40x144xf32, #tpu.memory_space<vmem>>, vector<16xf32>,
    %broadcast_in_dim3A_211 = arith.constant 0.000000e+00 : f32
    %broadcast_in_dim3A_212 = vector.broadcast %broadcast_in_dim3A_211 : f32 to vector<16xf32>
    %swap3A_213 = arith.constant 3 : i32
    %swap3A_214 = arith.index_cast %swap3A_213 : i32 to index
    %swap3A_215 = arith.constant 128 : index
    %swap3A_216 = tpu.vector_load %arg15[%swap3A_214, %swap3A_215] {strides = array<i32>} : memref<40x144xf32, #tpu.memory_space<vmem>>, vector<16xf32>,
    tpu.vector_store %arg15[%swap3A_214, %swap3A_215], %broadcast_in_dim3A_212 {strides = array<i32>} : memref<40x144xf32, #tpu.memory_space<vmem>>, vector<16xf32>,
    %broadcast_in_dim3A_217 = arith.constant 0.000000e+00 : f32
    %broadcast_in_dim3A_218 = vector.broadcast %broadcast_in_dim3A_217 : f32 to vector<16xf32>
    %swap3A_219 = arith.constant 4 : i32
    %swap3A_220 = arith.index_cast %swap3A_219 : i32 to index
    %swap3A_221 = arith.constant 0 : index
    %swap3A_222 = tpu.vector_load %arg15[%swap3A_220, %swap3A_221] {strides = array<i32>} : memref<40x144xf32, #tpu.memory_space<vmem>>, vector<16xf32>,
    tpu.vector_store %arg15[%swap3A_220, %swap3A_221], %broadcast_in_dim3A_218 {strides = array<i32>} : memref<40x144xf32, #tpu.memory_space<vmem>>, vector<16xf32>,
    %broadcast_in_dim3A_223 = arith.constant 0.000000e+00 : f32
    %broadcast_in_dim3A_224 = vector.broadcast %broadcast_in_dim3A_223 : f32 to vector<16xf32>
    %swap3A_225 = arith.constant 4 : i32
    %swap3A_226 = arith.index_cast %swap3A_225 : i32 to index
    %swap3A_227 = arith.constant 16 : index
    %swap3A_228 = tpu.vector_load %arg15[%swap3A_226, %swap3A_227] {strides = array<i32>} : memref<40x144xf32, #tpu.memory_space<vmem>>, vector<16xf32>,
    tpu.vector_store %arg15[%swap3A_226, %swap3A_227], %broadcast_in_dim3A_224 {strides = array<i32>} : memref<40x144xf32, #tpu.memory_space<vmem>>, vector<16xf32>,
    %broadcast_in_dim3A_229 = arith.constant 0.000000e+00 : f32
    %broadcast_in_dim3A_230 = vector.broadcast %broadcast_in_dim3A_229 : f32 to vector<16xf32>
    %swap3A_231 = arith.constant 4 : i32
    %swap3A_232 = arith.index_cast %swap3A_231 : i32 to index
    %swap3A_233 = arith.constant 32 : index
    %swap3A_234 = tpu.vector_load %arg15[%swap3A_232, %swap3A_233] {strides = array<i32>} : memref<40x144xf32, #tpu.memory_space<vmem>>, vector<16xf32>,
    tpu.vector_store %arg15[%swap3A_232, %swap3A_233], %broadcast_in_dim3A_230 {strides = array<i32>} : memref<40x144xf32, #tpu.memory_space<vmem>>, vector<16xf32>,
    %broadcast_in_dim3A_235 = arith.constant 0.000000e+00 : f32
    %broadcast_in_dim3A_236 = vector.broadcast %broadcast_in_dim3A_235 : f32 to vector<16xf32>
    %swap3A_237 = arith.constant 4 : i32
    %swap3A_238 = arith.index_cast %swap3A_237 : i32 to index
    %swap3A_239 = arith.constant 48 : index
    %swap3A_240 = tpu.vector_load %arg15[%swap3A_238, %swap3A_239] {strides = array<i32>} : memref<40x144xf32, #tpu.memory_space<vmem>>, vector<16xf32>,
    tpu.vector_store %arg15[%swap3A_238, %swap3A_239], %broadcast_in_dim3A_236 {strides = array<i32>} : memref<40x144xf32, #tpu.memory_space<vmem>>, vector<16xf32>,
    %broadcast_in_dim3A_241 = arith.constant 0.000000e+00 : f32
    %broadcast_in_dim3A_242 = vector.broadcast %broadcast_in_dim3A_241 : f32 to vector<16xf32>
    %swap3A_243 = arith.constant 4 : i32
    %swap3A_244 = arith.index_cast %swap3A_243 : i32 to index
    %swap3A_245 = arith.constant 64 : index
    %swap3A_246 = tpu.vector_load %arg15[%swap3A_244, %swap3A_245] {strides = array<i32>} : memref<40x144xf32, #tpu.memory_space<vmem>>, vector<16xf32>,
    tpu.vector_store %arg15[%swap3A_244, %swap3A_245], %broadcast_in_dim3A_242 {strides = array<i32>} : memref<40x144xf32, #tpu.memory_space<vmem>>, vector<16xf32>,
    %broadcast_in_dim3A_247 = arith.constant 0.000000e+00 : f32
    %broadcast_in_dim3A_248 = vector.broadcast %broadcast_in_dim3A_247 : f32 to vector<16xf32>
    %swap3A_249 = arith.constant 4 : i32
    %swap3A_250 = arith.index_cast %swap3A_249 : i32 to index
    %swap3A_251 = arith.constant 80 : index
    %swap3A_252 = tpu.vector_load %arg15[%swap3A_250, %swap3A_251] {strides = array<i32>} : memref<40x144xf32, #tpu.memory_space<vmem>>, vector<16xf32>,
    tpu.vector_store %arg15[%swap3A_250, %swap3A_251], %broadcast_in_dim3A_248 {strides = array<i32>} : memref<40x144xf32, #tpu.memory_space<vmem>>, vector<16xf32>,
    %broadcast_in_dim3A_253 = arith.constant 0.000000e+00 : f32
    %broadcast_in_dim3A_254 = vector.broadcast %broadcast_in_dim3A_253 : f32 to vector<16xf32>
    %swap3A_255 = arith.constant 4 : i32
    %swap3A_256 = arith.index_cast %swap3A_255 : i32 to index
    %swap3A_257 = arith.constant 96 : index
    %swap3A_258 = tpu.vector_load %arg15[%swap3A_256, %swap3A_257] {strides = array<i32>} : memref<40x144xf32, #tpu.memory_space<vmem>>, vector<16xf32>,
    tpu.vector_store %arg15[%swap3A_256, %swap3A_257], %broadcast_in_dim3A_254 {strides = array<i32>} : memref<40x144xf32, #tpu.memory_space<vmem>>, vector<16xf32>,
    %broadcast_in_dim3A_259 = arith.constant 0.000000e+00 : f32
    %broadcast_in_dim3A_260 = vector.broadcast %broadcast_in_dim3A_259 : f32 to vector<16xf32>
    %swap3A_261 = arith.constant 4 : i32
    %swap3A_262 = arith.index_cast %swap3A_261 : i32 to index
    %swap3A_263 = arith.constant 112 : index
    %swap3A_264 = tpu.vector_load %arg15[%swap3A_262, %swap3A_263] {strides = array<i32>} : memref<40x144xf32, #tpu.memory_space<vmem>>, vector<16xf32>,
    tpu.vector_store %arg15[%swap3A_262, %swap3A_263], %broadcast_in_dim3A_260 {strides = array<i32>} : memref<40x144xf32, #tpu.memory_space<vmem>>, vector<16xf32>,
    %broadcast_in_dim3A_265 = arith.constant 0.000000e+00 : f32
    %broadcast_in_dim3A_266 = vector.broadcast %broadcast_in_dim3A_265 : f32 to vector<16xf32>
    %swap3A_267 = arith.constant 4 : i32
    %swap3A_268 = arith.index_cast %swap3A_267 : i32 to index
    %swap3A_269 = arith.constant 128 : index
    %swap3A_270 = tpu.vector_load %arg15[%swap3A_268, %swap3A_269] {strides = array<i32>} : memref<40x144xf32, #tpu.memory_space<vmem>>, vector<16xf32>,
    tpu.vector_store %arg15[%swap3A_268, %swap3A_269], %broadcast_in_dim3A_266 {strides = array<i32>} : memref<40x144xf32, #tpu.memory_space<vmem>>, vector<16xf32>,
    %broadcast_in_dim3A_271 = arith.constant 0.000000e+00 : f32
    %broadcast_in_dim3A_272 = vector.broadcast %broadcast_in_dim3A_271 : f32 to vector<16xf32>
    %swap3A_273 = arith.constant 5 : i32
    %swap3A_274 = arith.index_cast %swap3A_273 : i32 to index
    %swap3A_275 = arith.constant 0 : index
    %swap3A_276 = tpu.vector_load %arg15[%swap3A_274, %swap3A_275] {strides = array<i32>} : memref<40x144xf32, #tpu.memory_space<vmem>>, vector<16xf32>,
    tpu.vector_store %arg15[%swap3A_274, %swap3A_275], %broadcast_in_dim3A_272 {strides = array<i32>} : memref<40x144xf32, #tpu.memory_space<vmem>>, vector<16xf32>,
    %broadcast_in_dim3A_277 = arith.constant 0.000000e+00 : f32
    %broadcast_in_dim3A_278 = vector.broadcast %broadcast_in_dim3A_277 : f32 to vector<16xf32>
    %swap3A_279 = arith.constant 5 : i32
    %swap3A_280 = arith.index_cast %swap3A_279 : i32 to index
    %swap3A_281 = arith.constant 16 : index
    %swap3A_282 = tpu.vector_load %arg15[%swap3A_280, %swap3A_281] {strides = array<i32>} : memref<40x144xf32, #tpu.memory_space<vmem>>, vector<16xf32>,
    tpu.vector_store %arg15[%swap3A_280, %swap3A_281], %broadcast_in_dim3A_278 {strides = array<i32>} : memref<40x144xf32, #tpu.memory_space<vmem>>, vector<16xf32>,
    %broadcast_in_dim3A_283 = arith.constant 0.000000e+00 : f32
    %broadcast_in_dim3A_284 = vector.broadcast %broadcast_in_dim3A_283 : f32 to vector<16xf32>
    %swap3A_285 = arith.constant 5 : i32
    %swap3A_286 = arith.index_cast %swap3A_285 : i32 to index
    %swap3A_287 = arith.constant 32 : index
    %swap3A_288 = tpu.vector_load %arg15[%swap3A_286, %swap3A_287] {strides = array<i32>} : memref<40x144xf32, #tpu.memory_space<vmem>>, vector<16xf32>,
    tpu.vector_store %arg15[%swap3A_286, %swap3A_287], %broadcast_in_dim3A_284 {strides = array<i32>} : memref<40x144xf32, #tpu.memory_space<vmem>>, vector<16xf32>,
    %broadcast_in_dim3A_289 = arith.constant 0.000000e+00 : f32
    %broadcast_in_dim3A_290 = vector.broadcast %broadcast_in_dim3A_289 : f32 to vector<16xf32>
    %swap3A_291 = arith.constant 5 : i32
    %swap3A_292 = arith.index_cast %swap3A_291 : i32 to index
    %swap3A_293 = arith.constant 48 : index
    %swap3A_294 = tpu.vector_load %arg15[%swap3A_292, %swap3A_293] {strides = array<i32>} : memref<40x144xf32, #tpu.memory_space<vmem>>, vector<16xf32>,
    tpu.vector_store %arg15[%swap3A_292, %swap3A_293], %broadcast_in_dim3A_290 {strides = array<i32>} : memref<40x144xf32, #tpu.memory_space<vmem>>, vector<16xf32>,
    %broadcast_in_dim3A_295 = arith.constant 0.000000e+00 : f32
    %broadcast_in_dim3A_296 = vector.broadcast %broadcast_in_dim3A_295 : f32 to vector<16xf32>
    %swap3A_297 = arith.constant 5 : i32
    %swap3A_298 = arith.index_cast %swap3A_297 : i32 to index
    %swap3A_299 = arith.constant 64 : index
    %swap3A_300 = tpu.vector_load %arg15[%swap3A_298, %swap3A_299] {strides = array<i32>} : memref<40x144xf32, #tpu.memory_space<vmem>>, vector<16xf32>,
    tpu.vector_store %arg15[%swap3A_298, %swap3A_299], %broadcast_in_dim3A_296 {strides = array<i32>} : memref<40x144xf32, #tpu.memory_space<vmem>>, vector<16xf32>,
    %broadcast_in_dim3A_301 = arith.constant 0.000000e+00 : f32
    %broadcast_in_dim3A_302 = vector.broadcast %broadcast_in_dim3A_301 : f32 to vector<16xf32>
    %swap3A_303 = arith.constant 5 : i32
    %swap3A_304 = arith.index_cast %swap3A_303 : i32 to index
    %swap3A_305 = arith.constant 80 : index
    %swap3A_306 = tpu.vector_load %arg15[%swap3A_304, %swap3A_305] {strides = array<i32>} : memref<40x144xf32, #tpu.memory_space<vmem>>, vector<16xf32>,
    tpu.vector_store %arg15[%swap3A_304, %swap3A_305], %broadcast_in_dim3A_302 {strides = array<i32>} : memref<40x144xf32, #tpu.memory_space<vmem>>, vector<16xf32>,
    %broadcast_in_dim3A_307 = arith.constant 0.000000e+00 : f32
    %broadcast_in_dim3A_308 = vector.broadcast %broadcast_in_dim3A_307 : f32 to vector<16xf32>
    %swap3A_309 = arith.constant 5 : i32
    %swap3A_310 = arith.index_cast %swap3A_309 : i32 to index
    %swap3A_311 = arith.constant 96 : index
    %swap3A_312 = tpu.vector_load %arg15[%swap3A_310, %swap3A_311] {strides = array<i32>} : memref<40x144xf32, #tpu.memory_space<vmem>>, vector<16xf32>,
    tpu.vector_store %arg15[%swap3A_310, %swap3A_311], %broadcast_in_dim3A_308 {strides = array<i32>} : memref<40x144xf32, #tpu.memory_space<vmem>>, vector<16xf32>,
    %broadcast_in_dim3A_313 = arith.constant 0.000000e+00 : f32
    %broadcast_in_dim3A_314 = vector.broadcast %broadcast_in_dim3A_313 : f32 to vector<16xf32>
    %swap3A_315 = arith.constant 5 : i32
    %swap3A_316 = arith.index_cast %swap3A_315 : i32 to index
    %swap3A_317 = arith.constant 112 : index
    %swap3A_318 = tpu.vector_load %arg15[%swap3A_316, %swap3A_317] {strides = array<i32>} : memref<40x144xf32, #tpu.memory_space<vmem>>, vector<16xf32>,
    tpu.vector_store %arg15[%swap3A_316, %swap3A_317], %broadcast_in_dim3A_314 {strides = array<i32>} : memref<40x144xf32, #tpu.memory_space<vmem>>, vector<16xf32>,
    %broadcast_in_dim3A_319 = arith.constant 0.000000e+00 : f32
    %broadcast_in_dim3A_320 = vector.broadcast %broadcast_in_dim3A_319 : f32 to vector<16xf32>
    %swap3A_321 = arith.constant 5 : i32
    %swap3A_322 = arith.index_cast %swap3A_321 : i32 to index
    %swap3A_323 = arith.constant 128 : index
    %swap3A_324 = tpu.vector_load %arg15[%swap3A_322, %swap3A_323] {strides = array<i32>} : memref<40x144xf32, #tpu.memory_space<vmem>>, vector<16xf32>,
    tpu.vector_store %arg15[%swap3A_322, %swap3A_323], %broadcast_in_dim3A_320 {strides = array<i32>} : memref<40x144xf32, #tpu.memory_space<vmem>>, vector<16xf32>,
    %broadcast_in_dim3A_325 = arith.constant 0.000000e+00 : f32
    %broadcast_in_dim3A_326 = vector.broadcast %broadcast_in_dim3A_325 : f32 to vector<16xf32>
    %swap3A_327 = arith.constant 6 : i32
    %swap3A_328 = arith.index_cast %swap3A_327 : i32 to index
    %swap3A_329 = arith.constant 0 : index
    %swap3A_330 = tpu.vector_load %arg15[%swap3A_328, %swap3A_329] {strides = array<i32>} : memref<40x144xf32, #tpu.memory_space<vmem>>, vector<16xf32>,
    tpu.vector_store %arg15[%swap3A_328, %swap3A_329], %broadcast_in_dim3A_326 {strides = array<i32>} : memref<40x144xf32, #tpu.memory_space<vmem>>, vector<16xf32>,
    %broadcast_in_dim3A_331 = arith.constant 0.000000e+00 : f32
    %broadcast_in_dim3A_332 = vector.broadcast %broadcast_in_dim3A_331 : f32 to vector<16xf32>
    %swap3A_333 = arith.constant 6 : i32
    %swap3A_334 = arith.index_cast %swap3A_333 : i32 to index
    %swap3A_335 = arith.constant 16 : index
    %swap3A_336 = tpu.vector_load %arg15[%swap3A_334, %swap3A_335] {strides = array<i32>} : memref<40x144xf32, #tpu.memory_space<vmem>>, vector<16xf32>,
    tpu.vector_store %arg15[%swap3A_334, %swap3A_335], %broadcast_in_dim3A_332 {strides = array<i32>} : memref<40x144xf32, #tpu.memory_space<vmem>>, vector<16xf32>,
    %broadcast_in_dim3A_337 = arith.constant 0.000000e+00 : f32
    %broadcast_in_dim3A_338 = vector.broadcast %broadcast_in_dim3A_337 : f32 to vector<16xf32>
    %swap3A_339 = arith.constant 6 : i32
    %swap3A_340 = arith.index_cast %swap3A_339 : i32 to index
    %swap3A_341 = arith.constant 32 : index
    %swap3A_342 = tpu.vector_load %arg15[%swap3A_340, %swap3A_341] {strides = array<i32>} : memref<40x144xf32, #tpu.memory_space<vmem>>, vector<16xf32>,
    tpu.vector_store %arg15[%swap3A_340, %swap3A_341], %broadcast_in_dim3A_338 {strides = array<i32>} : memref<40x144xf32, #tpu.memory_space<vmem>>, vector<16xf32>,
    %broadcast_in_dim3A_343 = arith.constant 0.000000e+00 : f32
    %broadcast_in_dim3A_344 = vector.broadcast %broadcast_in_dim3A_343 : f32 to vector<16xf32>
    %swap3A_345 = arith.constant 6 : i32
    %swap3A_346 = arith.index_cast %swap3A_345 : i32 to index
    %swap3A_347 = arith.constant 48 : index
    %swap3A_348 = tpu.vector_load %arg15[%swap3A_346, %swap3A_347] {strides = array<i32>} : memref<40x144xf32, #tpu.memory_space<vmem>>, vector<16xf32>,
    tpu.vector_store %arg15[%swap3A_346, %swap3A_347], %broadcast_in_dim3A_344 {strides = array<i32>} : memref<40x144xf32, #tpu.memory_space<vmem>>, vector<16xf32>,
    %broadcast_in_dim3A_349 = arith.constant 0.000000e+00 : f32
    %broadcast_in_dim3A_350 = vector.broadcast %broadcast_in_dim3A_349 : f32 to vector<16xf32>
    %swap3A_351 = arith.constant 6 : i32
    %swap3A_352 = arith.index_cast %swap3A_351 : i32 to index
    %swap3A_353 = arith.constant 64 : index
    %swap3A_354 = tpu.vector_load %arg15[%swap3A_352, %swap3A_353] {strides = array<i32>} : memref<40x144xf32, #tpu.memory_space<vmem>>, vector<16xf32>,
    tpu.vector_store %arg15[%swap3A_352, %swap3A_353], %broadcast_in_dim3A_350 {strides = array<i32>} : memref<40x144xf32, #tpu.memory_space<vmem>>, vector<16xf32>,
    %broadcast_in_dim3A_355 = arith.constant 0.000000e+00 : f32
    %broadcast_in_dim3A_356 = vector.broadcast %broadcast_in_dim3A_355 : f32 to vector<16xf32>
    %swap3A_357 = arith.constant 6 : i32
    %swap3A_358 = arith.index_cast %swap3A_357 : i32 to index
    %swap3A_359 = arith.constant 80 : index
    %swap3A_360 = tpu.vector_load %arg15[%swap3A_358, %swap3A_359] {strides = array<i32>} : memref<40x144xf32, #tpu.memory_space<vmem>>, vector<16xf32>,
    tpu.vector_store %arg15[%swap3A_358, %swap3A_359], %broadcast_in_dim3A_356 {strides = array<i32>} : memref<40x144xf32, #tpu.memory_space<vmem>>, vector<16xf32>,
    %broadcast_in_dim3A_361 = arith.constant 0.000000e+00 : f32
    %broadcast_in_dim3A_362 = vector.broadcast %broadcast_in_dim3A_361 : f32 to vector<16xf32>
    %swap3A_363 = arith.constant 6 : i32
    %swap3A_364 = arith.index_cast %swap3A_363 : i32 to index
    %swap3A_365 = arith.constant 96 : index
    %swap3A_366 = tpu.vector_load %arg15[%swap3A_364, %swap3A_365] {strides = array<i32>} : memref<40x144xf32, #tpu.memory_space<vmem>>, vector<16xf32>,
    tpu.vector_store %arg15[%swap3A_364, %swap3A_365], %broadcast_in_dim3A_362 {strides = array<i32>} : memref<40x144xf32, #tpu.memory_space<vmem>>, vector<16xf32>,
    %broadcast_in_dim3A_367 = arith.constant 0.000000e+00 : f32
    %broadcast_in_dim3A_368 = vector.broadcast %broadcast_in_dim3A_367 : f32 to vector<16xf32>
    %swap3A_369 = arith.constant 6 : i32
    %swap3A_370 = arith.index_cast %swap3A_369 : i32 to index
    %swap3A_371 = arith.constant 112 : index
    %swap3A_372 = tpu.vector_load %arg15[%swap3A_370, %swap3A_371] {strides = array<i32>} : memref<40x144xf32, #tpu.memory_space<vmem>>, vector<16xf32>,
    tpu.vector_store %arg15[%swap3A_370, %swap3A_371], %broadcast_in_dim3A_368 {strides = array<i32>} : memref<40x144xf32, #tpu.memory_space<vmem>>, vector<16xf32>,
    %broadcast_in_dim3A_373 = arith.constant 0.000000e+00 : f32
    %broadcast_in_dim3A_374 = vector.broadcast %broadcast_in_dim3A_373 : f32 to vector<16xf32>
    %swap3A_375 = arith.constant 6 : i32
    %swap3A_376 = arith.index_cast %swap3A_375 : i32 to index
    %swap3A_377 = arith.constant 128 : index
    %swap3A_378 = tpu.vector_load %arg15[%swap3A_376, %swap3A_377] {strides = array<i32>} : memref<40x144xf32, #tpu.memory_space<vmem>>, vector<16xf32>,
    tpu.vector_store %arg15[%swap3A_376, %swap3A_377], %broadcast_in_dim3A_374 {strides = array<i32>} : memref<40x144xf32, #tpu.memory_space<vmem>>, vector<16xf32>,
    %broadcast_in_dim3A_379 = arith.constant 0.000000e+00 : f32
    %broadcast_in_dim3A_380 = vector.broadcast %broadcast_in_dim3A_379 : f32 to vector<16xf32>
    %swap3A_381 = arith.constant 7 : i32
    %swap3A_382 = arith.index_cast %swap3A_381 : i32 to index
    %swap3A_383 = arith.constant 0 : index
    %swap3A_384 = tpu.vector_load %arg15[%swap3A_382, %swap3A_383] {strides = array<i32>} : memref<40x144xf32, #tpu.memory_space<vmem>>, vector<16xf32>,
    tpu.vector_store %arg15[%swap3A_382, %swap3A_383], %broadcast_in_dim3A_380 {strides = array<i32>} : memref<40x144xf32, #tpu.memory_space<vmem>>, vector<16xf32>,
    %broadcast_in_dim3A_385 = arith.constant 0.000000e+00 : f32
    %broadcast_in_dim3A_386 = vector.broadcast %broadcast_in_dim3A_385 : f32 to vector<16xf32>
    %swap3A_387 = arith.constant 7 : i32
    %swap3A_388 = arith.index_cast %swap3A_387 : i32 to index
    %swap3A_389 = arith.constant 16 : index
    %swap3A_390 = tpu.vector_load %arg15[%swap3A_388, %swap3A_389] {strides = array<i32>} : memref<40x144xf32, #tpu.memory_space<vmem>>, vector<16xf32>,
    tpu.vector_store %arg15[%swap3A_388, %swap3A_389], %broadcast_in_dim3A_386 {strides = array<i32>} : memref<40x144xf32, #tpu.memory_space<vmem>>, vector<16xf32>,
    %broadcast_in_dim3A_391 = arith.constant 0.000000e+00 : f32
    %broadcast_in_dim3A_392 = vector.broadcast %broadcast_in_dim3A_391 : f32 to vector<16xf32>
    %swap3A_393 = arith.constant 7 : i32
    %swap3A_394 = arith.index_cast %swap3A_393 : i32 to index
    %swap3A_395 = arith.constant 32 : index
    %swap3A_396 = tpu.vector_load %arg15[%swap3A_394, %swap3A_395] {strides = array<i32>} : memref<40x144xf32, #tpu.memory_space<vmem>>, vector<16xf32>,
    tpu.vector_store %arg15[%swap3A_394, %swap3A_395], %broadcast_in_dim3A_392 {strides = array<i32>} : memref<40x144xf32, #tpu.memory_space<vmem>>, vector<16xf32>,
    %broadcast_in_dim3A_397 = arith.constant 0.000000e+00 : f32
    %broadcast_in_dim3A_398 = vector.broadcast %broadcast_in_dim3A_397 : f32 to vector<16xf32>
    %swap3A_399 = arith.constant 7 : i32
    %swap3A_400 = arith.index_cast %swap3A_399 : i32 to index
    %swap3A_401 = arith.constant 48 : index
    %swap3A_402 = tpu.vector_load %arg15[%swap3A_400, %swap3A_401] {strides = array<i32>} : memref<40x144xf32, #tpu.memory_space<vmem>>, vector<16xf32>,
    tpu.vector_store %arg15[%swap3A_400, %swap3A_401], %broadcast_in_dim3A_398 {strides = array<i32>} : memref<40x144xf32, #tpu.memory_space<vmem>>, vector<16xf32>,
    %broadcast_in_dim3A_403 = arith.constant 0.000000e+00 : f32
    %broadcast_in_dim3A_404 = vector.broadcast %broadcast_in_dim3A_403 : f32 to vector<16xf32>
    %swap3A_405 = arith.constant 7 : i32
    %swap3A_406 = arith.index_cast %swap3A_405 : i32 to index
    %swap3A_407 = arith.constant 64 : index
    %swap3A_408 = tpu.vector_load %arg15[%swap3A_406, %swap3A_407] {strides = array<i32>} : memref<40x144xf32, #tpu.memory_space<vmem>>, vector<16xf32>,
    tpu.vector_store %arg15[%swap3A_406, %swap3A_407], %broadcast_in_dim3A_404 {strides = array<i32>} : memref<40x144xf32, #tpu.memory_space<vmem>>, vector<16xf32>,
    %broadcast_in_dim3A_409 = arith.constant 0.000000e+00 : f32
    %broadcast_in_dim3A_410 = vector.broadcast %broadcast_in_dim3A_409 : f32 to vector<16xf32>
    %swap3A_411 = arith.constant 7 : i32
    %swap3A_412 = arith.index_cast %swap3A_411 : i32 to index
    %swap3A_413 = arith.constant 80 : index
    %swap3A_414 = tpu.vector_load %arg15[%swap3A_412, %swap3A_413] {strides = array<i32>} : memref<40x144xf32, #tpu.memory_space<vmem>>, vector<16xf32>,
    tpu.vector_store %arg15[%swap3A_412, %swap3A_413], %broadcast_in_dim3A_410 {strides = array<i32>} : memref<40x144xf32, #tpu.memory_space<vmem>>, vector<16xf32>,
    %broadcast_in_dim3A_415 = arith.constant 0.000000e+00 : f32
    %broadcast_in_dim3A_416 = vector.broadcast %broadcast_in_dim3A_415 : f32 to vector<16xf32>
    %swap3A_417 = arith.constant 7 : i32
    %swap3A_418 = arith.index_cast %swap3A_417 : i32 to index
    %swap3A_419 = arith.constant 96 : index
    %swap3A_420 = tpu.vector_load %arg15[%swap3A_418, %swap3A_419] {strides = array<i32>} : memref<40x144xf32, #tpu.memory_space<vmem>>, vector<16xf32>,
    tpu.vector_store %arg15[%swap3A_418, %swap3A_419], %broadcast_in_dim3A_416 {strides = array<i32>} : memref<40x144xf32, #tpu.memory_space<vmem>>, vector<16xf32>,
    %broadcast_in_dim3A_421 = arith.constant 0.000000e+00 : f32
    %broadcast_in_dim3A_422 = vector.broadcast %broadcast_in_dim3A_421 : f32 to vector<16xf32>
    %swap3A_423 = arith.constant 7 : i32
    %swap3A_424 = arith.index_cast %swap3A_423 : i32 to index
    %swap3A_425 = arith.constant 112 : index
    %swap3A_426 = tpu.vector_load %arg15[%swap3A_424, %swap3A_425] {strides = array<i32>} : memref<40x144xf32, #tpu.memory_space<vmem>>, vector<16xf32>,
    tpu.vector_store %arg15[%swap3A_424, %swap3A_425], %broadcast_in_dim3A_422 {strides = array<i32>} : memref<40x144xf32, #tpu.memory_space<vmem>>, vector<16xf32>,
    %broadcast_in_dim3A_427 = arith.constant 0.000000e+00 : f32
    %broadcast_in_dim3A_428 = vector.broadcast %broadcast_in_dim3A_427 : f32 to vector<16xf32>
    %swap3A_429 = arith.constant 7 : i32
    %swap3A_430 = arith.index_cast %swap3A_429 : i32 to index
    %swap3A_431 = arith.constant 128 : index
    %swap3A_432 = tpu.vector_load %arg15[%swap3A_430, %swap3A_431] {strides = array<i32>} : memref<40x144xf32, #tpu.memory_space<vmem>>, vector<16xf32>,
    tpu.vector_store %arg15[%swap3A_430, %swap3A_431], %broadcast_in_dim3A_428 {strides = array<i32>} : memref<40x144xf32, #tpu.memory_space<vmem>>, vector<16xf32>,
    %broadcast_in_dim3A_433 = arith.constant 0.000000e+00 : f32
    %broadcast_in_dim3A_434 = vector.broadcast %broadcast_in_dim3A_433 : f32 to vector<16xf32>
    %swap3A_435 = arith.constant 8 : i32
    %swap3A_436 = arith.index_cast %swap3A_435 : i32 to index
    %swap3A_437 = arith.constant 0 : index
    %swap3A_438 = tpu.vector_load %arg15[%swap3A_436, %swap3A_437] {strides = array<i32>} : memref<40x144xf32, #tpu.memory_space<vmem>>, vector<16xf32>,
    tpu.vector_store %arg15[%swap3A_436, %swap3A_437], %broadcast_in_dim3A_434 {strides = array<i32>} : memref<40x144xf32, #tpu.memory_space<vmem>>, vector<16xf32>,
    %broadcast_in_dim3A_439 = arith.constant 0.000000e+00 : f32
    %broadcast_in_dim3A_440 = vector.broadcast %broadcast_in_dim3A_439 : f32 to vector<16xf32>
    %swap3A_441 = arith.constant 8 : i32
    %swap3A_442 = arith.index_cast %swap3A_441 : i32 to index
    %swap3A_443 = arith.constant 16 : index
    %swap3A_444 = tpu.vector_load %arg15[%swap3A_442, %swap3A_443] {strides = array<i32>} : memref<40x144xf32, #tpu.memory_space<vmem>>, vector<16xf32>,
    tpu.vector_store %arg15[%swap3A_442, %swap3A_443], %broadcast_in_dim3A_440 {strides = array<i32>} : memref<40x144xf32, #tpu.memory_space<vmem>>, vector<16xf32>,
    %broadcast_in_dim3A_445 = arith.constant 0.000000e+00 : f32
    %broadcast_in_dim3A_446 = vector.broadcast %broadcast_in_dim3A_445 : f32 to vector<16xf32>
    %swap3A_447 = arith.constant 8 : i32
    %swap3A_448 = arith.index_cast %swap3A_447 : i32 to index
    %swap3A_449 = arith.constant 32 : index
    %swap3A_450 = tpu.vector_load %arg15[%swap3A_448, %swap3A_449] {strides = array<i32>} : memref<40x144xf32, #tpu.memory_space<vmem>>, vector<16xf32>,
    tpu.vector_store %arg15[%swap3A_448, %swap3A_449], %broadcast_in_dim3A_446 {strides = array<i32>} : memref<40x144xf32, #tpu.memory_space<vmem>>, vector<16xf32>,
    %broadcast_in_dim3A_451 = arith.constant 0.000000e+00 : f32
    %broadcast_in_dim3A_452 = vector.broadcast %broadcast_in_dim3A_451 : f32 to vector<16xf32>
    %swap3A_453 = arith.constant 8 : i32
    %swap3A_454 = arith.index_cast %swap3A_453 : i32 to index
    %swap3A_455 = arith.constant 48 : index
    %swap3A_456 = tpu.vector_load %arg15[%swap3A_454, %swap3A_455] {strides = array<i32>} : memref<40x144xf32, #tpu.memory_space<vmem>>, vector<16xf32>,
    tpu.vector_store %arg15[%swap3A_454, %swap3A_455], %broadcast_in_dim3A_452 {strides = array<i32>} : memref<40x144xf32, #tpu.memory_space<vmem>>, vector<16xf32>,
    %broadcast_in_dim3A_457 = arith.constant 0.000000e+00 : f32
    %broadcast_in_dim3A_458 = vector.broadcast %broadcast_in_dim3A_457 : f32 to vector<16xf32>
    %swap3A_459 = arith.constant 8 : i32
    %swap3A_460 = arith.index_cast %swap3A_459 : i32 to index
    %swap3A_461 = arith.constant 64 : index
    %swap3A_462 = tpu.vector_load %arg15[%swap3A_460, %swap3A_461] {strides = array<i32>} : memref<40x144xf32, #tpu.memory_space<vmem>>, vector<16xf32>,
    tpu.vector_store %arg15[%swap3A_460, %swap3A_461], %broadcast_in_dim3A_458 {strides = array<i32>} : memref<40x144xf32, #tpu.memory_space<vmem>>, vector<16xf32>,
    %broadcast_in_dim3A_463 = arith.constant 0.000000e+00 : f32
    %broadcast_in_dim3A_464 = vector.broadcast %broadcast_in_dim3A_463 : f32 to vector<16xf32>
    %swap3A_465 = arith.constant 8 : i32
    %swap3A_466 = arith.index_cast %swap3A_465 : i32 to index
    %swap3A_467 = arith.constant 80 : index
    %swap3A_468 = tpu.vector_load %arg15[%swap3A_466, %swap3A_467] {strides = array<i32>} : memref<40x144xf32, #tpu.memory_space<vmem>>, vector<16xf32>,
    tpu.vector_store %arg15[%swap3A_466, %swap3A_467], %broadcast_in_dim3A_464 {strides = array<i32>} : memref<40x144xf32, #tpu.memory_space<vmem>>, vector<16xf32>,
    %broadcast_in_dim3A_469 = arith.constant 0.000000e+00 : f32
    %broadcast_in_dim3A_470 = vector.broadcast %broadcast_in_dim3A_469 : f32 to vector<16xf32>
    %swap3A_471 = arith.constant 8 : i32
    %swap3A_472 = arith.index_cast %swap3A_471 : i32 to index
    %swap3A_473 = arith.constant 96 : index
    %swap3A_474 = tpu.vector_load %arg15[%swap3A_472, %swap3A_473] {strides = array<i32>} : memref<40x144xf32, #tpu.memory_space<vmem>>, vector<16xf32>,
    tpu.vector_store %arg15[%swap3A_472, %swap3A_473], %broadcast_in_dim3A_470 {strides = array<i32>} : memref<40x144xf32, #tpu.memory_space<vmem>>, vector<16xf32>,
    %broadcast_in_dim3A_475 = arith.constant 0.000000e+00 : f32
    %broadcast_in_dim3A_476 = vector.broadcast %broadcast_in_dim3A_475 : f32 to vector<16xf32>
    %swap3A_477 = arith.constant 8 : i32
    %swap3A_478 = arith.index_cast %swap3A_477 : i32 to index
    %swap3A_479 = arith.constant 112 : index
    %swap3A_480 = tpu.vector_load %arg15[%swap3A_478, %swap3A_479] {strides = array<i32>} : memref<40x144xf32, #tpu.memory_space<vmem>>, vector<16xf32>,
    tpu.vector_store %arg15[%swap3A_478, %swap3A_479], %broadcast_in_dim3A_476 {strides = array<i32>} : memref<40x144xf32, #tpu.memory_space<vmem>>, vector<16xf32>,
    %broadcast_in_dim3A_481 = arith.constant 0.000000e+00 : f32
    %broadcast_in_dim3A_482 = vector.broadcast %broadcast_in_dim3A_481 : f32 to vector<16xf32>
    %swap3A_483 = arith.constant 8 : i32
    %swap3A_484 = arith.index_cast %swap3A_483 : i32 to index
    %swap3A_485 = arith.constant 128 : index
    %swap3A_486 = tpu.vector_load %arg15[%swap3A_484, %swap3A_485] {strides = array<i32>} : memref<40x144xf32, #tpu.memory_space<vmem>>, vector<16xf32>,
    tpu.vector_store %arg15[%swap3A_484, %swap3A_485], %broadcast_in_dim3A_482 {strides = array<i32>} : memref<40x144xf32, #tpu.memory_space<vmem>>, vector<16xf32>,
    %broadcast_in_dim3A_487 = arith.constant 0.000000e+00 : f32
    %broadcast_in_dim3A_488 = vector.broadcast %broadcast_in_dim3A_487 : f32 to vector<16xf32>
    %swap3A_489 = arith.constant 9 : i32
    %swap3A_490 = arith.index_cast %swap3A_489 : i32 to index
    %swap3A_491 = arith.constant 0 : index
    %swap3A_492 = tpu.vector_load %arg15[%swap3A_490, %swap3A_491] {strides = array<i32>} : memref<40x144xf32, #tpu.memory_space<vmem>>, vector<16xf32>,
    tpu.vector_store %arg15[%swap3A_490, %swap3A_491], %broadcast_in_dim3A_488 {strides = array<i32>} : memref<40x144xf32, #tpu.memory_space<vmem>>, vector<16xf32>,
    %broadcast_in_dim3A_493 = arith.constant 0.000000e+00 : f32
    %broadcast_in_dim3A_494 = vector.broadcast %broadcast_in_dim3A_493 : f32 to vector<16xf32>
    %swap3A_495 = arith.constant 9 : i32
    %swap3A_496 = arith.index_cast %swap3A_495 : i32 to index
    %swap3A_497 = arith.constant 16 : index
    %swap3A_498 = tpu.vector_load %arg15[%swap3A_496, %swap3A_497] {strides = array<i32>} : memref<40x144xf32, #tpu.memory_space<vmem>>, vector<16xf32>,
    tpu.vector_store %arg15[%swap3A_496, %swap3A_497], %broadcast_in_dim3A_494 {strides = array<i32>} : memref<40x144xf32, #tpu.memory_space<vmem>>, vector<16xf32>,
    %broadcast_in_dim3A_499 = arith.constant 0.000000e+00 : f32
    %broadcast_in_dim3A_500 = vector.broadcast %broadcast_in_dim3A_499 : f32 to vector<16xf32>
    %swap3A_501 = arith.constant 9 : i32
    %swap3A_502 = arith.index_cast %swap3A_501 : i32 to index
    %swap3A_503 = arith.constant 32 : index
    %swap3A_504 = tpu.vector_load %arg15[%swap3A_502, %swap3A_503] {strides = array<i32>} : memref<40x144xf32, #tpu.memory_space<vmem>>, vector<16xf32>,
    tpu.vector_store %arg15[%swap3A_502, %swap3A_503], %broadcast_in_dim3A_500 {strides = array<i32>} : memref<40x144xf32, #tpu.memory_space<vmem>>, vector<16xf32>,
    %broadcast_in_dim3A_505 = arith.constant 0.000000e+00 : f32
    %broadcast_in_dim3A_506 = vector.broadcast %broadcast_in_dim3A_505 : f32 to vector<16xf32>
    %swap3A_507 = arith.constant 9 : i32
    %swap3A_508 = arith.index_cast %swap3A_507 : i32 to index
    %swap3A_509 = arith.constant 48 : index
    %swap3A_510 = tpu.vector_load %arg15[%swap3A_508, %swap3A_509] {strides = array<i32>} : memref<40x144xf32, #tpu.memory_space<vmem>>, vector<16xf32>,
    tpu.vector_store %arg15[%swap3A_508, %swap3A_509], %broadcast_in_dim3A_506 {strides = array<i32>} : memref<40x144xf32, #tpu.memory_space<vmem>>, vector<16xf32>,
    %broadcast_in_dim3A_511 = arith.constant 0.000000e+00 : f32
    %broadcast_in_dim3A_512 = vector.broadcast %broadcast_in_dim3A_511 : f32 to vector<16xf32>
    %swap3A_513 = arith.constant 9 : i32
    %swap3A_514 = arith.index_cast %swap3A_513 : i32 to index
    %swap3A_515 = arith.constant 64 : index
    %swap3A_516 = tpu.vector_load %arg15[%swap3A_514, %swap3A_515] {strides = array<i32>} : memref<40x144xf32, #tpu.memory_space<vmem>>, vector<16xf32>,
    tpu.vector_store %arg15[%swap3A_514, %swap3A_515], %broadcast_in_dim3A_512 {strides = array<i32>} : memref<40x144xf32, #tpu.memory_space<vmem>>, vector<16xf32>,
    %broadcast_in_dim3A_517 = arith.constant 0.000000e+00 : f32
    %broadcast_in_dim3A_518 = vector.broadcast %broadcast_in_dim3A_517 : f32 to vector<16xf32>
    %swap3A_519 = arith.constant 9 : i32
    %swap3A_520 = arith.index_cast %swap3A_519 : i32 to index
    %swap3A_521 = arith.constant 80 : index
    %swap3A_522 = tpu.vector_load %arg15[%swap3A_520, %swap3A_521] {strides = array<i32>} : memref<40x144xf32, #tpu.memory_space<vmem>>, vector<16xf32>,
    tpu.vector_store %arg15[%swap3A_520, %swap3A_521], %broadcast_in_dim3A_518 {strides = array<i32>} : memref<40x144xf32, #tpu.memory_space<vmem>>, vector<16xf32>,
    %broadcast_in_dim3A_523 = arith.constant 0.000000e+00 : f32
    %broadcast_in_dim3A_524 = vector.broadcast %broadcast_in_dim3A_523 : f32 to vector<16xf32>
    %swap3A_525 = arith.constant 9 : i32
    %swap3A_526 = arith.index_cast %swap3A_525 : i32 to index
    %swap3A_527 = arith.constant 96 : index
    %swap3A_528 = tpu.vector_load %arg15[%swap3A_526, %swap3A_527] {strides = array<i32>} : memref<40x144xf32, #tpu.memory_space<vmem>>, vector<16xf32>,
    tpu.vector_store %arg15[%swap3A_526, %swap3A_527], %broadcast_in_dim3A_524 {strides = array<i32>} : memref<40x144xf32, #tpu.memory_space<vmem>>, vector<16xf32>,
    %broadcast_in_dim3A_529 = arith.constant 0.000000e+00 : f32
    %broadcast_in_dim3A_530 = vector.broadcast %broadcast_in_dim3A_529 : f32 to vector<16xf32>
    %swap3A_531 = arith.constant 9 : i32
    %swap3A_532 = arith.index_cast %swap3A_531 : i32 to index
    %swap3A_533 = arith.constant 112 : index
    %swap3A_534 = tpu.vector_load %arg15[%swap3A_532, %swap3A_533] {strides = array<i32>} : memref<40x144xf32, #tpu.memory_space<vmem>>, vector<16xf32>,
    tpu.vector_store %arg15[%swap3A_532, %swap3A_533], %broadcast_in_dim3A_530 {strides = array<i32>} : memref<40x144xf32, #tpu.memory_space<vmem>>, vector<16xf32>,
    %broadcast_in_dim3A_535 = arith.constant 0.000000e+00 : f32
    %broadcast_in_dim3A_536 = vector.broadcast %broadcast_in_dim3A_535 : f32 to vector<16xf32>
    %swap3A_537 = arith.constant 9 : i32
    %swap3A_538 = arith.index_cast %swap3A_537 : i32 to index
    %swap3A_539 = arith.constant 128 : index
    %swap3A_540 = tpu.vector_load %arg15[%swap3A_538, %swap3A_539] {strides = array<i32>} : memref<40x144xf32, #tpu.memory_space<vmem>>, vector<16xf32>,
    tpu.vector_store %arg15[%swap3A_538, %swap3A_539], %broadcast_in_dim3A_536 {strides = array<i32>} : memref<40x144xf32, #tpu.memory_space<vmem>>, vector<16xf32>,
    %broadcast_in_dim3A_541 = arith.constant 0.000000e+00 : f32
    %broadcast_in_dim3A_542 = vector.broadcast %broadcast_in_dim3A_541 : f32 to vector<16xf32>
    %swap3A_543 = arith.constant 10 : i32
    %swap3A_544 = arith.index_cast %swap3A_543 : i32 to index
    %swap3A_545 = arith.constant 0 : index
    %swap3A_546 = tpu.vector_load %arg15[%swap3A_544, %swap3A_545] {strides = array<i32>} : memref<40x144xf32, #tpu.memory_space<vmem>>, vector<16xf32>,
    tpu.vector_store %arg15[%swap3A_544, %swap3A_545], %broadcast_in_dim3A_542 {strides = array<i32>} : memref<40x144xf32, #tpu.memory_space<vmem>>, vector<16xf32>,
    %broadcast_in_dim3A_547 = arith.constant 0.000000e+00 : f32
    %broadcast_in_dim3A_548 = vector.broadcast %broadcast_in_dim3A_547 : f32 to vector<16xf32>
    %swap3A_549 = arith.constant 10 : i32
    %swap3A_550 = arith.index_cast %swap3A_549 : i32 to index
    %swap3A_551 = arith.constant 16 : index
    %swap3A_552 = tpu.vector_load %arg15[%swap3A_550, %swap3A_551] {strides = array<i32>} : memref<40x144xf32, #tpu.memory_space<vmem>>, vector<16xf32>,
    tpu.vector_store %arg15[%swap3A_550, %swap3A_551], %broadcast_in_dim3A_548 {strides = array<i32>} : memref<40x144xf32, #tpu.memory_space<vmem>>, vector<16xf32>,
    %broadcast_in_dim3A_553 = arith.constant 0.000000e+00 : f32
    %broadcast_in_dim3A_554 = vector.broadcast %broadcast_in_dim3A_553 : f32 to vector<16xf32>
    %swap3A_555 = arith.constant 10 : i32
    %swap3A_556 = arith.index_cast %swap3A_555 : i32 to index
    %swap3A_557 = arith.constant 32 : index
    %swap3A_558 = tpu.vector_load %arg15[%swap3A_556, %swap3A_557] {strides = array<i32>} : memref<40x144xf32, #tpu.memory_space<vmem>>, vector<16xf32>,
    tpu.vector_store %arg15[%swap3A_556, %swap3A_557], %broadcast_in_dim3A_554 {strides = array<i32>} : memref<40x144xf32, #tpu.memory_space<vmem>>, vector<16xf32>,
    %broadcast_in_dim3A_559 = arith.constant 0.000000e+00 : f32
    %broadcast_in_dim3A_560 = vector.broadcast %broadcast_in_dim3A_559 : f32 to vector<16xf32>
    %swap3A_561 = arith.constant 10 : i32
    %swap3A_562 = arith.index_cast %swap3A_561 : i32 to index
    %swap3A_563 = arith.constant 48 : index
    %swap3A_564 = tpu.vector_load %arg15[%swap3A_562, %swap3A_563] {strides = array<i32>} : memref<40x144xf32, #tpu.memory_space<vmem>>, vector<16xf32>,
    tpu.vector_store %arg15[%swap3A_562, %swap3A_563], %broadcast_in_dim3A_560 {strides = array<i32>} : memref<40x144xf32, #tpu.memory_space<vmem>>, vector<16xf32>,
    %broadcast_in_dim3A_565 = arith.constant 0.000000e+00 : f32
    %broadcast_in_dim3A_566 = vector.broadcast %broadcast_in_dim3A_565 : f32 to vector<16xf32>
    %swap3A_567 = arith.constant 10 : i32
    %swap3A_568 = arith.index_cast %swap3A_567 : i32 to index
    %swap3A_569 = arith.constant 64 : index
    %swap3A_570 = tpu.vector_load %arg15[%swap3A_568, %swap3A_569] {strides = array<i32>} : memref<40x144xf32, #tpu.memory_space<vmem>>, vector<16xf32>,
    tpu.vector_store %arg15[%swap3A_568, %swap3A_569], %broadcast_in_dim3A_566 {strides = array<i32>} : memref<40x144xf32, #tpu.memory_space<vmem>>, vector<16xf32>,
    %broadcast_in_dim3A_571 = arith.constant 0.000000e+00 : f32
    %broadcast_in_dim3A_572 = vector.broadcast %broadcast_in_dim3A_571 : f32 to vector<16xf32>
    %swap3A_573 = arith.constant 10 : i32
    %swap3A_574 = arith.index_cast %swap3A_573 : i32 to index
    %swap3A_575 = arith.constant 80 : index
    %swap3A_576 = tpu.vector_load %arg15[%swap3A_574, %swap3A_575] {strides = array<i32>} : memref<40x144xf32, #tpu.memory_space<vmem>>, vector<16xf32>,
    tpu.vector_store %arg15[%swap3A_574, %swap3A_575], %broadcast_in_dim3A_572 {strides = array<i32>} : memref<40x144xf32, #tpu.memory_space<vmem>>, vector<16xf32>,
    %broadcast_in_dim3A_577 = arith.constant 0.000000e+00 : f32
    %broadcast_in_dim3A_578 = vector.broadcast %broadcast_in_dim3A_577 : f32 to vector<16xf32>
    %swap3A_579 = arith.constant 10 : i32
    %swap3A_580 = arith.index_cast %swap3A_579 : i32 to index
    %swap3A_581 = arith.constant 96 : index
    %swap3A_582 = tpu.vector_load %arg15[%swap3A_580, %swap3A_581] {strides = array<i32>} : memref<40x144xf32, #tpu.memory_space<vmem>>, vector<16xf32>,
    tpu.vector_store %arg15[%swap3A_580, %swap3A_581], %broadcast_in_dim3A_578 {strides = array<i32>} : memref<40x144xf32, #tpu.memory_space<vmem>>, vector<16xf32>,
    %broadcast_in_dim3A_583 = arith.constant 0.000000e+00 : f32
    %broadcast_in_dim3A_584 = vector.broadcast %broadcast_in_dim3A_583 : f32 to vector<16xf32>
    %swap3A_585 = arith.constant 10 : i32
    %swap3A_586 = arith.index_cast %swap3A_585 : i32 to index
    %swap3A_587 = arith.constant 112 : index
    %swap3A_588 = tpu.vector_load %arg15[%swap3A_586, %swap3A_587] {strides = array<i32>} : memref<40x144xf32, #tpu.memory_space<vmem>>, vector<16xf32>,
    tpu.vector_store %arg15[%swap3A_586, %swap3A_587], %broadcast_in_dim3A_584 {strides = array<i32>} : memref<40x144xf32, #tpu.memory_space<vmem>>, vector<16xf32>,
    %broadcast_in_dim3A_589 = arith.constant 0.000000e+00 : f32
    %broadcast_in_dim3A_590 = vector.broadcast %broadcast_in_dim3A_589 : f32 to vector<16xf32>
    %swap3A_591 = arith.constant 10 : i32
    %swap3A_592 = arith.index_cast %swap3A_591 : i32 to index
    %swap3A_593 = arith.constant 128 : index
    %swap3A_594 = tpu.vector_load %arg15[%swap3A_592, %swap3A_593] {strides = array<i32>} : memref<40x144xf32, #tpu.memory_space<vmem>>, vector<16xf32>,
    tpu.vector_store %arg15[%swap3A_592, %swap3A_593], %broadcast_in_dim3A_590 {strides = array<i32>} : memref<40x144xf32, #tpu.memory_space<vmem>>, vector<16xf32>,
    %broadcast_in_dim3A_595 = arith.constant 0.000000e+00 : f32
    %broadcast_in_dim3A_596 = vector.broadcast %broadcast_in_dim3A_595 : f32 to vector<16xf32>
    %swap3A_597 = arith.constant 11 : i32
    %swap3A_598 = arith.index_cast %swap3A_597 : i32 to index
    %swap3A_599 = arith.constant 0 : index
    %swap3A_600 = tpu.vector_load %arg15[%swap3A_598, %swap3A_599] {strides = array<i32>} : memref<40x144xf32, #tpu.memory_space<vmem>>, vector<16xf32>,
    tpu.vector_store %arg15[%swap3A_598, %swap3A_599], %broadcast_in_dim3A_596 {strides = array<i32>} : memref<40x144xf32, #tpu.memory_space<vmem>>, vector<16xf32>,
    %broadcast_in_dim3A_601 = arith.constant 0.000000e+00 : f32
    %broadcast_in_dim3A_602 = vector.broadcast %broadcast_in_dim3A_601 : f32 to vector<16xf32>
    %swap3A_603 = arith.constant 11 : i32
    %swap3A_604 = arith.index_cast %swap3A_603 : i32 to index
    %swap3A_605 = arith.constant 16 : index
    %swap3A_606 = tpu.vector_load %arg15[%swap3A_604, %swap3A_605] {strides = array<i32>} : memref<40x144xf32, #tpu.memory_space<vmem>>, vector<16xf32>,
    tpu.vector_store %arg15[%swap3A_604, %swap3A_605], %broadcast_in_dim3A_602 {strides = array<i32>} : memref<40x144xf32, #tpu.memory_space<vmem>>, vector<16xf32>,
    %broadcast_in_dim3A_607 = arith.constant 0.000000e+00 : f32
    %broadcast_in_dim3A_608 = vector.broadcast %broadcast_in_dim3A_607 : f32 to vector<16xf32>
    %swap3A_609 = arith.constant 11 : i32
    %swap3A_610 = arith.index_cast %swap3A_609 : i32 to index
    %swap3A_611 = arith.constant 32 : index
    %swap3A_612 = tpu.vector_load %arg15[%swap3A_610, %swap3A_611] {strides = array<i32>} : memref<40x144xf32, #tpu.memory_space<vmem>>, vector<16xf32>,
    tpu.vector_store %arg15[%swap3A_610, %swap3A_611], %broadcast_in_dim3A_608 {strides = array<i32>} : memref<40x144xf32, #tpu.memory_space<vmem>>, vector<16xf32>,
    %broadcast_in_dim3A_613 = arith.constant 0.000000e+00 : f32
    %broadcast_in_dim3A_614 = vector.broadcast %broadcast_in_dim3A_613 : f32 to vector<16xf32>
    %swap3A_615 = arith.constant 11 : i32
    %swap3A_616 = arith.index_cast %swap3A_615 : i32 to index
    %swap3A_617 = arith.constant 48 : index
    %swap3A_618 = tpu.vector_load %arg15[%swap3A_616, %swap3A_617] {strides = array<i32>} : memref<40x144xf32, #tpu.memory_space<vmem>>, vector<16xf32>,
    tpu.vector_store %arg15[%swap3A_616, %swap3A_617], %broadcast_in_dim3A_614 {strides = array<i32>} : memref<40x144xf32, #tpu.memory_space<vmem>>, vector<16xf32>,
    %broadcast_in_dim3A_619 = arith.constant 0.000000e+00 : f32
    %broadcast_in_dim3A_620 = vector.broadcast %broadcast_in_dim3A_619 : f32 to vector<16xf32>
    %swap3A_621 = arith.constant 11 : i32
    %swap3A_622 = arith.index_cast %swap3A_621 : i32 to index
    %swap3A_623 = arith.constant 64 : index
    %swap3A_624 = tpu.vector_load %arg15[%swap3A_622, %swap3A_623] {strides = array<i32>} : memref<40x144xf32, #tpu.memory_space<vmem>>, vector<16xf32>,
    tpu.vector_store %arg15[%swap3A_622, %swap3A_623], %broadcast_in_dim3A_620 {strides = array<i32>} : memref<40x144xf32, #tpu.memory_space<vmem>>, vector<16xf32>,
    %broadcast_in_dim3A_625 = arith.constant 0.000000e+00 : f32
    %broadcast_in_dim3A_626 = vector.broadcast %broadcast_in_dim3A_625 : f32 to vector<16xf32>
    %swap3A_627 = arith.constant 11 : i32
    %swap3A_628 = arith.index_cast %swap3A_627 : i32 to index
    %swap3A_629 = arith.constant 80 : index
    %swap3A_630 = tpu.vector_load %arg15[%swap3A_628, %swap3A_629] {strides = array<i32>} : memref<40x144xf32, #tpu.memory_space<vmem>>, vector<16xf32>,
    tpu.vector_store %arg15[%swap3A_628, %swap3A_629], %broadcast_in_dim3A_626 {strides = array<i32>} : memref<40x144xf32, #tpu.memory_space<vmem>>, vector<16xf32>,
    %broadcast_in_dim3A_631 = arith.constant 0.000000e+00 : f32
    %broadcast_in_dim3A_632 = vector.broadcast %broadcast_in_dim3A_631 : f32 to vector<16xf32>
    %swap3A_633 = arith.constant 11 : i32
    %swap3A_634 = arith.index_cast %swap3A_633 : i32 to index
    %swap3A_635 = arith.constant 96 : index
    %swap3A_636 = tpu.vector_load %arg15[%swap3A_634, %swap3A_635] {strides = array<i32>} : memref<40x144xf32, #tpu.memory_space<vmem>>, vector<16xf32>,
    tpu.vector_store %arg15[%swap3A_634, %swap3A_635], %broadcast_in_dim3A_632 {strides = array<i32>} : memref<40x144xf32, #tpu.memory_space<vmem>>, vector<16xf32>,
    %broadcast_in_dim3A_637 = arith.constant 0.000000e+00 : f32
    %broadcast_in_dim3A_638 = vector.broadcast %broadcast_in_dim3A_637 : f32 to vector<16xf32>
    %swap3A_639 = arith.constant 11 : i32
    %swap3A_640 = arith.index_cast %swap3A_639 : i32 to index
    %swap3A_641 = arith.constant 112 : index
    %swap3A_642 = tpu.vector_load %arg15[%swap3A_640, %swap3A_641] {strides = array<i32>} : memref<40x144xf32, #tpu.memory_space<vmem>>, vector<16xf32>,
    tpu.vector_store %arg15[%swap3A_640, %swap3A_641], %broadcast_in_dim3A_638 {strides = array<i32>} : memref<40x144xf32, #tpu.memory_space<vmem>>, vector<16xf32>,
    %broadcast_in_dim3A_643 = arith.constant 0.000000e+00 : f32
    %broadcast_in_dim3A_644 = vector.broadcast %broadcast_in_dim3A_643 : f32 to vector<16xf32>
    %swap3A_645 = arith.constant 11 : i32
    %swap3A_646 = arith.index_cast %swap3A_645 : i32 to index
    %swap3A_647 = arith.constant 128 : index
    %swap3A_648 = tpu.vector_load %arg15[%swap3A_646, %swap3A_647] {strides = array<i32>} : memref<40x144xf32, #tpu.memory_space<vmem>>, vector<16xf32>,
    tpu.vector_store %arg15[%swap3A_646, %swap3A_647], %broadcast_in_dim3A_644 {strides = array<i32>} : memref<40x144xf32, #tpu.memory_space<vmem>>, vector<16xf32>,
    %broadcast_in_dim3A_649 = arith.constant 0.000000e+00 : f32
    %broadcast_in_dim3A_650 = vector.broadcast %broadcast_in_dim3A_649 : f32 to vector<16xf32>
    %swap3A_651 = arith.constant 12 : i32
    %swap3A_652 = arith.index_cast %swap3A_651 : i32 to index
    %swap3A_653 = arith.constant 0 : index
    %swap3A_654 = tpu.vector_load %arg15[%swap3A_652, %swap3A_653] {strides = array<i32>} : memref<40x144xf32, #tpu.memory_space<vmem>>, vector<16xf32>,
    tpu.vector_store %arg15[%swap3A_652, %swap3A_653], %broadcast_in_dim3A_650 {strides = array<i32>} : memref<40x144xf32, #tpu.memory_space<vmem>>, vector<16xf32>,
    %broadcast_in_dim3A_655 = arith.constant 0.000000e+00 : f32
    %broadcast_in_dim3A_656 = vector.broadcast %broadcast_in_dim3A_655 : f32 to vector<16xf32>
    %swap3A_657 = arith.constant 12 : i32
    %swap3A_658 = arith.index_cast %swap3A_657 : i32 to index
    %swap3A_659 = arith.constant 16 : index
    %swap3A_660 = tpu.vector_load %arg15[%swap3A_658, %swap3A_659] {strides = array<i32>} : memref<40x144xf32, #tpu.memory_space<vmem>>, vector<16xf32>,
    tpu.vector_store %arg15[%swap3A_658, %swap3A_659], %broadcast_in_dim3A_656 {strides = array<i32>} : memref<40x144xf32, #tpu.memory_space<vmem>>, vector<16xf32>,
    %broadcast_in_dim3A_661 = arith.constant 0.000000e+00 : f32
    %broadcast_in_dim3A_662 = vector.broadcast %broadcast_in_dim3A_661 : f32 to vector<16xf32>
    %swap3A_663 = arith.constant 12 : i32
    %swap3A_664 = arith.index_cast %swap3A_663 : i32 to index
    %swap3A_665 = arith.constant 32 : index
    %swap3A_666 = tpu.vector_load %arg15[%swap3A_664, %swap3A_665] {strides = array<i32>} : memref<40x144xf32, #tpu.memory_space<vmem>>, vector<16xf32>,
    tpu.vector_store %arg15[%swap3A_664, %swap3A_665], %broadcast_in_dim3A_662 {strides = array<i32>} : memref<40x144xf32, #tpu.memory_space<vmem>>, vector<16xf32>,
    %broadcast_in_dim3A_667 = arith.constant 0.000000e+00 : f32
    %broadcast_in_dim3A_668 = vector.broadcast %broadcast_in_dim3A_667 : f32 to vector<16xf32>
    %swap3A_669 = arith.constant 12 : i32
    %swap3A_670 = arith.index_cast %swap3A_669 : i32 to index
    %swap3A_671 = arith.constant 48 : index
    %swap3A_672 = tpu.vector_load %arg15[%swap3A_670, %swap3A_671] {strides = array<i32>} : memref<40x144xf32, #tpu.memory_space<vmem>>, vector<16xf32>,
    tpu.vector_store %arg15[%swap3A_670, %swap3A_671], %broadcast_in_dim3A_668 {strides = array<i32>} : memref<40x144xf32, #tpu.memory_space<vmem>>, vector<16xf32>,
    %broadcast_in_dim3A_673 = arith.constant 0.000000e+00 : f32
    %broadcast_in_dim3A_674 = vector.broadcast %broadcast_in_dim3A_673 : f32 to vector<16xf32>
    %swap3A_675 = arith.constant 12 : i32
    %swap3A_676 = arith.index_cast %swap3A_675 : i32 to index
    %swap3A_677 = arith.constant 64 : index
    %swap3A_678 = tpu.vector_load %arg15[%swap3A_676, %swap3A_677] {strides = array<i32>} : memref<40x144xf32, #tpu.memory_space<vmem>>, vector<16xf32>,
    tpu.vector_store %arg15[%swap3A_676, %swap3A_677], %broadcast_in_dim3A_674 {strides = array<i32>} : memref<40x144xf32, #tpu.memory_space<vmem>>, vector<16xf32>,
    %broadcast_in_dim3A_679 = arith.constant 0.000000e+00 : f32
    %broadcast_in_dim3A_680 = vector.broadcast %broadcast_in_dim3A_679 : f32 to vector<16xf32>
    %swap3A_681 = arith.constant 12 : i32
    %swap3A_682 = arith.index_cast %swap3A_681 : i32 to index
    %swap3A_683 = arith.constant 80 : index
    %swap3A_684 = tpu.vector_load %arg15[%swap3A_682, %swap3A_683] {strides = array<i32>} : memref<40x144xf32, #tpu.memory_space<vmem>>, vector<16xf32>,
    tpu.vector_store %arg15[%swap3A_682, %swap3A_683], %broadcast_in_dim3A_680 {strides = array<i32>} : memref<40x144xf32, #tpu.memory_space<vmem>>, vector<16xf32>,
    %broadcast_in_dim3A_685 = arith.constant 0.000000e+00 : f32
    %broadcast_in_dim3A_686 = vector.broadcast %broadcast_in_dim3A_685 : f32 to vector<16xf32>
    %swap3A_687 = arith.constant 12 : i32
    %swap3A_688 = arith.index_cast %swap3A_687 : i32 to index
    %swap3A_689 = arith.constant 96 : index
    %swap3A_690 = tpu.vector_load %arg15[%swap3A_688, %swap3A_689] {strides = array<i32>} : memref<40x144xf32, #tpu.memory_space<vmem>>, vector<16xf32>,
    tpu.vector_store %arg15[%swap3A_688, %swap3A_689], %broadcast_in_dim3A_686 {strides = array<i32>} : memref<40x144xf32, #tpu.memory_space<vmem>>, vector<16xf32>,
    %broadcast_in_dim3A_691 = arith.constant 0.000000e+00 : f32
    %broadcast_in_dim3A_692 = vector.broadcast %broadcast_in_dim3A_691 : f32 to vector<16xf32>
    %swap3A_693 = arith.constant 12 : i32
    %swap3A_694 = arith.index_cast %swap3A_693 : i32 to index
    %swap3A_695 = arith.constant 112 : index
    %swap3A_696 = tpu.vector_load %arg15[%swap3A_694, %swap3A_695] {strides = array<i32>} : memref<40x144xf32, #tpu.memory_space<vmem>>, vector<16xf32>,
    tpu.vector_store %arg15[%swap3A_694, %swap3A_695], %broadcast_in_dim3A_692 {strides = array<i32>} : memref<40x144xf32, #tpu.memory_space<vmem>>, vector<16xf32>,
    %broadcast_in_dim3A_697 = arith.constant 0.000000e+00 : f32
    %broadcast_in_dim3A_698 = vector.broadcast %broadcast_in_dim3A_697 : f32 to vector<16xf32>
    %swap3A_699 = arith.constant 12 : i32
    %swap3A_700 = arith.index_cast %swap3A_699 : i32 to index
    %swap3A_701 = arith.constant 128 : index
    %swap3A_702 = tpu.vector_load %arg15[%swap3A_700, %swap3A_701] {strides = array<i32>} : memref<40x144xf32, #tpu.memory_space<vmem>>, vector<16xf32>,
    tpu.vector_store %arg15[%swap3A_700, %swap3A_701], %broadcast_in_dim3A_698 {strides = array<i32>} : memref<40x144xf32, #tpu.memory_space<vmem>>, vector<16xf32>,
    %broadcast_in_dim3A_703 = arith.constant 0.000000e+00 : f32
    %broadcast_in_dim3A_704 = vector.broadcast %broadcast_in_dim3A_703 : f32 to vector<16xf32>
    %swap3A_705 = arith.constant 13 : i32
    %swap3A_706 = arith.index_cast %swap3A_705 : i32 to index
    %swap3A_707 = arith.constant 0 : index
    %swap3A_708 = tpu.vector_load %arg15[%swap3A_706, %swap3A_707] {strides = array<i32>} : memref<40x144xf32, #tpu.memory_space<vmem>>, vector<16xf32>,
    tpu.vector_store %arg15[%swap3A_706, %swap3A_707], %broadcast_in_dim3A_704 {strides = array<i32>} : memref<40x144xf32, #tpu.memory_space<vmem>>, vector<16xf32>,
    %broadcast_in_dim3A_709 = arith.constant 0.000000e+00 : f32
    %broadcast_in_dim3A_710 = vector.broadcast %broadcast_in_dim3A_709 : f32 to vector<16xf32>
    %swap3A_711 = arith.constant 13 : i32
    %swap3A_712 = arith.index_cast %swap3A_711 : i32 to index
    %swap3A_713 = arith.constant 16 : index
    %swap3A_714 = tpu.vector_load %arg15[%swap3A_712, %swap3A_713] {strides = array<i32>} : memref<40x144xf32, #tpu.memory_space<vmem>>, vector<16xf32>,
    tpu.vector_store %arg15[%swap3A_712, %swap3A_713], %broadcast_in_dim3A_710 {strides = array<i32>} : memref<40x144xf32, #tpu.memory_space<vmem>>, vector<16xf32>,
    %broadcast_in_dim3A_715 = arith.constant 0.000000e+00 : f32
    %broadcast_in_dim3A_716 = vector.broadcast %broadcast_in_dim3A_715 : f32 to vector<16xf32>
    %swap3A_717 = arith.constant 13 : i32
    %swap3A_718 = arith.index_cast %swap3A_717 : i32 to index
    %swap3A_719 = arith.constant 32 : index
    %swap3A_720 = tpu.vector_load %arg15[%swap3A_718, %swap3A_719] {strides = array<i32>} : memref<40x144xf32, #tpu.memory_space<vmem>>, vector<16xf32>,
    tpu.vector_store %arg15[%swap3A_718, %swap3A_719], %broadcast_in_dim3A_716 {strides = array<i32>} : memref<40x144xf32, #tpu.memory_space<vmem>>, vector<16xf32>,
    %broadcast_in_dim3A_721 = arith.constant 0.000000e+00 : f32
    %broadcast_in_dim3A_722 = vector.broadcast %broadcast_in_dim3A_721 : f32 to vector<16xf32>
    %swap3A_723 = arith.constant 13 : i32
    %swap3A_724 = arith.index_cast %swap3A_723 : i32 to index
    %swap3A_725 = arith.constant 48 : index
    %swap3A_726 = tpu.vector_load %arg15[%swap3A_724, %swap3A_725] {strides = array<i32>} : memref<40x144xf32, #tpu.memory_space<vmem>>, vector<16xf32>,
    tpu.vector_store %arg15[%swap3A_724, %swap3A_725], %broadcast_in_dim3A_722 {strides = array<i32>} : memref<40x144xf32, #tpu.memory_space<vmem>>, vector<16xf32>,
    %broadcast_in_dim3A_727 = arith.constant 0.000000e+00 : f32
    %broadcast_in_dim3A_728 = vector.broadcast %broadcast_in_dim3A_727 : f32 to vector<16xf32>
    %swap3A_729 = arith.constant 13 : i32
    %swap3A_730 = arith.index_cast %swap3A_729 : i32 to index
    %swap3A_731 = arith.constant 64 : index
    %swap3A_732 = tpu.vector_load %arg15[%swap3A_730, %swap3A_731] {strides = array<i32>} : memref<40x144xf32, #tpu.memory_space<vmem>>, vector<16xf32>,
    tpu.vector_store %arg15[%swap3A_730, %swap3A_731], %broadcast_in_dim3A_728 {strides = array<i32>} : memref<40x144xf32, #tpu.memory_space<vmem>>, vector<16xf32>,
    %broadcast_in_dim3A_733 = arith.constant 0.000000e+00 : f32
    %broadcast_in_dim3A_734 = vector.broadcast %broadcast_in_dim3A_733 : f32 to vector<16xf32>
    %swap3A_735 = arith.constant 13 : i32
    %swap3A_736 = arith.index_cast %swap3A_735 : i32 to index
    %swap3A_737 = arith.constant 80 : index
    %swap3A_738 = tpu.vector_load %arg15[%swap3A_736, %swap3A_737] {strides = array<i32>} : memref<40x144xf32, #tpu.memory_space<vmem>>, vector<16xf32>,
    tpu.vector_store %arg15[%swap3A_736, %swap3A_737], %broadcast_in_dim3A_734 {strides = array<i32>} : memref<40x144xf32, #tpu.memory_space<vmem>>, vector<16xf32>,
    %broadcast_in_dim3A_739 = arith.constant 0.000000e+00 : f32
    %broadcast_in_dim3A_740 = vector.broadcast %broadcast_in_dim3A_739 : f32 to vector<16xf32>
    %swap3A_741 = arith.constant 13 : i32
    %swap3A_742 = arith.index_cast %swap3A_741 : i32 to index
    %swap3A_743 = arith.constant 96 : index
    %swap3A_744 = tpu.vector_load %arg15[%swap3A_742, %swap3A_743] {strides = array<i32>} : memref<40x144xf32, #tpu.memory_space<vmem>>, vector<16xf32>,
    tpu.vector_store %arg15[%swap3A_742, %swap3A_743], %broadcast_in_dim3A_740 {strides = array<i32>} : memref<40x144xf32, #tpu.memory_space<vmem>>, vector<16xf32>,
    %broadcast_in_dim3A_745 = arith.constant 0.000000e+00 : f32
    %broadcast_in_dim3A_746 = vector.broadcast %broadcast_in_dim3A_745 : f32 to vector<16xf32>
    %swap3A_747 = arith.constant 13 : i32
    %swap3A_748 = arith.index_cast %swap3A_747 : i32 to index
    %swap3A_749 = arith.constant 112 : index
    %swap3A_750 = tpu.vector_load %arg15[%swap3A_748, %swap3A_749] {strides = array<i32>} : memref<40x144xf32, #tpu.memory_space<vmem>>, vector<16xf32>,
    tpu.vector_store %arg15[%swap3A_748, %swap3A_749], %broadcast_in_dim3A_746 {strides = array<i32>} : memref<40x144xf32, #tpu.memory_space<vmem>>, vector<16xf32>,
    %broadcast_in_dim3A_751 = arith.constant 0.000000e+00 : f32
    %broadcast_in_dim3A_752 = vector.broadcast %broadcast_in_dim3A_751 : f32 to vector<16xf32>
    %swap3A_753 = arith.constant 13 : i32
    %swap3A_754 = arith.index_cast %swap3A_753 : i32 to index
    %swap3A_755 = arith.constant 128 : index
    %swap3A_756 = tpu.vector_load %arg15[%swap3A_754, %swap3A_755] {strides = array<i32>} : memref<40x144xf32, #tpu.memory_space<vmem>>, vector<16xf32>,
    tpu.vector_store %arg15[%swap3A_754, %swap3A_755], %broadcast_in_dim3A_752 {strides = array<i32>} : memref<40x144xf32, #tpu.memory_space<vmem>>, vector<16xf32>,
    %broadcast_in_dim3A_757 = arith.constant 0.000000e+00 : f32
    %broadcast_in_dim3A_758 = vector.broadcast %broadcast_in_dim3A_757 : f32 to vector<16xf32>
    %swap3A_759 = arith.constant 14 : i32
    %swap3A_760 = arith.index_cast %swap3A_759 : i32 to index
    %swap3A_761 = arith.constant 0 : index
    %swap3A_762 = tpu.vector_load %arg15[%swap3A_760, %swap3A_761] {strides = array<i32>} : memref<40x144xf32, #tpu.memory_space<vmem>>, vector<16xf32>,
    tpu.vector_store %arg15[%swap3A_760, %swap3A_761], %broadcast_in_dim3A_758 {strides = array<i32>} : memref<40x144xf32, #tpu.memory_space<vmem>>, vector<16xf32>,
    %broadcast_in_dim3A_763 = arith.constant 0.000000e+00 : f32
    %broadcast_in_dim3A_764 = vector.broadcast %broadcast_in_dim3A_763 : f32 to vector<16xf32>
    %swap3A_765 = arith.constant 14 : i32
    %swap3A_766 = arith.index_cast %swap3A_765 : i32 to index
    %swap3A_767 = arith.constant 16 : index
    %swap3A_768 = tpu.vector_load %arg15[%swap3A_766, %swap3A_767] {strides = array<i32>} : memref<40x144xf32, #tpu.memory_space<vmem>>, vector<16xf32>,
    tpu.vector_store %arg15[%swap3A_766, %swap3A_767], %broadcast_in_dim3A_764 {strides = array<i32>} : memref<40x144xf32, #tpu.memory_space<vmem>>, vector<16xf32>,
    %broadcast_in_dim3A_769 = arith.constant 0.000000e+00 : f32
    %broadcast_in_dim3A_770 = vector.broadcast %broadcast_in_dim3A_769 : f32 to vector<16xf32>
    %swap3A_771 = arith.constant 14 : i32
    %swap3A_772 = arith.index_cast %swap3A_771 : i32 to index
    %swap3A_773 = arith.constant 32 : index
    %swap3A_774 = tpu.vector_load %arg15[%swap3A_772, %swap3A_773] {strides = array<i32>} : memref<40x144xf32, #tpu.memory_space<vmem>>, vector<16xf32>,
    tpu.vector_store %arg15[%swap3A_772, %swap3A_773], %broadcast_in_dim3A_770 {strides = array<i32>} : memref<40x144xf32, #tpu.memory_space<vmem>>, vector<16xf32>,
    %broadcast_in_dim3A_775 = arith.constant 0.000000e+00 : f32
    %broadcast_in_dim3A_776 = vector.broadcast %broadcast_in_dim3A_775 : f32 to vector<16xf32>
    %swap3A_777 = arith.constant 14 : i32
    %swap3A_778 = arith.index_cast %swap3A_777 : i32 to index
    %swap3A_779 = arith.constant 48 : index
    %swap3A_780 = tpu.vector_load %arg15[%swap3A_778, %swap3A_779] {strides = array<i32>} : memref<40x144xf32, #tpu.memory_space<vmem>>, vector<16xf32>,
    tpu.vector_store %arg15[%swap3A_778, %swap3A_779], %broadcast_in_dim3A_776 {strides = array<i32>} : memref<40x144xf32, #tpu.memory_space<vmem>>, vector<16xf32>,
    %broadcast_in_dim3A_781 = arith.constant 0.000000e+00 : f32
    %broadcast_in_dim3A_782 = vector.broadcast %broadcast_in_dim3A_781 : f32 to vector<16xf32>
    %swap3A_783 = arith.constant 14 : i32
    %swap3A_784 = arith.index_cast %swap3A_783 : i32 to index
    %swap3A_785 = arith.constant 64 : index
    %swap3A_786 = tpu.vector_load %arg15[%swap3A_784, %swap3A_785] {strides = array<i32>} : memref<40x144xf32, #tpu.memory_space<vmem>>, vector<16xf32>,
    tpu.vector_store %arg15[%swap3A_784, %swap3A_785], %broadcast_in_dim3A_782 {strides = array<i32>} : memref<40x144xf32, #tpu.memory_space<vmem>>, vector<16xf32>,
    %broadcast_in_dim3A_787 = arith.constant 0.000000e+00 : f32
    %broadcast_in_dim3A_788 = vector.broadcast %broadcast_in_dim3A_787 : f32 to vector<16xf32>
    %swap3A_789 = arith.constant 14 : i32
    %swap3A_790 = arith.index_cast %swap3A_789 : i32 to index
    %swap3A_791 = arith.constant 80 : index
    %swap3A_792 = tpu.vector_load %arg15[%swap3A_790, %swap3A_791] {strides = array<i32>} : memref<40x144xf32, #tpu.memory_space<vmem>>, vector<16xf32>,
    tpu.vector_store %arg15[%swap3A_790, %swap3A_791], %broadcast_in_dim3A_788 {strides = array<i32>} : memref<40x144xf32, #tpu.memory_space<vmem>>, vector<16xf32>,
    %broadcast_in_dim3A_793 = arith.constant 0.000000e+00 : f32
    %broadcast_in_dim3A_794 = vector.broadcast %broadcast_in_dim3A_793 : f32 to vector<16xf32>
    %swap3A_795 = arith.constant 14 : i32
    %swap3A_796 = arith.index_cast %swap3A_795 : i32 to index
    %swap3A_797 = arith.constant 96 : index
    %swap3A_798 = tpu.vector_load %arg15[%swap3A_796, %swap3A_797] {strides = array<i32>} : memref<40x144xf32, #tpu.memory_space<vmem>>, vector<16xf32>,
    tpu.vector_store %arg15[%swap3A_796, %swap3A_797], %broadcast_in_dim3A_794 {strides = array<i32>} : memref<40x144xf32, #tpu.memory_space<vmem>>, vector<16xf32>,
    %broadcast_in_dim3A_799 = arith.constant 0.000000e+00 : f32
    %broadcast_in_dim3A_800 = vector.broadcast %broadcast_in_dim3A_799 : f32 to vector<16xf32>
    %swap3A_801 = arith.constant 14 : i32
    %swap3A_802 = arith.index_cast %swap3A_801 : i32 to index
    %swap3A_803 = arith.constant 112 : index
    %swap3A_804 = tpu.vector_load %arg15[%swap3A_802, %swap3A_803] {strides = array<i32>} : memref<40x144xf32, #tpu.memory_space<vmem>>, vector<16xf32>,
    tpu.vector_store %arg15[%swap3A_802, %swap3A_803], %broadcast_in_dim3A_800 {strides = array<i32>} : memref<40x144xf32, #tpu.memory_space<vmem>>, vector<16xf32>,
    %broadcast_in_dim3A_805 = arith.constant 0.000000e+00 : f32
    %broadcast_in_dim3A_806 = vector.broadcast %broadcast_in_dim3A_805 : f32 to vector<16xf32>
    %swap3A_807 = arith.constant 14 : i32
    %swap3A_808 = arith.index_cast %swap3A_807 : i32 to index
    %swap3A_809 = arith.constant 128 : index
    %swap3A_810 = tpu.vector_load %arg15[%swap3A_808, %swap3A_809] {strides = array<i32>} : memref<40x144xf32, #tpu.memory_space<vmem>>, vector<16xf32>,
    tpu.vector_store %arg15[%swap3A_808, %swap3A_809], %broadcast_in_dim3A_806 {strides = array<i32>} : memref<40x144xf32, #tpu.memory_space<vmem>>, vector<16xf32>,
    %broadcast_in_dim3A_811 = arith.constant 0.000000e+00 : f32
    %broadcast_in_dim3A_812 = vector.broadcast %broadcast_in_dim3A_811 : f32 to vector<16xf32>
    %swap3A_813 = arith.constant 15 : i32
    %swap3A_814 = arith.index_cast %swap3A_813 : i32 to index
    %swap3A_815 = arith.constant 0 : index
    %swap3A_816 = tpu.vector_load %arg15[%swap3A_814, %swap3A_815] {strides = array<i32>} : memref<40x144xf32, #tpu.memory_space<vmem>>, vector<16xf32>,
    tpu.vector_store %arg15[%swap3A_814, %swap3A_815], %broadcast_in_dim3A_812 {strides = array<i32>} : memref<40x144xf32, #tpu.memory_space<vmem>>, vector<16xf32>,
    %broadcast_in_dim3A_817 = arith.constant 0.000000e+00 : f32
    %broadcast_in_dim3A_818 = vector.broadcast %broadcast_in_dim3A_817 : f32 to vector<16xf32>
    %swap3A_819 = arith.constant 15 : i32
    %swap3A_820 = arith.index_cast %swap3A_819 : i32 to index
    %swap3A_821 = arith.constant 16 : index
    %swap3A_822 = tpu.vector_load %arg15[%swap3A_820, %swap3A_821] {strides = array<i32>} : memref<40x144xf32, #tpu.memory_space<vmem>>, vector<16xf32>,
    tpu.vector_store %arg15[%swap3A_820, %swap3A_821], %broadcast_in_dim3A_818 {strides = array<i32>} : memref<40x144xf32, #tpu.memory_space<vmem>>, vector<16xf32>,
    %broadcast_in_dim3A_823 = arith.constant 0.000000e+00 : f32
    %broadcast_in_dim3A_824 = vector.broadcast %broadcast_in_dim3A_823 : f32 to vector<16xf32>
    %swap3A_825 = arith.constant 15 : i32
    %swap3A_826 = arith.index_cast %swap3A_825 : i32 to index
    %swap3A_827 = arith.constant 32 : index
    %swap3A_828 = tpu.vector_load %arg15[%swap3A_826, %swap3A_827] {strides = array<i32>} : memref<40x144xf32, #tpu.memory_space<vmem>>, vector<16xf32>,
    tpu.vector_store %arg15[%swap3A_826, %swap3A_827], %broadcast_in_dim3A_824 {strides = array<i32>} : memref<40x144xf32, #tpu.memory_space<vmem>>, vector<16xf32>,
    %broadcast_in_dim3A_829 = arith.constant 0.000000e+00 : f32
    %broadcast_in_dim3A_830 = vector.broadcast %broadcast_in_dim3A_829 : f32 to vector<16xf32>
    %swap3A_831 = arith.constant 15 : i32
    %swap3A_832 = arith.index_cast %swap3A_831 : i32 to index
    %swap3A_833 = arith.constant 48 : index
    %swap3A_834 = tpu.vector_load %arg15[%swap3A_832, %swap3A_833] {strides = array<i32>} : memref<40x144xf32, #tpu.memory_space<vmem>>, vector<16xf32>,
    tpu.vector_store %arg15[%swap3A_832, %swap3A_833], %broadcast_in_dim3A_830 {strides = array<i32>} : memref<40x144xf32, #tpu.memory_space<vmem>>, vector<16xf32>,
    %broadcast_in_dim3A_835 = arith.constant 0.000000e+00 : f32
    %broadcast_in_dim3A_836 = vector.broadcast %broadcast_in_dim3A_835 : f32 to vector<16xf32>
    %swap3A_837 = arith.constant 15 : i32
    %swap3A_838 = arith.index_cast %swap3A_837 : i32 to index
    %swap3A_839 = arith.constant 64 : index
    %swap3A_840 = tpu.vector_load %arg15[%swap3A_838, %swap3A_839] {strides = array<i32>} : memref<40x144xf32, #tpu.memory_space<vmem>>, vector<16xf32>,
    tpu.vector_store %arg15[%swap3A_838, %swap3A_839], %broadcast_in_dim3A_836 {strides = array<i32>} : memref<40x144xf32, #tpu.memory_space<vmem>>, vector<16xf32>,
    %broadcast_in_dim3A_841 = arith.constant 0.000000e+00 : f32
    %broadcast_in_dim3A_842 = vector.broadcast %broadcast_in_dim3A_841 : f32 to vector<16xf32>
    %swap3A_843 = arith.constant 15 : i32
    %swap3A_844 = arith.index_cast %swap3A_843 : i32 to index
    %swap3A_845 = arith.constant 80 : index
    %swap3A_846 = tpu.vector_load %arg15[%swap3A_844, %swap3A_845] {strides = array<i32>} : memref<40x144xf32, #tpu.memory_space<vmem>>, vector<16xf32>,
    tpu.vector_store %arg15[%swap3A_844, %swap3A_845], %broadcast_in_dim3A_842 {strides = array<i32>} : memref<40x144xf32, #tpu.memory_space<vmem>>, vector<16xf32>,
    %broadcast_in_dim3A_847 = arith.constant 0.000000e+00 : f32
    %broadcast_in_dim3A_848 = vector.broadcast %broadcast_in_dim3A_847 : f32 to vector<16xf32>
    %swap3A_849 = arith.constant 15 : i32
    %swap3A_850 = arith.index_cast %swap3A_849 : i32 to index
    %swap3A_851 = arith.constant 96 : index
    %swap3A_852 = tpu.vector_load %arg15[%swap3A_850, %swap3A_851] {strides = array<i32>} : memref<40x144xf32, #tpu.memory_space<vmem>>, vector<16xf32>,
    tpu.vector_store %arg15[%swap3A_850, %swap3A_851], %broadcast_in_dim3A_848 {strides = array<i32>} : memref<40x144xf32, #tpu.memory_space<vmem>>, vector<16xf32>,
    %broadcast_in_dim3A_853 = arith.constant 0.000000e+00 : f32
    %broadcast_in_dim3A_854 = vector.broadcast %broadcast_in_dim3A_853 : f32 to vector<16xf32>
    %swap3A_855 = arith.constant 15 : i32
    %swap3A_856 = arith.index_cast %swap3A_855 : i32 to index
    %swap3A_857 = arith.constant 112 : index
    %swap3A_858 = tpu.vector_load %arg15[%swap3A_856, %swap3A_857] {strides = array<i32>} : memref<40x144xf32, #tpu.memory_space<vmem>>, vector<16xf32>,
    tpu.vector_store %arg15[%swap3A_856, %swap3A_857], %broadcast_in_dim3A_854 {strides = array<i32>} : memref<40x144xf32, #tpu.memory_space<vmem>>, vector<16xf32>,
    %broadcast_in_dim3A_859 = arith.constant 0.000000e+00 : f32
    %broadcast_in_dim3A_860 = vector.broadcast %broadcast_in_dim3A_859 : f32 to vector<16xf32>
    %swap3A_861 = arith.constant 15 : i32
    %swap3A_862 = arith.index_cast %swap3A_861 : i32 to index
    %swap3A_863 = arith.constant 128 : index
    %swap3A_864 = tpu.vector_load %arg15[%swap3A_862, %swap3A_863] {strides = array<i32>} : memref<40x144xf32, #tpu.memory_space<vmem>>, vector<16xf32>,
    tpu.vector_store %arg15[%swap3A_862, %swap3A_863], %broadcast_in_dim3A_860 {strides = array<i32>} : memref<40x144xf32, #tpu.memory_space<vmem>>, vector<16xf32>,
    %broadcast_in_dim3A_865 = arith.constant 0.000000e+00 : f32
    %broadcast_in_dim3A_866 = vector.broadcast %broadcast_in_dim3A_865 : f32 to vector<16xf32>
    %swap3A_867 = arith.constant 16 : i32
    %swap3A_868 = arith.index_cast %swap3A_867 : i32 to index
    %swap3A_869 = arith.constant 0 : index
    %swap3A_870 = tpu.vector_load %arg15[%swap3A_868, %swap3A_869] {strides = array<i32>} : memref<40x144xf32, #tpu.memory_space<vmem>>, vector<16xf32>,
    tpu.vector_store %arg15[%swap3A_868, %swap3A_869], %broadcast_in_dim3A_866 {strides = array<i32>} : memref<40x144xf32, #tpu.memory_space<vmem>>, vector<16xf32>,
    %broadcast_in_dim3A_871 = arith.constant 0.000000e+00 : f32
    %broadcast_in_dim3A_872 = vector.broadcast %broadcast_in_dim3A_871 : f32 to vector<16xf32>
    %swap3A_873 = arith.constant 16 : i32
    %swap3A_874 = arith.index_cast %swap3A_873 : i32 to index
    %swap3A_875 = arith.constant 16 : index
    %swap3A_876 = tpu.vector_load %arg15[%swap3A_874, %swap3A_875] {strides = array<i32>} : memref<40x144xf32, #tpu.memory_space<vmem>>, vector<16xf32>,
    tpu.vector_store %arg15[%swap3A_874, %swap3A_875], %broadcast_in_dim3A_872 {strides = array<i32>} : memref<40x144xf32, #tpu.memory_space<vmem>>, vector<16xf32>,
    %broadcast_in_dim3A_877 = arith.constant 0.000000e+00 : f32
    %broadcast_in_dim3A_878 = vector.broadcast %broadcast_in_dim3A_877 : f32 to vector<16xf32>
    %swap3A_879 = arith.constant 16 : i32
    %swap3A_880 = arith.index_cast %swap3A_879 : i32 to index
    %swap3A_881 = arith.constant 32 : index
    %swap3A_882 = tpu.vector_load %arg15[%swap3A_880, %swap3A_881] {strides = array<i32>} : memref<40x144xf32, #tpu.memory_space<vmem>>, vector<16xf32>,
    tpu.vector_store %arg15[%swap3A_880, %swap3A_881], %broadcast_in_dim3A_878 {strides = array<i32>} : memref<40x144xf32, #tpu.memory_space<vmem>>, vector<16xf32>,
    %broadcast_in_dim3A_883 = arith.constant 0.000000e+00 : f32
    %broadcast_in_dim3A_884 = vector.broadcast %broadcast_in_dim3A_883 : f32 to vector<16xf32>
    %swap3A_885 = arith.constant 16 : i32
    %swap3A_886 = arith.index_cast %swap3A_885 : i32 to index
    %swap3A_887 = arith.constant 48 : index
    %swap3A_888 = tpu.vector_load %arg15[%swap3A_886, %swap3A_887] {strides = array<i32>} : memref<40x144xf32, #tpu.memory_space<vmem>>, vector<16xf32>,
    tpu.vector_store %arg15[%swap3A_886, %swap3A_887], %broadcast_in_dim3A_884 {strides = array<i32>} : memref<40x144xf32, #tpu.memory_space<vmem>>, vector<16xf32>,
    %broadcast_in_dim3A_889 = arith.constant 0.000000e+00 : f32
    %broadcast_in_dim3A_890 = vector.broadcast %broadcast_in_dim3A_889 : f32 to vector<16xf32>
    %swap3A_891 = arith.constant 16 : i32
    %swap3A_892 = arith.index_cast %swap3A_891 : i32 to index
    %swap3A_893 = arith.constant 64 : index
    %swap3A_894 = tpu.vector_load %arg15[%swap3A_892, %swap3A_893] {strides = array<i32>} : memref<40x144xf32, #tpu.memory_space<vmem>>, vector<16xf32>,
    tpu.vector_store %arg15[%swap3A_892, %swap3A_893], %broadcast_in_dim3A_890 {strides = array<i32>} : memref<40x144xf32, #tpu.memory_space<vmem>>, vector<16xf32>,
    %broadcast_in_dim3A_895 = arith.constant 0.000000e+00 : f32
    %broadcast_in_dim3A_896 = vector.broadcast %broadcast_in_dim3A_895 : f32 to vector<16xf32>
    %swap3A_897 = arith.constant 16 : i32
    %swap3A_898 = arith.index_cast %swap3A_897 : i32 to index
    %swap3A_899 = arith.constant 80 : index
    %swap3A_900 = tpu.vector_load %arg15[%swap3A_898, %swap3A_899] {strides = array<i32>} : memref<40x144xf32, #tpu.memory_space<vmem>>, vector<16xf32>,
    tpu.vector_store %arg15[%swap3A_898, %swap3A_899], %broadcast_in_dim3A_896 {strides = array<i32>} : memref<40x144xf32, #tpu.memory_space<vmem>>, vector<16xf32>,
    %broadcast_in_dim3A_901 = arith.constant 0.000000e+00 : f32
    %broadcast_in_dim3A_902 = vector.broadcast %broadcast_in_dim3A_901 : f32 to vector<16xf32>
    %swap3A_903 = arith.constant 16 : i32
    %swap3A_904 = arith.index_cast %swap3A_903 : i32 to index
    %swap3A_905 = arith.constant 96 : index
    %swap3A_906 = tpu.vector_load %arg15[%swap3A_904, %swap3A_905] {strides = array<i32>} : memref<40x144xf32, #tpu.memory_space<vmem>>, vector<16xf32>,
    tpu.vector_store %arg15[%swap3A_904, %swap3A_905], %broadcast_in_dim3A_902 {strides = array<i32>} : memref<40x144xf32, #tpu.memory_space<vmem>>, vector<16xf32>,
    %broadcast_in_dim3A_907 = arith.constant 0.000000e+00 : f32
    %broadcast_in_dim3A_908 = vector.broadcast %broadcast_in_dim3A_907 : f32 to vector<16xf32>
    %swap3A_909 = arith.constant 16 : i32
    %swap3A_910 = arith.index_cast %swap3A_909 : i32 to index
    %swap3A_911 = arith.constant 112 : index
    %swap3A_912 = tpu.vector_load %arg15[%swap3A_910, %swap3A_911] {strides = array<i32>} : memref<40x144xf32, #tpu.memory_space<vmem>>, vector<16xf32>,
    tpu.vector_store %arg15[%swap3A_910, %swap3A_911], %broadcast_in_dim3A_908 {strides = array<i32>} : memref<40x144xf32, #tpu.memory_space<vmem>>, vector<16xf32>,
    %broadcast_in_dim3A_913 = arith.constant 0.000000e+00 : f32
    %broadcast_in_dim3A_914 = vector.broadcast %broadcast_in_dim3A_913 : f32 to vector<16xf32>
    %swap3A_915 = arith.constant 16 : i32
    %swap3A_916 = arith.index_cast %swap3A_915 : i32 to index
    %swap3A_917 = arith.constant 128 : index
    %swap3A_918 = tpu.vector_load %arg15[%swap3A_916, %swap3A_917] {strides = array<i32>} : memref<40x144xf32, #tpu.memory_space<vmem>>, vector<16xf32>,
    tpu.vector_store %arg15[%swap3A_916, %swap3A_917], %broadcast_in_dim3A_914 {strides = array<i32>} : memref<40x144xf32, #tpu.memory_space<vmem>>, vector<16xf32>,
    %broadcast_in_dim3A_919 = arith.constant 0.000000e+00 : f32
    %broadcast_in_dim3A_920 = vector.broadcast %broadcast_in_dim3A_919 : f32 to vector<16xf32>
    %swap3A_921 = arith.constant 17 : i32
    %swap3A_922 = arith.index_cast %swap3A_921 : i32 to index
    %swap3A_923 = arith.constant 0 : index
    %swap3A_924 = tpu.vector_load %arg15[%swap3A_922, %swap3A_923] {strides = array<i32>} : memref<40x144xf32, #tpu.memory_space<vmem>>, vector<16xf32>,
    tpu.vector_store %arg15[%swap3A_922, %swap3A_923], %broadcast_in_dim3A_920 {strides = array<i32>} : memref<40x144xf32, #tpu.memory_space<vmem>>, vector<16xf32>,
    %broadcast_in_dim3A_925 = arith.constant 0.000000e+00 : f32
    %broadcast_in_dim3A_926 = vector.broadcast %broadcast_in_dim3A_925 : f32 to vector<16xf32>
    %swap3A_927 = arith.constant 17 : i32
    %swap3A_928 = arith.index_cast %swap3A_927 : i32 to index
    %swap3A_929 = arith.constant 16 : index
    %swap3A_930 = tpu.vector_load %arg15[%swap3A_928, %swap3A_929] {strides = array<i32>} : memref<40x144xf32, #tpu.memory_space<vmem>>, vector<16xf32>,
    tpu.vector_store %arg15[%swap3A_928, %swap3A_929], %broadcast_in_dim3A_926 {strides = array<i32>} : memref<40x144xf32, #tpu.memory_space<vmem>>, vector<16xf32>,
    %broadcast_in_dim3A_931 = arith.constant 0.000000e+00 : f32
    %broadcast_in_dim3A_932 = vector.broadcast %broadcast_in_dim3A_931 : f32 to vector<16xf32>
    %swap3A_933 = arith.constant 17 : i32
    %swap3A_934 = arith.index_cast %swap3A_933 : i32 to index
    %swap3A_935 = arith.constant 32 : index
    %swap3A_936 = tpu.vector_load %arg15[%swap3A_934, %swap3A_935] {strides = array<i32>} : memref<40x144xf32, #tpu.memory_space<vmem>>, vector<16xf32>,
    tpu.vector_store %arg15[%swap3A_934, %swap3A_935], %broadcast_in_dim3A_932 {strides = array<i32>} : memref<40x144xf32, #tpu.memory_space<vmem>>, vector<16xf32>,
    %broadcast_in_dim3A_937 = arith.constant 0.000000e+00 : f32
    %broadcast_in_dim3A_938 = vector.broadcast %broadcast_in_dim3A_937 : f32 to vector<16xf32>
    %swap3A_939 = arith.constant 17 : i32
    %swap3A_940 = arith.index_cast %swap3A_939 : i32 to index
    %swap3A_941 = arith.constant 48 : index
    %swap3A_942 = tpu.vector_load %arg15[%swap3A_940, %swap3A_941] {strides = array<i32>} : memref<40x144xf32, #tpu.memory_space<vmem>>, vector<16xf32>,
    tpu.vector_store %arg15[%swap3A_940, %swap3A_941], %broadcast_in_dim3A_938 {strides = array<i32>} : memref<40x144xf32, #tpu.memory_space<vmem>>, vector<16xf32>,
    %broadcast_in_dim3A_943 = arith.constant 0.000000e+00 : f32
    %broadcast_in_dim3A_944 = vector.broadcast %broadcast_in_dim3A_943 : f32 to vector<16xf32>
    %swap3A_945 = arith.constant 17 : i32
    %swap3A_946 = arith.index_cast %swap3A_945 : i32 to index
    %swap3A_947 = arith.constant 64 : index
    %swap3A_948 = tpu.vector_load %arg15[%swap3A_946, %swap3A_947] {strides = array<i32>} : memref<40x144xf32, #tpu.memory_space<vmem>>, vector<16xf32>,
    tpu.vector_store %arg15[%swap3A_946, %swap3A_947], %broadcast_in_dim3A_944 {strides = array<i32>} : memref<40x144xf32, #tpu.memory_space<vmem>>, vector<16xf32>,
    %broadcast_in_dim3A_949 = arith.constant 0.000000e+00 : f32
    %broadcast_in_dim3A_950 = vector.broadcast %broadcast_in_dim3A_949 : f32 to vector<16xf32>
    %swap3A_951 = arith.constant 17 : i32
    %swap3A_952 = arith.index_cast %swap3A_951 : i32 to index
    %swap3A_953 = arith.constant 80 : index
    %swap3A_954 = tpu.vector_load %arg15[%swap3A_952, %swap3A_953] {strides = array<i32>} : memref<40x144xf32, #tpu.memory_space<vmem>>, vector<16xf32>,
    tpu.vector_store %arg15[%swap3A_952, %swap3A_953], %broadcast_in_dim3A_950 {strides = array<i32>} : memref<40x144xf32, #tpu.memory_space<vmem>>, vector<16xf32>,
    %broadcast_in_dim3A_955 = arith.constant 0.000000e+00 : f32
    %broadcast_in_dim3A_956 = vector.broadcast %broadcast_in_dim3A_955 : f32 to vector<16xf32>
    %swap3A_957 = arith.constant 17 : i32
    %swap3A_958 = arith.index_cast %swap3A_957 : i32 to index
    %swap3A_959 = arith.constant 96 : index
    %swap3A_960 = tpu.vector_load %arg15[%swap3A_958, %swap3A_959] {strides = array<i32>} : memref<40x144xf32, #tpu.memory_space<vmem>>, vector<16xf32>,
    tpu.vector_store %arg15[%swap3A_958, %swap3A_959], %broadcast_in_dim3A_956 {strides = array<i32>} : memref<40x144xf32, #tpu.memory_space<vmem>>, vector<16xf32>,
    %broadcast_in_dim3A_961 = arith.constant 0.000000e+00 : f32
    %broadcast_in_dim3A_962 = vector.broadcast %broadcast_in_dim3A_961 : f32 to vector<16xf32>
    %swap3A_963 = arith.constant 17 : i32
    %swap3A_964 = arith.index_cast %swap3A_963 : i32 to index
    %swap3A_965 = arith.constant 112 : index
    %swap3A_966 = tpu.vector_load %arg15[%swap3A_964, %swap3A_965] {strides = array<i32>} : memref<40x144xf32, #tpu.memory_space<vmem>>, vector<16xf32>,
    tpu.vector_store %arg15[%swap3A_964, %swap3A_965], %broadcast_in_dim3A_962 {strides = array<i32>} : memref<40x144xf32, #tpu.memory_space<vmem>>, vector<16xf32>,
    %broadcast_in_dim3A_967 = arith.constant 0.000000e+00 : f32
    %broadcast_in_dim3A_968 = vector.broadcast %broadcast_in_dim3A_967 : f32 to vector<16xf32>
    %swap3A_969 = arith.constant 17 : i32
    %swap3A_970 = arith.index_cast %swap3A_969 : i32 to index
    %swap3A_971 = arith.constant 128 : index
    %swap3A_972 = tpu.vector_load %arg15[%swap3A_970, %swap3A_971] {strides = array<i32>} : memref<40x144xf32, #tpu.memory_space<vmem>>, vector<16xf32>,
    tpu.vector_store %arg15[%swap3A_970, %swap3A_971], %broadcast_in_dim3A_968 {strides = array<i32>} : memref<40x144xf32, #tpu.memory_space<vmem>>, vector<16xf32>,
    %broadcast_in_dim3A_973 = arith.constant 0.000000e+00 : f32
    %broadcast_in_dim3A_974 = vector.broadcast %broadcast_in_dim3A_973 : f32 to vector<16xf32>
    %swap3A_975 = arith.constant 18 : i32
    %swap3A_976 = arith.index_cast %swap3A_975 : i32 to index
    %swap3A_977 = arith.constant 0 : index
    %swap3A_978 = tpu.vector_load %arg15[%swap3A_976, %swap3A_977] {strides = array<i32>} : memref<40x144xf32, #tpu.memory_space<vmem>>, vector<16xf32>,
    tpu.vector_store %arg15[%swap3A_976, %swap3A_977], %broadcast_in_dim3A_974 {strides = array<i32>} : memref<40x144xf32, #tpu.memory_space<vmem>>, vector<16xf32>,
    %broadcast_in_dim3A_979 = arith.constant 0.000000e+00 : f32
    %broadcast_in_dim3A_980 = vector.broadcast %broadcast_in_dim3A_979 : f32 to vector<16xf32>
    %swap3A_981 = arith.constant 18 : i32
    %swap3A_982 = arith.index_cast %swap3A_981 : i32 to index
    %swap3A_983 = arith.constant 16 : index
    %swap3A_984 = tpu.vector_load %arg15[%swap3A_982, %swap3A_983] {strides = array<i32>} : memref<40x144xf32, #tpu.memory_space<vmem>>, vector<16xf32>,
    tpu.vector_store %arg15[%swap3A_982, %swap3A_983], %broadcast_in_dim3A_980 {strides = array<i32>} : memref<40x144xf32, #tpu.memory_space<vmem>>, vector<16xf32>,
    %broadcast_in_dim3A_985 = arith.constant 0.000000e+00 : f32
    %broadcast_in_dim3A_986 = vector.broadcast %broadcast_in_dim3A_985 : f32 to vector<16xf32>
    %swap3A_987 = arith.constant 18 : i32
    %swap3A_988 = arith.index_cast %swap3A_987 : i32 to index
    %swap3A_989 = arith.constant 32 : index
    %swap3A_990 = tpu.vector_load %arg15[%swap3A_988, %swap3A_989] {strides = array<i32>} : memref<40x144xf32, #tpu.memory_space<vmem>>, vector<16xf32>,
    tpu.vector_store %arg15[%swap3A_988, %swap3A_989], %broadcast_in_dim3A_986 {strides = array<i32>} : memref<40x144xf32, #tpu.memory_space<vmem>>, vector<16xf32>,
    %broadcast_in_dim3A_991 = arith.constant 0.000000e+00 : f32
    %broadcast_in_dim3A_992 = vector.broadcast %broadcast_in_dim3A_991 : f32 to vector<16xf32>
    %swap3A_993 = arith.constant 18 : i32
    %swap3A_994 = arith.index_cast %swap3A_993 : i32 to index
    %swap3A_995 = arith.constant 48 : index
    %swap3A_996 = tpu.vector_load %arg15[%swap3A_994, %swap3A_995] {strides = array<i32>} : memref<40x144xf32, #tpu.memory_space<vmem>>, vector<16xf32>,
    tpu.vector_store %arg15[%swap3A_994, %swap3A_995], %broadcast_in_dim3A_992 {strides = array<i32>} : memref<40x144xf32, #tpu.memory_space<vmem>>, vector<16xf32>,
    %broadcast_in_dim3A_997 = arith.constant 0.000000e+00 : f32
    %broadcast_in_dim3A_998 = vector.broadcast %broadcast_in_dim3A_997 : f32 to vector<16xf32>
    %swap3A_999 = arith.constant 18 : i32
    %swap3A_1000 = arith.index_cast %swap3A_999 : i32 to index
    %swap3A_1001 = arith.constant 64 : index
    %swap3A_1002 = tpu.vector_load %arg15[%swap3A_1000, %swap3A_1001] {strides = array<i32>} : memref<40x144xf32, #tpu.memory_space<vmem>>, vector<16xf32>,
    tpu.vector_store %arg15[%swap3A_1000, %swap3A_1001], %broadcast_in_dim3A_998 {strides = array<i32>} : memref<40x144xf32, #tpu.memory_space<vmem>>, vector<16xf32>,
    %broadcast_in_dim3A_1003 = arith.constant 0.000000e+00 : f32
    %broadcast_in_dim3A_1004 = vector.broadcast %broadcast_in_dim3A_1003 : f32 to vector<16xf32>
    %swap3A_1005 = arith.constant 18 : i32
    %swap3A_1006 = arith.index_cast %swap3A_1005 : i32 to index
    %swap3A_1007 = arith.constant 80 : index
    %swap3A_1008 = tpu.vector_load %arg15[%swap3A_1006, %swap3A_1007] {strides = array<i32>} : memref<40x144xf32, #tpu.memory_space<vmem>>, vector<16xf32>,
    tpu.vector_store %arg15[%swap3A_1006, %swap3A_1007], %broadcast_in_dim3A_1004 {strides = array<i32>} : memref<40x144xf32, #tpu.memory_space<vmem>>, vector<16xf32>,
    %broadcast_in_dim3A_1009 = arith.constant 0.000000e+00 : f32
    %broadcast_in_dim3A_1010 = vector.broadcast %broadcast_in_dim3A_1009 : f32 to vector<16xf32>
    %swap3A_1011 = arith.constant 18 : i32
    %swap3A_1012 = arith.index_cast %swap3A_1011 : i32 to index
    %swap3A_1013 = arith.constant 96 : index
    %swap3A_1014 = tpu.vector_load %arg15[%swap3A_1012, %swap3A_1013] {strides = array<i32>} : memref<40x144xf32, #tpu.memory_space<vmem>>, vector<16xf32>,
    tpu.vector_store %arg15[%swap3A_1012, %swap3A_1013], %broadcast_in_dim3A_1010 {strides = array<i32>} : memref<40x144xf32, #tpu.memory_space<vmem>>, vector<16xf32>,
    %broadcast_in_dim3A_1015 = arith.constant 0.000000e+00 : f32
    %broadcast_in_dim3A_1016 = vector.broadcast %broadcast_in_dim3A_1015 : f32 to vector<16xf32>
    %swap3A_1017 = arith.constant 18 : i32
    %swap3A_1018 = arith.index_cast %swap3A_1017 : i32 to index
    %swap3A_1019 = arith.constant 112 : index
    %swap3A_1020 = tpu.vector_load %arg15[%swap3A_1018, %swap3A_1019] {strides = array<i32>} : memref<40x144xf32, #tpu.memory_space<vmem>>, vector<16xf32>,
    tpu.vector_store %arg15[%swap3A_1018, %swap3A_1019], %broadcast_in_dim3A_1016 {strides = array<i32>} : memref<40x144xf32, #tpu.memory_space<vmem>>, vector<16xf32>,
    %broadcast_in_dim3A_1021 = arith.constant 0.000000e+00 : f32
    %broadcast_in_dim3A_1022 = vector.broadcast %broadcast_in_dim3A_1021 : f32 to vector<16xf32>
    %swap3A_1023 = arith.constant 18 : i32
    %swap3A_1024 = arith.index_cast %swap3A_1023 : i32 to index
    %swap3A_1025 = arith.constant 128 : index
    %swap3A_1026 = tpu.vector_load %arg15[%swap3A_1024, %swap3A_1025] {strides = array<i32>} : memref<40x144xf32, #tpu.memory_space<vmem>>, vector<16xf32>,
    tpu.vector_store %arg15[%swap3A_1024, %swap3A_1025], %broadcast_in_dim3A_1022 {strides = array<i32>} : memref<40x144xf32, #tpu.memory_space<vmem>>, vector<16xf32>,
    %broadcast_in_dim3A_1027 = arith.constant 0.000000e+00 : f32
    %broadcast_in_dim3A_1028 = vector.broadcast %broadcast_in_dim3A_1027 : f32 to vector<16xf32>
    %swap3A_1029 = arith.constant 19 : i32
    %swap3A_1030 = arith.index_cast %swap3A_1029 : i32 to index
    %swap3A_1031 = arith.constant 0 : index
    %swap3A_1032 = tpu.vector_load %arg15[%swap3A_1030, %swap3A_1031] {strides = array<i32>} : memref<40x144xf32, #tpu.memory_space<vmem>>, vector<16xf32>,
    tpu.vector_store %arg15[%swap3A_1030, %swap3A_1031], %broadcast_in_dim3A_1028 {strides = array<i32>} : memref<40x144xf32, #tpu.memory_space<vmem>>, vector<16xf32>,
    %broadcast_in_dim3A_1033 = arith.constant 0.000000e+00 : f32
    %broadcast_in_dim3A_1034 = vector.broadcast %broadcast_in_dim3A_1033 : f32 to vector<16xf32>
    %swap3A_1035 = arith.constant 19 : i32
    %swap3A_1036 = arith.index_cast %swap3A_1035 : i32 to index
    %swap3A_1037 = arith.constant 16 : index
    %swap3A_1038 = tpu.vector_load %arg15[%swap3A_1036, %swap3A_1037] {strides = array<i32>} : memref<40x144xf32, #tpu.memory_space<vmem>>, vector<16xf32>,
    tpu.vector_store %arg15[%swap3A_1036, %swap3A_1037], %broadcast_in_dim3A_1034 {strides = array<i32>} : memref<40x144xf32, #tpu.memory_space<vmem>>, vector<16xf32>,
    %broadcast_in_dim3A_1039 = arith.constant 0.000000e+00 : f32
    %broadcast_in_dim3A_1040 = vector.broadcast %broadcast_in_dim3A_1039 : f32 to vector<16xf32>
    %swap3A_1041 = arith.constant 19 : i32
    %swap3A_1042 = arith.index_cast %swap3A_1041 : i32 to index
    %swap3A_1043 = arith.constant 32 : index
    %swap3A_1044 = tpu.vector_load %arg15[%swap3A_1042, %swap3A_1043] {strides = array<i32>} : memref<40x144xf32, #tpu.memory_space<vmem>>, vector<16xf32>,
    tpu.vector_store %arg15[%swap3A_1042, %swap3A_1043], %broadcast_in_dim3A_1040 {strides = array<i32>} : memref<40x144xf32, #tpu.memory_space<vmem>>, vector<16xf32>,
    %broadcast_in_dim3A_1045 = arith.constant 0.000000e+00 : f32
    %broadcast_in_dim3A_1046 = vector.broadcast %broadcast_in_dim3A_1045 : f32 to vector<16xf32>
    %swap3A_1047 = arith.constant 19 : i32
    %swap3A_1048 = arith.index_cast %swap3A_1047 : i32 to index
    %swap3A_1049 = arith.constant 48 : index
    %swap3A_1050 = tpu.vector_load %arg15[%swap3A_1048, %swap3A_1049] {strides = array<i32>} : memref<40x144xf32, #tpu.memory_space<vmem>>, vector<16xf32>,
    tpu.vector_store %arg15[%swap3A_1048, %swap3A_1049], %broadcast_in_dim3A_1046 {strides = array<i32>} : memref<40x144xf32, #tpu.memory_space<vmem>>, vector<16xf32>,
    %broadcast_in_dim3A_1051 = arith.constant 0.000000e+00 : f32
    %broadcast_in_dim3A_1052 = vector.broadcast %broadcast_in_dim3A_1051 : f32 to vector<16xf32>
    %swap3A_1053 = arith.constant 19 : i32
    %swap3A_1054 = arith.index_cast %swap3A_1053 : i32 to index
    %swap3A_1055 = arith.constant 64 : index
    %swap3A_1056 = tpu.vector_load %arg15[%swap3A_1054, %swap3A_1055] {strides = array<i32>} : memref<40x144xf32, #tpu.memory_space<vmem>>, vector<16xf32>,
    tpu.vector_store %arg15[%swap3A_1054, %swap3A_1055], %broadcast_in_dim3A_1052 {strides = array<i32>} : memref<40x144xf32, #tpu.memory_space<vmem>>, vector<16xf32>,
    %broadcast_in_dim3A_1057 = arith.constant 0.000000e+00 : f32
    %broadcast_in_dim3A_1058 = vector.broadcast %broadcast_in_dim3A_1057 : f32 to vector<16xf32>
    %swap3A_1059 = arith.constant 19 : i32
    %swap3A_1060 = arith.index_cast %swap3A_1059 : i32 to index
    %swap3A_1061 = arith.constant 80 : index
    %swap3A_1062 = tpu.vector_load %arg15[%swap3A_1060, %swap3A_1061] {strides = array<i32>} : memref<40x144xf32, #tpu.memory_space<vmem>>, vector<16xf32>,
    tpu.vector_store %arg15[%swap3A_1060, %swap3A_1061], %broadcast_in_dim3A_1058 {strides = array<i32>} : memref<40x144xf32, #tpu.memory_space<vmem>>, vector<16xf32>,
    %broadcast_in_dim3A_1063 = arith.constant 0.000000e+00 : f32
    %broadcast_in_dim3A_1064 = vector.broadcast %broadcast_in_dim3A_1063 : f32 to vector<16xf32>
    %swap3A_1065 = arith.constant 19 : i32
    %swap3A_1066 = arith.index_cast %swap3A_1065 : i32 to index
    %swap3A_1067 = arith.constant 96 : index
    %swap3A_1068 = tpu.vector_load %arg15[%swap3A_1066, %swap3A_1067] {strides = array<i32>} : memref<40x144xf32, #tpu.memory_space<vmem>>, vector<16xf32>,
    tpu.vector_store %arg15[%swap3A_1066, %swap3A_1067], %broadcast_in_dim3A_1064 {strides = array<i32>} : memref<40x144xf32, #tpu.memory_space<vmem>>, vector<16xf32>,
    %broadcast_in_dim3A_1069 = arith.constant 0.000000e+00 : f32
    %broadcast_in_dim3A_1070 = vector.broadcast %broadcast_in_dim3A_1069 : f32 to vector<16xf32>
    %swap3A_1071 = arith.constant 19 : i32
    %swap3A_1072 = arith.index_cast %swap3A_1071 : i32 to index
    %swap3A_1073 = arith.constant 112 : index
    %swap3A_1074 = tpu.vector_load %arg15[%swap3A_1072, %swap3A_1073] {strides = array<i32>} : memref<40x144xf32, #tpu.memory_space<vmem>>, vector<16xf32>,
    tpu.vector_store %arg15[%swap3A_1072, %swap3A_1073], %broadcast_in_dim3A_1070 {strides = array<i32>} : memref<40x144xf32, #tpu.memory_space<vmem>>, vector<16xf32>,
    %broadcast_in_dim3A_1075 = arith.constant 0.000000e+00 : f32
    %broadcast_in_dim3A_1076 = vector.broadcast %broadcast_in_dim3A_1075 : f32 to vector<16xf32>
    %swap3A_1077 = arith.constant 19 : i32
    %swap3A_1078 = arith.index_cast %swap3A_1077 : i32 to index
    %swap3A_1079 = arith.constant 128 : index
    %swap3A_1080 = tpu.vector_load %arg15[%swap3A_1078, %swap3A_1079] {strides = array<i32>} : memref<40x144xf32, #tpu.memory_space<vmem>>, vector<16xf32>,
    tpu.vector_store %arg15[%swap3A_1078, %swap3A_1079], %broadcast_in_dim3A_1076 {strides = array<i32>} : memref<40x144xf32, #tpu.memory_space<vmem>>, vector<16xf32>,
    %broadcast_in_dim3A_1081 = arith.constant 0.000000e+00 : f32
    %broadcast_in_dim3A_1082 = vector.broadcast %broadcast_in_dim3A_1081 : f32 to vector<16xf32>
    %swap3A_1083 = arith.constant 20 : i32
    %swap3A_1084 = arith.index_cast %swap3A_1083 : i32 to index
    %swap3A_1085 = arith.constant 0 : index
    %swap3A_1086 = tpu.vector_load %arg15[%swap3A_1084, %swap3A_1085] {strides = array<i32>} : memref<40x144xf32, #tpu.memory_space<vmem>>, vector<16xf32>,
    tpu.vector_store %arg15[%swap3A_1084, %swap3A_1085], %broadcast_in_dim3A_1082 {strides = array<i32>} : memref<40x144xf32, #tpu.memory_space<vmem>>, vector<16xf32>,
    %broadcast_in_dim3A_1087 = arith.constant 0.000000e+00 : f32
    %broadcast_in_dim3A_1088 = vector.broadcast %broadcast_in_dim3A_1087 : f32 to vector<16xf32>
    %swap3A_1089 = arith.constant 20 : i32
    %swap3A_1090 = arith.index_cast %swap3A_1089 : i32 to index
    %swap3A_1091 = arith.constant 16 : index
    %swap3A_1092 = tpu.vector_load %arg15[%swap3A_1090, %swap3A_1091] {strides = array<i32>} : memref<40x144xf32, #tpu.memory_space<vmem>>, vector<16xf32>,
    tpu.vector_store %arg15[%swap3A_1090, %swap3A_1091], %broadcast_in_dim3A_1088 {strides = array<i32>} : memref<40x144xf32, #tpu.memory_space<vmem>>, vector<16xf32>,
    %broadcast_in_dim3A_1093 = arith.constant 0.000000e+00 : f32
    %broadcast_in_dim3A_1094 = vector.broadcast %broadcast_in_dim3A_1093 : f32 to vector<16xf32>
    %swap3A_1095 = arith.constant 20 : i32
    %swap3A_1096 = arith.index_cast %swap3A_1095 : i32 to index
    %swap3A_1097 = arith.constant 32 : index
    %swap3A_1098 = tpu.vector_load %arg15[%swap3A_1096, %swap3A_1097] {strides = array<i32>} : memref<40x144xf32, #tpu.memory_space<vmem>>, vector<16xf32>,
    tpu.vector_store %arg15[%swap3A_1096, %swap3A_1097], %broadcast_in_dim3A_1094 {strides = array<i32>} : memref<40x144xf32, #tpu.memory_space<vmem>>, vector<16xf32>,
    %broadcast_in_dim3A_1099 = arith.constant 0.000000e+00 : f32
    %broadcast_in_dim3A_1100 = vector.broadcast %broadcast_in_dim3A_1099 : f32 to vector<16xf32>
    %swap3A_1101 = arith.constant 20 : i32
    %swap3A_1102 = arith.index_cast %swap3A_1101 : i32 to index
    %swap3A_1103 = arith.constant 48 : index
    %swap3A_1104 = tpu.vector_load %arg15[%swap3A_1102, %swap3A_1103] {strides = array<i32>} : memref<40x144xf32, #tpu.memory_space<vmem>>, vector<16xf32>,
    tpu.vector_store %arg15[%swap3A_1102, %swap3A_1103], %broadcast_in_dim3A_1100 {strides = array<i32>} : memref<40x144xf32, #tpu.memory_space<vmem>>, vector<16xf32>,
    %broadcast_in_dim3A_1105 = arith.constant 0.000000e+00 : f32
    %broadcast_in_dim3A_1106 = vector.broadcast %broadcast_in_dim3A_1105 : f32 to vector<16xf32>
    %swap3A_1107 = arith.constant 20 : i32
    %swap3A_1108 = arith.index_cast %swap3A_1107 : i32 to index
    %swap3A_1109 = arith.constant 64 : index
    %swap3A_1110 = tpu.vector_load %arg15[%swap3A_1108, %swap3A_1109] {strides = array<i32>} : memref<40x144xf32, #tpu.memory_space<vmem>>, vector<16xf32>,
    tpu.vector_store %arg15[%swap3A_1108, %swap3A_1109], %broadcast_in_dim3A_1106 {strides = array<i32>} : memref<40x144xf32, #tpu.memory_space<vmem>>, vector<16xf32>,
    %broadcast_in_dim3A_1111 = arith.constant 0.000000e+00 : f32
    %broadcast_in_dim3A_1112 = vector.broadcast %broadcast_in_dim3A_1111 : f32 to vector<16xf32>
    %swap3A_1113 = arith.constant 20 : i32
    %swap3A_1114 = arith.index_cast %swap3A_1113 : i32 to index
    %swap3A_1115 = arith.constant 80 : index
    %swap3A_1116 = tpu.vector_load %arg15[%swap3A_1114, %swap3A_1115] {strides = array<i32>} : memref<40x144xf32, #tpu.memory_space<vmem>>, vector<16xf32>,
    tpu.vector_store %arg15[%swap3A_1114, %swap3A_1115], %broadcast_in_dim3A_1112 {strides = array<i32>} : memref<40x144xf32, #tpu.memory_space<vmem>>, vector<16xf32>,
    %broadcast_in_dim3A_1117 = arith.constant 0.000000e+00 : f32
    %broadcast_in_dim3A_1118 = vector.broadcast %broadcast_in_dim3A_1117 : f32 to vector<16xf32>
    %swap3A_1119 = arith.constant 20 : i32
    %swap3A_1120 = arith.index_cast %swap3A_1119 : i32 to index
    %swap3A_1121 = arith.constant 96 : index
    %swap3A_1122 = tpu.vector_load %arg15[%swap3A_1120, %swap3A_1121] {strides = array<i32>} : memref<40x144xf32, #tpu.memory_space<vmem>>, vector<16xf32>,
    tpu.vector_store %arg15[%swap3A_1120, %swap3A_1121], %broadcast_in_dim3A_1118 {strides = array<i32>} : memref<40x144xf32, #tpu.memory_space<vmem>>, vector<16xf32>,
    %broadcast_in_dim3A_1123 = arith.constant 0.000000e+00 : f32
    %broadcast_in_dim3A_1124 = vector.broadcast %broadcast_in_dim3A_1123 : f32 to vector<16xf32>
    %swap3A_1125 = arith.constant 20 : i32
    %swap3A_1126 = arith.index_cast %swap3A_1125 : i32 to index
    %swap3A_1127 = arith.constant 112 : index
    %swap3A_1128 = tpu.vector_load %arg15[%swap3A_1126, %swap3A_1127] {strides = array<i32>} : memref<40x144xf32, #tpu.memory_space<vmem>>, vector<16xf32>,
    tpu.vector_store %arg15[%swap3A_1126, %swap3A_1127], %broadcast_in_dim3A_1124 {strides = array<i32>} : memref<40x144xf32, #tpu.memory_space<vmem>>, vector<16xf32>,
    %broadcast_in_dim3A_1129 = arith.constant 0.000000e+00 : f32
    %broadcast_in_dim3A_1130 = vector.broadcast %broadcast_in_dim3A_1129 : f32 to vector<16xf32>
    %swap3A_1131 = arith.constant 20 : i32
    %swap3A_1132 = arith.index_cast %swap3A_1131 : i32 to index
    %swap3A_1133 = arith.constant 128 : index
    %swap3A_1134 = tpu.vector_load %arg15[%swap3A_1132, %swap3A_1133] {strides = array<i32>} : memref<40x144xf32, #tpu.memory_space<vmem>>, vector<16xf32>,
    tpu.vector_store %arg15[%swap3A_1132, %swap3A_1133], %broadcast_in_dim3A_1130 {strides = array<i32>} : memref<40x144xf32, #tpu.memory_space<vmem>>, vector<16xf32>,
    %broadcast_in_dim3A_1135 = arith.constant 0.000000e+00 : f32
    %broadcast_in_dim3A_1136 = vector.broadcast %broadcast_in_dim3A_1135 : f32 to vector<16xf32>
    %swap3A_1137 = arith.constant 21 : i32
    %swap3A_1138 = arith.index_cast %swap3A_1137 : i32 to index
    %swap3A_1139 = arith.constant 0 : index
    %swap3A_1140 = tpu.vector_load %arg15[%swap3A_1138, %swap3A_1139] {strides = array<i32>} : memref<40x144xf32, #tpu.memory_space<vmem>>, vector<16xf32>,
    tpu.vector_store %arg15[%swap3A_1138, %swap3A_1139], %broadcast_in_dim3A_1136 {strides = array<i32>} : memref<40x144xf32, #tpu.memory_space<vmem>>, vector<16xf32>,
    %broadcast_in_dim3A_1141 = arith.constant 0.000000e+00 : f32
    %broadcast_in_dim3A_1142 = vector.broadcast %broadcast_in_dim3A_1141 : f32 to vector<16xf32>
    %swap3A_1143 = arith.constant 21 : i32
    %swap3A_1144 = arith.index_cast %swap3A_1143 : i32 to index
    %swap3A_1145 = arith.constant 16 : index
    %swap3A_1146 = tpu.vector_load %arg15[%swap3A_1144, %swap3A_1145] {strides = array<i32>} : memref<40x144xf32, #tpu.memory_space<vmem>>, vector<16xf32>,
    tpu.vector_store %arg15[%swap3A_1144, %swap3A_1145], %broadcast_in_dim3A_1142 {strides = array<i32>} : memref<40x144xf32, #tpu.memory_space<vmem>>, vector<16xf32>,
    %broadcast_in_dim3A_1147 = arith.constant 0.000000e+00 : f32
    %broadcast_in_dim3A_1148 = vector.broadcast %broadcast_in_dim3A_1147 : f32 to vector<16xf32>
    %swap3A_1149 = arith.constant 21 : i32
    %swap3A_1150 = arith.index_cast %swap3A_1149 : i32 to index
    %swap3A_1151 = arith.constant 32 : index
    %swap3A_1152 = tpu.vector_load %arg15[%swap3A_1150, %swap3A_1151] {strides = array<i32>} : memref<40x144xf32, #tpu.memory_space<vmem>>, vector<16xf32>,
    tpu.vector_store %arg15[%swap3A_1150, %swap3A_1151], %broadcast_in_dim3A_1148 {strides = array<i32>} : memref<40x144xf32, #tpu.memory_space<vmem>>, vector<16xf32>,
    %broadcast_in_dim3A_1153 = arith.constant 0.000000e+00 : f32
    %broadcast_in_dim3A_1154 = vector.broadcast %broadcast_in_dim3A_1153 : f32 to vector<16xf32>
    %swap3A_1155 = arith.constant 21 : i32
    %swap3A_1156 = arith.index_cast %swap3A_1155 : i32 to index
    %swap3A_1157 = arith.constant 48 : index
    %swap3A_1158 = tpu.vector_load %arg15[%swap3A_1156, %swap3A_1157] {strides = array<i32>} : memref<40x144xf32, #tpu.memory_space<vmem>>, vector<16xf32>,
    tpu.vector_store %arg15[%swap3A_1156, %swap3A_1157], %broadcast_in_dim3A_1154 {strides = array<i32>} : memref<40x144xf32, #tpu.memory_space<vmem>>, vector<16xf32>,
    %broadcast_in_dim3A_1159 = arith.constant 0.000000e+00 : f32
    %broadcast_in_dim3A_1160 = vector.broadcast %broadcast_in_dim3A_1159 : f32 to vector<16xf32>
    %swap3A_1161 = arith.constant 21 : i32
    %swap3A_1162 = arith.index_cast %swap3A_1161 : i32 to index
    %swap3A_1163 = arith.constant 64 : index
    %swap3A_1164 = tpu.vector_load %arg15[%swap3A_1162, %swap3A_1163] {strides = array<i32>} : memref<40x144xf32, #tpu.memory_space<vmem>>, vector<16xf32>,
    tpu.vector_store %arg15[%swap3A_1162, %swap3A_1163], %broadcast_in_dim3A_1160 {strides = array<i32>} : memref<40x144xf32, #tpu.memory_space<vmem>>, vector<16xf32>,
    %broadcast_in_dim3A_1165 = arith.constant 0.000000e+00 : f32
    %broadcast_in_dim3A_1166 = vector.broadcast %broadcast_in_dim3A_1165 : f32 to vector<16xf32>
    %swap3A_1167 = arith.constant 21 : i32
    %swap3A_1168 = arith.index_cast %swap3A_1167 : i32 to index
    %swap3A_1169 = arith.constant 80 : index
    %swap3A_1170 = tpu.vector_load %arg15[%swap3A_1168, %swap3A_1169] {strides = array<i32>} : memref<40x144xf32, #tpu.memory_space<vmem>>, vector<16xf32>,
    tpu.vector_store %arg15[%swap3A_1168, %swap3A_1169], %broadcast_in_dim3A_1166 {strides = array<i32>} : memref<40x144xf32, #tpu.memory_space<vmem>>, vector<16xf32>,
    %broadcast_in_dim3A_1171 = arith.constant 0.000000e+00 : f32
    %broadcast_in_dim3A_1172 = vector.broadcast %broadcast_in_dim3A_1171 : f32 to vector<16xf32>
    %swap3A_1173 = arith.constant 21 : i32
    %swap3A_1174 = arith.index_cast %swap3A_1173 : i32 to index
    %swap3A_1175 = arith.constant 96 : index
    %swap3A_1176 = tpu.vector_load %arg15[%swap3A_1174, %swap3A_1175] {strides = array<i32>} : memref<40x144xf32, #tpu.memory_space<vmem>>, vector<16xf32>,
    tpu.vector_store %arg15[%swap3A_1174, %swap3A_1175], %broadcast_in_dim3A_1172 {strides = array<i32>} : memref<40x144xf32, #tpu.memory_space<vmem>>, vector<16xf32>,
    %broadcast_in_dim3A_1177 = arith.constant 0.000000e+00 : f32
    %broadcast_in_dim3A_1178 = vector.broadcast %broadcast_in_dim3A_1177 : f32 to vector<16xf32>
    %swap3A_1179 = arith.constant 21 : i32
    %swap3A_1180 = arith.index_cast %swap3A_1179 : i32 to index
    %swap3A_1181 = arith.constant 112 : index
    %swap3A_1182 = tpu.vector_load %arg15[%swap3A_1180, %swap3A_1181] {strides = array<i32>} : memref<40x144xf32, #tpu.memory_space<vmem>>, vector<16xf32>,
    tpu.vector_store %arg15[%swap3A_1180, %swap3A_1181], %broadcast_in_dim3A_1178 {strides = array<i32>} : memref<40x144xf32, #tpu.memory_space<vmem>>, vector<16xf32>,
    %broadcast_in_dim3A_1183 = arith.constant 0.000000e+00 : f32
    %broadcast_in_dim3A_1184 = vector.broadcast %broadcast_in_dim3A_1183 : f32 to vector<16xf32>
    %swap3A_1185 = arith.constant 21 : i32
    %swap3A_1186 = arith.index_cast %swap3A_1185 : i32 to index
    %swap3A_1187 = arith.constant 128 : index
    %swap3A_1188 = tpu.vector_load %arg15[%swap3A_1186, %swap3A_1187] {strides = array<i32>} : memref<40x144xf32, #tpu.memory_space<vmem>>, vector<16xf32>,
    tpu.vector_store %arg15[%swap3A_1186, %swap3A_1187], %broadcast_in_dim3A_1184 {strides = array<i32>} : memref<40x144xf32, #tpu.memory_space<vmem>>, vector<16xf32>,
    %broadcast_in_dim3A_1189 = arith.constant 0.000000e+00 : f32
    %broadcast_in_dim3A_1190 = vector.broadcast %broadcast_in_dim3A_1189 : f32 to vector<16xf32>
    %swap3A_1191 = arith.constant 22 : i32
    %swap3A_1192 = arith.index_cast %swap3A_1191 : i32 to index
    %swap3A_1193 = arith.constant 0 : index
    %swap3A_1194 = tpu.vector_load %arg15[%swap3A_1192, %swap3A_1193] {strides = array<i32>} : memref<40x144xf32, #tpu.memory_space<vmem>>, vector<16xf32>,
    tpu.vector_store %arg15[%swap3A_1192, %swap3A_1193], %broadcast_in_dim3A_1190 {strides = array<i32>} : memref<40x144xf32, #tpu.memory_space<vmem>>, vector<16xf32>,
    %broadcast_in_dim3A_1195 = arith.constant 0.000000e+00 : f32
    %broadcast_in_dim3A_1196 = vector.broadcast %broadcast_in_dim3A_1195 : f32 to vector<16xf32>
    %swap3A_1197 = arith.constant 22 : i32
    %swap3A_1198 = arith.index_cast %swap3A_1197 : i32 to index
    %swap3A_1199 = arith.constant 16 : index
    %swap3A_1200 = tpu.vector_load %arg15[%swap3A_1198, %swap3A_1199] {strides = array<i32>} : memref<40x144xf32, #tpu.memory_space<vmem>>, vector<16xf32>,
    tpu.vector_store %arg15[%swap3A_1198, %swap3A_1199], %broadcast_in_dim3A_1196 {strides = array<i32>} : memref<40x144xf32, #tpu.memory_space<vmem>>, vector<16xf32>,
    %broadcast_in_dim3A_1201 = arith.constant 0.000000e+00 : f32
    %broadcast_in_dim3A_1202 = vector.broadcast %broadcast_in_dim3A_1201 : f32 to vector<16xf32>
    %swap3A_1203 = arith.constant 22 : i32
    %swap3A_1204 = arith.index_cast %swap3A_1203 : i32 to index
    %swap3A_1205 = arith.constant 32 : index
    %swap3A_1206 = tpu.vector_load %arg15[%swap3A_1204, %swap3A_1205] {strides = array<i32>} : memref<40x144xf32, #tpu.memory_space<vmem>>, vector<16xf32>,
    tpu.vector_store %arg15[%swap3A_1204, %swap3A_1205], %broadcast_in_dim3A_1202 {strides = array<i32>} : memref<40x144xf32, #tpu.memory_space<vmem>>, vector<16xf32>,
    %broadcast_in_dim3A_1207 = arith.constant 0.000000e+00 : f32
    %broadcast_in_dim3A_1208 = vector.broadcast %broadcast_in_dim3A_1207 : f32 to vector<16xf32>
    %swap3A_1209 = arith.constant 22 : i32
    %swap3A_1210 = arith.index_cast %swap3A_1209 : i32 to index
    %swap3A_1211 = arith.constant 48 : index
    %swap3A_1212 = tpu.vector_load %arg15[%swap3A_1210, %swap3A_1211] {strides = array<i32>} : memref<40x144xf32, #tpu.memory_space<vmem>>, vector<16xf32>,
    tpu.vector_store %arg15[%swap3A_1210, %swap3A_1211], %broadcast_in_dim3A_1208 {strides = array<i32>} : memref<40x144xf32, #tpu.memory_space<vmem>>, vector<16xf32>,
    %broadcast_in_dim3A_1213 = arith.constant 0.000000e+00 : f32
    %broadcast_in_dim3A_1214 = vector.broadcast %broadcast_in_dim3A_1213 : f32 to vector<16xf32>
    %swap3A_1215 = arith.constant 22 : i32
    %swap3A_1216 = arith.index_cast %swap3A_1215 : i32 to index
    %swap3A_1217 = arith.constant 64 : index
    %swap3A_1218 = tpu.vector_load %arg15[%swap3A_1216, %swap3A_1217] {strides = array<i32>} : memref<40x144xf32, #tpu.memory_space<vmem>>, vector<16xf32>,
    tpu.vector_store %arg15[%swap3A_1216, %swap3A_1217], %broadcast_in_dim3A_1214 {strides = array<i32>} : memref<40x144xf32, #tpu.memory_space<vmem>>, vector<16xf32>,
    %broadcast_in_dim3A_1219 = arith.constant 0.000000e+00 : f32
    %broadcast_in_dim3A_1220 = vector.broadcast %broadcast_in_dim3A_1219 : f32 to vector<16xf32>
    %swap3A_1221 = arith.constant 22 : i32
    %swap3A_1222 = arith.index_cast %swap3A_1221 : i32 to index
    %swap3A_1223 = arith.constant 80 : index
    %swap3A_1224 = tpu.vector_load %arg15[%swap3A_1222, %swap3A_1223] {strides = array<i32>} : memref<40x144xf32, #tpu.memory_space<vmem>>, vector<16xf32>,
    tpu.vector_store %arg15[%swap3A_1222, %swap3A_1223], %broadcast_in_dim3A_1220 {strides = array<i32>} : memref<40x144xf32, #tpu.memory_space<vmem>>, vector<16xf32>,
    %broadcast_in_dim3A_1225 = arith.constant 0.000000e+00 : f32
    %broadcast_in_dim3A_1226 = vector.broadcast %broadcast_in_dim3A_1225 : f32 to vector<16xf32>
    %swap3A_1227 = arith.constant 22 : i32
    %swap3A_1228 = arith.index_cast %swap3A_1227 : i32 to index
    %swap3A_1229 = arith.constant 96 : index
    %swap3A_1230 = tpu.vector_load %arg15[%swap3A_1228, %swap3A_1229] {strides = array<i32>} : memref<40x144xf32, #tpu.memory_space<vmem>>, vector<16xf32>,
    tpu.vector_store %arg15[%swap3A_1228, %swap3A_1229], %broadcast_in_dim3A_1226 {strides = array<i32>} : memref<40x144xf32, #tpu.memory_space<vmem>>, vector<16xf32>,
    %broadcast_in_dim3A_1231 = arith.constant 0.000000e+00 : f32
    %broadcast_in_dim3A_1232 = vector.broadcast %broadcast_in_dim3A_1231 : f32 to vector<16xf32>
    %swap3A_1233 = arith.constant 22 : i32
    %swap3A_1234 = arith.index_cast %swap3A_1233 : i32 to index
    %swap3A_1235 = arith.constant 112 : index
    %swap3A_1236 = tpu.vector_load %arg15[%swap3A_1234, %swap3A_1235] {strides = array<i32>} : memref<40x144xf32, #tpu.memory_space<vmem>>, vector<16xf32>,
    tpu.vector_store %arg15[%swap3A_1234, %swap3A_1235], %broadcast_in_dim3A_1232 {strides = array<i32>} : memref<40x144xf32, #tpu.memory_space<vmem>>, vector<16xf32>,
    %broadcast_in_dim3A_1237 = arith.constant 0.000000e+00 : f32
    %broadcast_in_dim3A_1238 = vector.broadcast %broadcast_in_dim3A_1237 : f32 to vector<16xf32>
    %swap3A_1239 = arith.constant 22 : i32
    %swap3A_1240 = arith.index_cast %swap3A_1239 : i32 to index
    %swap3A_1241 = arith.constant 128 : index
    %swap3A_1242 = tpu.vector_load %arg15[%swap3A_1240, %swap3A_1241] {strides = array<i32>} : memref<40x144xf32, #tpu.memory_space<vmem>>, vector<16xf32>,
    tpu.vector_store %arg15[%swap3A_1240, %swap3A_1241], %broadcast_in_dim3A_1238 {strides = array<i32>} : memref<40x144xf32, #tpu.memory_space<vmem>>, vector<16xf32>,
    %broadcast_in_dim3A_1243 = arith.constant 0.000000e+00 : f32
    %broadcast_in_dim3A_1244 = vector.broadcast %broadcast_in_dim3A_1243 : f32 to vector<16xf32>
    %swap3A_1245 = arith.constant 23 : i32
    %swap3A_1246 = arith.index_cast %swap3A_1245 : i32 to index
    %swap3A_1247 = arith.constant 0 : index
    %swap3A_1248 = tpu.vector_load %arg15[%swap3A_1246, %swap3A_1247] {strides = array<i32>} : memref<40x144xf32, #tpu.memory_space<vmem>>, vector<16xf32>,
    tpu.vector_store %arg15[%swap3A_1246, %swap3A_1247], %broadcast_in_dim3A_1244 {strides = array<i32>} : memref<40x144xf32, #tpu.memory_space<vmem>>, vector<16xf32>,
    %broadcast_in_dim3A_1249 = arith.constant 0.000000e+00 : f32
    %broadcast_in_dim3A_1250 = vector.broadcast %broadcast_in_dim3A_1249 : f32 to vector<16xf32>
    %swap3A_1251 = arith.constant 23 : i32
    %swap3A_1252 = arith.index_cast %swap3A_1251 : i32 to index
    %swap3A_1253 = arith.constant 16 : index
    %swap3A_1254 = tpu.vector_load %arg15[%swap3A_1252, %swap3A_1253] {strides = array<i32>} : memref<40x144xf32, #tpu.memory_space<vmem>>, vector<16xf32>,
    tpu.vector_store %arg15[%swap3A_1252, %swap3A_1253], %broadcast_in_dim3A_1250 {strides = array<i32>} : memref<40x144xf32, #tpu.memory_space<vmem>>, vector<16xf32>,
    %broadcast_in_dim3A_1255 = arith.constant 0.000000e+00 : f32
    %broadcast_in_dim3A_1256 = vector.broadcast %broadcast_in_dim3A_1255 : f32 to vector<16xf32>
    %swap3A_1257 = arith.constant 23 : i32
    %swap3A_1258 = arith.index_cast %swap3A_1257 : i32 to index
    %swap3A_1259 = arith.constant 32 : index
    %swap3A_1260 = tpu.vector_load %arg15[%swap3A_1258, %swap3A_1259] {strides = array<i32>} : memref<40x144xf32, #tpu.memory_space<vmem>>, vector<16xf32>,
    tpu.vector_store %arg15[%swap3A_1258, %swap3A_1259], %broadcast_in_dim3A_1256 {strides = array<i32>} : memref<40x144xf32, #tpu.memory_space<vmem>>, vector<16xf32>,
    %broadcast_in_dim3A_1261 = arith.constant 0.000000e+00 : f32
    %broadcast_in_dim3A_1262 = vector.broadcast %broadcast_in_dim3A_1261 : f32 to vector<16xf32>
    %swap3A_1263 = arith.constant 23 : i32
    %swap3A_1264 = arith.index_cast %swap3A_1263 : i32 to index
    %swap3A_1265 = arith.constant 48 : index
    %swap3A_1266 = tpu.vector_load %arg15[%swap3A_1264, %swap3A_1265] {strides = array<i32>} : memref<40x144xf32, #tpu.memory_space<vmem>>, vector<16xf32>,
    tpu.vector_store %arg15[%swap3A_1264, %swap3A_1265], %broadcast_in_dim3A_1262 {strides = array<i32>} : memref<40x144xf32, #tpu.memory_space<vmem>>, vector<16xf32>,
    %broadcast_in_dim3A_1267 = arith.constant 0.000000e+00 : f32
    %broadcast_in_dim3A_1268 = vector.broadcast %broadcast_in_dim3A_1267 : f32 to vector<16xf32>
    %swap3A_1269 = arith.constant 23 : i32
    %swap3A_1270 = arith.index_cast %swap3A_1269 : i32 to index
    %swap3A_1271 = arith.constant 64 : index
    %swap3A_1272 = tpu.vector_load %arg15[%swap3A_1270, %swap3A_1271] {strides = array<i32>} : memref<40x144xf32, #tpu.memory_space<vmem>>, vector<16xf32>,
    tpu.vector_store %arg15[%swap3A_1270, %swap3A_1271], %broadcast_in_dim3A_1268 {strides = array<i32>} : memref<40x144xf32, #tpu.memory_space<vmem>>, vector<16xf32>,
    %broadcast_in_dim3A_1273 = arith.constant 0.000000e+00 : f32
    %broadcast_in_dim3A_1274 = vector.broadcast %broadcast_in_dim3A_1273 : f32 to vector<16xf32>
    %swap3A_1275 = arith.constant 23 : i32
    %swap3A_1276 = arith.index_cast %swap3A_1275 : i32 to index
    %swap3A_1277 = arith.constant 80 : index
    %swap3A_1278 = tpu.vector_load %arg15[%swap3A_1276, %swap3A_1277] {strides = array<i32>} : memref<40x144xf32, #tpu.memory_space<vmem>>, vector<16xf32>,
    tpu.vector_store %arg15[%swap3A_1276, %swap3A_1277], %broadcast_in_dim3A_1274 {strides = array<i32>} : memref<40x144xf32, #tpu.memory_space<vmem>>, vector<16xf32>,
    %broadcast_in_dim3A_1279 = arith.constant 0.000000e+00 : f32
    %broadcast_in_dim3A_1280 = vector.broadcast %broadcast_in_dim3A_1279 : f32 to vector<16xf32>
    %swap3A_1281 = arith.constant 23 : i32
    %swap3A_1282 = arith.index_cast %swap3A_1281 : i32 to index
    %swap3A_1283 = arith.constant 96 : index
    %swap3A_1284 = tpu.vector_load %arg15[%swap3A_1282, %swap3A_1283] {strides = array<i32>} : memref<40x144xf32, #tpu.memory_space<vmem>>, vector<16xf32>,
    tpu.vector_store %arg15[%swap3A_1282, %swap3A_1283], %broadcast_in_dim3A_1280 {strides = array<i32>} : memref<40x144xf32, #tpu.memory_space<vmem>>, vector<16xf32>,
    %broadcast_in_dim3A_1285 = arith.constant 0.000000e+00 : f32
    %broadcast_in_dim3A_1286 = vector.broadcast %broadcast_in_dim3A_1285 : f32 to vector<16xf32>
    %swap3A_1287 = arith.constant 23 : i32
    %swap3A_1288 = arith.index_cast %swap3A_1287 : i32 to index
    %swap3A_1289 = arith.constant 112 : index
    %swap3A_1290 = tpu.vector_load %arg15[%swap3A_1288, %swap3A_1289] {strides = array<i32>} : memref<40x144xf32, #tpu.memory_space<vmem>>, vector<16xf32>,
    tpu.vector_store %arg15[%swap3A_1288, %swap3A_1289], %broadcast_in_dim3A_1286 {strides = array<i32>} : memref<40x144xf32, #tpu.memory_space<vmem>>, vector<16xf32>,
    %broadcast_in_dim3A_1291 = arith.constant 0.000000e+00 : f32
    %broadcast_in_dim3A_1292 = vector.broadcast %broadcast_in_dim3A_1291 : f32 to vector<16xf32>
    %swap3A_1293 = arith.constant 23 : i32
    %swap3A_1294 = arith.index_cast %swap3A_1293 : i32 to index
    %swap3A_1295 = arith.constant 128 : index
    %swap3A_1296 = tpu.vector_load %arg15[%swap3A_1294, %swap3A_1295] {strides = array<i32>} : memref<40x144xf32, #tpu.memory_space<vmem>>, vector<16xf32>,
    tpu.vector_store %arg15[%swap3A_1294, %swap3A_1295], %broadcast_in_dim3A_1292 {strides = array<i32>} : memref<40x144xf32, #tpu.memory_space<vmem>>, vector<16xf32>,
    %broadcast_in_dim3A_1297 = arith.constant 0.000000e+00 : f32
    %broadcast_in_dim3A_1298 = vector.broadcast %broadcast_in_dim3A_1297 : f32 to vector<16xf32>
    %swap3A_1299 = arith.constant 24 : i32
    %swap3A_1300 = arith.index_cast %swap3A_1299 : i32 to index
    %swap3A_1301 = arith.constant 0 : index
    %swap3A_1302 = tpu.vector_load %arg15[%swap3A_1300, %swap3A_1301] {strides = array<i32>} : memref<40x144xf32, #tpu.memory_space<vmem>>, vector<16xf32>,
    tpu.vector_store %arg15[%swap3A_1300, %swap3A_1301], %broadcast_in_dim3A_1298 {strides = array<i32>} : memref<40x144xf32, #tpu.memory_space<vmem>>, vector<16xf32>,
    %broadcast_in_dim3A_1303 = arith.constant 0.000000e+00 : f32
    %broadcast_in_dim3A_1304 = vector.broadcast %broadcast_in_dim3A_1303 : f32 to vector<16xf32>
    %swap3A_1305 = arith.constant 24 : i32
    %swap3A_1306 = arith.index_cast %swap3A_1305 : i32 to index
    %swap3A_1307 = arith.constant 16 : index
    %swap3A_1308 = tpu.vector_load %arg15[%swap3A_1306, %swap3A_1307] {strides = array<i32>} : memref<40x144xf32, #tpu.memory_space<vmem>>, vector<16xf32>,
    tpu.vector_store %arg15[%swap3A_1306, %swap3A_1307], %broadcast_in_dim3A_1304 {strides = array<i32>} : memref<40x144xf32, #tpu.memory_space<vmem>>, vector<16xf32>,
    %broadcast_in_dim3A_1309 = arith.constant 0.000000e+00 : f32
    %broadcast_in_dim3A_1310 = vector.broadcast %broadcast_in_dim3A_1309 : f32 to vector<16xf32>
    %swap3A_1311 = arith.constant 24 : i32
    %swap3A_1312 = arith.index_cast %swap3A_1311 : i32 to index
    %swap3A_1313 = arith.constant 32 : index
    %swap3A_1314 = tpu.vector_load %arg15[%swap3A_1312, %swap3A_1313] {strides = array<i32>} : memref<40x144xf32, #tpu.memory_space<vmem>>, vector<16xf32>,
    tpu.vector_store %arg15[%swap3A_1312, %swap3A_1313], %broadcast_in_dim3A_1310 {strides = array<i32>} : memref<40x144xf32, #tpu.memory_space<vmem>>, vector<16xf32>,
    %broadcast_in_dim3A_1315 = arith.constant 0.000000e+00 : f32
    %broadcast_in_dim3A_1316 = vector.broadcast %broadcast_in_dim3A_1315 : f32 to vector<16xf32>
    %swap3A_1317 = arith.constant 24 : i32
    %swap3A_1318 = arith.index_cast %swap3A_1317 : i32 to index
    %swap3A_1319 = arith.constant 48 : index
    %swap3A_1320 = tpu.vector_load %arg15[%swap3A_1318, %swap3A_1319] {strides = array<i32>} : memref<40x144xf32, #tpu.memory_space<vmem>>, vector<16xf32>,
    tpu.vector_store %arg15[%swap3A_1318, %swap3A_1319], %broadcast_in_dim3A_1316 {strides = array<i32>} : memref<40x144xf32, #tpu.memory_space<vmem>>, vector<16xf32>,
    %broadcast_in_dim3A_1321 = arith.constant 0.000000e+00 : f32
    %broadcast_in_dim3A_1322 = vector.broadcast %broadcast_in_dim3A_1321 : f32 to vector<16xf32>
    %swap3A_1323 = arith.constant 24 : i32
    %swap3A_1324 = arith.index_cast %swap3A_1323 : i32 to index
    %swap3A_1325 = arith.constant 64 : index
    %swap3A_1326 = tpu.vector_load %arg15[%swap3A_1324, %swap3A_1325] {strides = array<i32>} : memref<40x144xf32, #tpu.memory_space<vmem>>, vector<16xf32>,
    tpu.vector_store %arg15[%swap3A_1324, %swap3A_1325], %broadcast_in_dim3A_1322 {strides = array<i32>} : memref<40x144xf32, #tpu.memory_space<vmem>>, vector<16xf32>,
    %broadcast_in_dim3A_1327 = arith.constant 0.000000e+00 : f32
    %broadcast_in_dim3A_1328 = vector.broadcast %broadcast_in_dim3A_1327 : f32 to vector<16xf32>
    %swap3A_1329 = arith.constant 24 : i32
    %swap3A_1330 = arith.index_cast %swap3A_1329 : i32 to index
    %swap3A_1331 = arith.constant 80 : index
    %swap3A_1332 = tpu.vector_load %arg15[%swap3A_1330, %swap3A_1331] {strides = array<i32>} : memref<40x144xf32, #tpu.memory_space<vmem>>, vector<16xf32>,
    tpu.vector_store %arg15[%swap3A_1330, %swap3A_1331], %broadcast_in_dim3A_1328 {strides = array<i32>} : memref<40x144xf32, #tpu.memory_space<vmem>>, vector<16xf32>,
    %broadcast_in_dim3A_1333 = arith.constant 0.000000e+00 : f32
    %broadcast_in_dim3A_1334 = vector.broadcast %broadcast_in_dim3A_1333 : f32 to vector<16xf32>
    %swap3A_1335 = arith.constant 24 : i32
    %swap3A_1336 = arith.index_cast %swap3A_1335 : i32 to index
    %swap3A_1337 = arith.constant 96 : index
    %swap3A_1338 = tpu.vector_load %arg15[%swap3A_1336, %swap3A_1337] {strides = array<i32>} : memref<40x144xf32, #tpu.memory_space<vmem>>, vector<16xf32>,
    tpu.vector_store %arg15[%swap3A_1336, %swap3A_1337], %broadcast_in_dim3A_1334 {strides = array<i32>} : memref<40x144xf32, #tpu.memory_space<vmem>>, vector<16xf32>,
    %broadcast_in_dim3A_1339 = arith.constant 0.000000e+00 : f32
    %broadcast_in_dim3A_1340 = vector.broadcast %broadcast_in_dim3A_1339 : f32 to vector<16xf32>
    %swap3A_1341 = arith.constant 24 : i32
    %swap3A_1342 = arith.index_cast %swap3A_1341 : i32 to index
    %swap3A_1343 = arith.constant 112 : index
    %swap3A_1344 = tpu.vector_load %arg15[%swap3A_1342, %swap3A_1343] {strides = array<i32>} : memref<40x144xf32, #tpu.memory_space<vmem>>, vector<16xf32>,
    tpu.vector_store %arg15[%swap3A_1342, %swap3A_1343], %broadcast_in_dim3A_1340 {strides = array<i32>} : memref<40x144xf32, #tpu.memory_space<vmem>>, vector<16xf32>,
    %broadcast_in_dim3A_1345 = arith.constant 0.000000e+00 : f32
    %broadcast_in_dim3A_1346 = vector.broadcast %broadcast_in_dim3A_1345 : f32 to vector<16xf32>
    %swap3A_1347 = arith.constant 24 : i32
    %swap3A_1348 = arith.index_cast %swap3A_1347 : i32 to index
    %swap3A_1349 = arith.constant 128 : index
    %swap3A_1350 = tpu.vector_load %arg15[%swap3A_1348, %swap3A_1349] {strides = array<i32>} : memref<40x144xf32, #tpu.memory_space<vmem>>, vector<16xf32>,
    tpu.vector_store %arg15[%swap3A_1348, %swap3A_1349], %broadcast_in_dim3A_1346 {strides = array<i32>} : memref<40x144xf32, #tpu.memory_space<vmem>>, vector<16xf32>,
    %broadcast_in_dim3A_1351 = arith.constant 0.000000e+00 : f32
    %broadcast_in_dim3A_1352 = vector.broadcast %broadcast_in_dim3A_1351 : f32 to vector<16xf32>
    %swap3A_1353 = arith.constant 25 : i32
    %swap3A_1354 = arith.index_cast %swap3A_1353 : i32 to index
    %swap3A_1355 = arith.constant 0 : index
    %swap3A_1356 = tpu.vector_load %arg15[%swap3A_1354, %swap3A_1355] {strides = array<i32>} : memref<40x144xf32, #tpu.memory_space<vmem>>, vector<16xf32>,
    tpu.vector_store %arg15[%swap3A_1354, %swap3A_1355], %broadcast_in_dim3A_1352 {strides = array<i32>} : memref<40x144xf32, #tpu.memory_space<vmem>>, vector<16xf32>,
    %broadcast_in_dim3A_1357 = arith.constant 0.000000e+00 : f32
    %broadcast_in_dim3A_1358 = vector.broadcast %broadcast_in_dim3A_1357 : f32 to vector<16xf32>
    %swap3A_1359 = arith.constant 25 : i32
    %swap3A_1360 = arith.index_cast %swap3A_1359 : i32 to index
    %swap3A_1361 = arith.constant 16 : index
    %swap3A_1362 = tpu.vector_load %arg15[%swap3A_1360, %swap3A_1361] {strides = array<i32>} : memref<40x144xf32, #tpu.memory_space<vmem>>, vector<16xf32>,
    tpu.vector_store %arg15[%swap3A_1360, %swap3A_1361], %broadcast_in_dim3A_1358 {strides = array<i32>} : memref<40x144xf32, #tpu.memory_space<vmem>>, vector<16xf32>,
    %broadcast_in_dim3A_1363 = arith.constant 0.000000e+00 : f32
    %broadcast_in_dim3A_1364 = vector.broadcast %broadcast_in_dim3A_1363 : f32 to vector<16xf32>
    %swap3A_1365 = arith.constant 25 : i32
    %swap3A_1366 = arith.index_cast %swap3A_1365 : i32 to index
    %swap3A_1367 = arith.constant 32 : index
    %swap3A_1368 = tpu.vector_load %arg15[%swap3A_1366, %swap3A_1367] {strides = array<i32>} : memref<40x144xf32, #tpu.memory_space<vmem>>, vector<16xf32>,
    tpu.vector_store %arg15[%swap3A_1366, %swap3A_1367], %broadcast_in_dim3A_1364 {strides = array<i32>} : memref<40x144xf32, #tpu.memory_space<vmem>>, vector<16xf32>,
    %broadcast_in_dim3A_1369 = arith.constant 0.000000e+00 : f32
    %broadcast_in_dim3A_1370 = vector.broadcast %broadcast_in_dim3A_1369 : f32 to vector<16xf32>
    %swap3A_1371 = arith.constant 25 : i32
    %swap3A_1372 = arith.index_cast %swap3A_1371 : i32 to index
    %swap3A_1373 = arith.constant 48 : index
    %swap3A_1374 = tpu.vector_load %arg15[%swap3A_1372, %swap3A_1373] {strides = array<i32>} : memref<40x144xf32, #tpu.memory_space<vmem>>, vector<16xf32>,
    tpu.vector_store %arg15[%swap3A_1372, %swap3A_1373], %broadcast_in_dim3A_1370 {strides = array<i32>} : memref<40x144xf32, #tpu.memory_space<vmem>>, vector<16xf32>,
    %broadcast_in_dim3A_1375 = arith.constant 0.000000e+00 : f32
    %broadcast_in_dim3A_1376 = vector.broadcast %broadcast_in_dim3A_1375 : f32 to vector<16xf32>
    %swap3A_1377 = arith.constant 25 : i32
    %swap3A_1378 = arith.index_cast %swap3A_1377 : i32 to index
    %swap3A_1379 = arith.constant 64 : index
    %swap3A_1380 = tpu.vector_load %arg15[%swap3A_1378, %swap3A_1379] {strides = array<i32>} : memref<40x144xf32, #tpu.memory_space<vmem>>, vector<16xf32>,
    tpu.vector_store %arg15[%swap3A_1378, %swap3A_1379], %broadcast_in_dim3A_1376 {strides = array<i32>} : memref<40x144xf32, #tpu.memory_space<vmem>>, vector<16xf32>,
    %broadcast_in_dim3A_1381 = arith.constant 0.000000e+00 : f32
    %broadcast_in_dim3A_1382 = vector.broadcast %broadcast_in_dim3A_1381 : f32 to vector<16xf32>
    %swap3A_1383 = arith.constant 25 : i32
    %swap3A_1384 = arith.index_cast %swap3A_1383 : i32 to index
    %swap3A_1385 = arith.constant 80 : index
    %swap3A_1386 = tpu.vector_load %arg15[%swap3A_1384, %swap3A_1385] {strides = array<i32>} : memref<40x144xf32, #tpu.memory_space<vmem>>, vector<16xf32>,
    tpu.vector_store %arg15[%swap3A_1384, %swap3A_1385], %broadcast_in_dim3A_1382 {strides = array<i32>} : memref<40x144xf32, #tpu.memory_space<vmem>>, vector<16xf32>,
    %broadcast_in_dim3A_1387 = arith.constant 0.000000e+00 : f32
    %broadcast_in_dim3A_1388 = vector.broadcast %broadcast_in_dim3A_1387 : f32 to vector<16xf32>
    %swap3A_1389 = arith.constant 25 : i32
    %swap3A_1390 = arith.index_cast %swap3A_1389 : i32 to index
    %swap3A_1391 = arith.constant 96 : index
    %swap3A_1392 = tpu.vector_load %arg15[%swap3A_1390, %swap3A_1391] {strides = array<i32>} : memref<40x144xf32, #tpu.memory_space<vmem>>, vector<16xf32>,
    tpu.vector_store %arg15[%swap3A_1390, %swap3A_1391], %broadcast_in_dim3A_1388 {strides = array<i32>} : memref<40x144xf32, #tpu.memory_space<vmem>>, vector<16xf32>,
    %broadcast_in_dim3A_1393 = arith.constant 0.000000e+00 : f32
    %broadcast_in_dim3A_1394 = vector.broadcast %broadcast_in_dim3A_1393 : f32 to vector<16xf32>
    %swap3A_1395 = arith.constant 25 : i32
    %swap3A_1396 = arith.index_cast %swap3A_1395 : i32 to index
    %swap3A_1397 = arith.constant 112 : index
    %swap3A_1398 = tpu.vector_load %arg15[%swap3A_1396, %swap3A_1397] {strides = array<i32>} : memref<40x144xf32, #tpu.memory_space<vmem>>, vector<16xf32>,
    tpu.vector_store %arg15[%swap3A_1396, %swap3A_1397], %broadcast_in_dim3A_1394 {strides = array<i32>} : memref<40x144xf32, #tpu.memory_space<vmem>>, vector<16xf32>,
    %broadcast_in_dim3A_1399 = arith.constant 0.000000e+00 : f32
    %broadcast_in_dim3A_1400 = vector.broadcast %broadcast_in_dim3A_1399 : f32 to vector<16xf32>
    %swap3A_1401 = arith.constant 25 : i32
    %swap3A_1402 = arith.index_cast %swap3A_1401 : i32 to index
    %swap3A_1403 = arith.constant 128 : index
    %swap3A_1404 = tpu.vector_load %arg15[%swap3A_1402, %swap3A_1403] {strides = array<i32>} : memref<40x144xf32, #tpu.memory_space<vmem>>, vector<16xf32>,
    tpu.vector_store %arg15[%swap3A_1402, %swap3A_1403], %broadcast_in_dim3A_1400 {strides = array<i32>} : memref<40x144xf32, #tpu.memory_space<vmem>>, vector<16xf32>,
    %broadcast_in_dim3A_1405 = arith.constant 0.000000e+00 : f32
    %broadcast_in_dim3A_1406 = vector.broadcast %broadcast_in_dim3A_1405 : f32 to vector<16xf32>
    %swap3A_1407 = arith.constant 26 : i32
    %swap3A_1408 = arith.index_cast %swap3A_1407 : i32 to index
    %swap3A_1409 = arith.constant 0 : index
    %swap3A_1410 = tpu.vector_load %arg15[%swap3A_1408, %swap3A_1409] {strides = array<i32>} : memref<40x144xf32, #tpu.memory_space<vmem>>, vector<16xf32>,
    tpu.vector_store %arg15[%swap3A_1408, %swap3A_1409], %broadcast_in_dim3A_1406 {strides = array<i32>} : memref<40x144xf32, #tpu.memory_space<vmem>>, vector<16xf32>,
    %broadcast_in_dim3A_1411 = arith.constant 0.000000e+00 : f32
    %broadcast_in_dim3A_1412 = vector.broadcast %broadcast_in_dim3A_1411 : f32 to vector<16xf32>
    %swap3A_1413 = arith.constant 26 : i32
    %swap3A_1414 = arith.index_cast %swap3A_1413 : i32 to index
    %swap3A_1415 = arith.constant 16 : index
    %swap3A_1416 = tpu.vector_load %arg15[%swap3A_1414, %swap3A_1415] {strides = array<i32>} : memref<40x144xf32, #tpu.memory_space<vmem>>, vector<16xf32>,
    tpu.vector_store %arg15[%swap3A_1414, %swap3A_1415], %broadcast_in_dim3A_1412 {strides = array<i32>} : memref<40x144xf32, #tpu.memory_space<vmem>>, vector<16xf32>,
    %broadcast_in_dim3A_1417 = arith.constant 0.000000e+00 : f32
    %broadcast_in_dim3A_1418 = vector.broadcast %broadcast_in_dim3A_1417 : f32 to vector<16xf32>
    %swap3A_1419 = arith.constant 26 : i32
    %swap3A_1420 = arith.index_cast %swap3A_1419 : i32 to index
    %swap3A_1421 = arith.constant 32 : index
    %swap3A_1422 = tpu.vector_load %arg15[%swap3A_1420, %swap3A_1421] {strides = array<i32>} : memref<40x144xf32, #tpu.memory_space<vmem>>, vector<16xf32>,
    tpu.vector_store %arg15[%swap3A_1420, %swap3A_1421], %broadcast_in_dim3A_1418 {strides = array<i32>} : memref<40x144xf32, #tpu.memory_space<vmem>>, vector<16xf32>,
    %broadcast_in_dim3A_1423 = arith.constant 0.000000e+00 : f32
    %broadcast_in_dim3A_1424 = vector.broadcast %broadcast_in_dim3A_1423 : f32 to vector<16xf32>
    %swap3A_1425 = arith.constant 26 : i32
    %swap3A_1426 = arith.index_cast %swap3A_1425 : i32 to index
    %swap3A_1427 = arith.constant 48 : index
    %swap3A_1428 = tpu.vector_load %arg15[%swap3A_1426, %swap3A_1427] {strides = array<i32>} : memref<40x144xf32, #tpu.memory_space<vmem>>, vector<16xf32>,
    tpu.vector_store %arg15[%swap3A_1426, %swap3A_1427], %broadcast_in_dim3A_1424 {strides = array<i32>} : memref<40x144xf32, #tpu.memory_space<vmem>>, vector<16xf32>,
    %broadcast_in_dim3A_1429 = arith.constant 0.000000e+00 : f32
    %broadcast_in_dim3A_1430 = vector.broadcast %broadcast_in_dim3A_1429 : f32 to vector<16xf32>
    %swap3A_1431 = arith.constant 26 : i32
    %swap3A_1432 = arith.index_cast %swap3A_1431 : i32 to index
    %swap3A_1433 = arith.constant 64 : index
    %swap3A_1434 = tpu.vector_load %arg15[%swap3A_1432, %swap3A_1433] {strides = array<i32>} : memref<40x144xf32, #tpu.memory_space<vmem>>, vector<16xf32>,
    tpu.vector_store %arg15[%swap3A_1432, %swap3A_1433], %broadcast_in_dim3A_1430 {strides = array<i32>} : memref<40x144xf32, #tpu.memory_space<vmem>>, vector<16xf32>,
    %broadcast_in_dim3A_1435 = arith.constant 0.000000e+00 : f32
    %broadcast_in_dim3A_1436 = vector.broadcast %broadcast_in_dim3A_1435 : f32 to vector<16xf32>
    %swap3A_1437 = arith.constant 26 : i32
    %swap3A_1438 = arith.index_cast %swap3A_1437 : i32 to index
    %swap3A_1439 = arith.constant 80 : index
    %swap3A_1440 = tpu.vector_load %arg15[%swap3A_1438, %swap3A_1439] {strides = array<i32>} : memref<40x144xf32, #tpu.memory_space<vmem>>, vector<16xf32>,
    tpu.vector_store %arg15[%swap3A_1438, %swap3A_1439], %broadcast_in_dim3A_1436 {strides = array<i32>} : memref<40x144xf32, #tpu.memory_space<vmem>>, vector<16xf32>,
    %broadcast_in_dim3A_1441 = arith.constant 0.000000e+00 : f32
    %broadcast_in_dim3A_1442 = vector.broadcast %broadcast_in_dim3A_1441 : f32 to vector<16xf32>
    %swap3A_1443 = arith.constant 26 : i32
    %swap3A_1444 = arith.index_cast %swap3A_1443 : i32 to index
    %swap3A_1445 = arith.constant 96 : index
    %swap3A_1446 = tpu.vector_load %arg15[%swap3A_1444, %swap3A_1445] {strides = array<i32>} : memref<40x144xf32, #tpu.memory_space<vmem>>, vector<16xf32>,
    tpu.vector_store %arg15[%swap3A_1444, %swap3A_1445], %broadcast_in_dim3A_1442 {strides = array<i32>} : memref<40x144xf32, #tpu.memory_space<vmem>>, vector<16xf32>,
    %broadcast_in_dim3A_1447 = arith.constant 0.000000e+00 : f32
    %broadcast_in_dim3A_1448 = vector.broadcast %broadcast_in_dim3A_1447 : f32 to vector<16xf32>
    %swap3A_1449 = arith.constant 26 : i32
    %swap3A_1450 = arith.index_cast %swap3A_1449 : i32 to index
    %swap3A_1451 = arith.constant 112 : index
    %swap3A_1452 = tpu.vector_load %arg15[%swap3A_1450, %swap3A_1451] {strides = array<i32>} : memref<40x144xf32, #tpu.memory_space<vmem>>, vector<16xf32>,
    tpu.vector_store %arg15[%swap3A_1450, %swap3A_1451], %broadcast_in_dim3A_1448 {strides = array<i32>} : memref<40x144xf32, #tpu.memory_space<vmem>>, vector<16xf32>,
    %broadcast_in_dim3A_1453 = arith.constant 0.000000e+00 : f32
    %broadcast_in_dim3A_1454 = vector.broadcast %broadcast_in_dim3A_1453 : f32 to vector<16xf32>
    %swap3A_1455 = arith.constant 26 : i32
    %swap3A_1456 = arith.index_cast %swap3A_1455 : i32 to index
    %swap3A_1457 = arith.constant 128 : index
    %swap3A_1458 = tpu.vector_load %arg15[%swap3A_1456, %swap3A_1457] {strides = array<i32>} : memref<40x144xf32, #tpu.memory_space<vmem>>, vector<16xf32>,
    tpu.vector_store %arg15[%swap3A_1456, %swap3A_1457], %broadcast_in_dim3A_1454 {strides = array<i32>} : memref<40x144xf32, #tpu.memory_space<vmem>>, vector<16xf32>,
    %broadcast_in_dim3A_1459 = arith.constant 0.000000e+00 : f32
    %broadcast_in_dim3A_1460 = vector.broadcast %broadcast_in_dim3A_1459 : f32 to vector<16xf32>
    %swap3A_1461 = arith.constant 27 : i32
    %swap3A_1462 = arith.index_cast %swap3A_1461 : i32 to index
    %swap3A_1463 = arith.constant 0 : index
    %swap3A_1464 = tpu.vector_load %arg15[%swap3A_1462, %swap3A_1463] {strides = array<i32>} : memref<40x144xf32, #tpu.memory_space<vmem>>, vector<16xf32>,
    tpu.vector_store %arg15[%swap3A_1462, %swap3A_1463], %broadcast_in_dim3A_1460 {strides = array<i32>} : memref<40x144xf32, #tpu.memory_space<vmem>>, vector<16xf32>,
    %broadcast_in_dim3A_1465 = arith.constant 0.000000e+00 : f32
    %broadcast_in_dim3A_1466 = vector.broadcast %broadcast_in_dim3A_1465 : f32 to vector<16xf32>
    %swap3A_1467 = arith.constant 27 : i32
    %swap3A_1468 = arith.index_cast %swap3A_1467 : i32 to index
    %swap3A_1469 = arith.constant 16 : index
    %swap3A_1470 = tpu.vector_load %arg15[%swap3A_1468, %swap3A_1469] {strides = array<i32>} : memref<40x144xf32, #tpu.memory_space<vmem>>, vector<16xf32>,
    tpu.vector_store %arg15[%swap3A_1468, %swap3A_1469], %broadcast_in_dim3A_1466 {strides = array<i32>} : memref<40x144xf32, #tpu.memory_space<vmem>>, vector<16xf32>,
    %broadcast_in_dim3A_1471 = arith.constant 0.000000e+00 : f32
    %broadcast_in_dim3A_1472 = vector.broadcast %broadcast_in_dim3A_1471 : f32 to vector<16xf32>
    %swap3A_1473 = arith.constant 27 : i32
    %swap3A_1474 = arith.index_cast %swap3A_1473 : i32 to index
    %swap3A_1475 = arith.constant 32 : index
    %swap3A_1476 = tpu.vector_load %arg15[%swap3A_1474, %swap3A_1475] {strides = array<i32>} : memref<40x144xf32, #tpu.memory_space<vmem>>, vector<16xf32>,
    tpu.vector_store %arg15[%swap3A_1474, %swap3A_1475], %broadcast_in_dim3A_1472 {strides = array<i32>} : memref<40x144xf32, #tpu.memory_space<vmem>>, vector<16xf32>,
    %broadcast_in_dim3A_1477 = arith.constant 0.000000e+00 : f32
    %broadcast_in_dim3A_1478 = vector.broadcast %broadcast_in_dim3A_1477 : f32 to vector<16xf32>
    %swap3A_1479 = arith.constant 27 : i32
    %swap3A_1480 = arith.index_cast %swap3A_1479 : i32 to index
    %swap3A_1481 = arith.constant 48 : index
    %swap3A_1482 = tpu.vector_load %arg15[%swap3A_1480, %swap3A_1481] {strides = array<i32>} : memref<40x144xf32, #tpu.memory_space<vmem>>, vector<16xf32>,
    tpu.vector_store %arg15[%swap3A_1480, %swap3A_1481], %broadcast_in_dim3A_1478 {strides = array<i32>} : memref<40x144xf32, #tpu.memory_space<vmem>>, vector<16xf32>,
    %broadcast_in_dim3A_1483 = arith.constant 0.000000e+00 : f32
    %broadcast_in_dim3A_1484 = vector.broadcast %broadcast_in_dim3A_1483 : f32 to vector<16xf32>
    %swap3A_1485 = arith.constant 27 : i32
    %swap3A_1486 = arith.index_cast %swap3A_1485 : i32 to index
    %swap3A_1487 = arith.constant 64 : index
    %swap3A_1488 = tpu.vector_load %arg15[%swap3A_1486, %swap3A_1487] {strides = array<i32>} : memref<40x144xf32, #tpu.memory_space<vmem>>, vector<16xf32>,
    tpu.vector_store %arg15[%swap3A_1486, %swap3A_1487], %broadcast_in_dim3A_1484 {strides = array<i32>} : memref<40x144xf32, #tpu.memory_space<vmem>>, vector<16xf32>,
    %broadcast_in_dim3A_1489 = arith.constant 0.000000e+00 : f32
    %broadcast_in_dim3A_1490 = vector.broadcast %broadcast_in_dim3A_1489 : f32 to vector<16xf32>
    %swap3A_1491 = arith.constant 27 : i32
    %swap3A_1492 = arith.index_cast %swap3A_1491 : i32 to index
    %swap3A_1493 = arith.constant 80 : index
    %swap3A_1494 = tpu.vector_load %arg15[%swap3A_1492, %swap3A_1493] {strides = array<i32>} : memref<40x144xf32, #tpu.memory_space<vmem>>, vector<16xf32>,
    tpu.vector_store %arg15[%swap3A_1492, %swap3A_1493], %broadcast_in_dim3A_1490 {strides = array<i32>} : memref<40x144xf32, #tpu.memory_space<vmem>>, vector<16xf32>,
    %broadcast_in_dim3A_1495 = arith.constant 0.000000e+00 : f32
    %broadcast_in_dim3A_1496 = vector.broadcast %broadcast_in_dim3A_1495 : f32 to vector<16xf32>
    %swap3A_1497 = arith.constant 27 : i32
    %swap3A_1498 = arith.index_cast %swap3A_1497 : i32 to index
    %swap3A_1499 = arith.constant 96 : index
    %swap3A_1500 = tpu.vector_load %arg15[%swap3A_1498, %swap3A_1499] {strides = array<i32>} : memref<40x144xf32, #tpu.memory_space<vmem>>, vector<16xf32>,
    tpu.vector_store %arg15[%swap3A_1498, %swap3A_1499], %broadcast_in_dim3A_1496 {strides = array<i32>} : memref<40x144xf32, #tpu.memory_space<vmem>>, vector<16xf32>,
    %broadcast_in_dim3A_1501 = arith.constant 0.000000e+00 : f32
    %broadcast_in_dim3A_1502 = vector.broadcast %broadcast_in_dim3A_1501 : f32 to vector<16xf32>
    %swap3A_1503 = arith.constant 27 : i32
    %swap3A_1504 = arith.index_cast %swap3A_1503 : i32 to index
    %swap3A_1505 = arith.constant 112 : index
    %swap3A_1506 = tpu.vector_load %arg15[%swap3A_1504, %swap3A_1505] {strides = array<i32>} : memref<40x144xf32, #tpu.memory_space<vmem>>, vector<16xf32>,
    tpu.vector_store %arg15[%swap3A_1504, %swap3A_1505], %broadcast_in_dim3A_1502 {strides = array<i32>} : memref<40x144xf32, #tpu.memory_space<vmem>>, vector<16xf32>,
    %broadcast_in_dim3A_1507 = arith.constant 0.000000e+00 : f32
    %broadcast_in_dim3A_1508 = vector.broadcast %broadcast_in_dim3A_1507 : f32 to vector<16xf32>
    %swap3A_1509 = arith.constant 27 : i32
    %swap3A_1510 = arith.index_cast %swap3A_1509 : i32 to index
    %swap3A_1511 = arith.constant 128 : index
    %swap3A_1512 = tpu.vector_load %arg15[%swap3A_1510, %swap3A_1511] {strides = array<i32>} : memref<40x144xf32, #tpu.memory_space<vmem>>, vector<16xf32>,
    tpu.vector_store %arg15[%swap3A_1510, %swap3A_1511], %broadcast_in_dim3A_1508 {strides = array<i32>} : memref<40x144xf32, #tpu.memory_space<vmem>>, vector<16xf32>,
    %broadcast_in_dim3A_1513 = arith.constant 0.000000e+00 : f32
    %broadcast_in_dim3A_1514 = vector.broadcast %broadcast_in_dim3A_1513 : f32 to vector<16xf32>
    %swap3A_1515 = arith.constant 28 : i32
    %swap3A_1516 = arith.index_cast %swap3A_1515 : i32 to index
    %swap3A_1517 = arith.constant 0 : index
    %swap3A_1518 = tpu.vector_load %arg15[%swap3A_1516, %swap3A_1517] {strides = array<i32>} : memref<40x144xf32, #tpu.memory_space<vmem>>, vector<16xf32>,
    tpu.vector_store %arg15[%swap3A_1516, %swap3A_1517], %broadcast_in_dim3A_1514 {strides = array<i32>} : memref<40x144xf32, #tpu.memory_space<vmem>>, vector<16xf32>,
    %broadcast_in_dim3A_1519 = arith.constant 0.000000e+00 : f32
    %broadcast_in_dim3A_1520 = vector.broadcast %broadcast_in_dim3A_1519 : f32 to vector<16xf32>
    %swap3A_1521 = arith.constant 28 : i32
    %swap3A_1522 = arith.index_cast %swap3A_1521 : i32 to index
    %swap3A_1523 = arith.constant 16 : index
    %swap3A_1524 = tpu.vector_load %arg15[%swap3A_1522, %swap3A_1523] {strides = array<i32>} : memref<40x144xf32, #tpu.memory_space<vmem>>, vector<16xf32>,
    tpu.vector_store %arg15[%swap3A_1522, %swap3A_1523], %broadcast_in_dim3A_1520 {strides = array<i32>} : memref<40x144xf32, #tpu.memory_space<vmem>>, vector<16xf32>,
    %broadcast_in_dim3A_1525 = arith.constant 0.000000e+00 : f32
    %broadcast_in_dim3A_1526 = vector.broadcast %broadcast_in_dim3A_1525 : f32 to vector<16xf32>
    %swap3A_1527 = arith.constant 28 : i32
    %swap3A_1528 = arith.index_cast %swap3A_1527 : i32 to index
    %swap3A_1529 = arith.constant 32 : index
    %swap3A_1530 = tpu.vector_load %arg15[%swap3A_1528, %swap3A_1529] {strides = array<i32>} : memref<40x144xf32, #tpu.memory_space<vmem>>, vector<16xf32>,
    tpu.vector_store %arg15[%swap3A_1528, %swap3A_1529], %broadcast_in_dim3A_1526 {strides = array<i32>} : memref<40x144xf32, #tpu.memory_space<vmem>>, vector<16xf32>,
    %broadcast_in_dim3A_1531 = arith.constant 0.000000e+00 : f32
    %broadcast_in_dim3A_1532 = vector.broadcast %broadcast_in_dim3A_1531 : f32 to vector<16xf32>
    %swap3A_1533 = arith.constant 28 : i32
    %swap3A_1534 = arith.index_cast %swap3A_1533 : i32 to index
    %swap3A_1535 = arith.constant 48 : index
    %swap3A_1536 = tpu.vector_load %arg15[%swap3A_1534, %swap3A_1535] {strides = array<i32>} : memref<40x144xf32, #tpu.memory_space<vmem>>, vector<16xf32>,
    tpu.vector_store %arg15[%swap3A_1534, %swap3A_1535], %broadcast_in_dim3A_1532 {strides = array<i32>} : memref<40x144xf32, #tpu.memory_space<vmem>>, vector<16xf32>,
    %broadcast_in_dim3A_1537 = arith.constant 0.000000e+00 : f32
    %broadcast_in_dim3A_1538 = vector.broadcast %broadcast_in_dim3A_1537 : f32 to vector<16xf32>
    %swap3A_1539 = arith.constant 28 : i32
    %swap3A_1540 = arith.index_cast %swap3A_1539 : i32 to index
    %swap3A_1541 = arith.constant 64 : index
    %swap3A_1542 = tpu.vector_load %arg15[%swap3A_1540, %swap3A_1541] {strides = array<i32>} : memref<40x144xf32, #tpu.memory_space<vmem>>, vector<16xf32>,
    tpu.vector_store %arg15[%swap3A_1540, %swap3A_1541], %broadcast_in_dim3A_1538 {strides = array<i32>} : memref<40x144xf32, #tpu.memory_space<vmem>>, vector<16xf32>,
    %broadcast_in_dim3A_1543 = arith.constant 0.000000e+00 : f32
    %broadcast_in_dim3A_1544 = vector.broadcast %broadcast_in_dim3A_1543 : f32 to vector<16xf32>
    %swap3A_1545 = arith.constant 28 : i32
    %swap3A_1546 = arith.index_cast %swap3A_1545 : i32 to index
    %swap3A_1547 = arith.constant 80 : index
    %swap3A_1548 = tpu.vector_load %arg15[%swap3A_1546, %swap3A_1547] {strides = array<i32>} : memref<40x144xf32, #tpu.memory_space<vmem>>, vector<16xf32>,
    tpu.vector_store %arg15[%swap3A_1546, %swap3A_1547], %broadcast_in_dim3A_1544 {strides = array<i32>} : memref<40x144xf32, #tpu.memory_space<vmem>>, vector<16xf32>,
    %broadcast_in_dim3A_1549 = arith.constant 0.000000e+00 : f32
    %broadcast_in_dim3A_1550 = vector.broadcast %broadcast_in_dim3A_1549 : f32 to vector<16xf32>
    %swap3A_1551 = arith.constant 28 : i32
    %swap3A_1552 = arith.index_cast %swap3A_1551 : i32 to index
    %swap3A_1553 = arith.constant 96 : index
    %swap3A_1554 = tpu.vector_load %arg15[%swap3A_1552, %swap3A_1553] {strides = array<i32>} : memref<40x144xf32, #tpu.memory_space<vmem>>, vector<16xf32>,
    tpu.vector_store %arg15[%swap3A_1552, %swap3A_1553], %broadcast_in_dim3A_1550 {strides = array<i32>} : memref<40x144xf32, #tpu.memory_space<vmem>>, vector<16xf32>,
    %broadcast_in_dim3A_1555 = arith.constant 0.000000e+00 : f32
    %broadcast_in_dim3A_1556 = vector.broadcast %broadcast_in_dim3A_1555 : f32 to vector<16xf32>
    %swap3A_1557 = arith.constant 28 : i32
    %swap3A_1558 = arith.index_cast %swap3A_1557 : i32 to index
    %swap3A_1559 = arith.constant 112 : index
    %swap3A_1560 = tpu.vector_load %arg15[%swap3A_1558, %swap3A_1559] {strides = array<i32>} : memref<40x144xf32, #tpu.memory_space<vmem>>, vector<16xf32>,
    tpu.vector_store %arg15[%swap3A_1558, %swap3A_1559], %broadcast_in_dim3A_1556 {strides = array<i32>} : memref<40x144xf32, #tpu.memory_space<vmem>>, vector<16xf32>,
    %broadcast_in_dim3A_1561 = arith.constant 0.000000e+00 : f32
    %broadcast_in_dim3A_1562 = vector.broadcast %broadcast_in_dim3A_1561 : f32 to vector<16xf32>
    %swap3A_1563 = arith.constant 28 : i32
    %swap3A_1564 = arith.index_cast %swap3A_1563 : i32 to index
    %swap3A_1565 = arith.constant 128 : index
    %swap3A_1566 = tpu.vector_load %arg15[%swap3A_1564, %swap3A_1565] {strides = array<i32>} : memref<40x144xf32, #tpu.memory_space<vmem>>, vector<16xf32>,
    tpu.vector_store %arg15[%swap3A_1564, %swap3A_1565], %broadcast_in_dim3A_1562 {strides = array<i32>} : memref<40x144xf32, #tpu.memory_space<vmem>>, vector<16xf32>,
    %broadcast_in_dim3A_1567 = arith.constant 0.000000e+00 : f32
    %broadcast_in_dim3A_1568 = vector.broadcast %broadcast_in_dim3A_1567 : f32 to vector<16xf32>
    %swap3A_1569 = arith.constant 29 : i32
    %swap3A_1570 = arith.index_cast %swap3A_1569 : i32 to index
    %swap3A_1571 = arith.constant 0 : index
    %swap3A_1572 = tpu.vector_load %arg15[%swap3A_1570, %swap3A_1571] {strides = array<i32>} : memref<40x144xf32, #tpu.memory_space<vmem>>, vector<16xf32>,
    tpu.vector_store %arg15[%swap3A_1570, %swap3A_1571], %broadcast_in_dim3A_1568 {strides = array<i32>} : memref<40x144xf32, #tpu.memory_space<vmem>>, vector<16xf32>,
    %broadcast_in_dim3A_1573 = arith.constant 0.000000e+00 : f32
    %broadcast_in_dim3A_1574 = vector.broadcast %broadcast_in_dim3A_1573 : f32 to vector<16xf32>
    %swap3A_1575 = arith.constant 29 : i32
    %swap3A_1576 = arith.index_cast %swap3A_1575 : i32 to index
    %swap3A_1577 = arith.constant 16 : index
    %swap3A_1578 = tpu.vector_load %arg15[%swap3A_1576, %swap3A_1577] {strides = array<i32>} : memref<40x144xf32, #tpu.memory_space<vmem>>, vector<16xf32>,
    tpu.vector_store %arg15[%swap3A_1576, %swap3A_1577], %broadcast_in_dim3A_1574 {strides = array<i32>} : memref<40x144xf32, #tpu.memory_space<vmem>>, vector<16xf32>,
    %broadcast_in_dim3A_1579 = arith.constant 0.000000e+00 : f32
    %broadcast_in_dim3A_1580 = vector.broadcast %broadcast_in_dim3A_1579 : f32 to vector<16xf32>
    %swap3A_1581 = arith.constant 29 : i32
    %swap3A_1582 = arith.index_cast %swap3A_1581 : i32 to index
    %swap3A_1583 = arith.constant 32 : index
    %swap3A_1584 = tpu.vector_load %arg15[%swap3A_1582, %swap3A_1583] {strides = array<i32>} : memref<40x144xf32, #tpu.memory_space<vmem>>, vector<16xf32>,
    tpu.vector_store %arg15[%swap3A_1582, %swap3A_1583], %broadcast_in_dim3A_1580 {strides = array<i32>} : memref<40x144xf32, #tpu.memory_space<vmem>>, vector<16xf32>,
    %broadcast_in_dim3A_1585 = arith.constant 0.000000e+00 : f32
    %broadcast_in_dim3A_1586 = vector.broadcast %broadcast_in_dim3A_1585 : f32 to vector<16xf32>
    %swap3A_1587 = arith.constant 29 : i32
    %swap3A_1588 = arith.index_cast %swap3A_1587 : i32 to index
    %swap3A_1589 = arith.constant 48 : index
    %swap3A_1590 = tpu.vector_load %arg15[%swap3A_1588, %swap3A_1589] {strides = array<i32>} : memref<40x144xf32, #tpu.memory_space<vmem>>, vector<16xf32>,
    tpu.vector_store %arg15[%swap3A_1588, %swap3A_1589], %broadcast_in_dim3A_1586 {strides = array<i32>} : memref<40x144xf32, #tpu.memory_space<vmem>>, vector<16xf32>,
    %broadcast_in_dim3A_1591 = arith.constant 0.000000e+00 : f32
    %broadcast_in_dim3A_1592 = vector.broadcast %broadcast_in_dim3A_1591 : f32 to vector<16xf32>
    %swap3A_1593 = arith.constant 29 : i32
    %swap3A_1594 = arith.index_cast %swap3A_1593 : i32 to index
    %swap3A_1595 = arith.constant 64 : index
    %swap3A_1596 = tpu.vector_load %arg15[%swap3A_1594, %swap3A_1595] {strides = array<i32>} : memref<40x144xf32, #tpu.memory_space<vmem>>, vector<16xf32>,
    tpu.vector_store %arg15[%swap3A_1594, %swap3A_1595], %broadcast_in_dim3A_1592 {strides = array<i32>} : memref<40x144xf32, #tpu.memory_space<vmem>>, vector<16xf32>,
    %broadcast_in_dim3A_1597 = arith.constant 0.000000e+00 : f32
    %broadcast_in_dim3A_1598 = vector.broadcast %broadcast_in_dim3A_1597 : f32 to vector<16xf32>
    %swap3A_1599 = arith.constant 29 : i32
    %swap3A_1600 = arith.index_cast %swap3A_1599 : i32 to index
    %swap3A_1601 = arith.constant 80 : index
    %swap3A_1602 = tpu.vector_load %arg15[%swap3A_1600, %swap3A_1601] {strides = array<i32>} : memref<40x144xf32, #tpu.memory_space<vmem>>, vector<16xf32>,
    tpu.vector_store %arg15[%swap3A_1600, %swap3A_1601], %broadcast_in_dim3A_1598 {strides = array<i32>} : memref<40x144xf32, #tpu.memory_space<vmem>>, vector<16xf32>,
    %broadcast_in_dim3A_1603 = arith.constant 0.000000e+00 : f32
    %broadcast_in_dim3A_1604 = vector.broadcast %broadcast_in_dim3A_1603 : f32 to vector<16xf32>
    %swap3A_1605 = arith.constant 29 : i32
    %swap3A_1606 = arith.index_cast %swap3A_1605 : i32 to index
    %swap3A_1607 = arith.constant 96 : index
    %swap3A_1608 = tpu.vector_load %arg15[%swap3A_1606, %swap3A_1607] {strides = array<i32>} : memref<40x144xf32, #tpu.memory_space<vmem>>, vector<16xf32>,
    tpu.vector_store %arg15[%swap3A_1606, %swap3A_1607], %broadcast_in_dim3A_1604 {strides = array<i32>} : memref<40x144xf32, #tpu.memory_space<vmem>>, vector<16xf32>,
    %broadcast_in_dim3A_1609 = arith.constant 0.000000e+00 : f32
    %broadcast_in_dim3A_1610 = vector.broadcast %broadcast_in_dim3A_1609 : f32 to vector<16xf32>
    %swap3A_1611 = arith.constant 29 : i32
    %swap3A_1612 = arith.index_cast %swap3A_1611 : i32 to index
    %swap3A_1613 = arith.constant 112 : index
    %swap3A_1614 = tpu.vector_load %arg15[%swap3A_1612, %swap3A_1613] {strides = array<i32>} : memref<40x144xf32, #tpu.memory_space<vmem>>, vector<16xf32>,
    tpu.vector_store %arg15[%swap3A_1612, %swap3A_1613], %broadcast_in_dim3A_1610 {strides = array<i32>} : memref<40x144xf32, #tpu.memory_space<vmem>>, vector<16xf32>,
    %broadcast_in_dim3A_1615 = arith.constant 0.000000e+00 : f32
    %broadcast_in_dim3A_1616 = vector.broadcast %broadcast_in_dim3A_1615 : f32 to vector<16xf32>
    %swap3A_1617 = arith.constant 29 : i32
    %swap3A_1618 = arith.index_cast %swap3A_1617 : i32 to index
    %swap3A_1619 = arith.constant 128 : index
    %swap3A_1620 = tpu.vector_load %arg15[%swap3A_1618, %swap3A_1619] {strides = array<i32>} : memref<40x144xf32, #tpu.memory_space<vmem>>, vector<16xf32>,
    tpu.vector_store %arg15[%swap3A_1618, %swap3A_1619], %broadcast_in_dim3A_1616 {strides = array<i32>} : memref<40x144xf32, #tpu.memory_space<vmem>>, vector<16xf32>,
    %broadcast_in_dim3A_1621 = arith.constant 0.000000e+00 : f32
    %broadcast_in_dim3A_1622 = vector.broadcast %broadcast_in_dim3A_1621 : f32 to vector<16xf32>
    %swap3A_1623 = arith.constant 30 : i32
    %swap3A_1624 = arith.index_cast %swap3A_1623 : i32 to index
    %swap3A_1625 = arith.constant 0 : index
    %swap3A_1626 = tpu.vector_load %arg15[%swap3A_1624, %swap3A_1625] {strides = array<i32>} : memref<40x144xf32, #tpu.memory_space<vmem>>, vector<16xf32>,
    tpu.vector_store %arg15[%swap3A_1624, %swap3A_1625], %broadcast_in_dim3A_1622 {strides = array<i32>} : memref<40x144xf32, #tpu.memory_space<vmem>>, vector<16xf32>,
    %broadcast_in_dim3A_1627 = arith.constant 0.000000e+00 : f32
    %broadcast_in_dim3A_1628 = vector.broadcast %broadcast_in_dim3A_1627 : f32 to vector<16xf32>
    %swap3A_1629 = arith.constant 30 : i32
    %swap3A_1630 = arith.index_cast %swap3A_1629 : i32 to index
    %swap3A_1631 = arith.constant 16 : index
    %swap3A_1632 = tpu.vector_load %arg15[%swap3A_1630, %swap3A_1631] {strides = array<i32>} : memref<40x144xf32, #tpu.memory_space<vmem>>, vector<16xf32>,
    tpu.vector_store %arg15[%swap3A_1630, %swap3A_1631], %broadcast_in_dim3A_1628 {strides = array<i32>} : memref<40x144xf32, #tpu.memory_space<vmem>>, vector<16xf32>,
    %broadcast_in_dim3A_1633 = arith.constant 0.000000e+00 : f32
    %broadcast_in_dim3A_1634 = vector.broadcast %broadcast_in_dim3A_1633 : f32 to vector<16xf32>
    %swap3A_1635 = arith.constant 30 : i32
    %swap3A_1636 = arith.index_cast %swap3A_1635 : i32 to index
    %swap3A_1637 = arith.constant 32 : index
    %swap3A_1638 = tpu.vector_load %arg15[%swap3A_1636, %swap3A_1637] {strides = array<i32>} : memref<40x144xf32, #tpu.memory_space<vmem>>, vector<16xf32>,
    tpu.vector_store %arg15[%swap3A_1636, %swap3A_1637], %broadcast_in_dim3A_1634 {strides = array<i32>} : memref<40x144xf32, #tpu.memory_space<vmem>>, vector<16xf32>,
    %broadcast_in_dim3A_1639 = arith.constant 0.000000e+00 : f32
    %broadcast_in_dim3A_1640 = vector.broadcast %broadcast_in_dim3A_1639 : f32 to vector<16xf32>
    %swap3A_1641 = arith.constant 30 : i32
    %swap3A_1642 = arith.index_cast %swap3A_1641 : i32 to index
    %swap3A_1643 = arith.constant 48 : index
    %swap3A_1644 = tpu.vector_load %arg15[%swap3A_1642, %swap3A_1643] {strides = array<i32>} : memref<40x144xf32, #tpu.memory_space<vmem>>, vector<16xf32>,
    tpu.vector_store %arg15[%swap3A_1642, %swap3A_1643], %broadcast_in_dim3A_1640 {strides = array<i32>} : memref<40x144xf32, #tpu.memory_space<vmem>>, vector<16xf32>,
    %broadcast_in_dim3A_1645 = arith.constant 0.000000e+00 : f32
    %broadcast_in_dim3A_1646 = vector.broadcast %broadcast_in_dim3A_1645 : f32 to vector<16xf32>
    %swap3A_1647 = arith.constant 30 : i32
    %swap3A_1648 = arith.index_cast %swap3A_1647 : i32 to index
    %swap3A_1649 = arith.constant 64 : index
    %swap3A_1650 = tpu.vector_load %arg15[%swap3A_1648, %swap3A_1649] {strides = array<i32>} : memref<40x144xf32, #tpu.memory_space<vmem>>, vector<16xf32>,
    tpu.vector_store %arg15[%swap3A_1648, %swap3A_1649], %broadcast_in_dim3A_1646 {strides = array<i32>} : memref<40x144xf32, #tpu.memory_space<vmem>>, vector<16xf32>,
    %broadcast_in_dim3A_1651 = arith.constant 0.000000e+00 : f32
    %broadcast_in_dim3A_1652 = vector.broadcast %broadcast_in_dim3A_1651 : f32 to vector<16xf32>
    %swap3A_1653 = arith.constant 30 : i32
    %swap3A_1654 = arith.index_cast %swap3A_1653 : i32 to index
    %swap3A_1655 = arith.constant 80 : index
    %swap3A_1656 = tpu.vector_load %arg15[%swap3A_1654, %swap3A_1655] {strides = array<i32>} : memref<40x144xf32, #tpu.memory_space<vmem>>, vector<16xf32>,
    tpu.vector_store %arg15[%swap3A_1654, %swap3A_1655], %broadcast_in_dim3A_1652 {strides = array<i32>} : memref<40x144xf32, #tpu.memory_space<vmem>>, vector<16xf32>,
    %broadcast_in_dim3A_1657 = arith.constant 0.000000e+00 : f32
    %broadcast_in_dim3A_1658 = vector.broadcast %broadcast_in_dim3A_1657 : f32 to vector<16xf32>
    %swap3A_1659 = arith.constant 30 : i32
    %swap3A_1660 = arith.index_cast %swap3A_1659 : i32 to index
    %swap3A_1661 = arith.constant 96 : index
    %swap3A_1662 = tpu.vector_load %arg15[%swap3A_1660, %swap3A_1661] {strides = array<i32>} : memref<40x144xf32, #tpu.memory_space<vmem>>, vector<16xf32>,
    tpu.vector_store %arg15[%swap3A_1660, %swap3A_1661], %broadcast_in_dim3A_1658 {strides = array<i32>} : memref<40x144xf32, #tpu.memory_space<vmem>>, vector<16xf32>,
    %broadcast_in_dim3A_1663 = arith.constant 0.000000e+00 : f32
    %broadcast_in_dim3A_1664 = vector.broadcast %broadcast_in_dim3A_1663 : f32 to vector<16xf32>
    %swap3A_1665 = arith.constant 30 : i32
    %swap3A_1666 = arith.index_cast %swap3A_1665 : i32 to index
    %swap3A_1667 = arith.constant 112 : index
    %swap3A_1668 = tpu.vector_load %arg15[%swap3A_1666, %swap3A_1667] {strides = array<i32>} : memref<40x144xf32, #tpu.memory_space<vmem>>, vector<16xf32>,
    tpu.vector_store %arg15[%swap3A_1666, %swap3A_1667], %broadcast_in_dim3A_1664 {strides = array<i32>} : memref<40x144xf32, #tpu.memory_space<vmem>>, vector<16xf32>,
    %broadcast_in_dim3A_1669 = arith.constant 0.000000e+00 : f32
    %broadcast_in_dim3A_1670 = vector.broadcast %broadcast_in_dim3A_1669 : f32 to vector<16xf32>
    %swap3A_1671 = arith.constant 30 : i32
    %swap3A_1672 = arith.index_cast %swap3A_1671 : i32 to index
    %swap3A_1673 = arith.constant 128 : index
    %swap3A_1674 = tpu.vector_load %arg15[%swap3A_1672, %swap3A_1673] {strides = array<i32>} : memref<40x144xf32, #tpu.memory_space<vmem>>, vector<16xf32>,
    tpu.vector_store %arg15[%swap3A_1672, %swap3A_1673], %broadcast_in_dim3A_1670 {strides = array<i32>} : memref<40x144xf32, #tpu.memory_space<vmem>>, vector<16xf32>,
    %broadcast_in_dim3A_1675 = arith.constant 0.000000e+00 : f32
    %broadcast_in_dim3A_1676 = vector.broadcast %broadcast_in_dim3A_1675 : f32 to vector<16xf32>
    %swap3A_1677 = arith.constant 31 : i32
    %swap3A_1678 = arith.index_cast %swap3A_1677 : i32 to index
    %swap3A_1679 = arith.constant 0 : index
    %swap3A_1680 = tpu.vector_load %arg15[%swap3A_1678, %swap3A_1679] {strides = array<i32>} : memref<40x144xf32, #tpu.memory_space<vmem>>, vector<16xf32>,
    tpu.vector_store %arg15[%swap3A_1678, %swap3A_1679], %broadcast_in_dim3A_1676 {strides = array<i32>} : memref<40x144xf32, #tpu.memory_space<vmem>>, vector<16xf32>,
    %broadcast_in_dim3A_1681 = arith.constant 0.000000e+00 : f32
    %broadcast_in_dim3A_1682 = vector.broadcast %broadcast_in_dim3A_1681 : f32 to vector<16xf32>
    %swap3A_1683 = arith.constant 31 : i32
    %swap3A_1684 = arith.index_cast %swap3A_1683 : i32 to index
    %swap3A_1685 = arith.constant 16 : index
    %swap3A_1686 = tpu.vector_load %arg15[%swap3A_1684, %swap3A_1685] {strides = array<i32>} : memref<40x144xf32, #tpu.memory_space<vmem>>, vector<16xf32>,
    tpu.vector_store %arg15[%swap3A_1684, %swap3A_1685], %broadcast_in_dim3A_1682 {strides = array<i32>} : memref<40x144xf32, #tpu.memory_space<vmem>>, vector<16xf32>,
    %broadcast_in_dim3A_1687 = arith.constant 0.000000e+00 : f32
    %broadcast_in_dim3A_1688 = vector.broadcast %broadcast_in_dim3A_1687 : f32 to vector<16xf32>
    %swap3A_1689 = arith.constant 31 : i32
    %swap3A_1690 = arith.index_cast %swap3A_1689 : i32 to index
    %swap3A_1691 = arith.constant 32 : index
    %swap3A_1692 = tpu.vector_load %arg15[%swap3A_1690, %swap3A_1691] {strides = array<i32>} : memref<40x144xf32, #tpu.memory_space<vmem>>, vector<16xf32>,
    tpu.vector_store %arg15[%swap3A_1690, %swap3A_1691], %broadcast_in_dim3A_1688 {strides = array<i32>} : memref<40x144xf32, #tpu.memory_space<vmem>>, vector<16xf32>,
    %broadcast_in_dim3A_1693 = arith.constant 0.000000e+00 : f32
    %broadcast_in_dim3A_1694 = vector.broadcast %broadcast_in_dim3A_1693 : f32 to vector<16xf32>
    %swap3A_1695 = arith.constant 31 : i32
    %swap3A_1696 = arith.index_cast %swap3A_1695 : i32 to index
    %swap3A_1697 = arith.constant 48 : index
    %swap3A_1698 = tpu.vector_load %arg15[%swap3A_1696, %swap3A_1697] {strides = array<i32>} : memref<40x144xf32, #tpu.memory_space<vmem>>, vector<16xf32>,
    tpu.vector_store %arg15[%swap3A_1696, %swap3A_1697], %broadcast_in_dim3A_1694 {strides = array<i32>} : memref<40x144xf32, #tpu.memory_space<vmem>>, vector<16xf32>,
    %broadcast_in_dim3A_1699 = arith.constant 0.000000e+00 : f32
    %broadcast_in_dim3A_1700 = vector.broadcast %broadcast_in_dim3A_1699 : f32 to vector<16xf32>
    %swap3A_1701 = arith.constant 31 : i32
    %swap3A_1702 = arith.index_cast %swap3A_1701 : i32 to index
    %swap3A_1703 = arith.constant 64 : index
    %swap3A_1704 = tpu.vector_load %arg15[%swap3A_1702, %swap3A_1703] {strides = array<i32>} : memref<40x144xf32, #tpu.memory_space<vmem>>, vector<16xf32>,
    tpu.vector_store %arg15[%swap3A_1702, %swap3A_1703], %broadcast_in_dim3A_1700 {strides = array<i32>} : memref<40x144xf32, #tpu.memory_space<vmem>>, vector<16xf32>,
    %broadcast_in_dim3A_1705 = arith.constant 0.000000e+00 : f32
    %broadcast_in_dim3A_1706 = vector.broadcast %broadcast_in_dim3A_1705 : f32 to vector<16xf32>
    %swap3A_1707 = arith.constant 31 : i32
    %swap3A_1708 = arith.index_cast %swap3A_1707 : i32 to index
    %swap3A_1709 = arith.constant 80 : index
    %swap3A_1710 = tpu.vector_load %arg15[%swap3A_1708, %swap3A_1709] {strides = array<i32>} : memref<40x144xf32, #tpu.memory_space<vmem>>, vector<16xf32>,
    tpu.vector_store %arg15[%swap3A_1708, %swap3A_1709], %broadcast_in_dim3A_1706 {strides = array<i32>} : memref<40x144xf32, #tpu.memory_space<vmem>>, vector<16xf32>,
    %broadcast_in_dim3A_1711 = arith.constant 0.000000e+00 : f32
    %broadcast_in_dim3A_1712 = vector.broadcast %broadcast_in_dim3A_1711 : f32 to vector<16xf32>
    %swap3A_1713 = arith.constant 31 : i32
    %swap3A_1714 = arith.index_cast %swap3A_1713 : i32 to index
    %swap3A_1715 = arith.constant 96 : index
    %swap3A_1716 = tpu.vector_load %arg15[%swap3A_1714, %swap3A_1715] {strides = array<i32>} : memref<40x144xf32, #tpu.memory_space<vmem>>, vector<16xf32>,
    tpu.vector_store %arg15[%swap3A_1714, %swap3A_1715], %broadcast_in_dim3A_1712 {strides = array<i32>} : memref<40x144xf32, #tpu.memory_space<vmem>>, vector<16xf32>,
    %broadcast_in_dim3A_1717 = arith.constant 0.000000e+00 : f32
    %broadcast_in_dim3A_1718 = vector.broadcast %broadcast_in_dim3A_1717 : f32 to vector<16xf32>
    %swap3A_1719 = arith.constant 31 : i32
    %swap3A_1720 = arith.index_cast %swap3A_1719 : i32 to index
    %swap3A_1721 = arith.constant 112 : index
    %swap3A_1722 = tpu.vector_load %arg15[%swap3A_1720, %swap3A_1721] {strides = array<i32>} : memref<40x144xf32, #tpu.memory_space<vmem>>, vector<16xf32>,
    tpu.vector_store %arg15[%swap3A_1720, %swap3A_1721], %broadcast_in_dim3A_1718 {strides = array<i32>} : memref<40x144xf32, #tpu.memory_space<vmem>>, vector<16xf32>,
    %broadcast_in_dim3A_1723 = arith.constant 0.000000e+00 : f32
    %broadcast_in_dim3A_1724 = vector.broadcast %broadcast_in_dim3A_1723 : f32 to vector<16xf32>
    %swap3A_1725 = arith.constant 31 : i32
    %swap3A_1726 = arith.index_cast %swap3A_1725 : i32 to index
    %swap3A_1727 = arith.constant 128 : index
    %swap3A_1728 = tpu.vector_load %arg15[%swap3A_1726, %swap3A_1727] {strides = array<i32>} : memref<40x144xf32, #tpu.memory_space<vmem>>, vector<16xf32>,
    tpu.vector_store %arg15[%swap3A_1726, %swap3A_1727], %broadcast_in_dim3A_1724 {strides = array<i32>} : memref<40x144xf32, #tpu.memory_space<vmem>>, vector<16xf32>,
    %broadcast_in_dim3A_1729 = arith.constant 0.000000e+00 : f32
    %broadcast_in_dim3A_1730 = vector.broadcast %broadcast_in_dim3A_1729 : f32 to vector<16xf32>
    %swap3A_1731 = arith.constant 32 : i32
    %swap3A_1732 = arith.index_cast %swap3A_1731 : i32 to index
    %swap3A_1733 = arith.constant 0 : index
    %swap3A_1734 = tpu.vector_load %arg15[%swap3A_1732, %swap3A_1733] {strides = array<i32>} : memref<40x144xf32, #tpu.memory_space<vmem>>, vector<16xf32>,
    tpu.vector_store %arg15[%swap3A_1732, %swap3A_1733], %broadcast_in_dim3A_1730 {strides = array<i32>} : memref<40x144xf32, #tpu.memory_space<vmem>>, vector<16xf32>,
    %broadcast_in_dim3A_1735 = arith.constant 0.000000e+00 : f32
    %broadcast_in_dim3A_1736 = vector.broadcast %broadcast_in_dim3A_1735 : f32 to vector<16xf32>
    %swap3A_1737 = arith.constant 32 : i32
    %swap3A_1738 = arith.index_cast %swap3A_1737 : i32 to index
    %swap3A_1739 = arith.constant 16 : index
    %swap3A_1740 = tpu.vector_load %arg15[%swap3A_1738, %swap3A_1739] {strides = array<i32>} : memref<40x144xf32, #tpu.memory_space<vmem>>, vector<16xf32>,
    tpu.vector_store %arg15[%swap3A_1738, %swap3A_1739], %broadcast_in_dim3A_1736 {strides = array<i32>} : memref<40x144xf32, #tpu.memory_space<vmem>>, vector<16xf32>,
    %broadcast_in_dim3A_1741 = arith.constant 0.000000e+00 : f32
    %broadcast_in_dim3A_1742 = vector.broadcast %broadcast_in_dim3A_1741 : f32 to vector<16xf32>
    %swap3A_1743 = arith.constant 32 : i32
    %swap3A_1744 = arith.index_cast %swap3A_1743 : i32 to index
    %swap3A_1745 = arith.constant 32 : index
    %swap3A_1746 = tpu.vector_load %arg15[%swap3A_1744, %swap3A_1745] {strides = array<i32>} : memref<40x144xf32, #tpu.memory_space<vmem>>, vector<16xf32>,
    tpu.vector_store %arg15[%swap3A_1744, %swap3A_1745], %broadcast_in_dim3A_1742 {strides = array<i32>} : memref<40x144xf32, #tpu.memory_space<vmem>>, vector<16xf32>,
    %broadcast_in_dim3A_1747 = arith.constant 0.000000e+00 : f32
    %broadcast_in_dim3A_1748 = vector.broadcast %broadcast_in_dim3A_1747 : f32 to vector<16xf32>
    %swap3A_1749 = arith.constant 32 : i32
    %swap3A_1750 = arith.index_cast %swap3A_1749 : i32 to index
    %swap3A_1751 = arith.constant 48 : index
    %swap3A_1752 = tpu.vector_load %arg15[%swap3A_1750, %swap3A_1751] {strides = array<i32>} : memref<40x144xf32, #tpu.memory_space<vmem>>, vector<16xf32>,
    tpu.vector_store %arg15[%swap3A_1750, %swap3A_1751], %broadcast_in_dim3A_1748 {strides = array<i32>} : memref<40x144xf32, #tpu.memory_space<vmem>>, vector<16xf32>,
    %broadcast_in_dim3A_1753 = arith.constant 0.000000e+00 : f32
    %broadcast_in_dim3A_1754 = vector.broadcast %broadcast_in_dim3A_1753 : f32 to vector<16xf32>
    %swap3A_1755 = arith.constant 32 : i32
    %swap3A_1756 = arith.index_cast %swap3A_1755 : i32 to index
    %swap3A_1757 = arith.constant 64 : index
    %swap3A_1758 = tpu.vector_load %arg15[%swap3A_1756, %swap3A_1757] {strides = array<i32>} : memref<40x144xf32, #tpu.memory_space<vmem>>, vector<16xf32>,
    tpu.vector_store %arg15[%swap3A_1756, %swap3A_1757], %broadcast_in_dim3A_1754 {strides = array<i32>} : memref<40x144xf32, #tpu.memory_space<vmem>>, vector<16xf32>,
    %broadcast_in_dim3A_1759 = arith.constant 0.000000e+00 : f32
    %broadcast_in_dim3A_1760 = vector.broadcast %broadcast_in_dim3A_1759 : f32 to vector<16xf32>
    %swap3A_1761 = arith.constant 32 : i32
    %swap3A_1762 = arith.index_cast %swap3A_1761 : i32 to index
    %swap3A_1763 = arith.constant 80 : index
    %swap3A_1764 = tpu.vector_load %arg15[%swap3A_1762, %swap3A_1763] {strides = array<i32>} : memref<40x144xf32, #tpu.memory_space<vmem>>, vector<16xf32>,
    tpu.vector_store %arg15[%swap3A_1762, %swap3A_1763], %broadcast_in_dim3A_1760 {strides = array<i32>} : memref<40x144xf32, #tpu.memory_space<vmem>>, vector<16xf32>,
    %broadcast_in_dim3A_1765 = arith.constant 0.000000e+00 : f32
    %broadcast_in_dim3A_1766 = vector.broadcast %broadcast_in_dim3A_1765 : f32 to vector<16xf32>
    %swap3A_1767 = arith.constant 32 : i32
    %swap3A_1768 = arith.index_cast %swap3A_1767 : i32 to index
    %swap3A_1769 = arith.constant 96 : index
    %swap3A_1770 = tpu.vector_load %arg15[%swap3A_1768, %swap3A_1769] {strides = array<i32>} : memref<40x144xf32, #tpu.memory_space<vmem>>, vector<16xf32>,
    tpu.vector_store %arg15[%swap3A_1768, %swap3A_1769], %broadcast_in_dim3A_1766 {strides = array<i32>} : memref<40x144xf32, #tpu.memory_space<vmem>>, vector<16xf32>,
    %broadcast_in_dim3A_1771 = arith.constant 0.000000e+00 : f32
    %broadcast_in_dim3A_1772 = vector.broadcast %broadcast_in_dim3A_1771 : f32 to vector<16xf32>
    %swap3A_1773 = arith.constant 32 : i32
    %swap3A_1774 = arith.index_cast %swap3A_1773 : i32 to index
    %swap3A_1775 = arith.constant 112 : index
    %swap3A_1776 = tpu.vector_load %arg15[%swap3A_1774, %swap3A_1775] {strides = array<i32>} : memref<40x144xf32, #tpu.memory_space<vmem>>, vector<16xf32>,
    tpu.vector_store %arg15[%swap3A_1774, %swap3A_1775], %broadcast_in_dim3A_1772 {strides = array<i32>} : memref<40x144xf32, #tpu.memory_space<vmem>>, vector<16xf32>,
    %broadcast_in_dim3A_1777 = arith.constant 0.000000e+00 : f32
    %broadcast_in_dim3A_1778 = vector.broadcast %broadcast_in_dim3A_1777 : f32 to vector<16xf32>
    %swap3A_1779 = arith.constant 32 : i32
    %swap3A_1780 = arith.index_cast %swap3A_1779 : i32 to index
    %swap3A_1781 = arith.constant 128 : index
    %swap3A_1782 = tpu.vector_load %arg15[%swap3A_1780, %swap3A_1781] {strides = array<i32>} : memref<40x144xf32, #tpu.memory_space<vmem>>, vector<16xf32>,
    tpu.vector_store %arg15[%swap3A_1780, %swap3A_1781], %broadcast_in_dim3A_1778 {strides = array<i32>} : memref<40x144xf32, #tpu.memory_space<vmem>>, vector<16xf32>,
    %broadcast_in_dim3A_1783 = arith.constant 0.000000e+00 : f32
    %broadcast_in_dim3A_1784 = vector.broadcast %broadcast_in_dim3A_1783 : f32 to vector<16xf32>
    %swap3A_1785 = arith.constant 33 : i32
    %swap3A_1786 = arith.index_cast %swap3A_1785 : i32 to index
    %swap3A_1787 = arith.constant 0 : index
    %swap3A_1788 = tpu.vector_load %arg15[%swap3A_1786, %swap3A_1787] {strides = array<i32>} : memref<40x144xf32, #tpu.memory_space<vmem>>, vector<16xf32>,
    tpu.vector_store %arg15[%swap3A_1786, %swap3A_1787], %broadcast_in_dim3A_1784 {strides = array<i32>} : memref<40x144xf32, #tpu.memory_space<vmem>>, vector<16xf32>,
    %broadcast_in_dim3A_1789 = arith.constant 0.000000e+00 : f32
    %broadcast_in_dim3A_1790 = vector.broadcast %broadcast_in_dim3A_1789 : f32 to vector<16xf32>
    %swap3A_1791 = arith.constant 33 : i32
    %swap3A_1792 = arith.index_cast %swap3A_1791 : i32 to index
    %swap3A_1793 = arith.constant 16 : index
    %swap3A_1794 = tpu.vector_load %arg15[%swap3A_1792, %swap3A_1793] {strides = array<i32>} : memref<40x144xf32, #tpu.memory_space<vmem>>, vector<16xf32>,
    tpu.vector_store %arg15[%swap3A_1792, %swap3A_1793], %broadcast_in_dim3A_1790 {strides = array<i32>} : memref<40x144xf32, #tpu.memory_space<vmem>>, vector<16xf32>,
    %broadcast_in_dim3A_1795 = arith.constant 0.000000e+00 : f32
    %broadcast_in_dim3A_1796 = vector.broadcast %broadcast_in_dim3A_1795 : f32 to vector<16xf32>
    %swap3A_1797 = arith.constant 33 : i32
    %swap3A_1798 = arith.index_cast %swap3A_1797 : i32 to index
    %swap3A_1799 = arith.constant 32 : index
    %swap3A_1800 = tpu.vector_load %arg15[%swap3A_1798, %swap3A_1799] {strides = array<i32>} : memref<40x144xf32, #tpu.memory_space<vmem>>, vector<16xf32>,
    tpu.vector_store %arg15[%swap3A_1798, %swap3A_1799], %broadcast_in_dim3A_1796 {strides = array<i32>} : memref<40x144xf32, #tpu.memory_space<vmem>>, vector<16xf32>,
    %broadcast_in_dim3A_1801 = arith.constant 0.000000e+00 : f32
    %broadcast_in_dim3A_1802 = vector.broadcast %broadcast_in_dim3A_1801 : f32 to vector<16xf32>
    %swap3A_1803 = arith.constant 33 : i32
    %swap3A_1804 = arith.index_cast %swap3A_1803 : i32 to index
    %swap3A_1805 = arith.constant 48 : index
    %swap3A_1806 = tpu.vector_load %arg15[%swap3A_1804, %swap3A_1805] {strides = array<i32>} : memref<40x144xf32, #tpu.memory_space<vmem>>, vector<16xf32>,
    tpu.vector_store %arg15[%swap3A_1804, %swap3A_1805], %broadcast_in_dim3A_1802 {strides = array<i32>} : memref<40x144xf32, #tpu.memory_space<vmem>>, vector<16xf32>,
    %broadcast_in_dim3A_1807 = arith.constant 0.000000e+00 : f32
    %broadcast_in_dim3A_1808 = vector.broadcast %broadcast_in_dim3A_1807 : f32 to vector<16xf32>
    %swap3A_1809 = arith.constant 33 : i32
    %swap3A_1810 = arith.index_cast %swap3A_1809 : i32 to index
    %swap3A_1811 = arith.constant 64 : index
    %swap3A_1812 = tpu.vector_load %arg15[%swap3A_1810, %swap3A_1811] {strides = array<i32>} : memref<40x144xf32, #tpu.memory_space<vmem>>, vector<16xf32>,
    tpu.vector_store %arg15[%swap3A_1810, %swap3A_1811], %broadcast_in_dim3A_1808 {strides = array<i32>} : memref<40x144xf32, #tpu.memory_space<vmem>>, vector<16xf32>,
    %broadcast_in_dim3A_1813 = arith.constant 0.000000e+00 : f32
    %broadcast_in_dim3A_1814 = vector.broadcast %broadcast_in_dim3A_1813 : f32 to vector<16xf32>
    %swap3A_1815 = arith.constant 33 : i32
    %swap3A_1816 = arith.index_cast %swap3A_1815 : i32 to index
    %swap3A_1817 = arith.constant 80 : index
    %swap3A_1818 = tpu.vector_load %arg15[%swap3A_1816, %swap3A_1817] {strides = array<i32>} : memref<40x144xf32, #tpu.memory_space<vmem>>, vector<16xf32>,
    tpu.vector_store %arg15[%swap3A_1816, %swap3A_1817], %broadcast_in_dim3A_1814 {strides = array<i32>} : memref<40x144xf32, #tpu.memory_space<vmem>>, vector<16xf32>,
    %broadcast_in_dim3A_1819 = arith.constant 0.000000e+00 : f32
    %broadcast_in_dim3A_1820 = vector.broadcast %broadcast_in_dim3A_1819 : f32 to vector<16xf32>
    %swap3A_1821 = arith.constant 33 : i32
    %swap3A_1822 = arith.index_cast %swap3A_1821 : i32 to index
    %swap3A_1823 = arith.constant 96 : index
    %swap3A_1824 = tpu.vector_load %arg15[%swap3A_1822, %swap3A_1823] {strides = array<i32>} : memref<40x144xf32, #tpu.memory_space<vmem>>, vector<16xf32>,
    tpu.vector_store %arg15[%swap3A_1822, %swap3A_1823], %broadcast_in_dim3A_1820 {strides = array<i32>} : memref<40x144xf32, #tpu.memory_space<vmem>>, vector<16xf32>,
    %broadcast_in_dim3A_1825 = arith.constant 0.000000e+00 : f32
    %broadcast_in_dim3A_1826 = vector.broadcast %broadcast_in_dim3A_1825 : f32 to vector<16xf32>
    %swap3A_1827 = arith.constant 33 : i32
    %swap3A_1828 = arith.index_cast %swap3A_1827 : i32 to index
    %swap3A_1829 = arith.constant 112 : index
    %swap3A_1830 = tpu.vector_load %arg15[%swap3A_1828, %swap3A_1829] {strides = array<i32>} : memref<40x144xf32, #tpu.memory_space<vmem>>, vector<16xf32>,
    tpu.vector_store %arg15[%swap3A_1828, %swap3A_1829], %broadcast_in_dim3A_1826 {strides = array<i32>} : memref<40x144xf32, #tpu.memory_space<vmem>>, vector<16xf32>,
    %broadcast_in_dim3A_1831 = arith.constant 0.000000e+00 : f32
    %broadcast_in_dim3A_1832 = vector.broadcast %broadcast_in_dim3A_1831 : f32 to vector<16xf32>
    %swap3A_1833 = arith.constant 33 : i32
    %swap3A_1834 = arith.index_cast %swap3A_1833 : i32 to index
    %swap3A_1835 = arith.constant 128 : index
    %swap3A_1836 = tpu.vector_load %arg15[%swap3A_1834, %swap3A_1835] {strides = array<i32>} : memref<40x144xf32, #tpu.memory_space<vmem>>, vector<16xf32>,
    tpu.vector_store %arg15[%swap3A_1834, %swap3A_1835], %broadcast_in_dim3A_1832 {strides = array<i32>} : memref<40x144xf32, #tpu.memory_space<vmem>>, vector<16xf32>,
    %broadcast_in_dim3A_1837 = arith.constant 0.000000e+00 : f32
    %broadcast_in_dim3A_1838 = vector.broadcast %broadcast_in_dim3A_1837 : f32 to vector<16xf32>
    %swap3A_1839 = arith.constant 34 : i32
    %swap3A_1840 = arith.index_cast %swap3A_1839 : i32 to index
    %swap3A_1841 = arith.constant 0 : index
    %swap3A_1842 = tpu.vector_load %arg15[%swap3A_1840, %swap3A_1841] {strides = array<i32>} : memref<40x144xf32, #tpu.memory_space<vmem>>, vector<16xf32>,
    tpu.vector_store %arg15[%swap3A_1840, %swap3A_1841], %broadcast_in_dim3A_1838 {strides = array<i32>} : memref<40x144xf32, #tpu.memory_space<vmem>>, vector<16xf32>,
    %broadcast_in_dim3A_1843 = arith.constant 0.000000e+00 : f32
    %broadcast_in_dim3A_1844 = vector.broadcast %broadcast_in_dim3A_1843 : f32 to vector<16xf32>
    %swap3A_1845 = arith.constant 34 : i32
    %swap3A_1846 = arith.index_cast %swap3A_1845 : i32 to index
    %swap3A_1847 = arith.constant 16 : index
    %swap3A_1848 = tpu.vector_load %arg15[%swap3A_1846, %swap3A_1847] {strides = array<i32>} : memref<40x144xf32, #tpu.memory_space<vmem>>, vector<16xf32>,
    tpu.vector_store %arg15[%swap3A_1846, %swap3A_1847], %broadcast_in_dim3A_1844 {strides = array<i32>} : memref<40x144xf32, #tpu.memory_space<vmem>>, vector<16xf32>,
    %broadcast_in_dim3A_1849 = arith.constant 0.000000e+00 : f32
    %broadcast_in_dim3A_1850 = vector.broadcast %broadcast_in_dim3A_1849 : f32 to vector<16xf32>
    %swap3A_1851 = arith.constant 34 : i32
    %swap3A_1852 = arith.index_cast %swap3A_1851 : i32 to index
    %swap3A_1853 = arith.constant 32 : index
    %swap3A_1854 = tpu.vector_load %arg15[%swap3A_1852, %swap3A_1853] {strides = array<i32>} : memref<40x144xf32, #tpu.memory_space<vmem>>, vector<16xf32>,
    tpu.vector_store %arg15[%swap3A_1852, %swap3A_1853], %broadcast_in_dim3A_1850 {strides = array<i32>} : memref<40x144xf32, #tpu.memory_space<vmem>>, vector<16xf32>,
    %broadcast_in_dim3A_1855 = arith.constant 0.000000e+00 : f32
    %broadcast_in_dim3A_1856 = vector.broadcast %broadcast_in_dim3A_1855 : f32 to vector<16xf32>
    %swap3A_1857 = arith.constant 34 : i32
    %swap3A_1858 = arith.index_cast %swap3A_1857 : i32 to index
    %swap3A_1859 = arith.constant 48 : index
    %swap3A_1860 = tpu.vector_load %arg15[%swap3A_1858, %swap3A_1859] {strides = array<i32>} : memref<40x144xf32, #tpu.memory_space<vmem>>, vector<16xf32>,
    tpu.vector_store %arg15[%swap3A_1858, %swap3A_1859], %broadcast_in_dim3A_1856 {strides = array<i32>} : memref<40x144xf32, #tpu.memory_space<vmem>>, vector<16xf32>,
    %broadcast_in_dim3A_1861 = arith.constant 0.000000e+00 : f32
    %broadcast_in_dim3A_1862 = vector.broadcast %broadcast_in_dim3A_1861 : f32 to vector<16xf32>
    %swap3A_1863 = arith.constant 34 : i32
    %swap3A_1864 = arith.index_cast %swap3A_1863 : i32 to index
    %swap3A_1865 = arith.constant 64 : index
    %swap3A_1866 = tpu.vector_load %arg15[%swap3A_1864, %swap3A_1865] {strides = array<i32>} : memref<40x144xf32, #tpu.memory_space<vmem>>, vector<16xf32>,
    tpu.vector_store %arg15[%swap3A_1864, %swap3A_1865], %broadcast_in_dim3A_1862 {strides = array<i32>} : memref<40x144xf32, #tpu.memory_space<vmem>>, vector<16xf32>,
    %broadcast_in_dim3A_1867 = arith.constant 0.000000e+00 : f32
    %broadcast_in_dim3A_1868 = vector.broadcast %broadcast_in_dim3A_1867 : f32 to vector<16xf32>
    %swap3A_1869 = arith.constant 34 : i32
    %swap3A_1870 = arith.index_cast %swap3A_1869 : i32 to index
    %swap3A_1871 = arith.constant 80 : index
    %swap3A_1872 = tpu.vector_load %arg15[%swap3A_1870, %swap3A_1871] {strides = array<i32>} : memref<40x144xf32, #tpu.memory_space<vmem>>, vector<16xf32>,
    tpu.vector_store %arg15[%swap3A_1870, %swap3A_1871], %broadcast_in_dim3A_1868 {strides = array<i32>} : memref<40x144xf32, #tpu.memory_space<vmem>>, vector<16xf32>,
    %broadcast_in_dim3A_1873 = arith.constant 0.000000e+00 : f32
    %broadcast_in_dim3A_1874 = vector.broadcast %broadcast_in_dim3A_1873 : f32 to vector<16xf32>
    %swap3A_1875 = arith.constant 34 : i32
    %swap3A_1876 = arith.index_cast %swap3A_1875 : i32 to index
    %swap3A_1877 = arith.constant 96 : index
    %swap3A_1878 = tpu.vector_load %arg15[%swap3A_1876, %swap3A_1877] {strides = array<i32>} : memref<40x144xf32, #tpu.memory_space<vmem>>, vector<16xf32>,
    tpu.vector_store %arg15[%swap3A_1876, %swap3A_1877], %broadcast_in_dim3A_1874 {strides = array<i32>} : memref<40x144xf32, #tpu.memory_space<vmem>>, vector<16xf32>,
    %broadcast_in_dim3A_1879 = arith.constant 0.000000e+00 : f32
    %broadcast_in_dim3A_1880 = vector.broadcast %broadcast_in_dim3A_1879 : f32 to vector<16xf32>
    %swap3A_1881 = arith.constant 34 : i32
    %swap3A_1882 = arith.index_cast %swap3A_1881 : i32 to index
    %swap3A_1883 = arith.constant 112 : index
    %swap3A_1884 = tpu.vector_load %arg15[%swap3A_1882, %swap3A_1883] {strides = array<i32>} : memref<40x144xf32, #tpu.memory_space<vmem>>, vector<16xf32>,
    tpu.vector_store %arg15[%swap3A_1882, %swap3A_1883], %broadcast_in_dim3A_1880 {strides = array<i32>} : memref<40x144xf32, #tpu.memory_space<vmem>>, vector<16xf32>,
    %broadcast_in_dim3A_1885 = arith.constant 0.000000e+00 : f32
    %broadcast_in_dim3A_1886 = vector.broadcast %broadcast_in_dim3A_1885 : f32 to vector<16xf32>
    %swap3A_1887 = arith.constant 34 : i32
    %swap3A_1888 = arith.index_cast %swap3A_1887 : i32 to index
    %swap3A_1889 = arith.constant 128 : index
    %swap3A_1890 = tpu.vector_load %arg15[%swap3A_1888, %swap3A_1889] {strides = array<i32>} : memref<40x144xf32, #tpu.memory_space<vmem>>, vector<16xf32>,
    tpu.vector_store %arg15[%swap3A_1888, %swap3A_1889], %broadcast_in_dim3A_1886 {strides = array<i32>} : memref<40x144xf32, #tpu.memory_space<vmem>>, vector<16xf32>,
    %broadcast_in_dim3A_1891 = arith.constant 0.000000e+00 : f32
    %broadcast_in_dim3A_1892 = vector.broadcast %broadcast_in_dim3A_1891 : f32 to vector<16xf32>
    %swap3A_1893 = arith.constant 35 : i32
    %swap3A_1894 = arith.index_cast %swap3A_1893 : i32 to index
    %swap3A_1895 = arith.constant 0 : index
    %swap3A_1896 = tpu.vector_load %arg15[%swap3A_1894, %swap3A_1895] {strides = array<i32>} : memref<40x144xf32, #tpu.memory_space<vmem>>, vector<16xf32>,
    tpu.vector_store %arg15[%swap3A_1894, %swap3A_1895], %broadcast_in_dim3A_1892 {strides = array<i32>} : memref<40x144xf32, #tpu.memory_space<vmem>>, vector<16xf32>,
    %broadcast_in_dim3A_1897 = arith.constant 0.000000e+00 : f32
    %broadcast_in_dim3A_1898 = vector.broadcast %broadcast_in_dim3A_1897 : f32 to vector<16xf32>
    %swap3A_1899 = arith.constant 35 : i32
    %swap3A_1900 = arith.index_cast %swap3A_1899 : i32 to index
    %swap3A_1901 = arith.constant 16 : index
    %swap3A_1902 = tpu.vector_load %arg15[%swap3A_1900, %swap3A_1901] {strides = array<i32>} : memref<40x144xf32, #tpu.memory_space<vmem>>, vector<16xf32>,
    tpu.vector_store %arg15[%swap3A_1900, %swap3A_1901], %broadcast_in_dim3A_1898 {strides = array<i32>} : memref<40x144xf32, #tpu.memory_space<vmem>>, vector<16xf32>,
    %broadcast_in_dim3A_1903 = arith.constant 0.000000e+00 : f32
    %broadcast_in_dim3A_1904 = vector.broadcast %broadcast_in_dim3A_1903 : f32 to vector<16xf32>
    %swap3A_1905 = arith.constant 35 : i32
    %swap3A_1906 = arith.index_cast %swap3A_1905 : i32 to index
    %swap3A_1907 = arith.constant 32 : index
    %swap3A_1908 = tpu.vector_load %arg15[%swap3A_1906, %swap3A_1907] {strides = array<i32>} : memref<40x144xf32, #tpu.memory_space<vmem>>, vector<16xf32>,
    tpu.vector_store %arg15[%swap3A_1906, %swap3A_1907], %broadcast_in_dim3A_1904 {strides = array<i32>} : memref<40x144xf32, #tpu.memory_space<vmem>>, vector<16xf32>,
    %broadcast_in_dim3A_1909 = arith.constant 0.000000e+00 : f32
    %broadcast_in_dim3A_1910 = vector.broadcast %broadcast_in_dim3A_1909 : f32 to vector<16xf32>
    %swap3A_1911 = arith.constant 35 : i32
    %swap3A_1912 = arith.index_cast %swap3A_1911 : i32 to index
    %swap3A_1913 = arith.constant 48 : index
    %swap3A_1914 = tpu.vector_load %arg15[%swap3A_1912, %swap3A_1913] {strides = array<i32>} : memref<40x144xf32, #tpu.memory_space<vmem>>, vector<16xf32>,
    tpu.vector_store %arg15[%swap3A_1912, %swap3A_1913], %broadcast_in_dim3A_1910 {strides = array<i32>} : memref<40x144xf32, #tpu.memory_space<vmem>>, vector<16xf32>,
    %broadcast_in_dim3A_1915 = arith.constant 0.000000e+00 : f32
    %broadcast_in_dim3A_1916 = vector.broadcast %broadcast_in_dim3A_1915 : f32 to vector<16xf32>
    %swap3A_1917 = arith.constant 35 : i32
    %swap3A_1918 = arith.index_cast %swap3A_1917 : i32 to index
    %swap3A_1919 = arith.constant 64 : index
    %swap3A_1920 = tpu.vector_load %arg15[%swap3A_1918, %swap3A_1919] {strides = array<i32>} : memref<40x144xf32, #tpu.memory_space<vmem>>, vector<16xf32>,
    tpu.vector_store %arg15[%swap3A_1918, %swap3A_1919], %broadcast_in_dim3A_1916 {strides = array<i32>} : memref<40x144xf32, #tpu.memory_space<vmem>>, vector<16xf32>,
    %broadcast_in_dim3A_1921 = arith.constant 0.000000e+00 : f32
    %broadcast_in_dim3A_1922 = vector.broadcast %broadcast_in_dim3A_1921 : f32 to vector<16xf32>
    %swap3A_1923 = arith.constant 35 : i32
    %swap3A_1924 = arith.index_cast %swap3A_1923 : i32 to index
    %swap3A_1925 = arith.constant 80 : index
    %swap3A_1926 = tpu.vector_load %arg15[%swap3A_1924, %swap3A_1925] {strides = array<i32>} : memref<40x144xf32, #tpu.memory_space<vmem>>, vector<16xf32>,
    tpu.vector_store %arg15[%swap3A_1924, %swap3A_1925], %broadcast_in_dim3A_1922 {strides = array<i32>} : memref<40x144xf32, #tpu.memory_space<vmem>>, vector<16xf32>,
    %broadcast_in_dim3A_1927 = arith.constant 0.000000e+00 : f32
    %broadcast_in_dim3A_1928 = vector.broadcast %broadcast_in_dim3A_1927 : f32 to vector<16xf32>
    %swap3A_1929 = arith.constant 35 : i32
    %swap3A_1930 = arith.index_cast %swap3A_1929 : i32 to index
    %swap3A_1931 = arith.constant 96 : index
    %swap3A_1932 = tpu.vector_load %arg15[%swap3A_1930, %swap3A_1931] {strides = array<i32>} : memref<40x144xf32, #tpu.memory_space<vmem>>, vector<16xf32>,
    tpu.vector_store %arg15[%swap3A_1930, %swap3A_1931], %broadcast_in_dim3A_1928 {strides = array<i32>} : memref<40x144xf32, #tpu.memory_space<vmem>>, vector<16xf32>,
    %broadcast_in_dim3A_1933 = arith.constant 0.000000e+00 : f32
    %broadcast_in_dim3A_1934 = vector.broadcast %broadcast_in_dim3A_1933 : f32 to vector<16xf32>
    %swap3A_1935 = arith.constant 35 : i32
    %swap3A_1936 = arith.index_cast %swap3A_1935 : i32 to index
    %swap3A_1937 = arith.constant 112 : index
    %swap3A_1938 = tpu.vector_load %arg15[%swap3A_1936, %swap3A_1937] {strides = array<i32>} : memref<40x144xf32, #tpu.memory_space<vmem>>, vector<16xf32>,
    tpu.vector_store %arg15[%swap3A_1936, %swap3A_1937], %broadcast_in_dim3A_1934 {strides = array<i32>} : memref<40x144xf32, #tpu.memory_space<vmem>>, vector<16xf32>,
    %broadcast_in_dim3A_1939 = arith.constant 0.000000e+00 : f32
    %broadcast_in_dim3A_1940 = vector.broadcast %broadcast_in_dim3A_1939 : f32 to vector<16xf32>
    %swap3A_1941 = arith.constant 35 : i32
    %swap3A_1942 = arith.index_cast %swap3A_1941 : i32 to index
    %swap3A_1943 = arith.constant 128 : index
    %swap3A_1944 = tpu.vector_load %arg15[%swap3A_1942, %swap3A_1943] {strides = array<i32>} : memref<40x144xf32, #tpu.memory_space<vmem>>, vector<16xf32>,
    tpu.vector_store %arg15[%swap3A_1942, %swap3A_1943], %broadcast_in_dim3A_1940 {strides = array<i32>} : memref<40x144xf32, #tpu.memory_space<vmem>>, vector<16xf32>,
    %broadcast_in_dim3A_1945 = arith.constant 0.000000e+00 : f32
    %broadcast_in_dim3A_1946 = vector.broadcast %broadcast_in_dim3A_1945 : f32 to vector<16xf32>
    %swap3A_1947 = arith.constant 36 : i32
    %swap3A_1948 = arith.index_cast %swap3A_1947 : i32 to index
    %swap3A_1949 = arith.constant 0 : index
    %swap3A_1950 = tpu.vector_load %arg15[%swap3A_1948, %swap3A_1949] {strides = array<i32>} : memref<40x144xf32, #tpu.memory_space<vmem>>, vector<16xf32>,
    tpu.vector_store %arg15[%swap3A_1948, %swap3A_1949], %broadcast_in_dim3A_1946 {strides = array<i32>} : memref<40x144xf32, #tpu.memory_space<vmem>>, vector<16xf32>,
    %broadcast_in_dim3A_1951 = arith.constant 0.000000e+00 : f32
    %broadcast_in_dim3A_1952 = vector.broadcast %broadcast_in_dim3A_1951 : f32 to vector<16xf32>
    %swap3A_1953 = arith.constant 36 : i32
    %swap3A_1954 = arith.index_cast %swap3A_1953 : i32 to index
    %swap3A_1955 = arith.constant 16 : index
    %swap3A_1956 = tpu.vector_load %arg15[%swap3A_1954, %swap3A_1955] {strides = array<i32>} : memref<40x144xf32, #tpu.memory_space<vmem>>, vector<16xf32>,
    tpu.vector_store %arg15[%swap3A_1954, %swap3A_1955], %broadcast_in_dim3A_1952 {strides = array<i32>} : memref<40x144xf32, #tpu.memory_space<vmem>>, vector<16xf32>,
    %broadcast_in_dim3A_1957 = arith.constant 0.000000e+00 : f32
    %broadcast_in_dim3A_1958 = vector.broadcast %broadcast_in_dim3A_1957 : f32 to vector<16xf32>
    %swap3A_1959 = arith.constant 36 : i32
    %swap3A_1960 = arith.index_cast %swap3A_1959 : i32 to index
    %swap3A_1961 = arith.constant 32 : index
    %swap3A_1962 = tpu.vector_load %arg15[%swap3A_1960, %swap3A_1961] {strides = array<i32>} : memref<40x144xf32, #tpu.memory_space<vmem>>, vector<16xf32>,
    tpu.vector_store %arg15[%swap3A_1960, %swap3A_1961], %broadcast_in_dim3A_1958 {strides = array<i32>} : memref<40x144xf32, #tpu.memory_space<vmem>>, vector<16xf32>,
    %broadcast_in_dim3A_1963 = arith.constant 0.000000e+00 : f32
    %broadcast_in_dim3A_1964 = vector.broadcast %broadcast_in_dim3A_1963 : f32 to vector<16xf32>
    %swap3A_1965 = arith.constant 36 : i32
    %swap3A_1966 = arith.index_cast %swap3A_1965 : i32 to index
    %swap3A_1967 = arith.constant 48 : index
    %swap3A_1968 = tpu.vector_load %arg15[%swap3A_1966, %swap3A_1967] {strides = array<i32>} : memref<40x144xf32, #tpu.memory_space<vmem>>, vector<16xf32>,
    tpu.vector_store %arg15[%swap3A_1966, %swap3A_1967], %broadcast_in_dim3A_1964 {strides = array<i32>} : memref<40x144xf32, #tpu.memory_space<vmem>>, vector<16xf32>,
    %broadcast_in_dim3A_1969 = arith.constant 0.000000e+00 : f32
    %broadcast_in_dim3A_1970 = vector.broadcast %broadcast_in_dim3A_1969 : f32 to vector<16xf32>
    %swap3A_1971 = arith.constant 36 : i32
    %swap3A_1972 = arith.index_cast %swap3A_1971 : i32 to index
    %swap3A_1973 = arith.constant 64 : index
    %swap3A_1974 = tpu.vector_load %arg15[%swap3A_1972, %swap3A_1973] {strides = array<i32>} : memref<40x144xf32, #tpu.memory_space<vmem>>, vector<16xf32>,
    tpu.vector_store %arg15[%swap3A_1972, %swap3A_1973], %broadcast_in_dim3A_1970 {strides = array<i32>} : memref<40x144xf32, #tpu.memory_space<vmem>>, vector<16xf32>,
    %broadcast_in_dim3A_1975 = arith.constant 0.000000e+00 : f32
    %broadcast_in_dim3A_1976 = vector.broadcast %broadcast_in_dim3A_1975 : f32 to vector<16xf32>
    %swap3A_1977 = arith.constant 36 : i32
    %swap3A_1978 = arith.index_cast %swap3A_1977 : i32 to index
    %swap3A_1979 = arith.constant 80 : index
    %swap3A_1980 = tpu.vector_load %arg15[%swap3A_1978, %swap3A_1979] {strides = array<i32>} : memref<40x144xf32, #tpu.memory_space<vmem>>, vector<16xf32>,
    tpu.vector_store %arg15[%swap3A_1978, %swap3A_1979], %broadcast_in_dim3A_1976 {strides = array<i32>} : memref<40x144xf32, #tpu.memory_space<vmem>>, vector<16xf32>,
    %broadcast_in_dim3A_1981 = arith.constant 0.000000e+00 : f32
    %broadcast_in_dim3A_1982 = vector.broadcast %broadcast_in_dim3A_1981 : f32 to vector<16xf32>
    %swap3A_1983 = arith.constant 36 : i32
    %swap3A_1984 = arith.index_cast %swap3A_1983 : i32 to index
    %swap3A_1985 = arith.constant 96 : index
    %swap3A_1986 = tpu.vector_load %arg15[%swap3A_1984, %swap3A_1985] {strides = array<i32>} : memref<40x144xf32, #tpu.memory_space<vmem>>, vector<16xf32>,
    tpu.vector_store %arg15[%swap3A_1984, %swap3A_1985], %broadcast_in_dim3A_1982 {strides = array<i32>} : memref<40x144xf32, #tpu.memory_space<vmem>>, vector<16xf32>,
    %broadcast_in_dim3A_1987 = arith.constant 0.000000e+00 : f32
    %broadcast_in_dim3A_1988 = vector.broadcast %broadcast_in_dim3A_1987 : f32 to vector<16xf32>
    %swap3A_1989 = arith.constant 36 : i32
    %swap3A_1990 = arith.index_cast %swap3A_1989 : i32 to index
    %swap3A_1991 = arith.constant 112 : index
    %swap3A_1992 = tpu.vector_load %arg15[%swap3A_1990, %swap3A_1991] {strides = array<i32>} : memref<40x144xf32, #tpu.memory_space<vmem>>, vector<16xf32>,
    tpu.vector_store %arg15[%swap3A_1990, %swap3A_1991], %broadcast_in_dim3A_1988 {strides = array<i32>} : memref<40x144xf32, #tpu.memory_space<vmem>>, vector<16xf32>,
    %broadcast_in_dim3A_1993 = arith.constant 0.000000e+00 : f32
    %broadcast_in_dim3A_1994 = vector.broadcast %broadcast_in_dim3A_1993 : f32 to vector<16xf32>
    %swap3A_1995 = arith.constant 36 : i32
    %swap3A_1996 = arith.index_cast %swap3A_1995 : i32 to index
    %swap3A_1997 = arith.constant 128 : index
    %swap3A_1998 = tpu.vector_load %arg15[%swap3A_1996, %swap3A_1997] {strides = array<i32>} : memref<40x144xf32, #tpu.memory_space<vmem>>, vector<16xf32>,
    tpu.vector_store %arg15[%swap3A_1996, %swap3A_1997], %broadcast_in_dim3A_1994 {strides = array<i32>} : memref<40x144xf32, #tpu.memory_space<vmem>>, vector<16xf32>,
    %broadcast_in_dim3A_1999 = arith.constant 0.000000e+00 : f32
    %broadcast_in_dim3A_2000 = vector.broadcast %broadcast_in_dim3A_1999 : f32 to vector<16xf32>
    %swap3A_2001 = arith.constant 37 : i32
    %swap3A_2002 = arith.index_cast %swap3A_2001 : i32 to index
    %swap3A_2003 = arith.constant 0 : index
    %swap3A_2004 = tpu.vector_load %arg15[%swap3A_2002, %swap3A_2003] {strides = array<i32>} : memref<40x144xf32, #tpu.memory_space<vmem>>, vector<16xf32>,
    tpu.vector_store %arg15[%swap3A_2002, %swap3A_2003], %broadcast_in_dim3A_2000 {strides = array<i32>} : memref<40x144xf32, #tpu.memory_space<vmem>>, vector<16xf32>,
    %broadcast_in_dim3A_2005 = arith.constant 0.000000e+00 : f32
    %broadcast_in_dim3A_2006 = vector.broadcast %broadcast_in_dim3A_2005 : f32 to vector<16xf32>
    %swap3A_2007 = arith.constant 37 : i32
    %swap3A_2008 = arith.index_cast %swap3A_2007 : i32 to index
    %swap3A_2009 = arith.constant 16 : index
    %swap3A_2010 = tpu.vector_load %arg15[%swap3A_2008, %swap3A_2009] {strides = array<i32>} : memref<40x144xf32, #tpu.memory_space<vmem>>, vector<16xf32>,
    tpu.vector_store %arg15[%swap3A_2008, %swap3A_2009], %broadcast_in_dim3A_2006 {strides = array<i32>} : memref<40x144xf32, #tpu.memory_space<vmem>>, vector<16xf32>,
    %broadcast_in_dim3A_2011 = arith.constant 0.000000e+00 : f32
    %broadcast_in_dim3A_2012 = vector.broadcast %broadcast_in_dim3A_2011 : f32 to vector<16xf32>
    %swap3A_2013 = arith.constant 37 : i32
    %swap3A_2014 = arith.index_cast %swap3A_2013 : i32 to index
    %swap3A_2015 = arith.constant 32 : index
    %swap3A_2016 = tpu.vector_load %arg15[%swap3A_2014, %swap3A_2015] {strides = array<i32>} : memref<40x144xf32, #tpu.memory_space<vmem>>, vector<16xf32>,
    tpu.vector_store %arg15[%swap3A_2014, %swap3A_2015], %broadcast_in_dim3A_2012 {strides = array<i32>} : memref<40x144xf32, #tpu.memory_space<vmem>>, vector<16xf32>,
    %broadcast_in_dim3A_2017 = arith.constant 0.000000e+00 : f32
    %broadcast_in_dim3A_2018 = vector.broadcast %broadcast_in_dim3A_2017 : f32 to vector<16xf32>
    %swap3A_2019 = arith.constant 37 : i32
    %swap3A_2020 = arith.index_cast %swap3A_2019 : i32 to index
    %swap3A_2021 = arith.constant 48 : index
    %swap3A_2022 = tpu.vector_load %arg15[%swap3A_2020, %swap3A_2021] {strides = array<i32>} : memref<40x144xf32, #tpu.memory_space<vmem>>, vector<16xf32>,
    tpu.vector_store %arg15[%swap3A_2020, %swap3A_2021], %broadcast_in_dim3A_2018 {strides = array<i32>} : memref<40x144xf32, #tpu.memory_space<vmem>>, vector<16xf32>,
    %broadcast_in_dim3A_2023 = arith.constant 0.000000e+00 : f32
    %broadcast_in_dim3A_2024 = vector.broadcast %broadcast_in_dim3A_2023 : f32 to vector<16xf32>
    %swap3A_2025 = arith.constant 37 : i32
    %swap3A_2026 = arith.index_cast %swap3A_2025 : i32 to index
    %swap3A_2027 = arith.constant 64 : index
    %swap3A_2028 = tpu.vector_load %arg15[%swap3A_2026, %swap3A_2027] {strides = array<i32>} : memref<40x144xf32, #tpu.memory_space<vmem>>, vector<16xf32>,
    tpu.vector_store %arg15[%swap3A_2026, %swap3A_2027], %broadcast_in_dim3A_2024 {strides = array<i32>} : memref<40x144xf32, #tpu.memory_space<vmem>>, vector<16xf32>,
    %broadcast_in_dim3A_2029 = arith.constant 0.000000e+00 : f32
    %broadcast_in_dim3A_2030 = vector.broadcast %broadcast_in_dim3A_2029 : f32 to vector<16xf32>
    %swap3A_2031 = arith.constant 37 : i32
    %swap3A_2032 = arith.index_cast %swap3A_2031 : i32 to index
    %swap3A_2033 = arith.constant 80 : index
    %swap3A_2034 = tpu.vector_load %arg15[%swap3A_2032, %swap3A_2033] {strides = array<i32>} : memref<40x144xf32, #tpu.memory_space<vmem>>, vector<16xf32>,
    tpu.vector_store %arg15[%swap3A_2032, %swap3A_2033], %broadcast_in_dim3A_2030 {strides = array<i32>} : memref<40x144xf32, #tpu.memory_space<vmem>>, vector<16xf32>,
    %broadcast_in_dim3A_2035 = arith.constant 0.000000e+00 : f32
    %broadcast_in_dim3A_2036 = vector.broadcast %broadcast_in_dim3A_2035 : f32 to vector<16xf32>
    %swap3A_2037 = arith.constant 37 : i32
    %swap3A_2038 = arith.index_cast %swap3A_2037 : i32 to index
    %swap3A_2039 = arith.constant 96 : index
    %swap3A_2040 = tpu.vector_load %arg15[%swap3A_2038, %swap3A_2039] {strides = array<i32>} : memref<40x144xf32, #tpu.memory_space<vmem>>, vector<16xf32>,
    tpu.vector_store %arg15[%swap3A_2038, %swap3A_2039], %broadcast_in_dim3A_2036 {strides = array<i32>} : memref<40x144xf32, #tpu.memory_space<vmem>>, vector<16xf32>,
    %broadcast_in_dim3A_2041 = arith.constant 0.000000e+00 : f32
    %broadcast_in_dim3A_2042 = vector.broadcast %broadcast_in_dim3A_2041 : f32 to vector<16xf32>
    %swap3A_2043 = arith.constant 37 : i32
    %swap3A_2044 = arith.index_cast %swap3A_2043 : i32 to index
    %swap3A_2045 = arith.constant 112 : index
    %swap3A_2046 = tpu.vector_load %arg15[%swap3A_2044, %swap3A_2045] {strides = array<i32>} : memref<40x144xf32, #tpu.memory_space<vmem>>, vector<16xf32>,
    tpu.vector_store %arg15[%swap3A_2044, %swap3A_2045], %broadcast_in_dim3A_2042 {strides = array<i32>} : memref<40x144xf32, #tpu.memory_space<vmem>>, vector<16xf32>,
    %broadcast_in_dim3A_2047 = arith.constant 0.000000e+00 : f32
    %broadcast_in_dim3A_2048 = vector.broadcast %broadcast_in_dim3A_2047 : f32 to vector<16xf32>
    %swap3A_2049 = arith.constant 37 : i32
    %swap3A_2050 = arith.index_cast %swap3A_2049 : i32 to index
    %swap3A_2051 = arith.constant 128 : index
    %swap3A_2052 = tpu.vector_load %arg15[%swap3A_2050, %swap3A_2051] {strides = array<i32>} : memref<40x144xf32, #tpu.memory_space<vmem>>, vector<16xf32>,
    tpu.vector_store %arg15[%swap3A_2050, %swap3A_2051], %broadcast_in_dim3A_2048 {strides = array<i32>} : memref<40x144xf32, #tpu.memory_space<vmem>>, vector<16xf32>,
    %broadcast_in_dim3A_2053 = arith.constant 0.000000e+00 : f32
    %broadcast_in_dim3A_2054 = vector.broadcast %broadcast_in_dim3A_2053 : f32 to vector<16xf32>
    %swap3A_2055 = arith.constant 38 : i32
    %swap3A_2056 = arith.index_cast %swap3A_2055 : i32 to index
    %swap3A_2057 = arith.constant 0 : index
    %swap3A_2058 = tpu.vector_load %arg15[%swap3A_2056, %swap3A_2057] {strides = array<i32>} : memref<40x144xf32, #tpu.memory_space<vmem>>, vector<16xf32>,
    tpu.vector_store %arg15[%swap3A_2056, %swap3A_2057], %broadcast_in_dim3A_2054 {strides = array<i32>} : memref<40x144xf32, #tpu.memory_space<vmem>>, vector<16xf32>,
    %broadcast_in_dim3A_2059 = arith.constant 0.000000e+00 : f32
    %broadcast_in_dim3A_2060 = vector.broadcast %broadcast_in_dim3A_2059 : f32 to vector<16xf32>
    %swap3A_2061 = arith.constant 38 : i32
    %swap3A_2062 = arith.index_cast %swap3A_2061 : i32 to index
    %swap3A_2063 = arith.constant 16 : index
    %swap3A_2064 = tpu.vector_load %arg15[%swap3A_2062, %swap3A_2063] {strides = array<i32>} : memref<40x144xf32, #tpu.memory_space<vmem>>, vector<16xf32>,
    tpu.vector_store %arg15[%swap3A_2062, %swap3A_2063], %broadcast_in_dim3A_2060 {strides = array<i32>} : memref<40x144xf32, #tpu.memory_space<vmem>>, vector<16xf32>,
    %broadcast_in_dim3A_2065 = arith.constant 0.000000e+00 : f32
    %broadcast_in_dim3A_2066 = vector.broadcast %broadcast_in_dim3A_2065 : f32 to vector<16xf32>
    %swap3A_2067 = arith.constant 38 : i32
    %swap3A_2068 = arith.index_cast %swap3A_2067 : i32 to index
    %swap3A_2069 = arith.constant 32 : index
    %swap3A_2070 = tpu.vector_load %arg15[%swap3A_2068, %swap3A_2069] {strides = array<i32>} : memref<40x144xf32, #tpu.memory_space<vmem>>, vector<16xf32>,
    tpu.vector_store %arg15[%swap3A_2068, %swap3A_2069], %broadcast_in_dim3A_2066 {strides = array<i32>} : memref<40x144xf32, #tpu.memory_space<vmem>>, vector<16xf32>,
    %broadcast_in_dim3A_2071 = arith.constant 0.000000e+00 : f32
    %broadcast_in_dim3A_2072 = vector.broadcast %broadcast_in_dim3A_2071 : f32 to vector<16xf32>
    %swap3A_2073 = arith.constant 38 : i32
    %swap3A_2074 = arith.index_cast %swap3A_2073 : i32 to index
    %swap3A_2075 = arith.constant 48 : index
    %swap3A_2076 = tpu.vector_load %arg15[%swap3A_2074, %swap3A_2075] {strides = array<i32>} : memref<40x144xf32, #tpu.memory_space<vmem>>, vector<16xf32>,
    tpu.vector_store %arg15[%swap3A_2074, %swap3A_2075], %broadcast_in_dim3A_2072 {strides = array<i32>} : memref<40x144xf32, #tpu.memory_space<vmem>>, vector<16xf32>,
    %broadcast_in_dim3A_2077 = arith.constant 0.000000e+00 : f32
    %broadcast_in_dim3A_2078 = vector.broadcast %broadcast_in_dim3A_2077 : f32 to vector<16xf32>
    %swap3A_2079 = arith.constant 38 : i32
    %swap3A_2080 = arith.index_cast %swap3A_2079 : i32 to index
    %swap3A_2081 = arith.constant 64 : index
    %swap3A_2082 = tpu.vector_load %arg15[%swap3A_2080, %swap3A_2081] {strides = array<i32>} : memref<40x144xf32, #tpu.memory_space<vmem>>, vector<16xf32>,
    tpu.vector_store %arg15[%swap3A_2080, %swap3A_2081], %broadcast_in_dim3A_2078 {strides = array<i32>} : memref<40x144xf32, #tpu.memory_space<vmem>>, vector<16xf32>,
    %broadcast_in_dim3A_2083 = arith.constant 0.000000e+00 : f32
    %broadcast_in_dim3A_2084 = vector.broadcast %broadcast_in_dim3A_2083 : f32 to vector<16xf32>
    %swap3A_2085 = arith.constant 38 : i32
    %swap3A_2086 = arith.index_cast %swap3A_2085 : i32 to index
    %swap3A_2087 = arith.constant 80 : index
    %swap3A_2088 = tpu.vector_load %arg15[%swap3A_2086, %swap3A_2087] {strides = array<i32>} : memref<40x144xf32, #tpu.memory_space<vmem>>, vector<16xf32>,
    tpu.vector_store %arg15[%swap3A_2086, %swap3A_2087], %broadcast_in_dim3A_2084 {strides = array<i32>} : memref<40x144xf32, #tpu.memory_space<vmem>>, vector<16xf32>,
    %broadcast_in_dim3A_2089 = arith.constant 0.000000e+00 : f32
    %broadcast_in_dim3A_2090 = vector.broadcast %broadcast_in_dim3A_2089 : f32 to vector<16xf32>
    %swap3A_2091 = arith.constant 38 : i32
    %swap3A_2092 = arith.index_cast %swap3A_2091 : i32 to index
    %swap3A_2093 = arith.constant 96 : index
    %swap3A_2094 = tpu.vector_load %arg15[%swap3A_2092, %swap3A_2093] {strides = array<i32>} : memref<40x144xf32, #tpu.memory_space<vmem>>, vector<16xf32>,
    tpu.vector_store %arg15[%swap3A_2092, %swap3A_2093], %broadcast_in_dim3A_2090 {strides = array<i32>} : memref<40x144xf32, #tpu.memory_space<vmem>>, vector<16xf32>,
    %broadcast_in_dim3A_2095 = arith.constant 0.000000e+00 : f32
    %broadcast_in_dim3A_2096 = vector.broadcast %broadcast_in_dim3A_2095 : f32 to vector<16xf32>
    %swap3A_2097 = arith.constant 38 : i32
    %swap3A_2098 = arith.index_cast %swap3A_2097 : i32 to index
    %swap3A_2099 = arith.constant 112 : index
    %swap3A_2100 = tpu.vector_load %arg15[%swap3A_2098, %swap3A_2099] {strides = array<i32>} : memref<40x144xf32, #tpu.memory_space<vmem>>, vector<16xf32>,
    tpu.vector_store %arg15[%swap3A_2098, %swap3A_2099], %broadcast_in_dim3A_2096 {strides = array<i32>} : memref<40x144xf32, #tpu.memory_space<vmem>>, vector<16xf32>,
    %broadcast_in_dim3A_2101 = arith.constant 0.000000e+00 : f32
    %broadcast_in_dim3A_2102 = vector.broadcast %broadcast_in_dim3A_2101 : f32 to vector<16xf32>
    %swap3A_2103 = arith.constant 38 : i32
    %swap3A_2104 = arith.index_cast %swap3A_2103 : i32 to index
    %swap3A_2105 = arith.constant 128 : index
    %swap3A_2106 = tpu.vector_load %arg15[%swap3A_2104, %swap3A_2105] {strides = array<i32>} : memref<40x144xf32, #tpu.memory_space<vmem>>, vector<16xf32>,
    tpu.vector_store %arg15[%swap3A_2104, %swap3A_2105], %broadcast_in_dim3A_2102 {strides = array<i32>} : memref<40x144xf32, #tpu.memory_space<vmem>>, vector<16xf32>,
    %broadcast_in_dim3A_2107 = arith.constant 0.000000e+00 : f32
    %broadcast_in_dim3A_2108 = vector.broadcast %broadcast_in_dim3A_2107 : f32 to vector<16xf32>
    %swap3A_2109 = arith.constant 39 : i32
    %swap3A_2110 = arith.index_cast %swap3A_2109 : i32 to index
    %swap3A_2111 = arith.constant 0 : index
    %swap3A_2112 = tpu.vector_load %arg15[%swap3A_2110, %swap3A_2111] {strides = array<i32>} : memref<40x144xf32, #tpu.memory_space<vmem>>, vector<16xf32>,
    tpu.vector_store %arg15[%swap3A_2110, %swap3A_2111], %broadcast_in_dim3A_2108 {strides = array<i32>} : memref<40x144xf32, #tpu.memory_space<vmem>>, vector<16xf32>,
    %broadcast_in_dim3A_2113 = arith.constant 0.000000e+00 : f32
    %broadcast_in_dim3A_2114 = vector.broadcast %broadcast_in_dim3A_2113 : f32 to vector<16xf32>
    %swap3A_2115 = arith.constant 39 : i32
    %swap3A_2116 = arith.index_cast %swap3A_2115 : i32 to index
    %swap3A_2117 = arith.constant 16 : index
    %swap3A_2118 = tpu.vector_load %arg15[%swap3A_2116, %swap3A_2117] {strides = array<i32>} : memref<40x144xf32, #tpu.memory_space<vmem>>, vector<16xf32>,
    tpu.vector_store %arg15[%swap3A_2116, %swap3A_2117], %broadcast_in_dim3A_2114 {strides = array<i32>} : memref<40x144xf32, #tpu.memory_space<vmem>>, vector<16xf32>,
    %broadcast_in_dim3A_2119 = arith.constant 0.000000e+00 : f32
    %broadcast_in_dim3A_2120 = vector.broadcast %broadcast_in_dim3A_2119 : f32 to vector<16xf32>
    %swap3A_2121 = arith.constant 39 : i32
    %swap3A_2122 = arith.index_cast %swap3A_2121 : i32 to index
    %swap3A_2123 = arith.constant 32 : index
    %swap3A_2124 = tpu.vector_load %arg15[%swap3A_2122, %swap3A_2123] {strides = array<i32>} : memref<40x144xf32, #tpu.memory_space<vmem>>, vector<16xf32>,
    tpu.vector_store %arg15[%swap3A_2122, %swap3A_2123], %broadcast_in_dim3A_2120 {strides = array<i32>} : memref<40x144xf32, #tpu.memory_space<vmem>>, vector<16xf32>,
    %broadcast_in_dim3A_2125 = arith.constant 0.000000e+00 : f32
    %broadcast_in_dim3A_2126 = vector.broadcast %broadcast_in_dim3A_2125 : f32 to vector<16xf32>
    %swap3A_2127 = arith.constant 39 : i32
    %swap3A_2128 = arith.index_cast %swap3A_2127 : i32 to index
    %swap3A_2129 = arith.constant 48 : index
    %swap3A_2130 = tpu.vector_load %arg15[%swap3A_2128, %swap3A_2129] {strides = array<i32>} : memref<40x144xf32, #tpu.memory_space<vmem>>, vector<16xf32>,
    tpu.vector_store %arg15[%swap3A_2128, %swap3A_2129], %broadcast_in_dim3A_2126 {strides = array<i32>} : memref<40x144xf32, #tpu.memory_space<vmem>>, vector<16xf32>,
    %broadcast_in_dim3A_2131 = arith.constant 0.000000e+00 : f32
    %broadcast_in_dim3A_2132 = vector.broadcast %broadcast_in_dim3A_2131 : f32 to vector<16xf32>
    %swap3A_2133 = arith.constant 39 : i32
    %swap3A_2134 = arith.index_cast %swap3A_2133 : i32 to index
    %swap3A_2135 = arith.constant 64 : index
    %swap3A_2136 = tpu.vector_load %arg15[%swap3A_2134, %swap3A_2135] {strides = array<i32>} : memref<40x144xf32, #tpu.memory_space<vmem>>, vector<16xf32>,
    tpu.vector_store %arg15[%swap3A_2134, %swap3A_2135], %broadcast_in_dim3A_2132 {strides = array<i32>} : memref<40x144xf32, #tpu.memory_space<vmem>>, vector<16xf32>,
    %broadcast_in_dim3A_2137 = arith.constant 0.000000e+00 : f32
    %broadcast_in_dim3A_2138 = vector.broadcast %broadcast_in_dim3A_2137 : f32 to vector<16xf32>
    %swap3A_2139 = arith.constant 39 : i32
    %swap3A_2140 = arith.index_cast %swap3A_2139 : i32 to index
    %swap3A_2141 = arith.constant 80 : index
    %swap3A_2142 = tpu.vector_load %arg15[%swap3A_2140, %swap3A_2141] {strides = array<i32>} : memref<40x144xf32, #tpu.memory_space<vmem>>, vector<16xf32>,
    tpu.vector_store %arg15[%swap3A_2140, %swap3A_2141], %broadcast_in_dim3A_2138 {strides = array<i32>} : memref<40x144xf32, #tpu.memory_space<vmem>>, vector<16xf32>,
    %broadcast_in_dim3A_2143 = arith.constant 0.000000e+00 : f32
    %broadcast_in_dim3A_2144 = vector.broadcast %broadcast_in_dim3A_2143 : f32 to vector<16xf32>
    %swap3A_2145 = arith.constant 39 : i32
    %swap3A_2146 = arith.index_cast %swap3A_2145 : i32 to index
    %swap3A_2147 = arith.constant 96 : index
    %swap3A_2148 = tpu.vector_load %arg15[%swap3A_2146, %swap3A_2147] {strides = array<i32>} : memref<40x144xf32, #tpu.memory_space<vmem>>, vector<16xf32>,
    tpu.vector_store %arg15[%swap3A_2146, %swap3A_2147], %broadcast_in_dim3A_2144 {strides = array<i32>} : memref<40x144xf32, #tpu.memory_space<vmem>>, vector<16xf32>,
    %broadcast_in_dim3A_2149 = arith.constant 0.000000e+00 : f32
    %broadcast_in_dim3A_2150 = vector.broadcast %broadcast_in_dim3A_2149 : f32 to vector<16xf32>
    %swap3A_2151 = arith.constant 39 : i32
    %swap3A_2152 = arith.index_cast %swap3A_2151 : i32 to index
    %swap3A_2153 = arith.constant 112 : index
    %swap3A_2154 = tpu.vector_load %arg15[%swap3A_2152, %swap3A_2153] {strides = array<i32>} : memref<40x144xf32, #tpu.memory_space<vmem>>, vector<16xf32>,
    tpu.vector_store %arg15[%swap3A_2152, %swap3A_2153], %broadcast_in_dim3A_2150 {strides = array<i32>} : memref<40x144xf32, #tpu.memory_space<vmem>>, vector<16xf32>,
    %broadcast_in_dim3A_2155 = arith.constant 0.000000e+00 : f32
    %broadcast_in_dim3A_2156 = vector.broadcast %broadcast_in_dim3A_2155 : f32 to vector<16xf32>
    %swap3A_2157 = arith.constant 39 : i32
    %swap3A_2158 = arith.index_cast %swap3A_2157 : i32 to index
    %swap3A_2159 = arith.constant 128 : index
    %swap3A_2160 = tpu.vector_load %arg15[%swap3A_2158, %swap3A_2159] {strides = array<i32>} : memref<40x144xf32, #tpu.memory_space<vmem>>, vector<16xf32>,
    tpu.vector_store %arg15[%swap3A_2158, %swap3A_2159], %broadcast_in_dim3A_2156 {strides = array<i32>} : memref<40x144xf32, #tpu.memory_space<vmem>>, vector<16xf32>,
    %scan3A = arith.constant 0 : i32
    %scan3A_2161 = arith.constant 0 : i32
    %scan3A_2162 = arith.constant 16 : i32
    %scan3A_2163 = arith.addi %scan3A_2161, %scan3A_2162 : i32
    %scan3A_2164 = arith.constant 1 : i32
    %scan3A_2165 = scf.for %scan3A_2268 = %scan3A_2161 to %scan3A_2163 step %scan3A_2164 iter_args(%scan3A_2269 = %scan3A) -> (i32)  : i32 {
      %mul3A_2270 = arith.constant 640 : i32
      %mul3A_2271 = arith.muli %arg1, %mul3A_2270 : i32
      %mul3A_2272 = arith.constant 40 : i32
      %mul3A_2273 = arith.muli %scan3A_2268, %mul3A_2272 : i32
      %add3A_2274 = arith.addi %mul3A_2271, %mul3A_2273 : i32
      "tpu.region"() ({
        %run_scoped3A_2276 = tpu.sem_alloc : memref<!tpu.dma_semaphore, #tpu.memory_space<semaphore_mem>>
        %dma_start3A_2277 = arith.constant 0 : i32
        %dma_start3A_2278 = tpu.memref_slice %arg17[%add3A_2274, %dma_start3A_2277] : memref<10240x144xf32, #tpu.memory_space<vmem_shared>> -> memref<40x144xf32, #tpu.memory_space<vmem_shared>>
        %dma_start3A_2279 = arith.constant 0 : i32
        %dma_start3A_2280 = tpu.memref_slice %arg17[%add3A_2274, %dma_start3A_2279] : memref<10240x144xf32, #tpu.memory_space<vmem_shared>> -> memref<40x144xf32, #tpu.memory_space<vmem_shared>>
        tpu.enqueue_dma source(%arg15 : memref<40x144xf32, #tpu.memory_space<vmem>>) target(%dma_start3A_2280 : memref<40x144xf32, #tpu.memory_space<vmem_shared>>) target_semaphore(%run_scoped3A_2276 : memref<!tpu.dma_semaphore, #tpu.memory_space<semaphore_mem>>)
        %dma_wait3A_2281 = arith.constant 0 : i32
        %dma_wait3A_2282 = tpu.memref_slice %arg17[%add3A_2274, %dma_wait3A_2281] : memref<10240x144xf32, #tpu.memory_space<vmem_shared>> -> memref<40x144xf32, #tpu.memory_space<vmem_shared>>
        %dma_wait3A_2283 = arith.constant 0 : i32
        %dma_wait3A_2284 = tpu.memref_slice %arg17[%add3A_2274, %dma_wait3A_2283] : memref<10240x144xf32, #tpu.memory_space<vmem_shared>> -> memref<40x144xf32, #tpu.memory_space<vmem_shared>>
        tpu.wait_dma2 semaphore(%run_scoped3A_2276 : memref<!tpu.dma_semaphore, #tpu.memory_space<semaphore_mem>>) src(%arg15 : memref<40x144xf32, #tpu.memory_space<vmem>>) dst(%dma_wait3A_2284 : memref<40x144xf32, #tpu.memory_space<vmem_shared>>)
        tpu.yield
      }) : () -> ()
      %scan3A_2275 = arith.constant 0 : i32
      scf.yield %scan3A_2275 : i32
    }
    %scan3A_2166 = arith.constant 16 : i32
    %barrier3A = arith.constant 0 : index
    tpu.barrier barrier_id(%barrier3A)
    %iota3A = tpu.iota {dimensions = array<i32: 0>} : vector<16xi32>
    %eq3A = arith.constant 0 : i32
    %eq3A_2167 = vector.broadcast %eq3A : i32 to vector<16xi32>
    %eq3A_2168 = arith.cmpi eq, %iota3A, %eq3A_2167 : vector<16xi32>
    %convert_element_type3A = arith.extui %eq3A_2168 : vector<16xi1> to vector<16xi32>
    %convert_element_type3A_2169 = arith.sitofp %convert_element_type3A : vector<16xi32> to vector<16xf32>
    %iota3A_2170 = tpu.iota {dimensions = array<i32: 0>} : vector<16xi32>
    %eq3A_2171 = arith.constant 1 : i32
    %eq3A_2172 = vector.broadcast %eq3A_2171 : i32 to vector<16xi32>
    %eq3A_2173 = arith.cmpi eq, %iota3A_2170, %eq3A_2172 : vector<16xi32>
    %convert_element_type3A_2174 = arith.extui %eq3A_2173 : vector<16xi1> to vector<16xi32>
    %convert_element_type3A_2175 = arith.sitofp %convert_element_type3A_2174 : vector<16xi32> to vector<16xf32>
    %iota3A_2176 = tpu.iota {dimensions = array<i32: 0>} : vector<16xi32>
    %eq3A_2177 = arith.constant 2 : i32
    %eq3A_2178 = vector.broadcast %eq3A_2177 : i32 to vector<16xi32>
    %eq3A_2179 = arith.cmpi eq, %iota3A_2176, %eq3A_2178 : vector<16xi32>
    %convert_element_type3A_2180 = arith.extui %eq3A_2179 : vector<16xi1> to vector<16xi32>
    %convert_element_type3A_2181 = arith.sitofp %convert_element_type3A_2180 : vector<16xi32> to vector<16xf32>
    %iota3A_2182 = tpu.iota {dimensions = array<i32: 0>} : vector<16xi32>
    %eq3A_2183 = arith.constant 3 : i32
    %eq3A_2184 = vector.broadcast %eq3A_2183 : i32 to vector<16xi32>
    %eq3A_2185 = arith.cmpi eq, %iota3A_2182, %eq3A_2184 : vector<16xi32>
    %convert_element_type3A_2186 = arith.extui %eq3A_2185 : vector<16xi1> to vector<16xi32>
    %convert_element_type3A_2187 = arith.sitofp %convert_element_type3A_2186 : vector<16xi32> to vector<16xf32>
    %iota3A_2188 = tpu.iota {dimensions = array<i32: 0>} : vector<16xi32>
    %eq3A_2189 = arith.constant 4 : i32
    %eq3A_2190 = vector.broadcast %eq3A_2189 : i32 to vector<16xi32>
    %eq3A_2191 = arith.cmpi eq, %iota3A_2188, %eq3A_2190 : vector<16xi32>
    %convert_element_type3A_2192 = arith.extui %eq3A_2191 : vector<16xi1> to vector<16xi32>
    %convert_element_type3A_2193 = arith.sitofp %convert_element_type3A_2192 : vector<16xi32> to vector<16xf32>
    %iota3A_2194 = tpu.iota {dimensions = array<i32: 0>} : vector<16xi32>
    %eq3A_2195 = arith.constant 5 : i32
    %eq3A_2196 = vector.broadcast %eq3A_2195 : i32 to vector<16xi32>
    %eq3A_2197 = arith.cmpi eq, %iota3A_2194, %eq3A_2196 : vector<16xi32>
    %convert_element_type3A_2198 = arith.extui %eq3A_2197 : vector<16xi1> to vector<16xi32>
    %convert_element_type3A_2199 = arith.sitofp %convert_element_type3A_2198 : vector<16xi32> to vector<16xf32>
    %iota3A_2200 = tpu.iota {dimensions = array<i32: 0>} : vector<16xi32>
    %eq3A_2201 = arith.constant 6 : i32
    %eq3A_2202 = vector.broadcast %eq3A_2201 : i32 to vector<16xi32>
    %eq3A_2203 = arith.cmpi eq, %iota3A_2200, %eq3A_2202 : vector<16xi32>
    %convert_element_type3A_2204 = arith.extui %eq3A_2203 : vector<16xi1> to vector<16xi32>
    %convert_element_type3A_2205 = arith.sitofp %convert_element_type3A_2204 : vector<16xi32> to vector<16xf32>
    %iota3A_2206 = tpu.iota {dimensions = array<i32: 0>} : vector<16xi32>
    %eq3A_2207 = arith.constant 7 : i32
    %eq3A_2208 = vector.broadcast %eq3A_2207 : i32 to vector<16xi32>
    %eq3A_2209 = arith.cmpi eq, %iota3A_2206, %eq3A_2208 : vector<16xi32>
    %convert_element_type3A_2210 = arith.extui %eq3A_2209 : vector<16xi1> to vector<16xi32>
    %convert_element_type3A_2211 = arith.sitofp %convert_element_type3A_2210 : vector<16xi32> to vector<16xf32>
    %run_scoped3A = arith.constant 0 : i32
    "tpu.region"() ({
      %run_scoped3A_2268 = tpu.sem_alloc : memref<!tpu.dma_semaphore, #tpu.memory_space<semaphore_mem>>
      %dma_start3A_2269 = tpu.memref_slice %arg3[%run_scoped3A, %mul3A_2] : memref<2x320000xi32, #tpu.memory_space<hbm>> -> memref<1x40xi32, #tpu.memory_space<hbm>>
      %dma_start3A_2270 = tpu.memref_squeeze %dma_start3A_2269 : memref<1x40xi32, #tpu.memory_space<hbm>> -> memref<40xi32, #tpu.memory_space<hbm>>
      %dma_start3A_2271 = tpu.memref_slice %arg3[%run_scoped3A, %mul3A_2] : memref<2x320000xi32, #tpu.memory_space<hbm>> -> memref<1x40xi32, #tpu.memory_space<hbm>>
      %dma_start3A_2272 = tpu.memref_squeeze %dma_start3A_2271 : memref<1x40xi32, #tpu.memory_space<hbm>> -> memref<40xi32, #tpu.memory_space<hbm>>
      tpu.enqueue_dma source(%dma_start3A_2272 : memref<40xi32, #tpu.memory_space<hbm>>) target(%arg5 : memref<40xi32, #tpu.memory_space<vmem>>) target_semaphore(%run_scoped3A_2268 : memref<!tpu.dma_semaphore, #tpu.memory_space<semaphore_mem>>)
      %dma_wait3A_2273 = tpu.memref_slice %arg3[%run_scoped3A, %mul3A_2] : memref<2x320000xi32, #tpu.memory_space<hbm>> -> memref<1x40xi32, #tpu.memory_space<hbm>>
      %dma_wait3A_2274 = tpu.memref_squeeze %dma_wait3A_2273 : memref<1x40xi32, #tpu.memory_space<hbm>> -> memref<40xi32, #tpu.memory_space<hbm>>
      %dma_wait3A_2275 = tpu.memref_slice %arg3[%run_scoped3A, %mul3A_2] : memref<2x320000xi32, #tpu.memory_space<hbm>> -> memref<1x40xi32, #tpu.memory_space<hbm>>
      %dma_wait3A_2276 = tpu.memref_squeeze %dma_wait3A_2275 : memref<1x40xi32, #tpu.memory_space<hbm>> -> memref<40xi32, #tpu.memory_space<hbm>>
      tpu.wait_dma2 semaphore(%run_scoped3A_2268 : memref<!tpu.dma_semaphore, #tpu.memory_space<semaphore_mem>>) src(%dma_wait3A_2276 : memref<40xi32, #tpu.memory_space<hbm>>) dst(%arg5 : memref<40xi32, #tpu.memory_space<vmem>>)
      tpu.yield
    }) : () -> ()
    %run_scoped3A_2212 = arith.constant 1 : i32
    "tpu.region"() ({
      %run_scoped3A_2268 = tpu.sem_alloc : memref<!tpu.dma_semaphore, #tpu.memory_space<semaphore_mem>>
      %dma_start3A_2269 = tpu.memref_slice %arg3[%run_scoped3A_2212, %mul3A_2] : memref<2x320000xi32, #tpu.memory_space<hbm>> -> memref<1x40xi32, #tpu.memory_space<hbm>>
      %dma_start3A_2270 = tpu.memref_squeeze %dma_start3A_2269 : memref<1x40xi32, #tpu.memory_space<hbm>> -> memref<40xi32, #tpu.memory_space<hbm>>
      %dma_start3A_2271 = tpu.memref_slice %arg3[%run_scoped3A_2212, %mul3A_2] : memref<2x320000xi32, #tpu.memory_space<hbm>> -> memref<1x40xi32, #tpu.memory_space<hbm>>
      %dma_start3A_2272 = tpu.memref_squeeze %dma_start3A_2271 : memref<1x40xi32, #tpu.memory_space<hbm>> -> memref<40xi32, #tpu.memory_space<hbm>>
      tpu.enqueue_dma source(%dma_start3A_2272 : memref<40xi32, #tpu.memory_space<hbm>>) target(%arg7 : memref<40xi32, #tpu.memory_space<vmem>>) target_semaphore(%run_scoped3A_2268 : memref<!tpu.dma_semaphore, #tpu.memory_space<semaphore_mem>>)
      %dma_wait3A_2273 = tpu.memref_slice %arg3[%run_scoped3A_2212, %mul3A_2] : memref<2x320000xi32, #tpu.memory_space<hbm>> -> memref<1x40xi32, #tpu.memory_space<hbm>>
      %dma_wait3A_2274 = tpu.memref_squeeze %dma_wait3A_2273 : memref<1x40xi32, #tpu.memory_space<hbm>> -> memref<40xi32, #tpu.memory_space<hbm>>
      %dma_wait3A_2275 = tpu.memref_slice %arg3[%run_scoped3A_2212, %mul3A_2] : memref<2x320000xi32, #tpu.memory_space<hbm>> -> memref<1x40xi32, #tpu.memory_space<hbm>>
      %dma_wait3A_2276 = tpu.memref_squeeze %dma_wait3A_2275 : memref<1x40xi32, #tpu.memory_space<hbm>> -> memref<40xi32, #tpu.memory_space<hbm>>
      tpu.wait_dma2 semaphore(%run_scoped3A_2268 : memref<!tpu.dma_semaphore, #tpu.memory_space<semaphore_mem>>) src(%dma_wait3A_2276 : memref<40xi32, #tpu.memory_space<hbm>>) dst(%arg7 : memref<40xi32, #tpu.memory_space<vmem>>)
      tpu.yield
    }) : () -> ()
    %dma_start3A = arith.constant 0 : i32
    %dma_start3A_2213 = arith.constant 0 : i32
    %dma_start3A_2214 = tpu.memref_slice %arg2[%dma_start3A, %dma_start3A_2213] : memref<10000x128xbf16, #tpu.memory_space<hbm>> -> memref<10000x128xbf16, #tpu.memory_space<hbm>>
    tpu.enqueue_indirect_dma source(%dma_start3A_2214 : memref<10000x128xbf16, #tpu.memory_space<hbm>>) target(%arg11 : memref<40x128xbf16, #tpu.memory_space<vmem>>) offsets(%arg5 : memref<40xi32, #tpu.memory_space<vmem>>) semaphore(%arg18 : memref<!tpu.dma_semaphore, #tpu.memory_space<semaphore_mem>>)
    %dma_start3A_2215 = arith.constant 0 : i32
    %dma_start3A_2216 = arith.constant 0 : i32
    %dma_start3A_2217 = tpu.memref_slice %arg2[%dma_start3A_2215, %dma_start3A_2216] : memref<10000x128xbf16, #tpu.memory_space<hbm>> -> memref<10000x128xbf16, #tpu.memory_space<hbm>>
    tpu.enqueue_indirect_dma source(%dma_start3A_2217 : memref<10000x128xbf16, #tpu.memory_space<hbm>>) target(%arg13 : memref<40x128xbf16, #tpu.memory_space<vmem>>) offsets(%arg7 : memref<40xi32, #tpu.memory_space<vmem>>) semaphore(%arg18 : memref<!tpu.dma_semaphore, #tpu.memory_space<semaphore_mem>>)
    %add3A_2218 = arith.constant 40 : i32
    %add3A_2219 = arith.addi %mul3A_2, %add3A_2218 : i32
    %dma_start3A_2220 = arith.constant 0 : i32
    %dma_start3A_2221 = tpu.memref_slice %arg3[%dma_start3A_2220, %add3A_2219] : memref<2x320000xi32, #tpu.memory_space<hbm>> -> memref<1x40xi32, #tpu.memory_space<hbm>>
    %dma_start3A_2222 = tpu.memref_squeeze %dma_start3A_2221 : memref<1x40xi32, #tpu.memory_space<hbm>> -> memref<40xi32, #tpu.memory_space<hbm>>
    %dma_start3A_2223 = tpu.memref_slice %arg3[%dma_start3A_2220, %add3A_2219] : memref<2x320000xi32, #tpu.memory_space<hbm>> -> memref<1x40xi32, #tpu.memory_space<hbm>>
    %dma_start3A_2224 = tpu.memref_squeeze %dma_start3A_2223 : memref<1x40xi32, #tpu.memory_space<hbm>> -> memref<40xi32, #tpu.memory_space<hbm>>
    tpu.enqueue_dma source(%dma_start3A_2224 : memref<40xi32, #tpu.memory_space<hbm>>) target(%arg6 : memref<40xi32, #tpu.memory_space<vmem>>) target_semaphore(%arg23 : memref<!tpu.dma_semaphore, #tpu.memory_space<semaphore_mem>>)
    %add3A_2225 = arith.constant 40 : i32
    %add3A_2226 = arith.addi %mul3A_2, %add3A_2225 : i32
    %dma_start3A_2227 = arith.constant 1 : i32
    %dma_start3A_2228 = tpu.memref_slice %arg3[%dma_start3A_2227, %add3A_2226] : memref<2x320000xi32, #tpu.memory_space<hbm>> -> memref<1x40xi32, #tpu.memory_space<hbm>>
    %dma_start3A_2229 = tpu.memref_squeeze %dma_start3A_2228 : memref<1x40xi32, #tpu.memory_space<hbm>> -> memref<40xi32, #tpu.memory_space<hbm>>
    %dma_start3A_2230 = tpu.memref_slice %arg3[%dma_start3A_2227, %add3A_2226] : memref<2x320000xi32, #tpu.memory_space<hbm>> -> memref<1x40xi32, #tpu.memory_space<hbm>>
    %dma_start3A_2231 = tpu.memref_squeeze %dma_start3A_2230 : memref<1x40xi32, #tpu.memory_space<hbm>> -> memref<40xi32, #tpu.memory_space<hbm>>
    tpu.enqueue_dma source(%dma_start3A_2231 : memref<40xi32, #tpu.memory_space<hbm>>) target(%arg8 : memref<40xi32, #tpu.memory_space<vmem>>) target_semaphore(%arg23 : memref<!tpu.dma_semaphore, #tpu.memory_space<semaphore_mem>>)
    %scan3A_2232 = arith.constant 0 : i32
    %scan3A_2233 = arith.constant 0 : i32
    %scan3A_2234 = arith.constant 125 : i32
    %scan3A_2235 = arith.addi %scan3A_2233, %scan3A_2234 : i32
    %scan3A_2236 = arith.constant 1 : i32
    %scan3A_2237 = scf.for %scan3A_2268 = %scan3A_2233 to %scan3A_2235 step %scan3A_2236 iter_args(%scan3A_2269 = %scan3A_2232) -> (i32)  : i32 {
      %mul3A_2270 = arith.constant 2 : i32
      %mul3A_2271 = arith.muli %scan3A_2268, %mul3A_2270 : i32
      %dma_wait3A_2272 = arith.constant 0 : i32
      %dma_wait3A_2273 = tpu.memref_slice %arg3[%dma_wait3A_2272, %mul3A_2] : memref<2x320000xi32, #tpu.memory_space<hbm>> -> memref<1x40xi32, #tpu.memory_space<hbm>>
      %dma_wait3A_2274 = tpu.memref_squeeze %dma_wait3A_2273 : memref<1x40xi32, #tpu.memory_space<hbm>> -> memref<40xi32, #tpu.memory_space<hbm>>
      %dma_wait3A_2275 = tpu.memref_slice %arg3[%dma_wait3A_2272, %mul3A_2] : memref<2x320000xi32, #tpu.memory_space<hbm>> -> memref<1x40xi32, #tpu.memory_space<hbm>>
      %dma_wait3A_2276 = tpu.memref_squeeze %dma_wait3A_2275 : memref<1x40xi32, #tpu.memory_space<hbm>> -> memref<40xi32, #tpu.memory_space<hbm>>
      tpu.wait_dma2 semaphore(%arg23 : memref<!tpu.dma_semaphore, #tpu.memory_space<semaphore_mem>>) src(%dma_wait3A_2276 : memref<40xi32, #tpu.memory_space<hbm>>) dst(%arg6 : memref<40xi32, #tpu.memory_space<vmem>>)
      %dma_wait3A_2277 = arith.constant 1 : i32
      %dma_wait3A_2278 = tpu.memref_slice %arg3[%dma_wait3A_2277, %mul3A_2] : memref<2x320000xi32, #tpu.memory_space<hbm>> -> memref<1x40xi32, #tpu.memory_space<hbm>>
      %dma_wait3A_2279 = tpu.memref_squeeze %dma_wait3A_2278 : memref<1x40xi32, #tpu.memory_space<hbm>> -> memref<40xi32, #tpu.memory_space<hbm>>
      %dma_wait3A_2280 = tpu.memref_slice %arg3[%dma_wait3A_2277, %mul3A_2] : memref<2x320000xi32, #tpu.memory_space<hbm>> -> memref<1x40xi32, #tpu.memory_space<hbm>>
      %dma_wait3A_2281 = tpu.memref_squeeze %dma_wait3A_2280 : memref<1x40xi32, #tpu.memory_space<hbm>> -> memref<40xi32, #tpu.memory_space<hbm>>
      tpu.wait_dma2 semaphore(%arg23 : memref<!tpu.dma_semaphore, #tpu.memory_space<semaphore_mem>>) src(%dma_wait3A_2281 : memref<40xi32, #tpu.memory_space<hbm>>) dst(%arg8 : memref<40xi32, #tpu.memory_space<vmem>>)
      %dma_start3A_2282 = arith.constant 0 : i32
      %dma_start3A_2283 = arith.constant 0 : i32
      %dma_start3A_2284 = tpu.memref_slice %arg2[%dma_start3A_2282, %dma_start3A_2283] : memref<10000x128xbf16, #tpu.memory_space<hbm>> -> memref<10000x128xbf16, #tpu.memory_space<hbm>>
      tpu.enqueue_indirect_dma source(%dma_start3A_2284 : memref<10000x128xbf16, #tpu.memory_space<hbm>>) target(%arg12 : memref<40x128xbf16, #tpu.memory_space<vmem>>) offsets(%arg6 : memref<40xi32, #tpu.memory_space<vmem>>) semaphore(%arg19 : memref<!tpu.dma_semaphore, #tpu.memory_space<semaphore_mem>>)
      %dma_start3A_2285 = arith.constant 0 : i32
      %dma_start3A_2286 = arith.constant 0 : i32
      %dma_start3A_2287 = tpu.memref_slice %arg2[%dma_start3A_2285, %dma_start3A_2286] : memref<10000x128xbf16, #tpu.memory_space<hbm>> -> memref<10000x128xbf16, #tpu.memory_space<hbm>>
      tpu.enqueue_indirect_dma source(%dma_start3A_2287 : memref<10000x128xbf16, #tpu.memory_space<hbm>>) target(%arg14 : memref<40x128xbf16, #tpu.memory_space<vmem>>) offsets(%arg8 : memref<40xi32, #tpu.memory_space<vmem>>) semaphore(%arg19 : memref<!tpu.dma_semaphore, #tpu.memory_space<semaphore_mem>>)
      %dma_wait3A_2288 = arith.constant 0 : i32
      %dma_wait3A_2289 = arith.constant 0 : i32
      %dma_wait3A_2290 = tpu.memref_slice %arg2[%dma_wait3A_2288, %dma_wait3A_2289] : memref<10000x128xbf16, #tpu.memory_space<hbm>> -> memref<10000x128xbf16, #tpu.memory_space<hbm>>
      tpu.wait_indirect_dma semaphore(%arg18 : memref<!tpu.dma_semaphore, #tpu.memory_space<semaphore_mem>>) src(%dma_wait3A_2290 : memref<10000x128xbf16, #tpu.memory_space<hbm>>) dst(%arg11 : memref<40x128xbf16, #tpu.memory_space<vmem>>)
      %dma_wait3A_2291 = arith.constant 0 : i32
      %dma_wait3A_2292 = arith.constant 0 : i32
      %dma_wait3A_2293 = tpu.memref_slice %arg2[%dma_wait3A_2291, %dma_wait3A_2292] : memref<10000x128xbf16, #tpu.memory_space<hbm>> -> memref<10000x128xbf16, #tpu.memory_space<hbm>>
      tpu.wait_indirect_dma semaphore(%arg18 : memref<!tpu.dma_semaphore, #tpu.memory_space<semaphore_mem>>) src(%dma_wait3A_2293 : memref<10000x128xbf16, #tpu.memory_space<hbm>>) dst(%arg13 : memref<40x128xbf16, #tpu.memory_space<vmem>>)
      %ge3A = arith.constant 2 : i32
      %ge3A_2294 = arith.cmpi sge, %mul3A_2271, %ge3A : i32
      %convert_element_type3A_2295 = arith.extui %ge3A_2294 : i1 to i32
      %cond3A = arith.constant 0 : i32
      %cond3A_2296 = arith.cmpi ne, %convert_element_type3A_2295, %cond3A : i32
      scf.if %cond3A_2296 {
        %dma_wait3A_2396 = arith.constant 0 : i32
        %dma_wait3A_2397 = arith.constant 0 : i32
        %dma_wait3A_2398 = tpu.memref_slice %arg17[%dma_wait3A_2396, %dma_wait3A_2397] : memref<10240x144xf32, #tpu.memory_space<vmem_shared>> -> memref<10240x144xf32, #tpu.memory_space<vmem_shared>>
        tpu.wait_indirect_dma semaphore(%arg20 : memref<!tpu.dma_semaphore, #tpu.memory_space<semaphore_mem>>) src(%arg15 : memref<40x144xf32, #tpu.memory_space<vmem>>) dst(%dma_wait3A_2398 : memref<10240x144xf32, #tpu.memory_space<vmem_shared>>)
      } else {
      }
      %get3A = arith.constant 0 : index
      %get3A_2297 = tpu.vector_load %arg7[%get3A] {strides = array<i32>} : memref<40xi32, #tpu.memory_space<vmem>>, vector<16xi32>,
      %swap3A_2298 = arith.constant 0 : index
      %swap3A_2299 = tpu.vector_load %arg9[%swap3A_2298] {strides = array<i32>} : memref<40xi32, #tpu.memory_space<vmem>>, vector<16xi32>,
      tpu.vector_store %arg9[%swap3A_2298], %get3A_2297 {strides = array<i32>} : memref<40xi32, #tpu.memory_space<vmem>>, vector<16xi32>,
      %get3A_2300 = arith.constant 16 : index
      %get3A_2301 = tpu.vector_load %arg7[%get3A_2300] {strides = array<i32>} : memref<40xi32, #tpu.memory_space<vmem>>, vector<16xi32>,
      %swap3A_2302 = arith.constant 16 : index
      %swap3A_2303 = tpu.vector_load %arg9[%swap3A_2302] {strides = array<i32>} : memref<40xi32, #tpu.memory_space<vmem>>, vector<16xi32>,
      tpu.vector_store %arg9[%swap3A_2302], %get3A_2301 {strides = array<i32>} : memref<40xi32, #tpu.memory_space<vmem>>, vector<16xi32>,
      %get3A_2304 = arith.constant 24 : index
      %get3A_2305 = tpu.vector_load %arg7[%get3A_2304] {strides = array<i32>} : memref<40xi32, #tpu.memory_space<vmem>>, vector<16xi32>,
      %swap3A_2306 = arith.constant 24 : index
      %swap3A_2307 = tpu.vector_load %arg9[%swap3A_2306] {strides = array<i32>} : memref<40xi32, #tpu.memory_space<vmem>>, vector<16xi32>,
      tpu.vector_store %arg9[%swap3A_2306], %get3A_2305 {strides = array<i32>} : memref<40xi32, #tpu.memory_space<vmem>>, vector<16xi32>,
      %add3A_2308 = arith.constant 2 : i32
      %add3A_2309 = arith.addi %mul3A_2271, %add3A_2308 : i32
      %min3A = arith.constant 249 : i32
      %min3A_2310 = arith.minsi %add3A_2309, %min3A : i32
      %mul3A_2311 = arith.constant 40 : i32
      %mul3A_2312 = arith.muli %min3A_2310, %mul3A_2311 : i32
      %add3A_2313 = arith.addi %mul3A_2, %mul3A_2312 : i32
      %dma_start3A_2314 = arith.constant 0 : i32
      %dma_start3A_2315 = tpu.memref_slice %arg3[%dma_start3A_2314, %add3A_2313] : memref<2x320000xi32, #tpu.memory_space<hbm>> -> memref<1x40xi32, #tpu.memory_space<hbm>>
      %dma_start3A_2316 = tpu.memref_squeeze %dma_start3A_2315 : memref<1x40xi32, #tpu.memory_space<hbm>> -> memref<40xi32, #tpu.memory_space<hbm>>
      %dma_start3A_2317 = tpu.memref_slice %arg3[%dma_start3A_2314, %add3A_2313] : memref<2x320000xi32, #tpu.memory_space<hbm>> -> memref<1x40xi32, #tpu.memory_space<hbm>>
      %dma_start3A_2318 = tpu.memref_squeeze %dma_start3A_2317 : memref<1x40xi32, #tpu.memory_space<hbm>> -> memref<40xi32, #tpu.memory_space<hbm>>
      tpu.enqueue_dma source(%dma_start3A_2318 : memref<40xi32, #tpu.memory_space<hbm>>) target(%arg5 : memref<40xi32, #tpu.memory_space<vmem>>) target_semaphore(%arg22 : memref<!tpu.dma_semaphore, #tpu.memory_space<semaphore_mem>>)
      %dma_start3A_2319 = arith.constant 1 : i32
      %dma_start3A_2320 = tpu.memref_slice %arg3[%dma_start3A_2319, %add3A_2313] : memref<2x320000xi32, #tpu.memory_space<hbm>> -> memref<1x40xi32, #tpu.memory_space<hbm>>
      %dma_start3A_2321 = tpu.memref_squeeze %dma_start3A_2320 : memref<1x40xi32, #tpu.memory_space<hbm>> -> memref<40xi32, #tpu.memory_space<hbm>>
      %dma_start3A_2322 = tpu.memref_slice %arg3[%dma_start3A_2319, %add3A_2313] : memref<2x320000xi32, #tpu.memory_space<hbm>> -> memref<1x40xi32, #tpu.memory_space<hbm>>
      %dma_start3A_2323 = tpu.memref_squeeze %dma_start3A_2322 : memref<1x40xi32, #tpu.memory_space<hbm>> -> memref<40xi32, #tpu.memory_space<hbm>>
      tpu.enqueue_dma source(%dma_start3A_2323 : memref<40xi32, #tpu.memory_space<hbm>>) target(%arg7 : memref<40xi32, #tpu.memory_space<vmem>>) target_semaphore(%arg22 : memref<!tpu.dma_semaphore, #tpu.memory_space<semaphore_mem>>)
      %parallel_loop3A = arith.constant 0 : i32
      %parallel_loop3A_2324 = arith.constant 40 : i32
      %parallel_loop3A_2325 = arith.constant 1 : i32
      scf.for %parallel_loop3A_2396 = %parallel_loop3A to %parallel_loop3A_2324 step %parallel_loop3A_2325  : i32 {
        %parallel_loop3A_2397 = arith.index_cast %parallel_loop3A_2396 : i32 to index
        %parallel_loop3A_2398 = arith.constant 0 : index
        %parallel_loop3A_2399 = tpu.vector_load %arg11[%parallel_loop3A_2397, %parallel_loop3A_2398] {strides = array<i32>} : memref<40x128xbf16, #tpu.memory_space<vmem>>, vector<32xbf16>,
        %parallel_loop3A_2400 = tpu.unpack_subelements %parallel_loop3A_2399, 0 {pack_format = #tpu.pack_format<interleaved>} : vector<32xbf16> -> vector<16xf32>
        %parallel_loop3A_2401 = tpu.unpack_subelements %parallel_loop3A_2399, 1 {pack_format = #tpu.pack_format<interleaved>} : vector<32xbf16> -> vector<16xf32>
        %parallel_loop3A_2402 = arith.index_cast %parallel_loop3A_2396 : i32 to index
        %parallel_loop3A_2403 = arith.constant 0 : index
        %parallel_loop3A_2404 = tpu.vector_load %arg13[%parallel_loop3A_2402, %parallel_loop3A_2403] {strides = array<i32>} : memref<40x128xbf16, #tpu.memory_space<vmem>>, vector<32xbf16>,
        %parallel_loop3A_2405 = tpu.unpack_subelements %parallel_loop3A_2404, 0 {pack_format = #tpu.pack_format<interleaved>} : vector<32xbf16> -> vector<16xf32>
        %parallel_loop3A_2406 = tpu.unpack_subelements %parallel_loop3A_2404, 1 {pack_format = #tpu.pack_format<interleaved>} : vector<32xbf16> -> vector<16xf32>
        %parallel_loop3A_2407 = arith.index_cast %parallel_loop3A_2396 : i32 to index
        %parallel_loop3A_2408 = arith.constant 32 : index
        %parallel_loop3A_2409 = tpu.vector_load %arg11[%parallel_loop3A_2407, %parallel_loop3A_2408] {strides = array<i32>} : memref<40x128xbf16, #tpu.memory_space<vmem>>, vector<32xbf16>,
        %parallel_loop3A_2410 = tpu.unpack_subelements %parallel_loop3A_2409, 0 {pack_format = #tpu.pack_format<interleaved>} : vector<32xbf16> -> vector<16xf32>
        %parallel_loop3A_2411 = tpu.unpack_subelements %parallel_loop3A_2409, 1 {pack_format = #tpu.pack_format<interleaved>} : vector<32xbf16> -> vector<16xf32>
        %parallel_loop3A_2412 = arith.index_cast %parallel_loop3A_2396 : i32 to index
        %parallel_loop3A_2413 = arith.constant 32 : index
        %parallel_loop3A_2414 = tpu.vector_load %arg13[%parallel_loop3A_2412, %parallel_loop3A_2413] {strides = array<i32>} : memref<40x128xbf16, #tpu.memory_space<vmem>>, vector<32xbf16>,
        %parallel_loop3A_2415 = tpu.unpack_subelements %parallel_loop3A_2414, 0 {pack_format = #tpu.pack_format<interleaved>} : vector<32xbf16> -> vector<16xf32>
        %parallel_loop3A_2416 = tpu.unpack_subelements %parallel_loop3A_2414, 1 {pack_format = #tpu.pack_format<interleaved>} : vector<32xbf16> -> vector<16xf32>
        %parallel_loop3A_2417 = arith.index_cast %parallel_loop3A_2396 : i32 to index
        %parallel_loop3A_2418 = arith.constant 64 : index
        %parallel_loop3A_2419 = tpu.vector_load %arg11[%parallel_loop3A_2417, %parallel_loop3A_2418] {strides = array<i32>} : memref<40x128xbf16, #tpu.memory_space<vmem>>, vector<32xbf16>,
        %parallel_loop3A_2420 = tpu.unpack_subelements %parallel_loop3A_2419, 0 {pack_format = #tpu.pack_format<interleaved>} : vector<32xbf16> -> vector<16xf32>
        %parallel_loop3A_2421 = tpu.unpack_subelements %parallel_loop3A_2419, 1 {pack_format = #tpu.pack_format<interleaved>} : vector<32xbf16> -> vector<16xf32>
        %parallel_loop3A_2422 = arith.index_cast %parallel_loop3A_2396 : i32 to index
        %parallel_loop3A_2423 = arith.constant 64 : index
        %parallel_loop3A_2424 = tpu.vector_load %arg13[%parallel_loop3A_2422, %parallel_loop3A_2423] {strides = array<i32>} : memref<40x128xbf16, #tpu.memory_space<vmem>>, vector<32xbf16>,
        %parallel_loop3A_2425 = tpu.unpack_subelements %parallel_loop3A_2424, 0 {pack_format = #tpu.pack_format<interleaved>} : vector<32xbf16> -> vector<16xf32>
        %parallel_loop3A_2426 = tpu.unpack_subelements %parallel_loop3A_2424, 1 {pack_format = #tpu.pack_format<interleaved>} : vector<32xbf16> -> vector<16xf32>
        %parallel_loop3A_2427 = arith.index_cast %parallel_loop3A_2396 : i32 to index
        %parallel_loop3A_2428 = arith.constant 96 : index
        %parallel_loop3A_2429 = tpu.vector_load %arg11[%parallel_loop3A_2427, %parallel_loop3A_2428] {strides = array<i32>} : memref<40x128xbf16, #tpu.memory_space<vmem>>, vector<32xbf16>,
        %parallel_loop3A_2430 = tpu.unpack_subelements %parallel_loop3A_2429, 0 {pack_format = #tpu.pack_format<interleaved>} : vector<32xbf16> -> vector<16xf32>
        %parallel_loop3A_2431 = tpu.unpack_subelements %parallel_loop3A_2429, 1 {pack_format = #tpu.pack_format<interleaved>} : vector<32xbf16> -> vector<16xf32>
        %parallel_loop3A_2432 = arith.index_cast %parallel_loop3A_2396 : i32 to index
        %parallel_loop3A_2433 = arith.constant 96 : index
        %parallel_loop3A_2434 = tpu.vector_load %arg13[%parallel_loop3A_2432, %parallel_loop3A_2433] {strides = array<i32>} : memref<40x128xbf16, #tpu.memory_space<vmem>>, vector<32xbf16>,
        %parallel_loop3A_2435 = tpu.unpack_subelements %parallel_loop3A_2434, 0 {pack_format = #tpu.pack_format<interleaved>} : vector<32xbf16> -> vector<16xf32>
        %parallel_loop3A_2436 = tpu.unpack_subelements %parallel_loop3A_2434, 1 {pack_format = #tpu.pack_format<interleaved>} : vector<32xbf16> -> vector<16xf32>
        %parallel_loop3A_2437 = arith.mulf %parallel_loop3A_2400, %parallel_loop3A_2405 : vector<16xf32>
        %parallel_loop3A_2438 = arith.constant true
        %parallel_loop3A_2439 = vector.broadcast %parallel_loop3A_2438 : i1 to vector<16xi1>
        %parallel_loop3A_2440 = tpu.scan <sum>, %parallel_loop3A_2437 masked %parallel_loop3A_2439 : vector<16xf32>, vector<16xi1> -> vector<16xf32>
        %parallel_loop3A_2441 = arith.mulf %parallel_loop3A_2401, %parallel_loop3A_2406 : vector<16xf32>
        %parallel_loop3A_2442 = arith.constant true
        %parallel_loop3A_2443 = vector.broadcast %parallel_loop3A_2442 : i1 to vector<16xi1>
        %parallel_loop3A_2444 = tpu.scan <sum>, %parallel_loop3A_2441 masked %parallel_loop3A_2443 : vector<16xf32>, vector<16xi1> -> vector<16xf32>
        %parallel_loop3A_2445 = arith.mulf %parallel_loop3A_2410, %parallel_loop3A_2415 : vector<16xf32>
        %parallel_loop3A_2446 = arith.constant true
        %parallel_loop3A_2447 = vector.broadcast %parallel_loop3A_2446 : i1 to vector<16xi1>
        %parallel_loop3A_2448 = tpu.scan <sum>, %parallel_loop3A_2445 masked %parallel_loop3A_2447 : vector<16xf32>, vector<16xi1> -> vector<16xf32>
        %parallel_loop3A_2449 = arith.mulf %parallel_loop3A_2411, %parallel_loop3A_2416 : vector<16xf32>
        %parallel_loop3A_2450 = arith.constant true
        %parallel_loop3A_2451 = vector.broadcast %parallel_loop3A_2450 : i1 to vector<16xi1>
        %parallel_loop3A_2452 = tpu.scan <sum>, %parallel_loop3A_2449 masked %parallel_loop3A_2451 : vector<16xf32>, vector<16xi1> -> vector<16xf32>
        %parallel_loop3A_2453 = arith.mulf %parallel_loop3A_2420, %parallel_loop3A_2425 : vector<16xf32>
        %parallel_loop3A_2454 = arith.constant true
        %parallel_loop3A_2455 = vector.broadcast %parallel_loop3A_2454 : i1 to vector<16xi1>
        %parallel_loop3A_2456 = tpu.scan <sum>, %parallel_loop3A_2453 masked %parallel_loop3A_2455 : vector<16xf32>, vector<16xi1> -> vector<16xf32>
        %parallel_loop3A_2457 = arith.mulf %parallel_loop3A_2421, %parallel_loop3A_2426 : vector<16xf32>
        %parallel_loop3A_2458 = arith.constant true
        %parallel_loop3A_2459 = vector.broadcast %parallel_loop3A_2458 : i1 to vector<16xi1>
        %parallel_loop3A_2460 = tpu.scan <sum>, %parallel_loop3A_2457 masked %parallel_loop3A_2459 : vector<16xf32>, vector<16xi1> -> vector<16xf32>
        %parallel_loop3A_2461 = arith.mulf %parallel_loop3A_2430, %parallel_loop3A_2435 : vector<16xf32>
        %parallel_loop3A_2462 = arith.constant true
        %parallel_loop3A_2463 = vector.broadcast %parallel_loop3A_2462 : i1 to vector<16xi1>
        %parallel_loop3A_2464 = tpu.scan <sum>, %parallel_loop3A_2461 masked %parallel_loop3A_2463 : vector<16xf32>, vector<16xi1> -> vector<16xf32>
        %parallel_loop3A_2465 = arith.mulf %parallel_loop3A_2431, %parallel_loop3A_2436 : vector<16xf32>
        %parallel_loop3A_2466 = arith.constant true
        %parallel_loop3A_2467 = vector.broadcast %parallel_loop3A_2466 : i1 to vector<16xi1>
        %parallel_loop3A_2468 = tpu.scan <sum>, %parallel_loop3A_2465 masked %parallel_loop3A_2467 : vector<16xf32>, vector<16xi1> -> vector<16xf32>
        %parallel_loop3A_2469 = vector.extract_strided_slice %parallel_loop3A_2440 {offsets = [15], sizes = [1], strides = [1]} : vector<16xf32> to vector<1xf32>
        %parallel_loop3A_2470 = vector.extract %parallel_loop3A_2469[0] : f32 from vector<1xf32>
        %parallel_loop3A_2471 = vector.broadcast %parallel_loop3A_2470 : f32 to vector<16xf32>
        %parallel_loop3A_2472 = arith.mulf %convert_element_type3A_2169, %parallel_loop3A_2471 : vector<16xf32>
        %parallel_loop3A_2473 = vector.extract_strided_slice %parallel_loop3A_2444 {offsets = [15], sizes = [1], strides = [1]} : vector<16xf32> to vector<1xf32>
        %parallel_loop3A_2474 = vector.extract %parallel_loop3A_2473[0] : f32 from vector<1xf32>
        %parallel_loop3A_2475 = vector.broadcast %parallel_loop3A_2474 : f32 to vector<16xf32>
        %parallel_loop3A_2476 = arith.mulf %convert_element_type3A_2175, %parallel_loop3A_2475 : vector<16xf32>
        %parallel_loop3A_2477 = vector.extract_strided_slice %parallel_loop3A_2448 {offsets = [15], sizes = [1], strides = [1]} : vector<16xf32> to vector<1xf32>
        %parallel_loop3A_2478 = vector.extract %parallel_loop3A_2477[0] : f32 from vector<1xf32>
        %parallel_loop3A_2479 = vector.broadcast %parallel_loop3A_2478 : f32 to vector<16xf32>
        %parallel_loop3A_2480 = arith.mulf %convert_element_type3A_2181, %parallel_loop3A_2479 : vector<16xf32>
        %parallel_loop3A_2481 = vector.extract_strided_slice %parallel_loop3A_2452 {offsets = [15], sizes = [1], strides = [1]} : vector<16xf32> to vector<1xf32>
        %parallel_loop3A_2482 = vector.extract %parallel_loop3A_2481[0] : f32 from vector<1xf32>
        %parallel_loop3A_2483 = vector.broadcast %parallel_loop3A_2482 : f32 to vector<16xf32>
        %parallel_loop3A_2484 = arith.mulf %convert_element_type3A_2187, %parallel_loop3A_2483 : vector<16xf32>
        %parallel_loop3A_2485 = vector.extract_strided_slice %parallel_loop3A_2456 {offsets = [15], sizes = [1], strides = [1]} : vector<16xf32> to vector<1xf32>
        %parallel_loop3A_2486 = vector.extract %parallel_loop3A_2485[0] : f32 from vector<1xf32>
        %parallel_loop3A_2487 = vector.broadcast %parallel_loop3A_2486 : f32 to vector<16xf32>
        %parallel_loop3A_2488 = arith.mulf %convert_element_type3A_2193, %parallel_loop3A_2487 : vector<16xf32>
        %parallel_loop3A_2489 = vector.extract_strided_slice %parallel_loop3A_2460 {offsets = [15], sizes = [1], strides = [1]} : vector<16xf32> to vector<1xf32>
        %parallel_loop3A_2490 = vector.extract %parallel_loop3A_2489[0] : f32 from vector<1xf32>
        %parallel_loop3A_2491 = vector.broadcast %parallel_loop3A_2490 : f32 to vector<16xf32>
        %parallel_loop3A_2492 = arith.mulf %convert_element_type3A_2199, %parallel_loop3A_2491 : vector<16xf32>
        %parallel_loop3A_2493 = vector.extract_strided_slice %parallel_loop3A_2464 {offsets = [15], sizes = [1], strides = [1]} : vector<16xf32> to vector<1xf32>
        %parallel_loop3A_2494 = vector.extract %parallel_loop3A_2493[0] : f32 from vector<1xf32>
        %parallel_loop3A_2495 = vector.broadcast %parallel_loop3A_2494 : f32 to vector<16xf32>
        %parallel_loop3A_2496 = arith.mulf %convert_element_type3A_2205, %parallel_loop3A_2495 : vector<16xf32>
        %parallel_loop3A_2497 = vector.extract_strided_slice %parallel_loop3A_2468 {offsets = [15], sizes = [1], strides = [1]} : vector<16xf32> to vector<1xf32>
        %parallel_loop3A_2498 = vector.extract %parallel_loop3A_2497[0] : f32 from vector<1xf32>
        %parallel_loop3A_2499 = vector.broadcast %parallel_loop3A_2498 : f32 to vector<16xf32>
        %parallel_loop3A_2500 = arith.mulf %convert_element_type3A_2211, %parallel_loop3A_2499 : vector<16xf32>
        %parallel_loop3A_2501 = arith.addf %parallel_loop3A_2472, %parallel_loop3A_2476 : vector<16xf32>
        %parallel_loop3A_2502 = arith.addf %parallel_loop3A_2480, %parallel_loop3A_2484 : vector<16xf32>
        %parallel_loop3A_2503 = arith.addf %parallel_loop3A_2501, %parallel_loop3A_2502 : vector<16xf32>
        %parallel_loop3A_2504 = arith.addf %parallel_loop3A_2488, %parallel_loop3A_2492 : vector<16xf32>
        %parallel_loop3A_2505 = arith.addf %parallel_loop3A_2496, %parallel_loop3A_2500 : vector<16xf32>
        %parallel_loop3A_2506 = arith.addf %parallel_loop3A_2504, %parallel_loop3A_2505 : vector<16xf32>
        %parallel_loop3A_2507 = arith.addf %parallel_loop3A_2503, %parallel_loop3A_2506 : vector<16xf32>
        %parallel_loop3A_2508 = math.exp %parallel_loop3A_2507 : vector<16xf32>
        %parallel_loop3A_2509 = arith.index_cast %parallel_loop3A_2396 : i32 to index
        %parallel_loop3A_2510 = arith.constant 128 : index
        %parallel_loop3A_2511 = tpu.vector_load %arg15[%parallel_loop3A_2509, %parallel_loop3A_2510] {strides = array<i32>} : memref<40x144xf32, #tpu.memory_space<vmem>>, vector<16xf32>,
        tpu.vector_store %arg15[%parallel_loop3A_2509, %parallel_loop3A_2510], %parallel_loop3A_2508 {strides = array<i32>} : memref<40x144xf32, #tpu.memory_space<vmem>>, vector<16xf32>,
        %parallel_loop3A_2512 = vector.extract_strided_slice %parallel_loop3A_2508 {offsets = [0], sizes = [1], strides = [1]} : vector<16xf32> to vector<1xf32>
        %parallel_loop3A_2513 = vector.extract %parallel_loop3A_2512[0] : f32 from vector<1xf32>
        %parallel_loop3A_2514 = vector.broadcast %parallel_loop3A_2513 : f32 to vector<16xf32>
        %parallel_loop3A_2515 = arith.mulf %parallel_loop3A_2400, %parallel_loop3A_2514 : vector<16xf32>
        %parallel_loop3A_2516 = arith.index_cast %parallel_loop3A_2396 : i32 to index
        %parallel_loop3A_2517 = arith.constant 0 : index
        %parallel_loop3A_2518 = tpu.vector_load %arg15[%parallel_loop3A_2516, %parallel_loop3A_2517] {strides = array<i32>} : memref<40x144xf32, #tpu.memory_space<vmem>>, vector<16xf32>,
        tpu.vector_store %arg15[%parallel_loop3A_2516, %parallel_loop3A_2517], %parallel_loop3A_2515 {strides = array<i32>} : memref<40x144xf32, #tpu.memory_space<vmem>>, vector<16xf32>,
        %parallel_loop3A_2519 = vector.extract_strided_slice %parallel_loop3A_2508 {offsets = [1], sizes = [1], strides = [1]} : vector<16xf32> to vector<1xf32>
        %parallel_loop3A_2520 = vector.extract %parallel_loop3A_2519[0] : f32 from vector<1xf32>
        %parallel_loop3A_2521 = vector.broadcast %parallel_loop3A_2520 : f32 to vector<16xf32>
        %parallel_loop3A_2522 = arith.mulf %parallel_loop3A_2401, %parallel_loop3A_2521 : vector<16xf32>
        %parallel_loop3A_2523 = arith.index_cast %parallel_loop3A_2396 : i32 to index
        %parallel_loop3A_2524 = arith.constant 16 : index
        %parallel_loop3A_2525 = tpu.vector_load %arg15[%parallel_loop3A_2523, %parallel_loop3A_2524] {strides = array<i32>} : memref<40x144xf32, #tpu.memory_space<vmem>>, vector<16xf32>,
        tpu.vector_store %arg15[%parallel_loop3A_2523, %parallel_loop3A_2524], %parallel_loop3A_2522 {strides = array<i32>} : memref<40x144xf32, #tpu.memory_space<vmem>>, vector<16xf32>,
        %parallel_loop3A_2526 = vector.extract_strided_slice %parallel_loop3A_2508 {offsets = [2], sizes = [1], strides = [1]} : vector<16xf32> to vector<1xf32>
        %parallel_loop3A_2527 = vector.extract %parallel_loop3A_2526[0] : f32 from vector<1xf32>
        %parallel_loop3A_2528 = vector.broadcast %parallel_loop3A_2527 : f32 to vector<16xf32>
        %parallel_loop3A_2529 = arith.mulf %parallel_loop3A_2410, %parallel_loop3A_2528 : vector<16xf32>
        %parallel_loop3A_2530 = arith.index_cast %parallel_loop3A_2396 : i32 to index
        %parallel_loop3A_2531 = arith.constant 32 : index
        %parallel_loop3A_2532 = tpu.vector_load %arg15[%parallel_loop3A_2530, %parallel_loop3A_2531] {strides = array<i32>} : memref<40x144xf32, #tpu.memory_space<vmem>>, vector<16xf32>,
        tpu.vector_store %arg15[%parallel_loop3A_2530, %parallel_loop3A_2531], %parallel_loop3A_2529 {strides = array<i32>} : memref<40x144xf32, #tpu.memory_space<vmem>>, vector<16xf32>,
        %parallel_loop3A_2533 = vector.extract_strided_slice %parallel_loop3A_2508 {offsets = [3], sizes = [1], strides = [1]} : vector<16xf32> to vector<1xf32>
        %parallel_loop3A_2534 = vector.extract %parallel_loop3A_2533[0] : f32 from vector<1xf32>
        %parallel_loop3A_2535 = vector.broadcast %parallel_loop3A_2534 : f32 to vector<16xf32>
        %parallel_loop3A_2536 = arith.mulf %parallel_loop3A_2411, %parallel_loop3A_2535 : vector<16xf32>
        %parallel_loop3A_2537 = arith.index_cast %parallel_loop3A_2396 : i32 to index
        %parallel_loop3A_2538 = arith.constant 48 : index
        %parallel_loop3A_2539 = tpu.vector_load %arg15[%parallel_loop3A_2537, %parallel_loop3A_2538] {strides = array<i32>} : memref<40x144xf32, #tpu.memory_space<vmem>>, vector<16xf32>,
        tpu.vector_store %arg15[%parallel_loop3A_2537, %parallel_loop3A_2538], %parallel_loop3A_2536 {strides = array<i32>} : memref<40x144xf32, #tpu.memory_space<vmem>>, vector<16xf32>,
        %parallel_loop3A_2540 = vector.extract_strided_slice %parallel_loop3A_2508 {offsets = [4], sizes = [1], strides = [1]} : vector<16xf32> to vector<1xf32>
        %parallel_loop3A_2541 = vector.extract %parallel_loop3A_2540[0] : f32 from vector<1xf32>
        %parallel_loop3A_2542 = vector.broadcast %parallel_loop3A_2541 : f32 to vector<16xf32>
        %parallel_loop3A_2543 = arith.mulf %parallel_loop3A_2420, %parallel_loop3A_2542 : vector<16xf32>
        %parallel_loop3A_2544 = arith.index_cast %parallel_loop3A_2396 : i32 to index
        %parallel_loop3A_2545 = arith.constant 64 : index
        %parallel_loop3A_2546 = tpu.vector_load %arg15[%parallel_loop3A_2544, %parallel_loop3A_2545] {strides = array<i32>} : memref<40x144xf32, #tpu.memory_space<vmem>>, vector<16xf32>,
        tpu.vector_store %arg15[%parallel_loop3A_2544, %parallel_loop3A_2545], %parallel_loop3A_2543 {strides = array<i32>} : memref<40x144xf32, #tpu.memory_space<vmem>>, vector<16xf32>,
        %parallel_loop3A_2547 = vector.extract_strided_slice %parallel_loop3A_2508 {offsets = [5], sizes = [1], strides = [1]} : vector<16xf32> to vector<1xf32>
        %parallel_loop3A_2548 = vector.extract %parallel_loop3A_2547[0] : f32 from vector<1xf32>
        %parallel_loop3A_2549 = vector.broadcast %parallel_loop3A_2548 : f32 to vector<16xf32>
        %parallel_loop3A_2550 = arith.mulf %parallel_loop3A_2421, %parallel_loop3A_2549 : vector<16xf32>
        %parallel_loop3A_2551 = arith.index_cast %parallel_loop3A_2396 : i32 to index
        %parallel_loop3A_2552 = arith.constant 80 : index
        %parallel_loop3A_2553 = tpu.vector_load %arg15[%parallel_loop3A_2551, %parallel_loop3A_2552] {strides = array<i32>} : memref<40x144xf32, #tpu.memory_space<vmem>>, vector<16xf32>,
        tpu.vector_store %arg15[%parallel_loop3A_2551, %parallel_loop3A_2552], %parallel_loop3A_2550 {strides = array<i32>} : memref<40x144xf32, #tpu.memory_space<vmem>>, vector<16xf32>,
        %parallel_loop3A_2554 = vector.extract_strided_slice %parallel_loop3A_2508 {offsets = [6], sizes = [1], strides = [1]} : vector<16xf32> to vector<1xf32>
        %parallel_loop3A_2555 = vector.extract %parallel_loop3A_2554[0] : f32 from vector<1xf32>
        %parallel_loop3A_2556 = vector.broadcast %parallel_loop3A_2555 : f32 to vector<16xf32>
        %parallel_loop3A_2557 = arith.mulf %parallel_loop3A_2430, %parallel_loop3A_2556 : vector<16xf32>
        %parallel_loop3A_2558 = arith.index_cast %parallel_loop3A_2396 : i32 to index
        %parallel_loop3A_2559 = arith.constant 96 : index
        %parallel_loop3A_2560 = tpu.vector_load %arg15[%parallel_loop3A_2558, %parallel_loop3A_2559] {strides = array<i32>} : memref<40x144xf32, #tpu.memory_space<vmem>>, vector<16xf32>,
        tpu.vector_store %arg15[%parallel_loop3A_2558, %parallel_loop3A_2559], %parallel_loop3A_2557 {strides = array<i32>} : memref<40x144xf32, #tpu.memory_space<vmem>>, vector<16xf32>,
        %parallel_loop3A_2561 = vector.extract_strided_slice %parallel_loop3A_2508 {offsets = [7], sizes = [1], strides = [1]} : vector<16xf32> to vector<1xf32>
        %parallel_loop3A_2562 = vector.extract %parallel_loop3A_2561[0] : f32 from vector<1xf32>
        %parallel_loop3A_2563 = vector.broadcast %parallel_loop3A_2562 : f32 to vector<16xf32>
        %parallel_loop3A_2564 = arith.mulf %parallel_loop3A_2431, %parallel_loop3A_2563 : vector<16xf32>
        %parallel_loop3A_2565 = arith.index_cast %parallel_loop3A_2396 : i32 to index
        %parallel_loop3A_2566 = arith.constant 112 : index
        %parallel_loop3A_2567 = tpu.vector_load %arg15[%parallel_loop3A_2565, %parallel_loop3A_2566] {strides = array<i32>} : memref<40x144xf32, #tpu.memory_space<vmem>>, vector<16xf32>,
        tpu.vector_store %arg15[%parallel_loop3A_2565, %parallel_loop3A_2566], %parallel_loop3A_2564 {strides = array<i32>} : memref<40x144xf32, #tpu.memory_space<vmem>>, vector<16xf32>,
      } {sc.loop_unroll_factor = 2 : i64, sc.parallel_access}
      %dma_start3A_2326 = arith.constant 0 : i32
      %dma_start3A_2327 = arith.constant 0 : i32
      %dma_start3A_2328 = tpu.memref_slice %arg17[%dma_start3A_2326, %dma_start3A_2327] : memref<10240x144xf32, #tpu.memory_space<vmem_shared>> -> memref<10240x144xf32, #tpu.memory_space<vmem_shared>>
      tpu.enqueue_indirect_dma source(%arg15 : memref<40x144xf32, #tpu.memory_space<vmem>>) target(%dma_start3A_2328 : memref<10240x144xf32, #tpu.memory_space<vmem_shared>>) offsets(%arg9 : memref<40xi32, #tpu.memory_space<vmem>>) semaphore(%arg20 : memref<!tpu.dma_semaphore, #tpu.memory_space<semaphore_mem>>) {add = true}
      %mul3A_2329 = arith.constant 2 : i32
      %mul3A_2330 = arith.muli %scan3A_2268, %mul3A_2329 : i32
      %add3A_2331 = arith.constant 1 : i32
      %add3A_2332 = arith.addi %mul3A_2330, %add3A_2331 : i32
      %dma_wait3A_2333 = arith.constant 0 : i32
      %dma_wait3A_2334 = tpu.memref_slice %arg3[%dma_wait3A_2333, %mul3A_2] : memref<2x320000xi32, #tpu.memory_space<hbm>> -> memref<1x40xi32, #tpu.memory_space<hbm>>
      %dma_wait3A_2335 = tpu.memref_squeeze %dma_wait3A_2334 : memref<1x40xi32, #tpu.memory_space<hbm>> -> memref<40xi32, #tpu.memory_space<hbm>>
      %dma_wait3A_2336 = tpu.memref_slice %arg3[%dma_wait3A_2333, %mul3A_2] : memref<2x320000xi32, #tpu.memory_space<hbm>> -> memref<1x40xi32, #tpu.memory_space<hbm>>
      %dma_wait3A_2337 = tpu.memref_squeeze %dma_wait3A_2336 : memref<1x40xi32, #tpu.memory_space<hbm>> -> memref<40xi32, #tpu.memory_space<hbm>>
      tpu.wait_dma2 semaphore(%arg22 : memref<!tpu.dma_semaphore, #tpu.memory_space<semaphore_mem>>) src(%dma_wait3A_2337 : memref<40xi32, #tpu.memory_space<hbm>>) dst(%arg5 : memref<40xi32, #tpu.memory_space<vmem>>)
      %dma_wait3A_2338 = arith.constant 1 : i32
      %dma_wait3A_2339 = tpu.memref_slice %arg3[%dma_wait3A_2338, %mul3A_2] : memref<2x320000xi32, #tpu.memory_space<hbm>> -> memref<1x40xi32, #tpu.memory_space<hbm>>
      %dma_wait3A_2340 = tpu.memref_squeeze %dma_wait3A_2339 : memref<1x40xi32, #tpu.memory_space<hbm>> -> memref<40xi32, #tpu.memory_space<hbm>>
      %dma_wait3A_2341 = tpu.memref_slice %arg3[%dma_wait3A_2338, %mul3A_2] : memref<2x320000xi32, #tpu.memory_space<hbm>> -> memref<1x40xi32, #tpu.memory_space<hbm>>
      %dma_wait3A_2342 = tpu.memref_squeeze %dma_wait3A_2341 : memref<1x40xi32, #tpu.memory_space<hbm>> -> memref<40xi32, #tpu.memory_space<hbm>>
      tpu.wait_dma2 semaphore(%arg22 : memref<!tpu.dma_semaphore, #tpu.memory_space<semaphore_mem>>) src(%dma_wait3A_2342 : memref<40xi32, #tpu.memory_space<hbm>>) dst(%arg7 : memref<40xi32, #tpu.memory_space<vmem>>)
      %dma_start3A_2343 = arith.constant 0 : i32
      %dma_start3A_2344 = arith.constant 0 : i32
      %dma_start3A_2345 = tpu.memref_slice %arg2[%dma_start3A_2343, %dma_start3A_2344] : memref<10000x128xbf16, #tpu.memory_space<hbm>> -> memref<10000x128xbf16, #tpu.memory_space<hbm>>
      tpu.enqueue_indirect_dma source(%dma_start3A_2345 : memref<10000x128xbf16, #tpu.memory_space<hbm>>) target(%arg11 : memref<40x128xbf16, #tpu.memory_space<vmem>>) offsets(%arg5 : memref<40xi32, #tpu.memory_space<vmem>>) semaphore(%arg18 : memref<!tpu.dma_semaphore, #tpu.memory_space<semaphore_mem>>)
      %dma_start3A_2346 = arith.constant 0 : i32
      %dma_start3A_2347 = arith.constant 0 : i32
      %dma_start3A_2348 = tpu.memref_slice %arg2[%dma_start3A_2346, %dma_start3A_2347] : memref<10000x128xbf16, #tpu.memory_space<hbm>> -> memref<10000x128xbf16, #tpu.memory_space<hbm>>
      tpu.enqueue_indirect_dma source(%dma_start3A_2348 : memref<10000x128xbf16, #tpu.memory_space<hbm>>) target(%arg13 : memref<40x128xbf16, #tpu.memory_space<vmem>>) offsets(%arg7 : memref<40xi32, #tpu.memory_space<vmem>>) semaphore(%arg18 : memref<!tpu.dma_semaphore, #tpu.memory_space<semaphore_mem>>)
      %dma_wait3A_2349 = arith.constant 0 : i32
      %dma_wait3A_2350 = arith.constant 0 : i32
      %dma_wait3A_2351 = tpu.memref_slice %arg2[%dma_wait3A_2349, %dma_wait3A_2350] : memref<10000x128xbf16, #tpu.memory_space<hbm>> -> memref<10000x128xbf16, #tpu.memory_space<hbm>>
      tpu.wait_indirect_dma semaphore(%arg19 : memref<!tpu.dma_semaphore, #tpu.memory_space<semaphore_mem>>) src(%dma_wait3A_2351 : memref<10000x128xbf16, #tpu.memory_space<hbm>>) dst(%arg12 : memref<40x128xbf16, #tpu.memory_space<vmem>>)
      %dma_wait3A_2352 = arith.constant 0 : i32
      %dma_wait3A_2353 = arith.constant 0 : i32
      %dma_wait3A_2354 = tpu.memref_slice %arg2[%dma_wait3A_2352, %dma_wait3A_2353] : memref<10000x128xbf16, #tpu.memory_space<hbm>> -> memref<10000x128xbf16, #tpu.memory_space<hbm>>
      tpu.wait_indirect_dma semaphore(%arg19 : memref<!tpu.dma_semaphore, #tpu.memory_space<semaphore_mem>>) src(%dma_wait3A_2354 : memref<10000x128xbf16, #tpu.memory_space<hbm>>) dst(%arg14 : memref<40x128xbf16, #tpu.memory_space<vmem>>)
      %ge3A_2355 = arith.constant 2 : i32
      %ge3A_2356 = arith.cmpi sge, %add3A_2332, %ge3A_2355 : i32
      %convert_element_type3A_2357 = arith.extui %ge3A_2356 : i1 to i32
      %cond3A_2358 = arith.constant 0 : i32
      %cond3A_2359 = arith.cmpi ne, %convert_element_type3A_2357, %cond3A_2358 : i32
      scf.if %cond3A_2359 {
        %dma_wait3A_2396 = arith.constant 0 : i32
        %dma_wait3A_2397 = arith.constant 0 : i32
        %dma_wait3A_2398 = tpu.memref_slice %arg17[%dma_wait3A_2396, %dma_wait3A_2397] : memref<10240x144xf32, #tpu.memory_space<vmem_shared>> -> memref<10240x144xf32, #tpu.memory_space<vmem_shared>>
        tpu.wait_indirect_dma semaphore(%arg21 : memref<!tpu.dma_semaphore, #tpu.memory_space<semaphore_mem>>) src(%arg16 : memref<40x144xf32, #tpu.memory_space<vmem>>) dst(%dma_wait3A_2398 : memref<10240x144xf32, #tpu.memory_space<vmem_shared>>)
      } else {
      }
      %get3A_2360 = arith.constant 0 : index
      %get3A_2361 = tpu.vector_load %arg8[%get3A_2360] {strides = array<i32>} : memref<40xi32, #tpu.memory_space<vmem>>, vector<16xi32>,
      %swap3A_2362 = arith.constant 0 : index
      %swap3A_2363 = tpu.vector_load %arg10[%swap3A_2362] {strides = array<i32>} : memref<40xi32, #tpu.memory_space<vmem>>, vector<16xi32>,
      tpu.vector_store %arg10[%swap3A_2362], %get3A_2361 {strides = array<i32>} : memref<40xi32, #tpu.memory_space<vmem>>, vector<16xi32>,
      %get3A_2364 = arith.constant 16 : index
      %get3A_2365 = tpu.vector_load %arg8[%get3A_2364] {strides = array<i32>} : memref<40xi32, #tpu.memory_space<vmem>>, vector<16xi32>,
      %swap3A_2366 = arith.constant 16 : index
      %swap3A_2367 = tpu.vector_load %arg10[%swap3A_2366] {strides = array<i32>} : memref<40xi32, #tpu.memory_space<vmem>>, vector<16xi32>,
      tpu.vector_store %arg10[%swap3A_2366], %get3A_2365 {strides = array<i32>} : memref<40xi32, #tpu.memory_space<vmem>>, vector<16xi32>,
      %get3A_2368 = arith.constant 24 : index
      %get3A_2369 = tpu.vector_load %arg8[%get3A_2368] {strides = array<i32>} : memref<40xi32, #tpu.memory_space<vmem>>, vector<16xi32>,
      %swap3A_2370 = arith.constant 24 : index
      %swap3A_2371 = tpu.vector_load %arg10[%swap3A_2370] {strides = array<i32>} : memref<40xi32, #tpu.memory_space<vmem>>, vector<16xi32>,
      tpu.vector_store %arg10[%swap3A_2370], %get3A_2369 {strides = array<i32>} : memref<40xi32, #tpu.memory_space<vmem>>, vector<16xi32>,
      %add3A_2372 = arith.constant 2 : i32
      %add3A_2373 = arith.addi %add3A_2332, %add3A_2372 : i32
      %min3A_2374 = arith.constant 249 : i32
      %min3A_2375 = arith.minsi %add3A_2373, %min3A_2374 : i32
      %mul3A_2376 = arith.constant 40 : i32
      %mul3A_2377 = arith.muli %min3A_2375, %mul3A_2376 : i32
      %add3A_2378 = arith.addi %mul3A_2, %mul3A_2377 : i32
      %dma_start3A_2379 = arith.constant 0 : i32
      %dma_start3A_2380 = tpu.memref_slice %arg3[%dma_start3A_2379, %add3A_2378] : memref<2x320000xi32, #tpu.memory_space<hbm>> -> memref<1x40xi32, #tpu.memory_space<hbm>>
      %dma_start3A_2381 = tpu.memref_squeeze %dma_start3A_2380 : memref<1x40xi32, #tpu.memory_space<hbm>> -> memref<40xi32, #tpu.memory_space<hbm>>
      %dma_start3A_2382 = tpu.memref_slice %arg3[%dma_start3A_2379, %add3A_2378] : memref<2x320000xi32, #tpu.memory_space<hbm>> -> memref<1x40xi32, #tpu.memory_space<hbm>>
      %dma_start3A_2383 = tpu.memref_squeeze %dma_start3A_2382 : memref<1x40xi32, #tpu.memory_space<hbm>> -> memref<40xi32, #tpu.memory_space<hbm>>
      tpu.enqueue_dma source(%dma_start3A_2383 : memref<40xi32, #tpu.memory_space<hbm>>) target(%arg6 : memref<40xi32, #tpu.memory_space<vmem>>) target_semaphore(%arg23 : memref<!tpu.dma_semaphore, #tpu.memory_space<semaphore_mem>>)
      %dma_start3A_2384 = arith.constant 1 : i32
      %dma_start3A_2385 = tpu.memref_slice %arg3[%dma_start3A_2384, %add3A_2378] : memref<2x320000xi32, #tpu.memory_space<hbm>> -> memref<1x40xi32, #tpu.memory_space<hbm>>
      %dma_start3A_2386 = tpu.memref_squeeze %dma_start3A_2385 : memref<1x40xi32, #tpu.memory_space<hbm>> -> memref<40xi32, #tpu.memory_space<hbm>>
      %dma_start3A_2387 = tpu.memref_slice %arg3[%dma_start3A_2384, %add3A_2378] : memref<2x320000xi32, #tpu.memory_space<hbm>> -> memref<1x40xi32, #tpu.memory_space<hbm>>
      %dma_start3A_2388 = tpu.memref_squeeze %dma_start3A_2387 : memref<1x40xi32, #tpu.memory_space<hbm>> -> memref<40xi32, #tpu.memory_space<hbm>>
      tpu.enqueue_dma source(%dma_start3A_2388 : memref<40xi32, #tpu.memory_space<hbm>>) target(%arg8 : memref<40xi32, #tpu.memory_space<vmem>>) target_semaphore(%arg23 : memref<!tpu.dma_semaphore, #tpu.memory_space<semaphore_mem>>)
      %parallel_loop3A_2389 = arith.constant 0 : i32
      %parallel_loop3A_2390 = arith.constant 40 : i32
      %parallel_loop3A_2391 = arith.constant 1 : i32
      scf.for %parallel_loop3A_2396 = %parallel_loop3A_2389 to %parallel_loop3A_2390 step %parallel_loop3A_2391  : i32 {
        %parallel_loop3A_2397 = arith.index_cast %parallel_loop3A_2396 : i32 to index
        %parallel_loop3A_2398 = arith.constant 0 : index
        %parallel_loop3A_2399 = tpu.vector_load %arg12[%parallel_loop3A_2397, %parallel_loop3A_2398] {strides = array<i32>} : memref<40x128xbf16, #tpu.memory_space<vmem>>, vector<32xbf16>,
        %parallel_loop3A_2400 = tpu.unpack_subelements %parallel_loop3A_2399, 0 {pack_format = #tpu.pack_format<interleaved>} : vector<32xbf16> -> vector<16xf32>
        %parallel_loop3A_2401 = tpu.unpack_subelements %parallel_loop3A_2399, 1 {pack_format = #tpu.pack_format<interleaved>} : vector<32xbf16> -> vector<16xf32>
        %parallel_loop3A_2402 = arith.index_cast %parallel_loop3A_2396 : i32 to index
        %parallel_loop3A_2403 = arith.constant 0 : index
        %parallel_loop3A_2404 = tpu.vector_load %arg14[%parallel_loop3A_2402, %parallel_loop3A_2403] {strides = array<i32>} : memref<40x128xbf16, #tpu.memory_space<vmem>>, vector<32xbf16>,
        %parallel_loop3A_2405 = tpu.unpack_subelements %parallel_loop3A_2404, 0 {pack_format = #tpu.pack_format<interleaved>} : vector<32xbf16> -> vector<16xf32>
        %parallel_loop3A_2406 = tpu.unpack_subelements %parallel_loop3A_2404, 1 {pack_format = #tpu.pack_format<interleaved>} : vector<32xbf16> -> vector<16xf32>
        %parallel_loop3A_2407 = arith.index_cast %parallel_loop3A_2396 : i32 to index
        %parallel_loop3A_2408 = arith.constant 32 : index
        %parallel_loop3A_2409 = tpu.vector_load %arg12[%parallel_loop3A_2407, %parallel_loop3A_2408] {strides = array<i32>} : memref<40x128xbf16, #tpu.memory_space<vmem>>, vector<32xbf16>,
        %parallel_loop3A_2410 = tpu.unpack_subelements %parallel_loop3A_2409, 0 {pack_format = #tpu.pack_format<interleaved>} : vector<32xbf16> -> vector<16xf32>
        %parallel_loop3A_2411 = tpu.unpack_subelements %parallel_loop3A_2409, 1 {pack_format = #tpu.pack_format<interleaved>} : vector<32xbf16> -> vector<16xf32>
        %parallel_loop3A_2412 = arith.index_cast %parallel_loop3A_2396 : i32 to index
        %parallel_loop3A_2413 = arith.constant 32 : index
        %parallel_loop3A_2414 = tpu.vector_load %arg14[%parallel_loop3A_2412, %parallel_loop3A_2413] {strides = array<i32>} : memref<40x128xbf16, #tpu.memory_space<vmem>>, vector<32xbf16>,
        %parallel_loop3A_2415 = tpu.unpack_subelements %parallel_loop3A_2414, 0 {pack_format = #tpu.pack_format<interleaved>} : vector<32xbf16> -> vector<16xf32>
        %parallel_loop3A_2416 = tpu.unpack_subelements %parallel_loop3A_2414, 1 {pack_format = #tpu.pack_format<interleaved>} : vector<32xbf16> -> vector<16xf32>
        %parallel_loop3A_2417 = arith.index_cast %parallel_loop3A_2396 : i32 to index
        %parallel_loop3A_2418 = arith.constant 64 : index
        %parallel_loop3A_2419 = tpu.vector_load %arg12[%parallel_loop3A_2417, %parallel_loop3A_2418] {strides = array<i32>} : memref<40x128xbf16, #tpu.memory_space<vmem>>, vector<32xbf16>,
        %parallel_loop3A_2420 = tpu.unpack_subelements %parallel_loop3A_2419, 0 {pack_format = #tpu.pack_format<interleaved>} : vector<32xbf16> -> vector<16xf32>
        %parallel_loop3A_2421 = tpu.unpack_subelements %parallel_loop3A_2419, 1 {pack_format = #tpu.pack_format<interleaved>} : vector<32xbf16> -> vector<16xf32>
        %parallel_loop3A_2422 = arith.index_cast %parallel_loop3A_2396 : i32 to index
        %parallel_loop3A_2423 = arith.constant 64 : index
        %parallel_loop3A_2424 = tpu.vector_load %arg14[%parallel_loop3A_2422, %parallel_loop3A_2423] {strides = array<i32>} : memref<40x128xbf16, #tpu.memory_space<vmem>>, vector<32xbf16>,
        %parallel_loop3A_2425 = tpu.unpack_subelements %parallel_loop3A_2424, 0 {pack_format = #tpu.pack_format<interleaved>} : vector<32xbf16> -> vector<16xf32>
        %parallel_loop3A_2426 = tpu.unpack_subelements %parallel_loop3A_2424, 1 {pack_format = #tpu.pack_format<interleaved>} : vector<32xbf16> -> vector<16xf32>
        %parallel_loop3A_2427 = arith.index_cast %parallel_loop3A_2396 : i32 to index
        %parallel_loop3A_2428 = arith.constant 96 : index
        %parallel_loop3A_2429 = tpu.vector_load %arg12[%parallel_loop3A_2427, %parallel_loop3A_2428] {strides = array<i32>} : memref<40x128xbf16, #tpu.memory_space<vmem>>, vector<32xbf16>,
        %parallel_loop3A_2430 = tpu.unpack_subelements %parallel_loop3A_2429, 0 {pack_format = #tpu.pack_format<interleaved>} : vector<32xbf16> -> vector<16xf32>
        %parallel_loop3A_2431 = tpu.unpack_subelements %parallel_loop3A_2429, 1 {pack_format = #tpu.pack_format<interleaved>} : vector<32xbf16> -> vector<16xf32>
        %parallel_loop3A_2432 = arith.index_cast %parallel_loop3A_2396 : i32 to index
        %parallel_loop3A_2433 = arith.constant 96 : index
        %parallel_loop3A_2434 = tpu.vector_load %arg14[%parallel_loop3A_2432, %parallel_loop3A_2433] {strides = array<i32>} : memref<40x128xbf16, #tpu.memory_space<vmem>>, vector<32xbf16>,
        %parallel_loop3A_2435 = tpu.unpack_subelements %parallel_loop3A_2434, 0 {pack_format = #tpu.pack_format<interleaved>} : vector<32xbf16> -> vector<16xf32>
        %parallel_loop3A_2436 = tpu.unpack_subelements %parallel_loop3A_2434, 1 {pack_format = #tpu.pack_format<interleaved>} : vector<32xbf16> -> vector<16xf32>
        %parallel_loop3A_2437 = arith.mulf %parallel_loop3A_2400, %parallel_loop3A_2405 : vector<16xf32>
        %parallel_loop3A_2438 = arith.constant true
        %parallel_loop3A_2439 = vector.broadcast %parallel_loop3A_2438 : i1 to vector<16xi1>
        %parallel_loop3A_2440 = tpu.scan <sum>, %parallel_loop3A_2437 masked %parallel_loop3A_2439 : vector<16xf32>, vector<16xi1> -> vector<16xf32>
        %parallel_loop3A_2441 = arith.mulf %parallel_loop3A_2401, %parallel_loop3A_2406 : vector<16xf32>
        %parallel_loop3A_2442 = arith.constant true
        %parallel_loop3A_2443 = vector.broadcast %parallel_loop3A_2442 : i1 to vector<16xi1>
        %parallel_loop3A_2444 = tpu.scan <sum>, %parallel_loop3A_2441 masked %parallel_loop3A_2443 : vector<16xf32>, vector<16xi1> -> vector<16xf32>
        %parallel_loop3A_2445 = arith.mulf %parallel_loop3A_2410, %parallel_loop3A_2415 : vector<16xf32>
        %parallel_loop3A_2446 = arith.constant true
        %parallel_loop3A_2447 = vector.broadcast %parallel_loop3A_2446 : i1 to vector<16xi1>
        %parallel_loop3A_2448 = tpu.scan <sum>, %parallel_loop3A_2445 masked %parallel_loop3A_2447 : vector<16xf32>, vector<16xi1> -> vector<16xf32>
        %parallel_loop3A_2449 = arith.mulf %parallel_loop3A_2411, %parallel_loop3A_2416 : vector<16xf32>
        %parallel_loop3A_2450 = arith.constant true
        %parallel_loop3A_2451 = vector.broadcast %parallel_loop3A_2450 : i1 to vector<16xi1>
        %parallel_loop3A_2452 = tpu.scan <sum>, %parallel_loop3A_2449 masked %parallel_loop3A_2451 : vector<16xf32>, vector<16xi1> -> vector<16xf32>
        %parallel_loop3A_2453 = arith.mulf %parallel_loop3A_2420, %parallel_loop3A_2425 : vector<16xf32>
        %parallel_loop3A_2454 = arith.constant true
        %parallel_loop3A_2455 = vector.broadcast %parallel_loop3A_2454 : i1 to vector<16xi1>
        %parallel_loop3A_2456 = tpu.scan <sum>, %parallel_loop3A_2453 masked %parallel_loop3A_2455 : vector<16xf32>, vector<16xi1> -> vector<16xf32>
        %parallel_loop3A_2457 = arith.mulf %parallel_loop3A_2421, %parallel_loop3A_2426 : vector<16xf32>
        %parallel_loop3A_2458 = arith.constant true
        %parallel_loop3A_2459 = vector.broadcast %parallel_loop3A_2458 : i1 to vector<16xi1>
        %parallel_loop3A_2460 = tpu.scan <sum>, %parallel_loop3A_2457 masked %parallel_loop3A_2459 : vector<16xf32>, vector<16xi1> -> vector<16xf32>
        %parallel_loop3A_2461 = arith.mulf %parallel_loop3A_2430, %parallel_loop3A_2435 : vector<16xf32>
        %parallel_loop3A_2462 = arith.constant true
        %parallel_loop3A_2463 = vector.broadcast %parallel_loop3A_2462 : i1 to vector<16xi1>
        %parallel_loop3A_2464 = tpu.scan <sum>, %parallel_loop3A_2461 masked %parallel_loop3A_2463 : vector<16xf32>, vector<16xi1> -> vector<16xf32>
        %parallel_loop3A_2465 = arith.mulf %parallel_loop3A_2431, %parallel_loop3A_2436 : vector<16xf32>
        %parallel_loop3A_2466 = arith.constant true
        %parallel_loop3A_2467 = vector.broadcast %parallel_loop3A_2466 : i1 to vector<16xi1>
        %parallel_loop3A_2468 = tpu.scan <sum>, %parallel_loop3A_2465 masked %parallel_loop3A_2467 : vector<16xf32>, vector<16xi1> -> vector<16xf32>
        %parallel_loop3A_2469 = vector.extract_strided_slice %parallel_loop3A_2440 {offsets = [15], sizes = [1], strides = [1]} : vector<16xf32> to vector<1xf32>
        %parallel_loop3A_2470 = vector.extract %parallel_loop3A_2469[0] : f32 from vector<1xf32>
        %parallel_loop3A_2471 = vector.broadcast %parallel_loop3A_2470 : f32 to vector<16xf32>
        %parallel_loop3A_2472 = arith.mulf %convert_element_type3A_2169, %parallel_loop3A_2471 : vector<16xf32>
        %parallel_loop3A_2473 = vector.extract_strided_slice %parallel_loop3A_2444 {offsets = [15], sizes = [1], strides = [1]} : vector<16xf32> to vector<1xf32>
        %parallel_loop3A_2474 = vector.extract %parallel_loop3A_2473[0] : f32 from vector<1xf32>
        %parallel_loop3A_2475 = vector.broadcast %parallel_loop3A_2474 : f32 to vector<16xf32>
        %parallel_loop3A_2476 = arith.mulf %convert_element_type3A_2175, %parallel_loop3A_2475 : vector<16xf32>
        %parallel_loop3A_2477 = vector.extract_strided_slice %parallel_loop3A_2448 {offsets = [15], sizes = [1], strides = [1]} : vector<16xf32> to vector<1xf32>
        %parallel_loop3A_2478 = vector.extract %parallel_loop3A_2477[0] : f32 from vector<1xf32>
        %parallel_loop3A_2479 = vector.broadcast %parallel_loop3A_2478 : f32 to vector<16xf32>
        %parallel_loop3A_2480 = arith.mulf %convert_element_type3A_2181, %parallel_loop3A_2479 : vector<16xf32>
        %parallel_loop3A_2481 = vector.extract_strided_slice %parallel_loop3A_2452 {offsets = [15], sizes = [1], strides = [1]} : vector<16xf32> to vector<1xf32>
        %parallel_loop3A_2482 = vector.extract %parallel_loop3A_2481[0] : f32 from vector<1xf32>
        %parallel_loop3A_2483 = vector.broadcast %parallel_loop3A_2482 : f32 to vector<16xf32>
        %parallel_loop3A_2484 = arith.mulf %convert_element_type3A_2187, %parallel_loop3A_2483 : vector<16xf32>
        %parallel_loop3A_2485 = vector.extract_strided_slice %parallel_loop3A_2456 {offsets = [15], sizes = [1], strides = [1]} : vector<16xf32> to vector<1xf32>
        %parallel_loop3A_2486 = vector.extract %parallel_loop3A_2485[0] : f32 from vector<1xf32>
        %parallel_loop3A_2487 = vector.broadcast %parallel_loop3A_2486 : f32 to vector<16xf32>
        %parallel_loop3A_2488 = arith.mulf %convert_element_type3A_2193, %parallel_loop3A_2487 : vector<16xf32>
        %parallel_loop3A_2489 = vector.extract_strided_slice %parallel_loop3A_2460 {offsets = [15], sizes = [1], strides = [1]} : vector<16xf32> to vector<1xf32>
        %parallel_loop3A_2490 = vector.extract %parallel_loop3A_2489[0] : f32 from vector<1xf32>
        %parallel_loop3A_2491 = vector.broadcast %parallel_loop3A_2490 : f32 to vector<16xf32>
        %parallel_loop3A_2492 = arith.mulf %convert_element_type3A_2199, %parallel_loop3A_2491 : vector<16xf32>
        %parallel_loop3A_2493 = vector.extract_strided_slice %parallel_loop3A_2464 {offsets = [15], sizes = [1], strides = [1]} : vector<16xf32> to vector<1xf32>
        %parallel_loop3A_2494 = vector.extract %parallel_loop3A_2493[0] : f32 from vector<1xf32>
        %parallel_loop3A_2495 = vector.broadcast %parallel_loop3A_2494 : f32 to vector<16xf32>
        %parallel_loop3A_2496 = arith.mulf %convert_element_type3A_2205, %parallel_loop3A_2495 : vector<16xf32>
        %parallel_loop3A_2497 = vector.extract_strided_slice %parallel_loop3A_2468 {offsets = [15], sizes = [1], strides = [1]} : vector<16xf32> to vector<1xf32>
        %parallel_loop3A_2498 = vector.extract %parallel_loop3A_2497[0] : f32 from vector<1xf32>
        %parallel_loop3A_2499 = vector.broadcast %parallel_loop3A_2498 : f32 to vector<16xf32>
        %parallel_loop3A_2500 = arith.mulf %convert_element_type3A_2211, %parallel_loop3A_2499 : vector<16xf32>
        %parallel_loop3A_2501 = arith.addf %parallel_loop3A_2472, %parallel_loop3A_2476 : vector<16xf32>
        %parallel_loop3A_2502 = arith.addf %parallel_loop3A_2480, %parallel_loop3A_2484 : vector<16xf32>
        %parallel_loop3A_2503 = arith.addf %parallel_loop3A_2501, %parallel_loop3A_2502 : vector<16xf32>
        %parallel_loop3A_2504 = arith.addf %parallel_loop3A_2488, %parallel_loop3A_2492 : vector<16xf32>
        %parallel_loop3A_2505 = arith.addf %parallel_loop3A_2496, %parallel_loop3A_2500 : vector<16xf32>
        %parallel_loop3A_2506 = arith.addf %parallel_loop3A_2504, %parallel_loop3A_2505 : vector<16xf32>
        %parallel_loop3A_2507 = arith.addf %parallel_loop3A_2503, %parallel_loop3A_2506 : vector<16xf32>
        %parallel_loop3A_2508 = math.exp %parallel_loop3A_2507 : vector<16xf32>
        %parallel_loop3A_2509 = arith.index_cast %parallel_loop3A_2396 : i32 to index
        %parallel_loop3A_2510 = arith.constant 128 : index
        %parallel_loop3A_2511 = tpu.vector_load %arg16[%parallel_loop3A_2509, %parallel_loop3A_2510] {strides = array<i32>} : memref<40x144xf32, #tpu.memory_space<vmem>>, vector<16xf32>,
        tpu.vector_store %arg16[%parallel_loop3A_2509, %parallel_loop3A_2510], %parallel_loop3A_2508 {strides = array<i32>} : memref<40x144xf32, #tpu.memory_space<vmem>>, vector<16xf32>,
        %parallel_loop3A_2512 = vector.extract_strided_slice %parallel_loop3A_2508 {offsets = [0], sizes = [1], strides = [1]} : vector<16xf32> to vector<1xf32>
        %parallel_loop3A_2513 = vector.extract %parallel_loop3A_2512[0] : f32 from vector<1xf32>
        %parallel_loop3A_2514 = vector.broadcast %parallel_loop3A_2513 : f32 to vector<16xf32>
        %parallel_loop3A_2515 = arith.mulf %parallel_loop3A_2400, %parallel_loop3A_2514 : vector<16xf32>
        %parallel_loop3A_2516 = arith.index_cast %parallel_loop3A_2396 : i32 to index
        %parallel_loop3A_2517 = arith.constant 0 : index
        %parallel_loop3A_2518 = tpu.vector_load %arg16[%parallel_loop3A_2516, %parallel_loop3A_2517] {strides = array<i32>} : memref<40x144xf32, #tpu.memory_space<vmem>>, vector<16xf32>,
        tpu.vector_store %arg16[%parallel_loop3A_2516, %parallel_loop3A_2517], %parallel_loop3A_2515 {strides = array<i32>} : memref<40x144xf32, #tpu.memory_space<vmem>>, vector<16xf32>,
        %parallel_loop3A_2519 = vector.extract_strided_slice %parallel_loop3A_2508 {offsets = [1], sizes = [1], strides = [1]} : vector<16xf32> to vector<1xf32>
        %parallel_loop3A_2520 = vector.extract %parallel_loop3A_2519[0] : f32 from vector<1xf32>
        %parallel_loop3A_2521 = vector.broadcast %parallel_loop3A_2520 : f32 to vector<16xf32>
        %parallel_loop3A_2522 = arith.mulf %parallel_loop3A_2401, %parallel_loop3A_2521 : vector<16xf32>
        %parallel_loop3A_2523 = arith.index_cast %parallel_loop3A_2396 : i32 to index
        %parallel_loop3A_2524 = arith.constant 16 : index
        %parallel_loop3A_2525 = tpu.vector_load %arg16[%parallel_loop3A_2523, %parallel_loop3A_2524] {strides = array<i32>} : memref<40x144xf32, #tpu.memory_space<vmem>>, vector<16xf32>,
        tpu.vector_store %arg16[%parallel_loop3A_2523, %parallel_loop3A_2524], %parallel_loop3A_2522 {strides = array<i32>} : memref<40x144xf32, #tpu.memory_space<vmem>>, vector<16xf32>,
        %parallel_loop3A_2526 = vector.extract_strided_slice %parallel_loop3A_2508 {offsets = [2], sizes = [1], strides = [1]} : vector<16xf32> to vector<1xf32>
        %parallel_loop3A_2527 = vector.extract %parallel_loop3A_2526[0] : f32 from vector<1xf32>
        %parallel_loop3A_2528 = vector.broadcast %parallel_loop3A_2527 : f32 to vector<16xf32>
        %parallel_loop3A_2529 = arith.mulf %parallel_loop3A_2410, %parallel_loop3A_2528 : vector<16xf32>
        %parallel_loop3A_2530 = arith.index_cast %parallel_loop3A_2396 : i32 to index
        %parallel_loop3A_2531 = arith.constant 32 : index
        %parallel_loop3A_2532 = tpu.vector_load %arg16[%parallel_loop3A_2530, %parallel_loop3A_2531] {strides = array<i32>} : memref<40x144xf32, #tpu.memory_space<vmem>>, vector<16xf32>,
        tpu.vector_store %arg16[%parallel_loop3A_2530, %parallel_loop3A_2531], %parallel_loop3A_2529 {strides = array<i32>} : memref<40x144xf32, #tpu.memory_space<vmem>>, vector<16xf32>,
        %parallel_loop3A_2533 = vector.extract_strided_slice %parallel_loop3A_2508 {offsets = [3], sizes = [1], strides = [1]} : vector<16xf32> to vector<1xf32>
        %parallel_loop3A_2534 = vector.extract %parallel_loop3A_2533[0] : f32 from vector<1xf32>
        %parallel_loop3A_2535 = vector.broadcast %parallel_loop3A_2534 : f32 to vector<16xf32>
        %parallel_loop3A_2536 = arith.mulf %parallel_loop3A_2411, %parallel_loop3A_2535 : vector<16xf32>
        %parallel_loop3A_2537 = arith.index_cast %parallel_loop3A_2396 : i32 to index
        %parallel_loop3A_2538 = arith.constant 48 : index
        %parallel_loop3A_2539 = tpu.vector_load %arg16[%parallel_loop3A_2537, %parallel_loop3A_2538] {strides = array<i32>} : memref<40x144xf32, #tpu.memory_space<vmem>>, vector<16xf32>,
        tpu.vector_store %arg16[%parallel_loop3A_2537, %parallel_loop3A_2538], %parallel_loop3A_2536 {strides = array<i32>} : memref<40x144xf32, #tpu.memory_space<vmem>>, vector<16xf32>,
        %parallel_loop3A_2540 = vector.extract_strided_slice %parallel_loop3A_2508 {offsets = [4], sizes = [1], strides = [1]} : vector<16xf32> to vector<1xf32>
        %parallel_loop3A_2541 = vector.extract %parallel_loop3A_2540[0] : f32 from vector<1xf32>
        %parallel_loop3A_2542 = vector.broadcast %parallel_loop3A_2541 : f32 to vector<16xf32>
        %parallel_loop3A_2543 = arith.mulf %parallel_loop3A_2420, %parallel_loop3A_2542 : vector<16xf32>
        %parallel_loop3A_2544 = arith.index_cast %parallel_loop3A_2396 : i32 to index
        %parallel_loop3A_2545 = arith.constant 64 : index
        %parallel_loop3A_2546 = tpu.vector_load %arg16[%parallel_loop3A_2544, %parallel_loop3A_2545] {strides = array<i32>} : memref<40x144xf32, #tpu.memory_space<vmem>>, vector<16xf32>,
        tpu.vector_store %arg16[%parallel_loop3A_2544, %parallel_loop3A_2545], %parallel_loop3A_2543 {strides = array<i32>} : memref<40x144xf32, #tpu.memory_space<vmem>>, vector<16xf32>,
        %parallel_loop3A_2547 = vector.extract_strided_slice %parallel_loop3A_2508 {offsets = [5], sizes = [1], strides = [1]} : vector<16xf32> to vector<1xf32>
        %parallel_loop3A_2548 = vector.extract %parallel_loop3A_2547[0] : f32 from vector<1xf32>
        %parallel_loop3A_2549 = vector.broadcast %parallel_loop3A_2548 : f32 to vector<16xf32>
        %parallel_loop3A_2550 = arith.mulf %parallel_loop3A_2421, %parallel_loop3A_2549 : vector<16xf32>
        %parallel_loop3A_2551 = arith.index_cast %parallel_loop3A_2396 : i32 to index
        %parallel_loop3A_2552 = arith.constant 80 : index
        %parallel_loop3A_2553 = tpu.vector_load %arg16[%parallel_loop3A_2551, %parallel_loop3A_2552] {strides = array<i32>} : memref<40x144xf32, #tpu.memory_space<vmem>>, vector<16xf32>,
        tpu.vector_store %arg16[%parallel_loop3A_2551, %parallel_loop3A_2552], %parallel_loop3A_2550 {strides = array<i32>} : memref<40x144xf32, #tpu.memory_space<vmem>>, vector<16xf32>,
        %parallel_loop3A_2554 = vector.extract_strided_slice %parallel_loop3A_2508 {offsets = [6], sizes = [1], strides = [1]} : vector<16xf32> to vector<1xf32>
        %parallel_loop3A_2555 = vector.extract %parallel_loop3A_2554[0] : f32 from vector<1xf32>
        %parallel_loop3A_2556 = vector.broadcast %parallel_loop3A_2555 : f32 to vector<16xf32>
        %parallel_loop3A_2557 = arith.mulf %parallel_loop3A_2430, %parallel_loop3A_2556 : vector<16xf32>
        %parallel_loop3A_2558 = arith.index_cast %parallel_loop3A_2396 : i32 to index
        %parallel_loop3A_2559 = arith.constant 96 : index
        %parallel_loop3A_2560 = tpu.vector_load %arg16[%parallel_loop3A_2558, %parallel_loop3A_2559] {strides = array<i32>} : memref<40x144xf32, #tpu.memory_space<vmem>>, vector<16xf32>,
        tpu.vector_store %arg16[%parallel_loop3A_2558, %parallel_loop3A_2559], %parallel_loop3A_2557 {strides = array<i32>} : memref<40x144xf32, #tpu.memory_space<vmem>>, vector<16xf32>,
        %parallel_loop3A_2561 = vector.extract_strided_slice %parallel_loop3A_2508 {offsets = [7], sizes = [1], strides = [1]} : vector<16xf32> to vector<1xf32>
        %parallel_loop3A_2562 = vector.extract %parallel_loop3A_2561[0] : f32 from vector<1xf32>
        %parallel_loop3A_2563 = vector.broadcast %parallel_loop3A_2562 : f32 to vector<16xf32>
        %parallel_loop3A_2564 = arith.mulf %parallel_loop3A_2431, %parallel_loop3A_2563 : vector<16xf32>
        %parallel_loop3A_2565 = arith.index_cast %parallel_loop3A_2396 : i32 to index
        %parallel_loop3A_2566 = arith.constant 112 : index
        %parallel_loop3A_2567 = tpu.vector_load %arg16[%parallel_loop3A_2565, %parallel_loop3A_2566] {strides = array<i32>} : memref<40x144xf32, #tpu.memory_space<vmem>>, vector<16xf32>,
        tpu.vector_store %arg16[%parallel_loop3A_2565, %parallel_loop3A_2566], %parallel_loop3A_2564 {strides = array<i32>} : memref<40x144xf32, #tpu.memory_space<vmem>>, vector<16xf32>,
      } {sc.loop_unroll_factor = 2 : i64, sc.parallel_access}
      %dma_start3A_2392 = arith.constant 0 : i32
      %dma_start3A_2393 = arith.constant 0 : i32
      %dma_start3A_2394 = tpu.memref_slice %arg17[%dma_start3A_2392, %dma_start3A_2393] : memref<10240x144xf32, #tpu.memory_space<vmem_shared>> -> memref<10240x144xf32, #tpu.memory_space<vmem_shared>>
      tpu.enqueue_indirect_dma source(%arg16 : memref<40x144xf32, #tpu.memory_space<vmem>>) target(%dma_start3A_2394 : memref<10240x144xf32, #tpu.memory_space<vmem_shared>>) offsets(%arg10 : memref<40xi32, #tpu.memory_space<vmem>>) semaphore(%arg21 : memref<!tpu.dma_semaphore, #tpu.memory_space<semaphore_mem>>) {add = true}
      %scan3A_2395 = arith.constant 0 : i32
      scf.yield %scan3A_2395 : i32
    }
    %scan3A_2238 = arith.constant 125 : i32
    %dma_wait3A = arith.constant 0 : i32
    %dma_wait3A_2239 = arith.constant 0 : i32
    %dma_wait3A_2240 = tpu.memref_slice %arg17[%dma_wait3A, %dma_wait3A_2239] : memref<10240x144xf32, #tpu.memory_space<vmem_shared>> -> memref<10240x144xf32, #tpu.memory_space<vmem_shared>>
    tpu.wait_indirect_dma semaphore(%arg20 : memref<!tpu.dma_semaphore, #tpu.memory_space<semaphore_mem>>) src(%arg15 : memref<40x144xf32, #tpu.memory_space<vmem>>) dst(%dma_wait3A_2240 : memref<10240x144xf32, #tpu.memory_space<vmem_shared>>)
    %dma_wait3A_2241 = arith.constant 0 : i32
    %dma_wait3A_2242 = arith.constant 0 : i32
    %dma_wait3A_2243 = tpu.memref_slice %arg17[%dma_wait3A_2241, %dma_wait3A_2242] : memref<10240x144xf32, #tpu.memory_space<vmem_shared>> -> memref<10240x144xf32, #tpu.memory_space<vmem_shared>>
    tpu.wait_indirect_dma semaphore(%arg21 : memref<!tpu.dma_semaphore, #tpu.memory_space<semaphore_mem>>) src(%arg16 : memref<40x144xf32, #tpu.memory_space<vmem>>) dst(%dma_wait3A_2243 : memref<10240x144xf32, #tpu.memory_space<vmem_shared>>)
    %dma_wait3A_2244 = arith.constant 0 : i32
    %dma_wait3A_2245 = arith.constant 0 : i32
    %dma_wait3A_2246 = tpu.memref_slice %arg2[%dma_wait3A_2244, %dma_wait3A_2245] : memref<10000x128xbf16, #tpu.memory_space<hbm>> -> memref<10000x128xbf16, #tpu.memory_space<hbm>>
    tpu.wait_indirect_dma semaphore(%arg18 : memref<!tpu.dma_semaphore, #tpu.memory_space<semaphore_mem>>) src(%dma_wait3A_2246 : memref<10000x128xbf16, #tpu.memory_space<hbm>>) dst(%arg11 : memref<40x128xbf16, #tpu.memory_space<vmem>>)
    %dma_wait3A_2247 = arith.constant 0 : i32
    %dma_wait3A_2248 = arith.constant 0 : i32
    %dma_wait3A_2249 = tpu.memref_slice %arg2[%dma_wait3A_2247, %dma_wait3A_2248] : memref<10000x128xbf16, #tpu.memory_space<hbm>> -> memref<10000x128xbf16, #tpu.memory_space<hbm>>
    tpu.wait_indirect_dma semaphore(%arg18 : memref<!tpu.dma_semaphore, #tpu.memory_space<semaphore_mem>>) src(%dma_wait3A_2249 : memref<10000x128xbf16, #tpu.memory_space<hbm>>) dst(%arg13 : memref<40x128xbf16, #tpu.memory_space<vmem>>)
    %dma_wait3A_2250 = arith.constant 0 : i32
    %dma_wait3A_2251 = tpu.memref_slice %arg3[%dma_wait3A_2250, %mul3A_2] : memref<2x320000xi32, #tpu.memory_space<hbm>> -> memref<1x40xi32, #tpu.memory_space<hbm>>
    %dma_wait3A_2252 = tpu.memref_squeeze %dma_wait3A_2251 : memref<1x40xi32, #tpu.memory_space<hbm>> -> memref<40xi32, #tpu.memory_space<hbm>>
    %dma_wait3A_2253 = tpu.memref_slice %arg3[%dma_wait3A_2250, %mul3A_2] : memref<2x320000xi32, #tpu.memory_space<hbm>> -> memref<1x40xi32, #tpu.memory_space<hbm>>
    %dma_wait3A_2254 = tpu.memref_squeeze %dma_wait3A_2253 : memref<1x40xi32, #tpu.memory_space<hbm>> -> memref<40xi32, #tpu.memory_space<hbm>>
    tpu.wait_dma2 semaphore(%arg23 : memref<!tpu.dma_semaphore, #tpu.memory_space<semaphore_mem>>) src(%dma_wait3A_2254 : memref<40xi32, #tpu.memory_space<hbm>>) dst(%arg6 : memref<40xi32, #tpu.memory_space<vmem>>)
    %dma_wait3A_2255 = arith.constant 1 : i32
    %dma_wait3A_2256 = tpu.memref_slice %arg3[%dma_wait3A_2255, %mul3A_2] : memref<2x320000xi32, #tpu.memory_space<hbm>> -> memref<1x40xi32, #tpu.memory_space<hbm>>
    %dma_wait3A_2257 = tpu.memref_squeeze %dma_wait3A_2256 : memref<1x40xi32, #tpu.memory_space<hbm>> -> memref<40xi32, #tpu.memory_space<hbm>>
    %dma_wait3A_2258 = tpu.memref_slice %arg3[%dma_wait3A_2255, %mul3A_2] : memref<2x320000xi32, #tpu.memory_space<hbm>> -> memref<1x40xi32, #tpu.memory_space<hbm>>
    %dma_wait3A_2259 = tpu.memref_squeeze %dma_wait3A_2258 : memref<1x40xi32, #tpu.memory_space<hbm>> -> memref<40xi32, #tpu.memory_space<hbm>>
    tpu.wait_dma2 semaphore(%arg23 : memref<!tpu.dma_semaphore, #tpu.memory_space<semaphore_mem>>) src(%dma_wait3A_2259 : memref<40xi32, #tpu.memory_space<hbm>>) dst(%arg8 : memref<40xi32, #tpu.memory_space<vmem>>)
    %barrier3A_2260 = arith.constant 0 : index
    tpu.barrier barrier_id(%barrier3A_2260)
    %scan3A_2261 = arith.constant 0 : i32
    %scan3A_2262 = arith.constant 0 : i32
    %scan3A_2263 = arith.constant 16 : i32
    %scan3A_2264 = arith.addi %scan3A_2262, %scan3A_2263 : i32
    %scan3A_2265 = arith.constant 1 : i32
    %scan3A_2266 = scf.for %scan3A_2268 = %scan3A_2262 to %scan3A_2264 step %scan3A_2265 iter_args(%scan3A_2269 = %scan3A_2261) -> (i32)  : i32 {
      %mul3A_2270 = arith.constant 640 : i32
      %mul3A_2271 = arith.muli %arg1, %mul3A_2270 : i32
      %mul3A_2272 = arith.constant 40 : i32
      %mul3A_2273 = arith.muli %scan3A_2268, %mul3A_2272 : i32
      %add3A_2274 = arith.addi %mul3A_2271, %mul3A_2273 : i32
      "tpu.region"() ({
        %run_scoped3A_2276 = tpu.sem_alloc : memref<!tpu.dma_semaphore, #tpu.memory_space<semaphore_mem>>
        %dma_start3A_2277 = arith.constant 0 : i32
        %dma_start3A_2278 = tpu.memref_slice %arg17[%add3A_2274, %dma_start3A_2277] : memref<10240x144xf32, #tpu.memory_space<vmem_shared>> -> memref<40x144xf32, #tpu.memory_space<vmem_shared>>
        %dma_start3A_2279 = arith.constant 0 : i32
        %dma_start3A_2280 = tpu.memref_slice %arg17[%add3A_2274, %dma_start3A_2279] : memref<10240x144xf32, #tpu.memory_space<vmem_shared>> -> memref<40x144xf32, #tpu.memory_space<vmem_shared>>
        tpu.enqueue_dma source(%dma_start3A_2280 : memref<40x144xf32, #tpu.memory_space<vmem_shared>>) target(%arg15 : memref<40x144xf32, #tpu.memory_space<vmem>>) target_semaphore(%run_scoped3A_2276 : memref<!tpu.dma_semaphore, #tpu.memory_space<semaphore_mem>>)
        %dma_wait3A_2281 = arith.constant 0 : i32
        %dma_wait3A_2282 = tpu.memref_slice %arg17[%add3A_2274, %dma_wait3A_2281] : memref<10240x144xf32, #tpu.memory_space<vmem_shared>> -> memref<40x144xf32, #tpu.memory_space<vmem_shared>>
        %dma_wait3A_2283 = arith.constant 0 : i32
        %dma_wait3A_2284 = tpu.memref_slice %arg17[%add3A_2274, %dma_wait3A_2283] : memref<10240x144xf32, #tpu.memory_space<vmem_shared>> -> memref<40x144xf32, #tpu.memory_space<vmem_shared>>
        tpu.wait_dma2 semaphore(%run_scoped3A_2276 : memref<!tpu.dma_semaphore, #tpu.memory_space<semaphore_mem>>) src(%dma_wait3A_2284 : memref<40x144xf32, #tpu.memory_space<vmem_shared>>) dst(%arg15 : memref<40x144xf32, #tpu.memory_space<vmem>>)
        tpu.yield
      }) : () -> ()
      "tpu.region"() ({
        %run_scoped3A_2276 = tpu.sem_alloc : memref<!tpu.dma_semaphore, #tpu.memory_space<semaphore_mem>>
        %dma_start3A_2277 = arith.constant 0 : i32
        %dma_start3A_2278 = tpu.memref_slice %arg4[%arg0, %add3A_2274, %dma_start3A_2277] : memref<2x10240x144xf32, #tpu.memory_space<hbm>> -> memref<1x40x144xf32, #tpu.memory_space<hbm>>
        %dma_start3A_2279 = tpu.memref_squeeze %dma_start3A_2278 : memref<1x40x144xf32, #tpu.memory_space<hbm>> -> memref<40x144xf32, #tpu.memory_space<hbm>>
        %dma_start3A_2280 = arith.constant 0 : i32
        %dma_start3A_2281 = tpu.memref_slice %arg4[%arg0, %add3A_2274, %dma_start3A_2280] : memref<2x10240x144xf32, #tpu.memory_space<hbm>> -> memref<1x40x144xf32, #tpu.memory_space<hbm>>
        %dma_start3A_2282 = tpu.memref_squeeze %dma_start3A_2281 : memref<1x40x144xf32, #tpu.memory_space<hbm>> -> memref<40x144xf32, #tpu.memory_space<hbm>>
        tpu.enqueue_dma source(%arg15 : memref<40x144xf32, #tpu.memory_space<vmem>>) target(%dma_start3A_2282 : memref<40x144xf32, #tpu.memory_space<hbm>>) target_semaphore(%run_scoped3A_2276 : memref<!tpu.dma_semaphore, #tpu.memory_space<semaphore_mem>>)
        %dma_wait3A_2283 = arith.constant 0 : i32
        %dma_wait3A_2284 = tpu.memref_slice %arg4[%arg0, %add3A_2274, %dma_wait3A_2283] : memref<2x10240x144xf32, #tpu.memory_space<hbm>> -> memref<1x40x144xf32, #tpu.memory_space<hbm>>
        %dma_wait3A_2285 = tpu.memref_squeeze %dma_wait3A_2284 : memref<1x40x144xf32, #tpu.memory_space<hbm>> -> memref<40x144xf32, #tpu.memory_space<hbm>>
        %dma_wait3A_2286 = arith.constant 0 : i32
        %dma_wait3A_2287 = tpu.memref_slice %arg4[%arg0, %add3A_2274, %dma_wait3A_2286] : memref<2x10240x144xf32, #tpu.memory_space<hbm>> -> memref<1x40x144xf32, #tpu.memory_space<hbm>>
        %dma_wait3A_2288 = tpu.memref_squeeze %dma_wait3A_2287 : memref<1x40x144xf32, #tpu.memory_space<hbm>> -> memref<40x144xf32, #tpu.memory_space<hbm>>
        tpu.wait_dma2 semaphore(%run_scoped3A_2276 : memref<!tpu.dma_semaphore, #tpu.memory_space<semaphore_mem>>) src(%arg15 : memref<40x144xf32, #tpu.memory_space<vmem>>) dst(%dma_wait3A_2288 : memref<40x144xf32, #tpu.memory_space<hbm>>)
        tpu.yield
      }) : () -> ()
      %scan3A_2275 = arith.constant 0 : i32
      scf.yield %scan3A_2275 : i32
    }
    %scan3A_2267 = arith.constant 16 : i32
    return
  }
}

module attributes {stable_mosaic.version = 14 : i64} {
  func.func @_mm_body(%arg0: i32, %arg1: memref<2000x128xf32, #tpu.memory_space<vmem>>, %arg2: memref<128x128xf32, #tpu.memory_space<vmem>>, %arg3: memref<2000x128xbf16, #tpu.memory_space<vmem>>) attributes {dimension_semantics = [#tpu.dimension_semantics<arbitrary>], iteration_bounds = array<i64: 5>, scalar_prefetch = 0 : i64, scratch_operands = 0 : i64, tpu.core_type = #tpu.core_type<tc>, window_params = [{transform_indices = @transform_0, window_bounds = array<i64: 2000, 128>}, {pipeline_mode = #tpu.pipeline_mode<synchronous>, transform_indices = @transform_1, window_bounds = array<i64: 128, 128>}, {transform_indices = @transform_2, window_bounds = array<i64: 2000, 128>}]} {
    %get3A = arith.constant 0 : index
    %get3A_0 = arith.constant 0 : index
    %get3A_1 = vector.load %arg1[%get3A, %get3A_0] : memref<2000x128xf32, #tpu.memory_space<vmem>>, vector<2000x128xf32>
    %get3A_2 = arith.constant 0 : index
    %get3A_3 = arith.constant 0 : index
    %get3A_4 = vector.load %arg2[%get3A_2, %get3A_3] : memref<128x128xf32, #tpu.memory_space<vmem>>, vector<128x128xf32>
    %dot_general3A = arith.constant dense<0.000000e+00> : vector<2000x128xf32>
    %dot_general3A_5 = tpu.matmul %get3A_1, %get3A_4, %dot_general3A {dimension_numbers = #tpu.dot_dimension_numbers<[1], [0], [0], [1], [0, 0, 1, 1], [], []>, transpose_lhs_hint = false} : vector<2000x128xf32>, vector<128x128xf32>, vector<2000x128xf32> -> vector<2000x128xf32>
    %mul3A = arith.constant 5.000000e-01 : f32
    %mul3A_6 = vector.broadcast %mul3A : f32 to vector<2000x128xf32>
    %mul3A_7 = arith.mulf %dot_general3A_5, %mul3A_6 : vector<2000x128xf32>
    %convert_element_type3A = arith.truncf %mul3A_7 : vector<2000x128xf32> to vector<2000x128xbf16>
    %swap3A = arith.constant 0 : index
    %swap3A_8 = arith.constant 0 : index
    %swap3A_9 = vector.load %arg3[%swap3A, %swap3A_8] : memref<2000x128xbf16, #tpu.memory_space<vmem>>, vector<2000x128xbf16>
    tpu.vector_store %arg3[%swap3A, %swap3A_8], %convert_element_type3A {strides = array<i32>} : memref<2000x128xbf16, #tpu.memory_space<vmem>>, vector<2000x128xbf16>,
    return
  }
  func.func @transform_0(%arg0: i32) -> (i32, i32) {
    %c0_i32 = arith.constant 0 : i32
    %c0_i32_0 = arith.constant 0 : i32
    return %arg0, %c0_i32 : i32, i32
  }
  func.func @transform_1(%arg0: i32) -> (i32, i32) {
    %c0_i32 = arith.constant 0 : i32
    %c0_i32_0 = arith.constant 0 : i32
    %c0_i32_1 = arith.constant 0 : i32
    return %c0_i32, %c0_i32_0 : i32, i32
  }
  func.func @transform_2(%arg0: i32) -> (i32, i32) {
    %c0_i32 = arith.constant 0 : i32
    %c0_i32_0 = arith.constant 0 : i32
    return %arg0, %c0_i32 : i32, i32
  }
}

module attributes {stable_mosaic.version = 14 : i64} {
  func.func @_fin_body(%arg0: i32, %arg1: memref<2x2000x144xf32, #tpu.memory_space<vmem>>, %arg2: memref<2000x128xf32, #tpu.memory_space<vmem>>, %arg3: memref<2000x16xf32, #tpu.memory_space<vmem>>) attributes {dimension_semantics = [#tpu.dimension_semantics<arbitrary>], iteration_bounds = array<i64: 5>, scalar_prefetch = 0 : i64, scratch_operands = 0 : i64, tpu.core_type = #tpu.core_type<tc>, window_params = [{transform_indices = @transform_0, window_bounds = array<i64: 2, 2000, 144>}, {transform_indices = @transform_1, window_bounds = array<i64: 2000, 128>}, {transform_indices = @transform_2, window_bounds = array<i64: 2000, 16>}]} {
    %get3A = arith.constant 0 : index
    %get3A_0 = arith.constant 0 : index
    %get3A_1 = arith.constant 0 : index
    %get3A_2 = vector.load %arg1[%get3A, %get3A_0, %get3A_1] : memref<2x2000x144xf32, #tpu.memory_space<vmem>>, vector<1x2000x144xf32>
    %get3A_3 = vector.shape_cast %get3A_2 : vector<1x2000x144xf32> to vector<2000x144xf32>
    %get3A_4 = arith.constant 1 : index
    %get3A_5 = arith.constant 0 : index
    %get3A_6 = arith.constant 0 : index
    %get3A_7 = vector.load %arg1[%get3A_4, %get3A_5, %get3A_6] : memref<2x2000x144xf32, #tpu.memory_space<vmem>>, vector<1x2000x144xf32>
    %get3A_8 = vector.shape_cast %get3A_7 : vector<1x2000x144xf32> to vector<2000x144xf32>
    %add3A = arith.addf %get3A_3, %get3A_8 : vector<2000x144xf32>
    %slice3A = vector.extract_strided_slice %add3A {offsets = [0, 128], sizes = [2000, 1], strides = [1, 1]} : vector<2000x144xf32> to vector<2000x1xf32>
    %broadcast_in_dim3A = vector.shape_cast %slice3A : vector<2000x1xf32> to vector<2000x1xf32>
    %broadcast_in_dim3A_9 = vector.broadcast %broadcast_in_dim3A : vector<2000x1xf32> to vector<2000x16xf32>
    %slice3A_10 = vector.extract_strided_slice %add3A {offsets = [0, 129], sizes = [2000, 1], strides = [1, 1]} : vector<2000x144xf32> to vector<2000x1xf32>
    %broadcast_in_dim3A_11 = vector.shape_cast %slice3A_10 : vector<2000x1xf32> to vector<2000x1xf32>
    %broadcast_in_dim3A_12 = vector.broadcast %broadcast_in_dim3A_11 : vector<2000x1xf32> to vector<2000x16xf32>
    %slice3A_13 = vector.extract_strided_slice %add3A {offsets = [0, 130], sizes = [2000, 1], strides = [1, 1]} : vector<2000x144xf32> to vector<2000x1xf32>
    %broadcast_in_dim3A_14 = vector.shape_cast %slice3A_13 : vector<2000x1xf32> to vector<2000x1xf32>
    %broadcast_in_dim3A_15 = vector.broadcast %broadcast_in_dim3A_14 : vector<2000x1xf32> to vector<2000x16xf32>
    %slice3A_16 = vector.extract_strided_slice %add3A {offsets = [0, 131], sizes = [2000, 1], strides = [1, 1]} : vector<2000x144xf32> to vector<2000x1xf32>
    %broadcast_in_dim3A_17 = vector.shape_cast %slice3A_16 : vector<2000x1xf32> to vector<2000x1xf32>
    %broadcast_in_dim3A_18 = vector.broadcast %broadcast_in_dim3A_17 : vector<2000x1xf32> to vector<2000x16xf32>
    %slice3A_19 = vector.extract_strided_slice %add3A {offsets = [0, 132], sizes = [2000, 1], strides = [1, 1]} : vector<2000x144xf32> to vector<2000x1xf32>
    %broadcast_in_dim3A_20 = vector.shape_cast %slice3A_19 : vector<2000x1xf32> to vector<2000x1xf32>
    %broadcast_in_dim3A_21 = vector.broadcast %broadcast_in_dim3A_20 : vector<2000x1xf32> to vector<2000x16xf32>
    %slice3A_22 = vector.extract_strided_slice %add3A {offsets = [0, 133], sizes = [2000, 1], strides = [1, 1]} : vector<2000x144xf32> to vector<2000x1xf32>
    %broadcast_in_dim3A_23 = vector.shape_cast %slice3A_22 : vector<2000x1xf32> to vector<2000x1xf32>
    %broadcast_in_dim3A_24 = vector.broadcast %broadcast_in_dim3A_23 : vector<2000x1xf32> to vector<2000x16xf32>
    %slice3A_25 = vector.extract_strided_slice %add3A {offsets = [0, 134], sizes = [2000, 1], strides = [1, 1]} : vector<2000x144xf32> to vector<2000x1xf32>
    %broadcast_in_dim3A_26 = vector.shape_cast %slice3A_25 : vector<2000x1xf32> to vector<2000x1xf32>
    %broadcast_in_dim3A_27 = vector.broadcast %broadcast_in_dim3A_26 : vector<2000x1xf32> to vector<2000x16xf32>
    %slice3A_28 = vector.extract_strided_slice %add3A {offsets = [0, 135], sizes = [2000, 1], strides = [1, 1]} : vector<2000x144xf32> to vector<2000x1xf32>
    %broadcast_in_dim3A_29 = vector.shape_cast %slice3A_28 : vector<2000x1xf32> to vector<2000x1xf32>
    %broadcast_in_dim3A_30 = vector.broadcast %broadcast_in_dim3A_29 : vector<2000x1xf32> to vector<2000x16xf32>
    %concatenate3A = tpu.concatenate %broadcast_in_dim3A_9, %broadcast_in_dim3A_12, %broadcast_in_dim3A_15, %broadcast_in_dim3A_18, %broadcast_in_dim3A_21, %broadcast_in_dim3A_24, %broadcast_in_dim3A_27, %broadcast_in_dim3A_30 in 1 : vector<2000x16xf32>, vector<2000x16xf32>, vector<2000x16xf32>, vector<2000x16xf32>, vector<2000x16xf32>, vector<2000x16xf32>, vector<2000x16xf32>, vector<2000x16xf32> -> vector<2000x128xf32>
    %slice3A_31 = vector.extract_strided_slice %add3A {offsets = [0, 0], sizes = [2000, 128], strides = [1, 1]} : vector<2000x144xf32> to vector<2000x128xf32>
    %gt3A = arith.constant 0.000000e+00 : f32
    %gt3A_32 = vector.broadcast %gt3A : f32 to vector<2000x128xf32>
    %gt3A_33 = arith.cmpf ogt, %concatenate3A, %gt3A_32 : vector<2000x128xf32>
    %gt3A_34 = arith.constant 0.000000e+00 : f32
    %gt3A_35 = vector.broadcast %gt3A_34 : f32 to vector<2000x128xf32>
    %gt3A_36 = arith.cmpf ogt, %concatenate3A, %gt3A_35 : vector<2000x128xf32>
    %jit3A = arith.constant 1.000000e+00 : f32
    %broadcast_in_dim3A_37 = vector.broadcast %jit3A : f32 to vector<2000x128xf32>
    %select_n3A = arith.select %gt3A_36, %concatenate3A, %broadcast_in_dim3A_37 : vector<2000x128xi1>, vector<2000x128xf32>
    %div3A = arith.divf %slice3A_31, %select_n3A : vector<2000x128xf32>
    %jit3A_38 = arith.constant 0.000000e+00 : f32
    %broadcast_in_dim3A_39 = vector.broadcast %jit3A_38 : f32 to vector<2000x128xf32>
    %select_n3A_40 = arith.select %gt3A_33, %div3A, %broadcast_in_dim3A_39 : vector<2000x128xi1>, vector<2000x128xf32>
    %get3A_41 = arith.constant 0 : index
    %get3A_42 = arith.constant 0 : index
    %get3A_43 = vector.load %arg2[%get3A_41, %get3A_42] : memref<2000x128xf32, #tpu.memory_space<vmem>>, vector<2000x128xf32>
    %slice3A_44 = vector.extract_strided_slice %select_n3A_40 {offsets = [0, 0], sizes = [2000, 16], strides = [1, 1]} : vector<2000x128xf32> to vector<2000x16xf32>
    %slice3A_45 = vector.extract_strided_slice %get3A_43 {offsets = [0, 0], sizes = [2000, 16], strides = [1, 1]} : vector<2000x128xf32> to vector<2000x16xf32>
    %slice3A_46 = vector.extract_strided_slice %select_n3A_40 {offsets = [0, 16], sizes = [2000, 16], strides = [1, 1]} : vector<2000x128xf32> to vector<2000x16xf32>
    %add3A_47 = arith.addf %slice3A_44, %slice3A_46 : vector<2000x16xf32>
    %slice3A_48 = vector.extract_strided_slice %get3A_43 {offsets = [0, 16], sizes = [2000, 16], strides = [1, 1]} : vector<2000x128xf32> to vector<2000x16xf32>
    %add3A_49 = arith.addf %slice3A_45, %slice3A_48 : vector<2000x16xf32>
    %slice3A_50 = vector.extract_strided_slice %select_n3A_40 {offsets = [0, 32], sizes = [2000, 16], strides = [1, 1]} : vector<2000x128xf32> to vector<2000x16xf32>
    %add3A_51 = arith.addf %add3A_47, %slice3A_50 : vector<2000x16xf32>
    %slice3A_52 = vector.extract_strided_slice %get3A_43 {offsets = [0, 32], sizes = [2000, 16], strides = [1, 1]} : vector<2000x128xf32> to vector<2000x16xf32>
    %add3A_53 = arith.addf %add3A_49, %slice3A_52 : vector<2000x16xf32>
    %slice3A_54 = vector.extract_strided_slice %select_n3A_40 {offsets = [0, 48], sizes = [2000, 16], strides = [1, 1]} : vector<2000x128xf32> to vector<2000x16xf32>
    %add3A_55 = arith.addf %add3A_51, %slice3A_54 : vector<2000x16xf32>
    %slice3A_56 = vector.extract_strided_slice %get3A_43 {offsets = [0, 48], sizes = [2000, 16], strides = [1, 1]} : vector<2000x128xf32> to vector<2000x16xf32>
    %add3A_57 = arith.addf %add3A_53, %slice3A_56 : vector<2000x16xf32>
    %slice3A_58 = vector.extract_strided_slice %select_n3A_40 {offsets = [0, 64], sizes = [2000, 16], strides = [1, 1]} : vector<2000x128xf32> to vector<2000x16xf32>
    %add3A_59 = arith.addf %add3A_55, %slice3A_58 : vector<2000x16xf32>
    %slice3A_60 = vector.extract_strided_slice %get3A_43 {offsets = [0, 64], sizes = [2000, 16], strides = [1, 1]} : vector<2000x128xf32> to vector<2000x16xf32>
    %add3A_61 = arith.addf %add3A_57, %slice3A_60 : vector<2000x16xf32>
    %slice3A_62 = vector.extract_strided_slice %select_n3A_40 {offsets = [0, 80], sizes = [2000, 16], strides = [1, 1]} : vector<2000x128xf32> to vector<2000x16xf32>
    %add3A_63 = arith.addf %add3A_59, %slice3A_62 : vector<2000x16xf32>
    %slice3A_64 = vector.extract_strided_slice %get3A_43 {offsets = [0, 80], sizes = [2000, 16], strides = [1, 1]} : vector<2000x128xf32> to vector<2000x16xf32>
    %add3A_65 = arith.addf %add3A_61, %slice3A_64 : vector<2000x16xf32>
    %slice3A_66 = vector.extract_strided_slice %select_n3A_40 {offsets = [0, 96], sizes = [2000, 16], strides = [1, 1]} : vector<2000x128xf32> to vector<2000x16xf32>
    %add3A_67 = arith.addf %add3A_63, %slice3A_66 : vector<2000x16xf32>
    %slice3A_68 = vector.extract_strided_slice %get3A_43 {offsets = [0, 96], sizes = [2000, 16], strides = [1, 1]} : vector<2000x128xf32> to vector<2000x16xf32>
    %add3A_69 = arith.addf %add3A_65, %slice3A_68 : vector<2000x16xf32>
    %slice3A_70 = vector.extract_strided_slice %select_n3A_40 {offsets = [0, 112], sizes = [2000, 16], strides = [1, 1]} : vector<2000x128xf32> to vector<2000x16xf32>
    %add3A_71 = arith.addf %add3A_67, %slice3A_70 : vector<2000x16xf32>
    %slice3A_72 = vector.extract_strided_slice %get3A_43 {offsets = [0, 112], sizes = [2000, 16], strides = [1, 1]} : vector<2000x128xf32> to vector<2000x16xf32>
    %add3A_73 = arith.addf %add3A_69, %slice3A_72 : vector<2000x16xf32>
    %mul3A = arith.constant 2.500000e-01 : f32
    %mul3A_74 = vector.broadcast %mul3A : f32 to vector<2000x16xf32>
    %mul3A_75 = arith.mulf %add3A_71, %mul3A_74 : vector<2000x16xf32>
    %mul3A_76 = arith.constant 1.250000e-01 : f32
    %mul3A_77 = vector.broadcast %mul3A_76 : f32 to vector<2000x16xf32>
    %mul3A_78 = arith.mulf %add3A_73, %mul3A_77 : vector<2000x16xf32>
    %add3A_79 = arith.addf %mul3A_75, %mul3A_78 : vector<2000x16xf32>
    %swap3A = arith.constant 0 : index
    %swap3A_80 = arith.constant 0 : index
    %swap3A_81 = vector.load %arg3[%swap3A, %swap3A_80] : memref<2000x16xf32, #tpu.memory_space<vmem>>, vector<2000x16xf32>
    tpu.vector_store %arg3[%swap3A, %swap3A_80], %add3A_79 {strides = array<i32>} : memref<2000x16xf32, #tpu.memory_space<vmem>>, vector<2000x16xf32>,
    return
  }
  func.func @transform_0(%arg0: i32) -> (i32, i32, i32) {
    %c0_i32 = arith.constant 0 : i32
    %c0_i32_0 = arith.constant 0 : i32
    %c0_i32_1 = arith.constant 0 : i32
    return %c0_i32, %arg0, %c0_i32_0 : i32, i32, i32
  }
  func.func @transform_1(%arg0: i32) -> (i32, i32) {
    %c0_i32 = arith.constant 0 : i32
    %c0_i32_0 = arith.constant 0 : i32
    return %arg0, %c0_i32 : i32, i32
  }
  func.func @transform_2(%arg0: i32) -> (i32, i32) {
    %c0_i32 = arith.constant 0 : i32
    %c0_i32_0 = arith.constant 0 : i32
    return %arg0, %c0_i32 : i32, i32
  }
}

</mosaic_0001>

<sc_bundles>
// kernel: kernel.5.cloned.1.call-start
scs
__scs_entry_jumppad:
0x0: {  	(pc) =	sbr.rel $0x88, $3  }
0x1: {  	(tag) =	ssettag $0x0;
	lr =	simm.s32 $0x1  }
0x2: {  	[smem:$0x3F9E] =	sst lr;
	_ =	strace $0xD0000000  }
0x3: {  	_ = 	snop  }
0x4: {  	_ = 	snop  }
0x5: {  	_ = 	snop  }
0x6: {  	_ = 	snop  }
0x7: {  	_ = 	snop  }
__scs_overlays_trampoline_lowered:
0x8: {  	[smem:$0x3FAD] =	sst s0  }
0x9: {  	[smem:$0x3FAE] =	sst s1  }
0xa: {  	[smem:$0x3FAF] =	sst s2  }
0xb: {  	[smem:$0x3FB0] =	sst s3  }
0xc: {  	[smem:$0x3FB1] =	sst s4  }
0xd: {  	[smem:$0x3FB2] =	sst s5  }
0xe: {  	[smem:$0x3FB3] =	sst s6  }
0xf: {  	[smem:$0x3FB4] =	sst s7  }
0x10: {  	[smem:$0x3FB5] =	sst s8  }
0x11: {  	[smem:$0x3FB6] =	sst s9;
	s0 =	simm.s32 @!p0 $0x0  }
0x12: {  	s1 =	sld [smem:$0x3F9C];
	s0 =	simm.s32 @p0 $0x1  }
0x13: {  	[smem:$0x3FB7] =	sst s0;
	s0 =	simm.s32 @!p1 $0x0  }
0x14: {  	s2 =	sld [smem:$0x3F9B];
	s0 =	simm.s32 @p1 $0x1  }
0x15: {  	[smem:$0x3FB8] =	sst s0;
	s0 =	simm.s32 @!p2 $0x0  }
0x16: {  	s3 =	sld [smem:$0x3FDB];
	s0 =	simm.s32 @p2 $0x1  }
0x17: {  	s4 =	simm.s32 $0x1BF5;
	[smem:$0x3FBA] =	sst s0  }
0x18: {  	s0 =	sld [smem:$0x3F9D];
	_ =	swait.ge [sflag:s4], $0x0  }
0x19: {  	s7 =	sld [smem:$0x3F9E]  }
0x1a: {  	s8 =	sadd.s32 $0xFFFFE003, lr  }
0x1b: {  	s9 =	sadd.s32 $0xFFFFFEF7, lr;
	s5 =	simm.s32 $0xFFFFFFFF;
	p2 =	slt.u32 s8, $0xFFFFF086  }
0x1c: {  	p1 =	slt.u32 s9, $0xF7A;
	s5 =	simm.s32 @!p2 $0x0  }
0x1d: {  	s5 =	simm.s32 @p1 $0x1;
	p0 =	seq.s32 s7, s2  }
0x1e: {  	s7 =	smul.u32 @!p0 $0xF7A, s2;
	p2 =	seq.s32 @!p0 s5, $0x0  }
0x1f: {  	s9 =	smul.u32 $0xF7A, s1;
	s8 =	simm.s32 @!p0 $0x1BF5;
	p2 =	por !p2, p0  }
0x20: {  	[sflag:s8] =	ssyncset.s32 @!p0 $0xFFFFF086;
	s6 =	sadd.s32 @!p0 s3, s7;
	s7 =	simm.s32 @!p0 $0x108  }
0x21: {  	s3 =	sadd.s32 s3, s9;
	s6 =	sadd.s32 @!p0 $0x88, s6;
	s7 =	simm.s32 @p2 $0x1082  }
0x22: {  	[simem:s7], [sflag:s8] =	dma.local @!p0 [hbm:s6], $0xF7A  }
0x23: {  	s9 =	sor.u32 $0xD0000000, s2;
	s6 =	simm.s32 $0x108;
	_ =	swait.ge @!p0 [sflag:s8], $0x0  }
0x24: {  	s3 =	sadd.s32 $0x88, s3;
	s6 =	simm.s32 @!p1 $0x1082;
	[sflag:s4] =	ssyncset.s32 $0xFFFFF086  }
0x25: {  	[simem:s6], [sflag:s4] =	dma.local [hbm:s3], $0xF7A  }
0x26: {  	[smem:$0x3F9E] =	sst s1;
	(tag) =	ssettag s2;
	_ =	strace s9  }
0x27: {  	s1 =	sld [smem:$0x3FAE]  }
0x28: {  	s2 =	sld [smem:$0x3FAF]  }
0x29: {  	s4 =	sld [smem:$0x3FB1]  }
0x2a: {  	p0 =	seq.s32 s5, $0x0;
	s5 =	sld [smem:$0x3FB2]  }
0x2b: {  	s6 =	sld [smem:$0x3FB3]  }
0x2c: {  	s7 =	sld [smem:$0x3FB4]  }
0x2d: {  	s3 =	simm.s32 $0x108;
	s8 =	sld [smem:$0x3FB5]  }
0x2e: {  	s3 =	simm.s32 @!p0 $0x1082;
	s9 =	sld [smem:$0x3FB6]  }
0x2f: {  	lr =	sadd.s32 s0, s3;
	s0 =	sld [smem:$0x3FAD]  }
0x30: {  	s3 =	sld [smem:$0x3FB0]  }
0x31: {  	[smem:$0x3FB9] =	sst s10  }
0x32: {  	s10 =	sld [smem:$0x3FB7];
	_ =	sdelay $0x3  }
0x33: {  	p0 =	seq.s32 s10, $0x1;
	s10 =	sld [smem:$0x3FB9];
	_ =	sdelay $0x3  }
0x34: {  	[smem:$0x3FB9] =	sst s10  }
0x35: {  	s10 =	sld [smem:$0x3FB8];
	_ =	sdelay $0x3  }
0x36: {  	p1 =	seq.s32 s10, $0x1;
	s10 =	sld [smem:$0x3FB9];
	_ =	sdelay $0x3  }
0x37: {  	[smem:$0x3FB9] =	sst s10  }
0x38: {  	s10 =	sld [smem:$0x3FBA]  }
0x39: {  	_ = 	snop;
	(pc) =	sbr.ind lr, $3  }
0x3a: {  	_ = 	snop  }
0x3b: {  	_ = 	snop  }
0x3c: {  	p2 =	seq.s32 s10, $0x1;
	s10 =	sld [smem:$0x3FB9]  }
0x3d: {  	_ =	shalt  }
0x3e: {  	_ =	shalt  }
0x3f: {  	_ =	shalt  }
0x40: {  	_ =	shalt  }
0x41: {  	_ =	shalt  }
0x42: {  	_ =	shalt  }
0x43: {  	_ =	shalt  }
0x44: {  	_ =	shalt  }
0x45: {  	_ =	shalt  }
0x46: {  	_ =	shalt  }
0x47: {  	_ =	shalt  }
0x48: {  	_ =	shalt  }
0x49: {  	_ =	shalt  }
0x4a: {  	_ =	shalt  }
0x4b: {  	_ =	shalt  }
0x4c: {  	_ =	shalt  }
0x4d: {  	_ =	shalt  }
0x4e: {  	_ =	shalt  }
0x4f: {  	_ =	shalt  }
0x50: {  	_ =	shalt  }
0x51: {  	_ =	shalt  }
0x52: {  	_ =	shalt  }
0x53: {  	_ =	shalt  }
0x54: {  	_ =	shalt  }
0x55: {  	_ =	shalt  }
0x56: {  	_ =	shalt  }
0x57: {  	_ =	shalt  }
0x58: {  	_ =	shalt  }
0x59: {  	_ =	shalt  }
0x5a: {  	_ =	shalt  }
0x5b: {  	_ =	shalt  }
0x5c: {  	_ =	shalt  }
0x5d: {  	_ =	shalt  }
0x5e: {  	_ =	shalt  }
0x5f: {  	_ =	shalt  }
0x60: {  	_ =	shalt  }
0x61: {  	_ =	shalt  }
0x62: {  	_ =	shalt  }
0x63: {  	_ =	shalt  }
0x64: {  	_ =	shalt  }
0x65: {  	_ =	shalt  }
0x66: {  	_ =	shalt  }
0x67: {  	_ =	shalt  }
0x68: {  	_ =	shalt  }
0x69: {  	_ =	shalt  }
0x6a: {  	_ =	shalt  }
0x6b: {  	_ =	shalt  }
0x6c: {  	_ =	shalt  }
0x6d: {  	_ =	shalt  }
0x6e: {  	_ =	shalt  }
0x6f: {  	_ =	shalt  }
0x70: {  	_ =	shalt  }
0x71: {  	_ =	shalt  }
0x72: {  	_ =	shalt  }
0x73: {  	_ =	shalt  }
0x74: {  	_ =	shalt  }
0x75: {  	_ =	shalt  }
0x76: {  	_ =	shalt  }
0x77: {  	_ =	shalt  }
0x78: {  	_ =	shalt  }
0x79: {  	_ =	shalt  }
0x7a: {  	_ =	shalt  }
0x7b: {  	_ =	shalt  }
0x7c: {  	_ =	shalt  }
0x7d: {  	_ =	shalt  }
0x7e: {  	_ =	shalt  }
0x7f: {  	_ =	shalt  }
0x80: {  	_ =	shalt  }
0x81: {  	_ =	shalt  }
0x82: {  	_ =	shalt  }
0x83: {  	_ =	shalt  }
0x84: {  	_ =	shalt  }
0x85: {  	_ =	shalt  }
0x86: {  	_ =	shalt  }
0x87: {  	_ =	shalt  }
.Lfunc_end0:
.L_simem_size_0:
called_computation_lowered:
.L_overlay_start_0:
0x88: {  	s2 =	sld [smem:$0x3FD9]  }
0x89: {  	s3 =	sld [smem:$0x3FFE];
	_ =	sdelay $0x1  }
0x8a: {  	s1 =	srdreg.scid  }
0x8b: {  	s0 =	sand.u32 $0x1, s1  }
0x8c: {  	s16 =	sshll.u32 s0, $0xA;
	s2 =	sadd.s32 s3, s2  }
0x8d: {  	s2 =	sadd.s32 s2, s16  }
0x8e: {  	[smem:$0x3FC5] =	sst s2  }
0x8f: {  	_ = 	snop  }
0x90: {  	(tm) =	ssettm $0x1  }
0x91: {  	s17 =	sld [smem:$0x3FFB];
	_ =	sdelay $0x3  }
0x92: {  	_ =	strace s17  }
0x93: {  	s2 =	sld [smem:$0x3FFC];
	_ =	sdelay $0x3  }
0x94: {  	_ =	strace s2  }
0x95: {  	s2 =	sld [smem:$0x3FFD];
	_ =	sdelay $0x3  }
0x96: {  	_ =	strace s2  }
0x97: {  	_ =	strace $0x8FFFFFFF  }
0x98: {  	s18 =	sld [smem:$0x3FDB];
	_ =	sdelay $0x1  }
0x99: {  	s19 =	simm.s32 $_scs_section_size  }
0x9a: {  	s4 =	simm.s32 $_size__tile_overlayer_lowered;
	s5 =	simm.s32 $_tile_overlayer_lowered  }
0x9b: {  	s22 =	simm.s32 $0x1BFF;
	s21 =	sshll.u32 s5, $0x1;
	s2 =	sadd.s32 s19, s18  }
0x9c: {  	s6 =	simm.s32 $0x0;
	s20 =	sshll.u32 s4, $0x1;
	s4 =	sadd.s32 s21, s2  }
0x9d: {  	[timem:s6], [sflag:s22] =	dma.local [hbm:s4], s20  }
0x9e: {  	_ =	swait.ge [sflag:s22], s20  }
0x9f: {  	s3 =	ssub.s32 $0x0, s20;
	[sflag:s22] =	ssyncset.done $0x0  }
0xa0: {  	[sflag:s22] =	ssyncadd.s32 s3;
	_ =	sdelay $0x1  }
0xa1: {  	s23 =	simm.s32 $0x1B8B  }
0xa2: {  	_ =	swait.ge [sflag:s23], $0x1  }
0xa3: {  	[sflag:s23] =	ssyncset.done $0x0  }
0xa4: {  	s25 =	simm.s32 $0x1B8E;
	s24 =	sld [smem:$0x3FFE];
	[sflag:s23] =	ssyncadd.s32 $0xFFFFFFFF  }
0xa5: {  	s26 =	simm.s32 $execute0_lowered;
	[smem:$0x3FD2] =	sst s25  }
0xa6: {  	s4 =	sshll.u32 s26, $0x1;
	_ =	strace $0x80000046;
	[dreg:$0x1] =	wrdreg $0xFFFFFFFF  }
0xa7: {  	s28 =	simm.s32 $_size_execute0_lowered;
	s2 =	sadd.s32 s2, s4;
	[dreg:$0x0] =	wrdreg $0x0  }
0xa8: {  	s4 =	sshll.u32 s28, $0x1;
	[dreg:$0x2] =	wrdreg s2  }
0xa9: {  	[dreg:$0x3] =	wrdreg s4  }
0xaa: {  	[dreg:$0x4] =	wrdreg $0xC0  }
0xab: {  	_ =	task [dreg:s6], $0x5FFFF  }
0xac: {  	[dreg:$0x1] =	wrdreg $0xFFFFFFFF  }
0xad: {  	[dreg:$0x0] =	wrdreg $0x60  }
0xae: {  	[dreg:$0x2] =	wrdreg s24  }
0xaf: {  	[dreg:$0x3] =	wrdreg $0x55F00  }
0xb0: {  	[dreg:$0x4] =	wrdreg $0x9  }
0xb1: {  	_ =	task.clear_ibuf [dreg:s6], $0x5FFFF;
	_ =	strace $0x90000046  }
0xb2: {  	s29 =	simm.s32 $0x9;
	_ =	strace $0x80000048  }
0xb3: {  	_ =	swait.ge [sflag:s29], $0x1  }
0xb4: {  	[sflag:s29] =	ssyncadd.s32 $0xFFFFFFFF  }
0xb5: {  	_ =	strace $0x90000048  }
0xb6: {  	_ =	sfence  }
0xb7: {  	s30 =	sld [smem:$0x0];
	_ =	sdelay $0x2  }
0xb8: {  	s31 =	sshll.u32 s1, $0xD;
	s1 =	sshrl.u32 s1, $0x2  }
0xb9: {  	s3 =	sand.u32 $0x4000, s31;
	s1 =	sadd.s32 s1, s30  }
0xba: {  	s0 =	sor.u32 s3, s0;
	s1 =	sshll.u32 s1, $0x11  }
0xbb: {  	s0 =	sor.u32 s1, s0  }
0xbc: {  	s0 =	sadd.s32 $0x8F2B, s0  }
0xbd: {  	[sflag:s0] =	ssyncadd.remote.s32 $0x1  }
0xbe: {  	_ =	sfence.sel $0xFFFF  }
0xbf: {  	[dreg:$0x0] =	wrdreg $0xFFFFFFFF;
	(pc) =	sbr.abs _section_cstart, $3  }
0xc0: {  	[dreg:$0x1] =	wrdreg $0xFFFFFFFF  }
0xc1: {  	_ =	task.clear_ibuf [dreg:s6], $0x2FFFF;
	_ =	strace $0x9FFFFFFF  }
0xc2: {  	(tm) =	ssettm $0x7FFFFFFF  }
0xc3: {  	_ =	shalt  }
tec
execute0_lowered:
.L_overlay_start_1:
0x0: {  	(tag) =	ssettag $0x1  }
0x1: {  	s0 =	rddreg [dreg:$0x0]  }
0x2: {  	s2 =	srdreg.scid;
	s10 =	stileid.u32  }
0x3: {  	s1 =	rddreg [dreg:$0x1];
	s2 =	sand.u32 $0x1, s2;
	s30 =	smul.u32 $0x5A000, s10  }
0x4: {  	s6 =	smul.u32 $0x168000, s2;
	s4 =	sshll.u32 s2, $0x4;
	s2 =	ssub.s32 $0x2, s2  }
0x5: {  	s3 =	simm.s32 $0x0;
	s26 =	sshrl.u32 s2, $0x1;
	s13 =	sshrl.u32 s30, $0x2  }
0x6: {  	[smem:$0x7FF] =	sst s3;
	s2 =	ssub.s32 s2, s26;
	s24 =	sadd.s32 s13, s1  }
0x7: {  	_ =	strace $0x80000047;
	s2 =	smax.u32 s2, $0x1;
	[dreg:$0x7] =	wrdreg s24  }
0x8: {  	s31 =	simm.s32 $0x28F0;
	s14 =	sadd.s32 $0x1680, s24;
	[dreg:$0x8] =	wrdreg s2  }
0x9: {  	s7 =	smul.u32 $0x16800, s10;
	s15 =	sadd.s32 $0x2D00, s24;
	[dreg:$0x9] =	wrdreg s14  }
0xa: {  	s5 =	sor.u32 s10, s4;
	s16 =	sadd.s32 $0x4380, s24;
	[dreg:$0xa] =	wrdreg s15  }
0xb: {  	s4 =	sadd.s32 $0x800, s0;
	s17 =	sadd.s32 $0x5A00, s24;
	[dreg:$0xb] =	wrdreg s16  }
0xc: {  	s8 =	smul.u32 $0x2710, s5;
	s18 =	sadd.s32 $0x7080, s24;
	[dreg:$0xc] =	wrdreg s17  }
0xd: {  	s5 =	sadd.s32 $0x14200, s0;
	s19 =	sadd.s32 $0x8700, s24;
	[dreg:$0xd] =	wrdreg s18  }
0xe: {  	s6 =	sadd.s32 s7, s6;
	s20 =	sadd.s32 $0x9D80, s24;
	[dreg:$0xe] =	wrdreg s19  }
0xf: {  	s13 =	simm.s32 $0x78;
	s21 =	sadd.s32 $0xB400, s24;
	[dreg:$0xf] =	wrdreg s20  }
0x10: {  	s6 =	sshrl.u32 s6, $0x3;
	s22 =	sadd.s32 $0xCA80, s24;
	[dreg:$0x10] =	wrdreg s21  }
0x11: {  	s23 =	sadd.s32 $0xE100, s24;
	s25 =	sadd.s32 $0xF780, s24;
	[dreg:$0x11] =	wrdreg s22  }
0x12: {  	s26 =	sadd.s32 $0x10E00, s24;
	s30 =	sadd.s32 $0x15180, s24;
	[dreg:$0x12] =	wrdreg s23  }
0x13: {  	s9 =	sshrl.u32 s8, $0x3;
	s0 =	sadd.s32 s6, s0;
	[dreg:$0x13] =	wrdreg s25  }
0x14: {  	s28 =	sadd.s32 $0x28, s8;
	s29 =	sadd.s32 $0x4E228, s8;
	[dreg:$0x14] =	wrdreg s26  }
0x15: {  	s10 =	sadd.s32 $0x50, s8;
	[dreg:$0x17] =	wrdreg s30;
	s2 =	simm.s32 $0x50  }
0x16: {  	v0 =	vimm.f32 $0.0e+00;
	vm0 =	vcmask $0x300;
	s14 =	simm.s32 $0x6;
	s15 =	simm.s32 $0xAF0;
	s16 =	simm.s32 $0x1EF0  }
0x17: {  	vm1 =	vcmask $0x704;
	v62 =	vsel vm0, $0x3F800000, v0;
	s17 =	simm.s32 $0x1;
	s18 =	simm.s32 $0xA0;
	s19 =	simm.s32 $0x5  }
0x18: {  	vm11 =	vcmask $0xB08;
	v63 =	vsel vm1, $0x3F800000, v0;
	[tilespmem:$0x1FF80] =	vst v62;
	s20 =	simm.s32 $0x2;
	s21 =	simm.s32 $0xC8;
	s22 =	simm.s32 $0x3F70  }
0x19: {  	vm12 =	vcmask $0xF0C;
	v53 =	vsel vm11, $0x3F800000, v0;
	[tilespmem:$0x1FF90] =	vst v63;
	s26 =	simm.s32 $0x0;
	s11 =	sadd.s32 s5, s9;
	s6 =	sshrl.u32 s28, $0x3  }
0x1a: {  	vm2 =	vcmask $0x1310;
	v54 =	vsel vm12, $0x3F800000, v0;
	[tilespmem:$0x1FFA0] =	vst v53;
	s7 =	sshrl.u32 s29, $0x3;
	s28 =	sadd.s32 $0x12480, s24;
	[dreg:$0x3] =	wrdreg s11  }
0x1b: {  	vm14 =	vcmask $0x1B18;
	v57 =	vsel vm2, $0x3F800000, v0;
	[tilespmem:$0x1FFB0] =	vst v54;
	s25 =	sadd.s32 $0x27C00, s0;
	s29 =	sadd.s32 $0x13B00, s24;
	[dreg:$0x15] =	wrdreg s28  }
0x1c: {  	vm15 =	vcmask $0x1F1C;
	v11 =	vsel vm14, $0x3F800000, v0;
	[tilespmem:$0x1FFC0] =	vst v57;
	s0 =	simm.s32 $0x7;
	s11 =	sadd.s32 $0x9C40, s11;
	[dreg:$0x16] =	wrdreg s29  }
0x1d: {  	vm13 =	vcmask $0x1714;
	v9 =	vsel vm15, $0x3F800000, v0;
	[tilespmem:$0x1FFD0] =	vst v11;
	s9 =	simm.s32 $0x14F0;
	s6 =	sadd.s32 s5, s6;
	[dreg:$0x4] =	wrdreg s11  }
0x1e: {  	v1 =	vsel vm13, $0x3F800000, v0;
	[tilespmem:$0x1FFE0] =	vst v9;
	s12 =	sadd.s32 s5, s7;
	s7 =	simm.s32 $0x28;
	[dreg:$0x5] =	wrdreg s6  }
0x1f: {  	[tilespmem:$0x1FFF0] =	vst v1;
	[dreg:$0x6] =	wrdreg s12;
	s11 =	sadd.s32 $0x78, s8;
	s8 =	simm.s32 $0xF0  }
.LBB2_1:
0x20: {  	v0 =	vimm.f32 $0.0e+00  }
0x21: {  	[tilespmem:$0x28F0] =	vst v0  }
0x22: {  	[tilespmem:$0x2900] =	vst v0  }
0x23: {  	[tilespmem:$0x2910] =	vst v0  }
0x24: {  	[tilespmem:$0x2920] =	vst v0  }
0x25: {  	[tilespmem:$0x2930] =	vst v0  }
0x26: {  	[tilespmem:$0x2940] =	vst v0  }
0x27: {  	[tilespmem:$0x2950] =	vst v0  }
0x28: {  	[tilespmem:$0x2960] =	vst v0  }
0x29: {  	[tilespmem:$0x2970] =	vst v0  }
0x2a: {  	[tilespmem:$0x2980] =	vst v0  }
0x2b: {  	[tilespmem:$0x2990] =	vst v0  }
0x2c: {  	[tilespmem:$0x29A0] =	vst v0  }
0x2d: {  	[tilespmem:$0x29B0] =	vst v0  }
0x2e: {  	[tilespmem:$0x29C0] =	vst v0  }
0x2f: {  	[tilespmem:$0x29D0] =	vst v0  }
0x30: {  	[tilespmem:$0x29E0] =	vst v0  }
0x31: {  	[tilespmem:$0x29F0] =	vst v0  }
0x32: {  	[tilespmem:$0x2A00] =	vst v0  }
0x33: {  	[tilespmem:$0x2A10] =	vst v0  }
0x34: {  	[tilespmem:$0x2A20] =	vst v0  }
0x35: {  	[tilespmem:$0x2A30] =	vst v0  }
0x36: {  	[tilespmem:$0x2A40] =	vst v0  }
0x37: {  	[tilespmem:$0x2A50] =	vst v0  }
0x38: {  	[tilespmem:$0x2A60] =	vst v0  }
0x39: {  	[tilespmem:$0x2A70] =	vst v0  }
0x3a: {  	[tilespmem:$0x2A80] =	vst v0  }
0x3b: {  	[tilespmem:$0x2A90] =	vst v0  }
0x3c: {  	[tilespmem:$0x2AA0] =	vst v0  }
0x3d: {  	[tilespmem:$0x2AB0] =	vst v0  }
0x3e: {  	[tilespmem:$0x2AC0] =	vst v0  }
0x3f: {  	[tilespmem:$0x2AD0] =	vst v0  }
0x40: {  	[tilespmem:$0x2AE0] =	vst v0  }
0x41: {  	[tilespmem:$0x2AF0] =	vst v0  }
0x42: {  	[tilespmem:$0x2B00] =	vst v0  }
0x43: {  	[tilespmem:$0x2B10] =	vst v0  }
0x44: {  	[tilespmem:$0x2B20] =	vst v0  }
0x45: {  	[tilespmem:$0x2B30] =	vst v0  }
0x46: {  	[tilespmem:$0x2B40] =	vst v0  }
0x47: {  	[tilespmem:$0x2B50] =	vst v0  }
0x48: {  	[tilespmem:$0x2B60] =	vst v0  }
0x49: {  	[tilespmem:$0x2B70] =	vst v0  }
0x4a: {  	[tilespmem:$0x2B80] =	vst v0  }
0x4b: {  	[tilespmem:$0x2B90] =	vst v0  }
0x4c: {  	[tilespmem:$0x2BA0] =	vst v0  }
0x4d: {  	[tilespmem:$0x2BB0] =	vst v0  }
0x4e: {  	[tilespmem:$0x2BC0] =	vst v0  }
0x4f: {  	[tilespmem:$0x2BD0] =	vst v0  }
0x50: {  	[tilespmem:$0x2BE0] =	vst v0  }
0x51: {  	[tilespmem:$0x2BF0] =	vst v0  }
0x52: {  	[tilespmem:$0x2C00] =	vst v0  }
0x53: {  	[tilespmem:$0x2C10] =	vst v0  }
0x54: {  	[tilespmem:$0x2C20] =	vst v0  }
0x55: {  	[tilespmem:$0x2C30] =	vst v0  }
0x56: {  	[tilespmem:$0x2C40] =	vst v0  }
0x57: {  	[tilespmem:$0x2C50] =	vst v0  }
0x58: {  	[tilespmem:$0x2C60] =	vst v0  }
0x59: {  	[tilespmem:$0x2C70] =	vst v0  }
0x5a: {  	[tilespmem:$0x2C80] =	vst v0  }
0x5b: {  	[tilespmem:$0x2C90] =	vst v0  }
0x5c: {  	[tilespmem:$0x2CA0] =	vst v0  }
0x5d: {  	[tilespmem:$0x2CB0] =	vst v0  }
0x5e: {  	[tilespmem:$0x2CC0] =	vst v0  }
0x5f: {  	[tilespmem:$0x2CD0] =	vst v0  }
0x60: {  	[tilespmem:$0x2CE0] =	vst v0  }
0x61: {  	[tilespmem:$0x2CF0] =	vst v0  }
0x62: {  	[tilespmem:$0x2D00] =	vst v0  }
0x63: {  	[tilespmem:$0x2D10] =	vst v0  }
0x64: {  	[tilespmem:$0x2D20] =	vst v0  }
0x65: {  	[tilespmem:$0x2D30] =	vst v0  }
0x66: {  	[tilespmem:$0x2D40] =	vst v0  }
0x67: {  	[tilespmem:$0x2D50] =	vst v0  }
0x68: {  	[tilespmem:$0x2D60] =	vst v0  }
0x69: {  	[tilespmem:$0x2D70] =	vst v0  }
0x6a: {  	[tilespmem:$0x2D80] =	vst v0  }
0x6b: {  	[tilespmem:$0x2D90] =	vst v0  }
0x6c: {  	[tilespmem:$0x2DA0] =	vst v0  }
0x6d: {  	[tilespmem:$0x2DB0] =	vst v0  }
0x6e: {  	[tilespmem:$0x2DC0] =	vst v0  }
0x6f: {  	[tilespmem:$0x2DD0] =	vst v0  }
0x70: {  	[tilespmem:$0x2DE0] =	vst v0  }
0x71: {  	[tilespmem:$0x2DF0] =	vst v0  }
0x72: {  	[tilespmem:$0x2E00] =	vst v0  }
0x73: {  	[tilespmem:$0x2E10] =	vst v0  }
0x74: {  	[tilespmem:$0x2E20] =	vst v0  }
0x75: {  	[tilespmem:$0x2E30] =	vst v0  }
0x76: {  	[tilespmem:$0x2E40] =	vst v0  }
0x77: {  	[tilespmem:$0x2E50] =	vst v0  }
0x78: {  	[tilespmem:$0x2E60] =	vst v0  }
0x79: {  	[tilespmem:$0x2E70] =	vst v0  }
0x7a: {  	[tilespmem:$0x2E80] =	vst v0  }
0x7b: {  	[tilespmem:$0x2E90] =	vst v0  }
0x7c: {  	[tilespmem:$0x2EA0] =	vst v0  }
0x7d: {  	[tilespmem:$0x2EB0] =	vst v0  }
0x7e: {  	[tilespmem:$0x2EC0] =	vst v0  }
0x7f: {  	[tilespmem:$0x2ED0] =	vst v0  }
0x80: {  	[tilespmem:$0x2EE0] =	vst v0  }
0x81: {  	[tilespmem:$0x2EF0] =	vst v0  }
0x82: {  	[tilespmem:$0x2F00] =	vst v0  }
0x83: {  	[tilespmem:$0x2F10] =	vst v0  }
0x84: {  	[tilespmem:$0x2F20] =	vst v0  }
0x85: {  	[tilespmem:$0x2F30] =	vst v0  }
0x86: {  	[tilespmem:$0x2F40] =	vst v0  }
0x87: {  	[tilespmem:$0x2F50] =	vst v0  }
0x88: {  	[tilespmem:$0x2F60] =	vst v0  }
0x89: {  	[tilespmem:$0x2F70] =	vst v0  }
0x8a: {  	[tilespmem:$0x2F80] =	vst v0  }
0x8b: {  	[tilespmem:$0x2F90] =	vst v0  }
0x8c: {  	[tilespmem:$0x2FA0] =	vst v0  }
0x8d: {  	[tilespmem:$0x2FB0] =	vst v0  }
0x8e: {  	[tilespmem:$0x2FC0] =	vst v0  }
0x8f: {  	[tilespmem:$0x2FD0] =	vst v0  }
0x90: {  	[tilespmem:$0x2FE0] =	vst v0  }
0x91: {  	[tilespmem:$0x2FF0] =	vst v0  }
0x92: {  	[tilespmem:$0x3000] =	vst v0  }
0x93: {  	[tilespmem:$0x3010] =	vst v0  }
0x94: {  	[tilespmem:$0x3020] =	vst v0  }
0x95: {  	[tilespmem:$0x3030] =	vst v0  }
0x96: {  	[tilespmem:$0x3040] =	vst v0  }
0x97: {  	[tilespmem:$0x3050] =	vst v0  }
0x98: {  	[tilespmem:$0x3060] =	vst v0  }
0x99: {  	[tilespmem:$0x3070] =	vst v0  }
0x9a: {  	[tilespmem:$0x3080] =	vst v0  }
0x9b: {  	[tilespmem:$0x3090] =	vst v0  }
0x9c: {  	[tilespmem:$0x30A0] =	vst v0  }
0x9d: {  	[tilespmem:$0x30B0] =	vst v0  }
0x9e: {  	[tilespmem:$0x30C0] =	vst v0  }
0x9f: {  	[tilespmem:$0x30D0] =	vst v0  }
0xa0: {  	[tilespmem:$0x30E0] =	vst v0  }
0xa1: {  	[tilespmem:$0x30F0] =	vst v0  }
0xa2: {  	[tilespmem:$0x3100] =	vst v0  }
0xa3: {  	[tilespmem:$0x3110] =	vst v0  }
0xa4: {  	[tilespmem:$0x3120] =	vst v0  }
0xa5: {  	[tilespmem:$0x3130] =	vst v0  }
0xa6: {  	[tilespmem:$0x3140] =	vst v0  }
0xa7: {  	[tilespmem:$0x3150] =	vst v0  }
0xa8: {  	[tilespmem:$0x3160] =	vst v0  }
0xa9: {  	[tilespmem:$0x3170] =	vst v0  }
0xaa: {  	[tilespmem:$0x3180] =	vst v0  }
0xab: {  	[tilespmem:$0x3190] =	vst v0  }
0xac: {  	[tilespmem:$0x31A0] =	vst v0  }
0xad: {  	[tilespmem:$0x31B0] =	vst v0  }
0xae: {  	[tilespmem:$0x31C0] =	vst v0  }
0xaf: {  	[tilespmem:$0x31D0] =	vst v0  }
0xb0: {  	[tilespmem:$0x31E0] =	vst v0  }
0xb1: {  	[tilespmem:$0x31F0] =	vst v0  }
0xb2: {  	[tilespmem:$0x3200] =	vst v0  }
0xb3: {  	[tilespmem:$0x3210] =	vst v0  }
0xb4: {  	[tilespmem:$0x3220] =	vst v0  }
0xb5: {  	[tilespmem:$0x3230] =	vst v0  }
0xb6: {  	[tilespmem:$0x3240] =	vst v0  }
0xb7: {  	[tilespmem:$0x3250] =	vst v0  }
0xb8: {  	[tilespmem:$0x3260] =	vst v0  }
0xb9: {  	[tilespmem:$0x3270] =	vst v0  }
0xba: {  	[tilespmem:$0x3280] =	vst v0  }
0xbb: {  	[tilespmem:$0x3290] =	vst v0  }
0xbc: {  	[tilespmem:$0x32A0] =	vst v0  }
0xbd: {  	[tilespmem:$0x32B0] =	vst v0  }
0xbe: {  	[tilespmem:$0x32C0] =	vst v0  }
0xbf: {  	[tilespmem:$0x32D0] =	vst v0  }
0xc0: {  	[tilespmem:$0x32E0] =	vst v0  }
0xc1: {  	[tilespmem:$0x32F0] =	vst v0  }
0xc2: {  	[tilespmem:$0x3300] =	vst v0  }
0xc3: {  	[tilespmem:$0x3310] =	vst v0  }
0xc4: {  	[tilespmem:$0x3320] =	vst v0  }
0xc5: {  	[tilespmem:$0x3330] =	vst v0  }
0xc6: {  	[tilespmem:$0x3340] =	vst v0  }
0xc7: {  	[tilespmem:$0x3350] =	vst v0  }
0xc8: {  	[tilespmem:$0x3360] =	vst v0  }
0xc9: {  	[tilespmem:$0x3370] =	vst v0  }
0xca: {  	[tilespmem:$0x3380] =	vst v0  }
0xcb: {  	[tilespmem:$0x3390] =	vst v0  }
0xcc: {  	[tilespmem:$0x33A0] =	vst v0  }
0xcd: {  	[tilespmem:$0x33B0] =	vst v0  }
0xce: {  	[tilespmem:$0x33C0] =	vst v0  }
0xcf: {  	[tilespmem:$0x33D0] =	vst v0  }
0xd0: {  	[tilespmem:$0x33E0] =	vst v0  }
0xd1: {  	[tilespmem:$0x33F0] =	vst v0  }
0xd2: {  	[tilespmem:$0x3400] =	vst v0  }
0xd3: {  	[tilespmem:$0x3410] =	vst v0  }
0xd4: {  	[tilespmem:$0x3420] =	vst v0  }
0xd5: {  	[tilespmem:$0x3430] =	vst v0  }
0xd6: {  	[tilespmem:$0x3440] =	vst v0  }
0xd7: {  	[tilespmem:$0x3450] =	vst v0  }
0xd8: {  	[tilespmem:$0x3460] =	vst v0  }
0xd9: {  	[tilespmem:$0x3470] =	vst v0  }
0xda: {  	[tilespmem:$0x3480] =	vst v0  }
0xdb: {  	[tilespmem:$0x3490] =	vst v0  }
0xdc: {  	[tilespmem:$0x34A0] =	vst v0  }
0xdd: {  	[tilespmem:$0x34B0] =	vst v0  }
0xde: {  	[tilespmem:$0x34C0] =	vst v0  }
0xdf: {  	[tilespmem:$0x34D0] =	vst v0  }
0xe0: {  	[tilespmem:$0x34E0] =	vst v0  }
0xe1: {  	[tilespmem:$0x34F0] =	vst v0  }
0xe2: {  	[tilespmem:$0x3500] =	vst v0  }
0xe3: {  	[tilespmem:$0x3510] =	vst v0  }
0xe4: {  	[tilespmem:$0x3520] =	vst v0  }
0xe5: {  	[tilespmem:$0x3530] =	vst v0  }
0xe6: {  	[tilespmem:$0x3540] =	vst v0  }
0xe7: {  	[tilespmem:$0x3550] =	vst v0  }
0xe8: {  	[tilespmem:$0x3560] =	vst v0  }
0xe9: {  	[tilespmem:$0x3570] =	vst v0  }
0xea: {  	[tilespmem:$0x3580] =	vst v0  }
0xeb: {  	[tilespmem:$0x3590] =	vst v0  }
0xec: {  	[tilespmem:$0x35A0] =	vst v0  }
0xed: {  	[tilespmem:$0x35B0] =	vst v0  }
0xee: {  	[tilespmem:$0x35C0] =	vst v0  }
0xef: {  	[tilespmem:$0x35D0] =	vst v0  }
0xf0: {  	[tilespmem:$0x35E0] =	vst v0  }
0xf1: {  	[tilespmem:$0x35F0] =	vst v0  }
0xf2: {  	[tilespmem:$0x3600] =	vst v0  }
0xf3: {  	[tilespmem:$0x3610] =	vst v0  }
0xf4: {  	[tilespmem:$0x3620] =	vst v0  }
0xf5: {  	[tilespmem:$0x3630] =	vst v0  }
0xf6: {  	[tilespmem:$0x3640] =	vst v0  }
0xf7: {  	[tilespmem:$0x3650] =	vst v0  }
0xf8: {  	[tilespmem:$0x3660] =	vst v0  }
0xf9: {  	[tilespmem:$0x3670] =	vst v0  }
0xfa: {  	[tilespmem:$0x3680] =	vst v0  }
0xfb: {  	[tilespmem:$0x3690] =	vst v0  }
0xfc: {  	[tilespmem:$0x36A0] =	vst v0  }
0xfd: {  	[tilespmem:$0x36B0] =	vst v0  }
0xfe: {  	[tilespmem:$0x36C0] =	vst v0  }
0xff: {  	[tilespmem:$0x36D0] =	vst v0  }
0x100: {  	[tilespmem:$0x36E0] =	vst v0  }
0x101: {  	[tilespmem:$0x36F0] =	vst v0  }
0x102: {  	[tilespmem:$0x3700] =	vst v0  }
0x103: {  	[tilespmem:$0x3710] =	vst v0  }
0x104: {  	[tilespmem:$0x3720] =	vst v0  }
0x105: {  	[tilespmem:$0x3730] =	vst v0  }
0x106: {  	[tilespmem:$0x3740] =	vst v0  }
0x107: {  	[tilespmem:$0x3750] =	vst v0  }
0x108: {  	[tilespmem:$0x3760] =	vst v0  }
0x109: {  	[tilespmem:$0x3770] =	vst v0  }
0x10a: {  	[tilespmem:$0x3780] =	vst v0  }
0x10b: {  	[tilespmem:$0x3790] =	vst v0  }
0x10c: {  	[tilespmem:$0x37A0] =	vst v0  }
0x10d: {  	[tilespmem:$0x37B0] =	vst v0  }
0x10e: {  	[tilespmem:$0x37C0] =	vst v0  }
0x10f: {  	[tilespmem:$0x37D0] =	vst v0  }
0x110: {  	[tilespmem:$0x37E0] =	vst v0  }
0x111: {  	[tilespmem:$0x37F0] =	vst v0  }
0x112: {  	[tilespmem:$0x3800] =	vst v0  }
0x113: {  	[tilespmem:$0x3810] =	vst v0  }
0x114: {  	[tilespmem:$0x3820] =	vst v0  }
0x115: {  	[tilespmem:$0x3830] =	vst v0  }
0x116: {  	[tilespmem:$0x3840] =	vst v0  }
0x117: {  	[tilespmem:$0x3850] =	vst v0  }
0x118: {  	[tilespmem:$0x3860] =	vst v0  }
0x119: {  	[tilespmem:$0x3870] =	vst v0  }
0x11a: {  	[tilespmem:$0x3880] =	vst v0  }
0x11b: {  	[tilespmem:$0x3890] =	vst v0  }
0x11c: {  	[tilespmem:$0x38A0] =	vst v0  }
0x11d: {  	[tilespmem:$0x38B0] =	vst v0  }
0x11e: {  	[tilespmem:$0x38C0] =	vst v0  }
0x11f: {  	[tilespmem:$0x38D0] =	vst v0  }
0x120: {  	[tilespmem:$0x38E0] =	vst v0  }
0x121: {  	[tilespmem:$0x38F0] =	vst v0  }
0x122: {  	[tilespmem:$0x3900] =	vst v0  }
0x123: {  	[tilespmem:$0x3910] =	vst v0  }
0x124: {  	[tilespmem:$0x3920] =	vst v0  }
0x125: {  	[tilespmem:$0x3930] =	vst v0  }
0x126: {  	[tilespmem:$0x3940] =	vst v0  }
0x127: {  	[tilespmem:$0x3950] =	vst v0  }
0x128: {  	[tilespmem:$0x3960] =	vst v0  }
0x129: {  	[tilespmem:$0x3970] =	vst v0  }
0x12a: {  	[tilespmem:$0x3980] =	vst v0  }
0x12b: {  	[tilespmem:$0x3990] =	vst v0  }
0x12c: {  	[tilespmem:$0x39A0] =	vst v0  }
0x12d: {  	[tilespmem:$0x39B0] =	vst v0  }
0x12e: {  	[tilespmem:$0x39C0] =	vst v0  }
0x12f: {  	[tilespmem:$0x39D0] =	vst v0  }
0x130: {  	[tilespmem:$0x39E0] =	vst v0  }
0x131: {  	[tilespmem:$0x39F0] =	vst v0  }
0x132: {  	[tilespmem:$0x3A00] =	vst v0  }
0x133: {  	[tilespmem:$0x3A10] =	vst v0  }
0x134: {  	[tilespmem:$0x3A20] =	vst v0  }
0x135: {  	[tilespmem:$0x3A30] =	vst v0  }
0x136: {  	[tilespmem:$0x3A40] =	vst v0  }
0x137: {  	[tilespmem:$0x3A50] =	vst v0  }
0x138: {  	[tilespmem:$0x3A60] =	vst v0  }
0x139: {  	[tilespmem:$0x3A70] =	vst v0  }
0x13a: {  	[tilespmem:$0x3A80] =	vst v0  }
0x13b: {  	[tilespmem:$0x3A90] =	vst v0  }
0x13c: {  	[tilespmem:$0x3AA0] =	vst v0  }
0x13d: {  	[tilespmem:$0x3AB0] =	vst v0  }
0x13e: {  	[tilespmem:$0x3AC0] =	vst v0  }
0x13f: {  	[tilespmem:$0x3AD0] =	vst v0  }
0x140: {  	[tilespmem:$0x3AE0] =	vst v0  }
0x141: {  	[tilespmem:$0x3AF0] =	vst v0  }
0x142: {  	[tilespmem:$0x3B00] =	vst v0  }
0x143: {  	[tilespmem:$0x3B10] =	vst v0  }
0x144: {  	[tilespmem:$0x3B20] =	vst v0  }
0x145: {  	[tilespmem:$0x3B30] =	vst v0  }
0x146: {  	[tilespmem:$0x3B40] =	vst v0  }
0x147: {  	[tilespmem:$0x3B50] =	vst v0  }
0x148: {  	[tilespmem:$0x3B60] =	vst v0  }
0x149: {  	[tilespmem:$0x3B70] =	vst v0  }
0x14a: {  	[tilespmem:$0x3B80] =	vst v0  }
0x14b: {  	[tilespmem:$0x3B90] =	vst v0  }
0x14c: {  	[tilespmem:$0x3BA0] =	vst v0  }
0x14d: {  	[tilespmem:$0x3BB0] =	vst v0  }
0x14e: {  	[tilespmem:$0x3BC0] =	vst v0  }
0x14f: {  	[tilespmem:$0x3BD0] =	vst v0  }
0x150: {  	[tilespmem:$0x3BE0] =	vst v0  }
0x151: {  	[tilespmem:$0x3BF0] =	vst v0  }
0x152: {  	[tilespmem:$0x3C00] =	vst v0  }
0x153: {  	[tilespmem:$0x3C10] =	vst v0  }
0x154: {  	[tilespmem:$0x3C20] =	vst v0  }
0x155: {  	[tilespmem:$0x3C30] =	vst v0  }
0x156: {  	[tilespmem:$0x3C40] =	vst v0  }
0x157: {  	[tilespmem:$0x3C50] =	vst v0  }
0x158: {  	[tilespmem:$0x3C60] =	vst v0  }
0x159: {  	[tilespmem:$0x3C70] =	vst v0  }
0x15a: {  	[tilespmem:$0x3C80] =	vst v0  }
0x15b: {  	[tilespmem:$0x3C90] =	vst v0  }
0x15c: {  	[tilespmem:$0x3CA0] =	vst v0  }
0x15d: {  	[tilespmem:$0x3CB0] =	vst v0  }
0x15e: {  	[tilespmem:$0x3CC0] =	vst v0  }
0x15f: {  	[tilespmem:$0x3CD0] =	vst v0  }
0x160: {  	[tilespmem:$0x3CE0] =	vst v0  }
0x161: {  	[tilespmem:$0x3CF0] =	vst v0  }
0x162: {  	[tilespmem:$0x3D00] =	vst v0  }
0x163: {  	[tilespmem:$0x3D10] =	vst v0  }
0x164: {  	[tilespmem:$0x3D20] =	vst v0  }
0x165: {  	[tilespmem:$0x3D30] =	vst v0  }
0x166: {  	[tilespmem:$0x3D40] =	vst v0  }
0x167: {  	[tilespmem:$0x3D50] =	vst v0  }
0x168: {  	[tilespmem:$0x3D60] =	vst v0  }
0x169: {  	[tilespmem:$0x3D70] =	vst v0  }
0x16a: {  	[tilespmem:$0x3D80] =	vst v0  }
0x16b: {  	[tilespmem:$0x3D90] =	vst v0  }
0x16c: {  	[tilespmem:$0x3DA0] =	vst v0  }
0x16d: {  	[tilespmem:$0x3DB0] =	vst v0  }
0x16e: {  	[tilespmem:$0x3DC0] =	vst v0  }
0x16f: {  	[tilespmem:$0x3DD0] =	vst v0  }
0x170: {  	[tilespmem:$0x3DE0] =	vst v0  }
0x171: {  	[tilespmem:$0x3DF0] =	vst v0  }
0x172: {  	[tilespmem:$0x3E00] =	vst v0  }
0x173: {  	[tilespmem:$0x3E10] =	vst v0  }
0x174: {  	[tilespmem:$0x3E20] =	vst v0  }
0x175: {  	[tilespmem:$0x3E30] =	vst v0  }
0x176: {  	[tilespmem:$0x3E40] =	vst v0  }
0x177: {  	[tilespmem:$0x3E50] =	vst v0  }
0x178: {  	[tilespmem:$0x3E60] =	vst v0  }
0x179: {  	[tilespmem:$0x3E70] =	vst v0  }
0x17a: {  	[tilespmem:$0x3E80] =	vst v0  }
0x17b: {  	[tilespmem:$0x3E90] =	vst v0  }
0x17c: {  	[tilespmem:$0x3EA0] =	vst v0  }
0x17d: {  	[tilespmem:$0x3EB0] =	vst v0  }
0x17e: {  	[tilespmem:$0x3EC0] =	vst v0  }
0x17f: {  	[tilespmem:$0x3ED0] =	vst v0  }
0x180: {  	[tilespmem:$0x3EE0] =	vst v0  }
0x181: {  	[tilespmem:$0x3EF0] =	vst v0  }
0x182: {  	[tilespmem:$0x3F00] =	vst v0  }
0x183: {  	[tilespmem:$0x3F10] =	vst v0  }
0x184: {  	[tilespmem:$0x3F20] =	vst v0  }
0x185: {  	[tilespmem:$0x3F30] =	vst v0  }
0x186: {  	[tilespmem:$0x3F40] =	vst v0  }
0x187: {  	[tilespmem:$0x3F50] =	vst v0  }
0x188: {  	[tilespmem:$0x3F60] =	vst v0  }
0x189: {  	[spmem:s24] =	stream.linear.scatter [tilespmem:s31], [sflag:$0x7], $0x1680, $0x38;
	[tilespmem:$0x1BDF0] =	vst v63  }
0x18a: {  	_ =	swait.ge [sflag:s0], $0x1680  }
0x18b: {  	[sflag:s0] =	ssyncset.done $0x0  }
0x18c: {  	s6 =	rddreg [dreg:$0x9];
	[sflag:s0] =	ssyncadd.s32 $0xFFFFE980  }
0x18d: {  	[spmem:s6] =	stream.linear.scatter [tilespmem:s31], [sflag:$0x7], $0x1680, $0x38;
	[tilespmem:$0x1BDF0] =	vst v63  }
0x18e: {  	_ =	swait.ge [sflag:s0], $0x1680  }
0x18f: {  	[sflag:s0] =	ssyncset.done $0x0  }
0x190: {  	s24 =	rddreg [dreg:$0xa];
	[sflag:s0] =	ssyncadd.s32 $0xFFFFE980  }
0x191: {  	[spmem:s24] =	stream.linear.scatter [tilespmem:s31], [sflag:$0x7], $0x1680, $0x38;
	[tilespmem:$0x1BDF0] =	vst v63  }
0x192: {  	_ =	swait.ge [sflag:s0], $0x1680  }
0x193: {  	[sflag:s0] =	ssyncset.done $0x0  }
0x194: {  	s29 =	rddreg [dreg:$0xb];
	[sflag:s0] =	ssyncadd.s32 $0xFFFFE980  }
0x195: {  	[spmem:s29] =	stream.linear.scatter [tilespmem:s31], [sflag:$0x7], $0x1680, $0x38;
	[tilespmem:$0x1BDF0] =	vst v63  }
0x196: {  	_ =	swait.ge [sflag:s0], $0x1680  }
0x197: {  	[sflag:s0] =	ssyncset.done $0x0  }
0x198: {  	s30 =	rddreg [dreg:$0xc];
	[sflag:s0] =	ssyncadd.s32 $0xFFFFE980  }
0x199: {  	[spmem:s30] =	stream.linear.scatter [tilespmem:s31], [sflag:$0x7], $0x1680, $0x38;
	[tilespmem:$0x1BDF0] =	vst v63  }
0x19a: {  	_ =	swait.ge [sflag:s0], $0x1680  }
0x19b: {  	[sflag:s0] =	ssyncset.done $0x0  }
0x19c: {  	s12 =	rddreg [dreg:$0xd];
	[sflag:s0] =	ssyncadd.s32 $0xFFFFE980  }
0x19d: {  	[spmem:s12] =	stream.linear.scatter [tilespmem:s31], [sflag:$0x7], $0x1680, $0x38;
	[tilespmem:$0x1BDF0] =	vst v63  }
0x19e: {  	_ =	swait.ge [sflag:s0], $0x1680  }
0x19f: {  	[sflag:s0] =	ssyncset.done $0x0  }
0x1a0: {  	s23 =	rddreg [dreg:$0xe];
	[sflag:s0] =	ssyncadd.s32 $0xFFFFE980  }
0x1a1: {  	[spmem:s23] =	stream.linear.scatter [tilespmem:s31], [sflag:$0x7], $0x1680, $0x38;
	[tilespmem:$0x1BDF0] =	vst v63  }
0x1a2: {  	_ =	swait.ge [sflag:s0], $0x1680  }
0x1a3: {  	[sflag:s0] =	ssyncset.done $0x0  }
0x1a4: {  	s24 =	rddreg [dreg:$0xf];
	[sflag:s0] =	ssyncadd.s32 $0xFFFFE980  }
0x1a5: {  	[spmem:s24] =	stream.linear.scatter [tilespmem:s31], [sflag:$0x7], $0x1680, $0x38;
	[tilespmem:$0x1BDF0] =	vst v63  }
0x1a6: {  	_ =	swait.ge [sflag:s0], $0x1680  }
0x1a7: {  	[sflag:s0] =	ssyncset.done $0x0  }
0x1a8: {  	s29 =	rddreg [dreg:$0x10];
	[sflag:s0] =	ssyncadd.s32 $0xFFFFE980  }
0x1a9: {  	[spmem:s29] =	stream.linear.scatter [tilespmem:s31], [sflag:$0x7], $0x1680, $0x38;
	[tilespmem:$0x1BDF0] =	vst v63  }
0x1aa: {  	_ =	swait.ge [sflag:s0], $0x1680  }
0x1ab: {  	[sflag:s0] =	ssyncset.done $0x0  }
0x1ac: {  	s30 =	rddreg [dreg:$0x11];
	[sflag:s0] =	ssyncadd.s32 $0xFFFFE980  }
0x1ad: {  	[spmem:s30] =	stream.linear.scatter [tilespmem:s31], [sflag:$0x7], $0x1680, $0x38;
	[tilespmem:$0x1BDF0] =	vst v63  }
0x1ae: {  	_ =	swait.ge [sflag:s0], $0x1680  }
0x1af: {  	[sflag:s0] =	ssyncset.done $0x0  }
0x1b0: {  	s12 =	rddreg [dreg:$0x12];
	[sflag:s0] =	ssyncadd.s32 $0xFFFFE980  }
0x1b1: {  	[spmem:s12] =	stream.linear.scatter [tilespmem:s31], [sflag:$0x7], $0x1680, $0x38;
	[tilespmem:$0x1BDF0] =	vst v63  }
0x1b2: {  	_ =	swait.ge [sflag:s0], $0x1680  }
0x1b3: {  	[sflag:s0] =	ssyncset.done $0x0  }
0x1b4: {  	s23 =	rddreg [dreg:$0x13];
	[sflag:s0] =	ssyncadd.s32 $0xFFFFE980  }
0x1b5: {  	[spmem:s23] =	stream.linear.scatter [tilespmem:s31], [sflag:$0x7], $0x1680, $0x38;
	[tilespmem:$0x1BDF0] =	vst v63  }
0x1b6: {  	_ =	swait.ge [sflag:s0], $0x1680  }
0x1b7: {  	[sflag:s0] =	ssyncset.done $0x0  }
0x1b8: {  	s24 =	rddreg [dreg:$0x14];
	[sflag:s0] =	ssyncadd.s32 $0xFFFFE980  }
0x1b9: {  	[spmem:s24] =	stream.linear.scatter [tilespmem:s31], [sflag:$0x7], $0x1680, $0x38;
	[tilespmem:$0x1BDF0] =	vst v63  }
0x1ba: {  	_ =	swait.ge [sflag:s0], $0x1680  }
0x1bb: {  	[sflag:s0] =	ssyncset.done $0x0  }
0x1bc: {  	s29 =	rddreg [dreg:$0x15];
	[sflag:s0] =	ssyncadd.s32 $0xFFFFE980  }
0x1bd: {  	[spmem:s29] =	stream.linear.scatter [tilespmem:s31], [sflag:$0x7], $0x1680, $0x38;
	[tilespmem:$0x1BDF0] =	vst v63  }
0x1be: {  	_ =	swait.ge [sflag:s0], $0x1680  }
0x1bf: {  	[sflag:s0] =	ssyncset.done $0x0  }
0x1c0: {  	s30 =	rddreg [dreg:$0x16];
	[sflag:s0] =	ssyncadd.s32 $0xFFFFE980  }
0x1c1: {  	[spmem:s30] =	stream.linear.scatter [tilespmem:s31], [sflag:$0x7], $0x1680, $0x38;
	[tilespmem:$0x1BDF0] =	vst v63  }
0x1c2: {  	_ =	swait.ge [sflag:s0], $0x1680  }
0x1c3: {  	[sflag:s0] =	ssyncset.done $0x0  }
0x1c4: {  	s12 =	rddreg [dreg:$0x17];
	[sflag:s0] =	ssyncadd.s32 $0xFFFFE980  }
0x1c5: {  	[spmem:s12] =	stream.linear.scatter [tilespmem:s31], [sflag:$0x7], $0x1680, $0x38;
	[tilespmem:$0x1BDF0] =	vst v63  }
0x1c6: {  	_ =	swait.ge [sflag:s0], $0x1680  }
0x1c7: {  	[sflag:s0] =	ssyncset.done $0x0  }
0x1c8: {  	[sflag:s0] =	ssyncadd.s32 $0xFFFFE980  }
0x1c9: {  	[bflag:$0x0] =	sbarrier.arrive $0xFFFF  }
0x1ca: {  	s23 =	rddreg [dreg:$0x3]  }
0x1cb: {  	[tilespmem:s3], [sflag:$0x7] =	stream.linear.gather [hbm4b:s23+s3], $0x28, $0x38;
	[tilespmem:$0x1BDF0] =	vst v63  }
0x1cc: {  	_ =	swait.ge [sflag:s0], $0x28  }
0x1cd: {  	[sflag:s0] =	ssyncset.done $0x0  }
0x1ce: {  	s24 =	rddreg [dreg:$0x4];
	[sflag:s0] =	ssyncadd.s32 $0xFFFFFFD8  }
0x1cf: {  	[tilespmem:s2], [sflag:$0x7] =	stream.linear.gather [hbm4b:s24+s3], $0x28, $0x38;
	[tilespmem:$0x1BDF0] =	vst v63  }
0x1d0: {  	_ =	swait.ge [sflag:s0], $0x28  }
0x1d1: {  	[sflag:s0] =	ssyncset.done $0x0  }
0x1d2: {  	[sflag:s0] =	ssyncadd.s32 $0xFFFFFFD8  }
0x1d3: {  	[tilespmem:s8], [sflag:$0x1] =	stream.indirect.gather [hbm4b:s4+s7], $0x40, s3, s7, $0xb8;
	[tilespmem:$0x1BDF0] =	vst v63  }
0x1d4: {  	_ = 	snop  }
0x1d5: {  	[tilespmem:s9], [sflag:$0x1] =	stream.indirect.gather [hbm4b:s4+s7], $0x40, s2, s7, $0xb8;
	[tilespmem:$0x1BDF0] =	vst v63  }
0x1d6: {  	s29 =	rddreg [dreg:$0x5]  }
0x1d7: {  	[tilespmem:s7], [sflag:$0x6] =	stream.linear.gather [hbm4b:s29+s3], $0x28, $0x38;
	[tilespmem:$0x1BDF0] =	vst v63  }
0x1d8: {  	s28 =	simm.s32 $0x0;
	s30 =	rddreg [dreg:$0x6]  }
0x1d9: {  	[tilespmem:s13], [sflag:$0x6] =	stream.linear.gather [hbm4b:s30+s3], $0x28, $0x38;
	[tilespmem:$0x1BDF0] =	vst v63  }
.LBB2_2:
0x1da: {  	_ =	swait.ge [sflag:s14], $0x28  }
0x1db: {  	[sflag:s14] =	ssyncset.done $0x0  }
0x1dc: {  	[sflag:s14] =	ssyncadd.s32 $0xFFFFFFD8  }
0x1dd: {  	_ =	swait.ge [sflag:s14], $0x28  }
0x1de: {  	[sflag:s14] =	ssyncset.done $0x0  }
0x1df: {  	[sflag:s14] =	ssyncadd.s32 $0xFFFFFFD8  }
0x1e0: {  	[tilespmem:s15], [sflag:$0x2] =	stream.indirect.gather [hbm4b:s4+s7], $0x40, s7, s7, $0xb8;
	[tilespmem:$0x1BDF0] =	vst v63  }
0x1e1: {  	_ = 	snop  }
0x1e2: {  	[tilespmem:s16], [sflag:$0x2] =	stream.indirect.gather [hbm4b:s4+s7], $0x40, s13, s7, $0xb8;
	[tilespmem:$0x1BDF0] =	vst v63  }
0x1e3: {  	_ =	swait.ge [sflag:s17], $0xA00  }
0x1e4: {  	[sflag:s17] =	ssyncset.done $0x0  }
0x1e5: {  	[sflag:s17] =	ssyncadd.s32 $0xFFFFF600  }
0x1e6: {  	_ =	swait.ge [sflag:s17], $0xA00  }
0x1e7: {  	p0 =	seq.s32 s28, $0x0;
	[sflag:s17] =	ssyncset.done $0x0  }
0x1e8: {  	s6 =	simm.s32 @!p0 $0x3;
	[sflag:s17] =	ssyncadd.s32 $0xFFFFF600  }
0x1e9: {  	_ =	swait.ge @!p0 [sflag:s6], $0x1680  }
0x1ea: {  	[sflag:s6] =	ssyncset.done @!p0 $0x0  }
0x1eb: {  	[sflag:s6] =	ssyncadd.s32 @!p0 $0xFFFFE980  }
0x1ec: {  	v9 =	vld [tilespmem:$0x50]  }
0x1ed: {  	s29 =	sshll.u32 s28, $0x1;
	v10 =	vld [tilespmem:$0x60]  }
0x1ee: {  	s12 =	smin.u32 s29, $0xF7;
	v11 =	vld [tilespmem:$0x68]  }
0x1ef: {  	s6 =	smul.u32 $0x28, s12;
	_ =	sdelay $0x1  }
0x1f0: {  	s6 =	sadd.s32 s6, s10;
	[tilespmem:$0xA0] =	vst v9  }
0x1f1: {  	s6 =	sshrl.u32 s6, $0x3;
	[tilespmem:$0xB0] =	vst v10  }
0x1f2: {  	s6 =	sadd.s32 s5, s6;
	[tilespmem:$0xB8] =	vst v11  }
0x1f3: {  	[tilespmem:s3], [sflag:$0x5] =	stream.linear.gather [hbm4b:s6+s3], $0x28, $0x38;
	[tilespmem:$0x1BDF0] =	vst v63  }
0x1f4: {  	s12 =	simm.s32 $0x130;
	s6 =	sadd.s32 $0x9C40, s6  }
0x1f5: {  	[tilespmem:s2], [sflag:$0x5] =	stream.linear.gather [hbm4b:s6+s3], $0x28, $0x38;
	[tilespmem:$0x1BDF0] =	vst v63  }
0x1f6: {  	s23 =	simm.s32 $0x1530;
	v9 =	vld [tilespmem:s12+$0x0]  }
0x1f7: {  	v10 =	vld [tilespmem:s23+$0x0]  }
0x1f8: {  	v11 =	vld [tilespmem:s12+$0x10]  }
0x1f9: {  	v12 =	vld [tilespmem:s23+$0x10]  }
0x1fa: {  	v13 =	vld [tilespmem:s12+$0x20]  }
0x1fb: {  	v16 =	vld [tilespmem:s12+$0x30]  }
0x1fc: {  	v14 =	vld [tilespmem:s23+$0x20];
	v34 =	vunpack.i.l.bf16.f32 v9;
	v15 =	vunpack.i.l.bf16.f32 v10  }
0x1fd: {  	v35 =	vunpack.i.u.bf16.f32 v9;
	v9 =	vunpack.i.u.bf16.f32 v10;
	v36 =	vunpack.i.l.bf16.f32 v11  }
0x1fe: {  	v10 =	vld [tilespmem:s23+$0x30];
	v17 =	vunpack.i.l.bf16.f32 v12;
	v37 =	vunpack.i.u.bf16.f32 v11;
	v15 =	vmul.f32 v15, v34  }
0x1ff: {  	v11 =	vunpack.i.u.bf16.f32 v12;
	v38 =	vunpack.i.l.bf16.f32 v13;
	v9 =	vmul.f32 v9, v35  }
0x200: {  	v39 =	vunpack.i.u.bf16.f32 v13;
	v13 =	vld [tilespmem:s23+$0xFFFFFFC0];
	v40 =	vunpack.i.l.bf16.f32 v16;
	(xrf2) =	vadd.scan.msk.f32 $0xffff, v15;
	v15 =	vmul.f32 v17, v36  }
0x201: {  	v23 =	vunpack.i.u.bf16.f32 v16;
	v16 =	vld [tilespmem:s12+$0xFFFFFFC0];
	(xrf2) =	vadd.scan.msk.f32 $0xffff, v9;
	v9 =	vmul.f32 v11, v37;
	v11 =	vunpack.i.l.bf16.f32 v14  }
0x202: {  	v12 =	vunpack.i.u.bf16.f32 v14;
	v17 =	vld [tilespmem:s23+$0xFFFFFFE0];
	(xrf2) =	vadd.scan.msk.f32 $0xffff, v15;
	v11 =	vmul.f32 v11, v38  }
0x203: {  	v14 =	vld [tilespmem:s12+$0xFFFFFFD0];
	(xrf2) =	vadd.scan.msk.f32 $0xffff, v9;
	v9 =	vmul.f32 v12, v39;
	v12 =	vunpack.i.l.bf16.f32 v10  }
0x204: {  	v15 =	vld [tilespmem:s12+$0xFFFFFFE0];
	v10 =	vunpack.i.u.bf16.f32 v10;
	(xrf2) =	vadd.scan.msk.f32 $0xffff, v11;
	v11 =	vmul.f32 v12, v40  }
0x205: {  	v12 =	vld [tilespmem:s23+$0xFFFFFFD0];
	(xrf2) =	vadd.scan.msk.f32 $0xffff, v9;
	v9 =	vmul.f32 v10, v23  }
0x206: {  	v18 =	vunpack.i.u.bf16.f32 v13;
	(xrf2) =	vadd.scan.msk.f32 $0xffff, v11  }
0x207: {  	v13 =	vunpack.i.l.bf16.f32 v13;
	v6 =	vunpack.i.l.bf16.f32 v16;
	v22 =	vunpack.i.u.bf16.f32 v16;
	(xrf2) =	vadd.scan.msk.f32 $0xffff, v9  }
0x208: {  	v13 =	vmul.f32 v13, v6;
	v18 =	vmul.f32 v18, v22  }
0x209: {  	v25 =	vunpack.i.l.bf16.f32 v17;
	v17 =	vunpack.i.u.bf16.f32 v17;
	v0 =	vunpack.i.u.bf16.f32 v14  }
0x20a: {  	v2 =	vunpack.i.l.bf16.f32 v14;
	v59 =	vunpack.i.u.bf16.f32 v15;
	v19 =	vunpack.i.l.bf16.f32 v12;
	v14, _, _ =	vpop (xrf2)  }
0x20b: {  	v17 =	vmul.f32 v17, v59;
	v11 =	vunpack.i.u.bf16.f32 v12;
	v19 =	vmul.f32 v19, v2;
	v20, _, _ =	vpop (xrf2)  }
0x20c: {  	v12 =	vunpack.i.l.bf16.f32 v15;
	v21 =	vmul.f32 v11, v0;
	v14 =	vbroadcast v14, $0xF;
	v24, _, _ =	vpop (xrf2)  }
0x20d: {  	v25 =	vmul.f32 v25, v12;
	v20 =	vbroadcast v20, $0xF;
	v16, _, _ =	vpop (xrf2)  }
0x20e: {  	v9 =	vld [tilespmem:$0x1FFE0];
	(xrf2) =	vadd.scan.msk.f32 $0xffff, v13;
	v24 =	vbroadcast v24, $0xF;
	v14 =	vmul.f32 v62, v14;
	v26, _, _ =	vpop (xrf2)  }
0x20f: {  	v11 =	vld [tilespmem:$0x1FFD0];
	(xrf2) =	vadd.scan.msk.f32 $0xffff, v18;
	v16 =	vbroadcast v16, $0xF;
	v20 =	vmul.f32 v63, v20;
	v27, _, _ =	vpop (xrf2)  }
0x210: {  	[tilespmem:$0x1FF40] =	vst v2;
	(xrf2) =	vadd.scan.msk.f32 $0xffff, v19;
	v18 =	vbroadcast v26, $0xF;
	v13, _, _ =	vpop (xrf2);
	v26 =	vbroadcast v27, $0xF  }
0x211: {  	[tilespmem:$0x1FF50] =	vst v0;
	(xrf2) =	vadd.scan.msk.f32 $0xffff, v21;
	v21 =	vmul.f32 v53, v24;
	v16 =	vmul.f32 v54, v16;
	v27, _, _ =	vpop (xrf2)  }
0x212: {  	v15 =	vld [tilespmem:s23+$0xFFFFFFF0];
	v19 =	vbroadcast v13, $0xF;
	v27 =	vbroadcast v27, $0xF  }
0x213: {  	v18 =	vmul.f32 v57, v18;
	(xrf2) =	vadd.scan.msk.f32 $0xffff, v25;
	v26 =	vmul.f32 v1, v26  }
0x214: {  	v24 =	vld [tilespmem:s12+$0xFFFFFFF0];
	v19 =	vmul.f32 v11, v19;
	v27 =	vmul.f32 v9, v27  }
0x215: {  	s30 =	simm.s32 $0x15B0;
	v14 =	vadd.f32 v14, v20;
	[tilespmem:$0x1FF60] =	vst v59;
	v16 =	vadd.f32 v21, v16;
	(xrf2) =	vadd.scan.msk.f32 $0xffff, v17  }
0x216: {  	v47 =	vld [tilespmem:s30+$0xFFFFFFF0];
	v18 =	vadd.f32 v18, v26;
	v19 =	vadd.f32 v19, v27  }
0x217: {  	s24 =	simm.s32 $0x1B0;
	v17 =	vunpack.i.l.bf16.f32 v15  }
0x218: {  	v15 =	vunpack.i.u.bf16.f32 v15;
	v14 =	vadd.f32 v16, v14;
	v20, _, _ =	vpop (xrf2);
	v27 =	vld [tilespmem:s24+$0xFFFFFFD0];
	v16 =	vadd.f32 v19, v18  }
0x219: {  	v21 =	vunpack.i.l.bf16.f32 v24;
	v24 =	vunpack.i.u.bf16.f32 v24;
	v18 =	vbroadcast v20, $0xF  }
0x21a: {  	v29 =	vld [tilespmem:s30+$0xFFFFFFD0];
	v17 =	vmul.f32 v17, v21;
	v15 =	vmul.f32 v15, v24;
	v19, _, _ =	vpop (xrf2);
	v14 =	vadd.f32 v16, v14  }
0x21b: {  	v59 =	vunpack.i.u.bf16.f32 v47;
	v16 =	vld [tilespmem:s24+$0x0];
	v18 =	vmul.f32 v62, v18;
	v19 =	vbroadcast v19, $0xF;
	v20, _, _ =	vpop (xrf2)  }
0x21c: {  	v26 =	vld [tilespmem:s30+$0x0];
	v47 =	vunpack.i.l.bf16.f32 v47;
	v20 =	vbroadcast v20, $0xF;
	v25, _, _ =	vpop (xrf2);
	v14 =	vmul.f32 $1.442695020e+00, v14  }
0x21d: {  	v42 =	vld [tilespmem:s30+$0x10];
	v60 =	vunpack.i.u.bf16.f32 v27;
	(xrf2) =	vadd.scan.msk.f32 $0xffff, v17;
	v17 =	vbroadcast v25, $0xF;
	v19 =	vmul.f32 v63, v19;
	v28, _, _ =	vpop (xrf2)  }
0x21e: {  	v61 =	vunpack.i.l.bf16.f32 v27;
	v25 =	vld [tilespmem:s30+$0xFFFFFFC0];
	(erf) = vpow2.f32 v14;
	v14 =	vbroadcast v28, $0xF  }
0x21f: {  	v27 =	vld [tilespmem:s24+$0xFFFFFFF0];
	v20 =	vmul.f32 v53, v20;
	v17 =	vmul.f32 v54, v17;
	v33 =	vadd.f32 v18, v19;
	v18, _, _ =	vpop (xrf2)  }
0x220: {  	v28 =	vld [tilespmem:s24+$0xFFFFFFE0];
	v19 =	vunpack.i.l.bf16.f32 v16;
	v32 =	vmul.f32 v57, v14;
	v45 =	vbroadcast v18, $0xF  }
0x221: {  	v18 =	vunpack.i.u.bf16.f32 v29;
	v41 =	vadd.f32 v20, v17;
	v17 =	vunpack.i.l.bf16.f32 v26  }
0x222: {  	v30 =	vld [tilespmem:s24+$0x10];
	(xrf2) =	vadd.scan.msk.f32 $0xffff, v15;
	v49 =	vmul.f32 v18, v60;
	v18 =	vunpack.i.l.bf16.f32 v42;
	v42 =	vunpack.i.u.bf16.f32 v42  }
0x223: {  	v20 =	vld [tilespmem:s30+$0xFFFFFFE0];
	v31 =	vunpack.i.u.bf16.f32 v25;
	v43 =	vunpack.i.l.bf16.f32 v25;
	v44 =	vmul.f32 v17, v19  }
0x224: {  	v25 =	vunpack.i.u.bf16.f32 v16;
	v17 =	vunpack.i.u.bf16.f32 v26;
	v26 =	vunpack.i.l.bf16.f32 v29  }
0x225: {  	v29 =	vld [tilespmem:s24+$0xFFFFFFC0];
	[tilespmem:$0x1FF70] =	vst v61;
	v16 =	vunpack.i.u.bf16.f32 v27;
	v45 =	vmul.f32 v1, v45;
	v3 =	vunpack.i.u.bf16.f32 v28  }
0x226: {  	v46 =	vmul.f32 v17, v25;
	v17 =	vunpack.i.l.bf16.f32 v28;
	v48 =	vmul.f32 v26, v61;
	v50 =	vld [tilespmem:s24+$0x20]  }
0x227: {  	v26 =	vunpack.i.l.bf16.f32 v30;
	v2 =	vld [tilespmem:s30+$0x20];
	v41 =	vadd.f32 v41, v33;
	v33 =	vmul.f32 v59, v16;
	v28, _, _ =	vpop (xrf2)  }
0x228: {  	v53 =	vunpack.i.u.bf16.f32 v20;
	v56 =	vunpack.i.l.bf16.f32 v20;
	v20 =	vunpack.i.l.bf16.f32 v27;
	v52 =	vpop (erf)  }
0x229: {  	v27 =	vunpack.i.u.bf16.f32 v30;
	v51 =	vbroadcast v28, $0xF;
	v28 =	vbroadcast v52, $0x7  }
0x22a: {  	v58 =	vld [tilespmem:s24+$0x30];
	v55 =	vmul.f32 v18, v26;
	v30 =	vunpack.i.l.bf16.f32 v29;
	v42 =	vmul.f32 v42, v27  }
0x22b: {  	v15 =	vmovc v60;
	v60 =	vld [tilespmem:s30+$0x30];
	v56 =	vmul.f32 v56, v17;
	v57 =	vmul.f32 v28, v23;
	v23 =	vunpack.i.u.bf16.f32 v29  }
0x22c: {  	v28 =	vunpack.i.l.bf16.f32 v50;
	v29 =	vunpack.i.l.bf16.f32 v2;
	v61 =	vmul.f32 v31, v23;
	v31, _, _ =	vpop (xrf2)  }
0x22d: {  	(xrf2) =	vadd.scan.msk.f32 $0xffff, v44;
	v44 =	vmul.f32 v29, v28;
	v29 =	vunpack.i.u.bf16.f32 v50;
	v50 =	vbroadcast v31, $0xF  }
0x22e: {  	v45 =	vadd.f32 v32, v45;
	(xrf2) =	vadd.scan.msk.f32 $0xffff, v46;
	v47 =	vmul.f32 v47, v20;
	v43 =	vmul.f32 v43, v30  }
0x22f: {  	(xrf2) =	vadd.scan.msk.f32 $0xffff, v55;
	v0 =	vunpack.i.u.bf16.f32 v2;
	v51 =	vmul.f32 v11, v51;
	v50 =	vmul.f32 v9, v50  }
0x230: {  	v32 =	vunpack.i.u.bf16.f32 v58;
	v46 =	vbroadcast v52, $0x1;
	v2 =	vunpack.i.l.bf16.f32 v60  }
0x231: {  	(xrf2) =	vadd.scan.msk.f32 $0xffff, v42;
	v31 =	vunpack.i.l.bf16.f32 v58;
	v0 =	vmul.f32 v0, v29;
	v54 =	vadd.f32 v51, v50  }
0x232: {  	v55 =	vunpack.i.u.bf16.f32 v60;
	v42 =	vbroadcast v52, $0x2;
	v2 =	vmul.f32 v2, v31;
	(xrf2) =	vadd.scan.msk.f32 $0xffff, v44  }
0x233: {  	v35 =	vmul.f32 v46, v35;
	v58 =	vmul.f32 v55, v32;
	(xrf2) =	vadd.scan.msk.f32 $0xffff, v0;
	v44 =	vadd.f32 v54, v45  }
0x234: {  	v36 =	vmul.f32 v42, v36;
	(xrf2) =	vadd.scan.msk.f32 $0xffff, v2;
	v2 =	vbroadcast v52, $0x6  }
0x235: {  	v51 =	vmul.f32 v53, v3;
	(xrf2) =	vadd.scan.msk.f32 $0xffff, v58;
	v45 =	vbroadcast v52, $0x0;
	v41 =	vadd.f32 v44, v41  }
0x236: {  	v50 =	vbroadcast v52, $0x3;
	v53 =	vbroadcast v52, $0x5  }
0x237: {  	v0, _, _ =	vpop (xrf2);
	v40 =	vmul.f32 v2, v40;
	v41 =	vmul.f32 $1.442695020e+00, v41  }
0x238: {  	v60 =	vmov v3;
	v3, _, _ =	vpop (xrf2);
	(xrf2) =	vadd.scan.msk.f32 $0xffff, v43;
	v0 =	vbroadcast v0, $0xF;
	v39 =	vmul.f32 v53, v39  }
0x239: {  	v53 =	vld [tilespmem:$0x1FFA0];
	v2 =	vbroadcast v3, $0xF;
	v34 =	vmul.f32 v45, v34;
	v45, _, _ =	vpop (xrf2);
	(xrf2) =	vadd.scan.msk.f32 $0xffff, v61  }
0x23a: {  	s6 =	simm.s32 $0x2980;
	v37 =	vmul.f32 v50, v37;
	v54 =	vld [tilespmem:$0x1FFB0];
	v44 =	vbroadcast v52, $0x4  }
0x23b: {  	[tilespmem:s6+$0x70] =	vst v57;
	v46 =	vmul.f32 v63, v2;
	(erf) = vpow2.f32 v41;
	v41, _, _ =	vpop (xrf2)  }
0x23c: {  	v57 =	vld [tilespmem:$0x1FFC0];
	v38 =	vmul.f32 v44, v38;
	v44 =	vmul.f32 v62, v0;
	(xrf2) =	vadd.scan.msk.f32 $0xffff, v48;
	v59, _, _ =	vpop (xrf2)  }
0x23d: {  	v45 =	vbroadcast v45, $0xF;
	v41 =	vbroadcast v41, $0xF;
	v61, _, _ =	vpop (xrf2)  }
0x23e: {  	[tilespmem:s6+$0x80] =	vst v52;
	v42 =	vbroadcast v59, $0xF;
	v3, _, _ =	vpop (xrf2);
	v43 =	vbroadcast v61, $0xF  }
0x23f: {  	[tilespmem:s6+$0x10] =	vst v35;
	v61 =	vmul.f32 v53, v45;
	v41 =	vmul.f32 v54, v41;
	v55, _, _ =	vpop (xrf2)  }
0x240: {  	[tilespmem:s6+$0x20] =	vst v36;
	v50 =	vbroadcast v3, $0xF;
	v48 =	vbroadcast v55, $0xF  }
0x241: {  	[tilespmem:s6+$0x60] =	vst v40;
	v0 =	vmul.f32 v57, v42;
	v2 =	vmul.f32 v1, v43  }
0x242: {  	[tilespmem:s6+$0x30] =	vst v37;
	(xrf2) =	vadd.scan.msk.f32 $0xffff, v49;
	v3, _, _ =	vpop (xrf2);
	v49 =	vmul.f32 v11, v50;
	v50 =	vmul.f32 v9, v48  }
0x243: {  	[tilespmem:s6+$0x0] =	vst v34;
	v44 =	vadd.f32 v44, v46;
	v34 =	vadd.f32 v61, v41;
	v52 =	vbroadcast v3, $0xF;
	v55, _, _ =	vpop (xrf2)  }
0x244: {  	[tilespmem:s6+$0x50] =	vst v39;
	v36 =	vpop (erf);
	v58 =	vbroadcast v55, $0xF;
	v35 =	vadd.f32 v0, v2;
	v59 =	vadd.f32 v49, v50  }
0x245: {  	[tilespmem:s6+$0x40] =	vst v38;
	v37 =	vmul.f32 v62, v52;
	v41 =	vbroadcast v36, $0x0  }
0x246: {  	(xrf2) =	vadd.scan.msk.f32 $0xffff, v56;
	v62 =	vadd.f32 v34, v44;
	v61 =	vmul.f32 v63, v58;
	v63, _, _ =	vpop (xrf2);
	v35 =	vadd.f32 v59, v35  }
0x247: {  	(xrf2) =	vadd.scan.msk.f32 $0xffff, v51;
	[tilespmem:s6+$0xFFFFFFF0] =	vst v36;
	v34 =	vbroadcast v36, $0x1;
	v38 =	vbroadcast v63, $0xF  }
0x248: {  	s23 =	simm.s32 $0x2980;
	s12 =	simm.s32 $0x230;
	s24 =	simm.s32 $0x2;
	(xrf2) =	vadd.scan.msk.f32 $0xffff, v47;
	v40 =	vadd.f32 v37, v61;
	v39 =	vadd.f32 v35, v62;
	v35 =	vbroadcast v36, $0x2  }
.LBB2_3:
0x249: {  	_ =	sdelay $0x2  }
0x24a: {  	s30 =	sadd.s32 $0x80, s30;
	v44 =	vbroadcast v36, $0x4;
	v48 =	vld [tilespmem:s12+$0xFFFFFFD0]  }
0x24b: {  	v43 =	vmul.f32 v53, v38;
	v46 =	vld [tilespmem:s30+$0x0];
	v45 =	vmul.f32 $1.442695020e+00, v39  }
0x24c: {  	v38 =	vbroadcast v36, $0x3;
	v47 =	vld [tilespmem:s30+$0xFFFFFFC0];
	v39 =	vbroadcast v36, $0x5  }
0x24d: {  	v37 =	vld [tilespmem:s12+$0x0];
	v41 =	vmul.f32 v41, v6;
	(erf) = vpow2.f32 v45;
	v42, _, _ =	vpop (xrf2)  }
0x24e: {  	v14 =	vmov v30;
	v12 =	vmul.f32 v44, v12;
	v0 =	vbroadcast v42, $0xF;
	v51, _, _ =	vpop (xrf2);
	(xrf2) =	vadd.scan.msk.f32 $0xffff, v33;
	v33 =	vld [tilespmem:s30+$0xFFFFFFD0]  }
0x24f: {  	v18 =	vmovc v17;
	v17 =	vmovc v60;
	v45 =	vbroadcast v36, $0x7;
	v59 =	vunpack.i.u.bf16.f32 v48;
	v50 =	vbroadcast v51, $0xF;
	v51 =	vld [tilespmem:s12+$0xFFFFFFE0]  }
0x250: {  	v60 =	vunpack.i.l.bf16.f32 v48;
	v30 =	vunpack.i.l.bf16.f32 v46;
	v52, _, _ =	vpop (xrf2);
	[tilespmem:s6+$0xFFFFFF70] =	vst v41;
	v49 =	vmul.f32 v54, v0;
	v54 =	vld [tilespmem:s12+$0x10]  }
0x251: {  	v58 =	vunpack.i.l.bf16.f32 v47;
	v42 =	vbroadcast v36, $0x6;
	v48 =	vld [tilespmem:s30+$0xFFFFFFE0];
	v61 =	vbroadcast v52, $0xF  }
0x252: {  	v62 =	vld [tilespmem:s12+$0xFFFFFFF0];
	v56 =	vmul.f32 v57, v50;
	v57 =	vunpack.i.u.bf16.f32 v47;
	v50 =	vunpack.i.u.bf16.f32 v46  }
0x253: {  	v47 =	vld [tilespmem:s30+$0x10];
	v55 =	vadd.f32 v43, v49;
	v43 =	vunpack.i.l.bf16.f32 v37;
	v49 =	vunpack.i.u.bf16.f32 v37  }
0x254: {  	v53 =	vmul.f32 v30, v43;
	v3 =	vunpack.i.u.bf16.f32 v33;
	v33 =	vunpack.i.l.bf16.f32 v33  }
0x255: {  	v30, _, _ =	vpop (xrf2);
	v37 =	vmul.f32 v50, v49;
	v41 =	vmul.f32 v33, v60  }
0x256: {  	v63 =	vld [tilespmem:s12+$0xFFFFFFC0];
	v2 =	vpop (erf);
	v52 =	vunpack.i.l.bf16.f32 v51;
	v36 =	vmul.f32 v3, v59;
	v1 =	vbroadcast v30, $0xF  }
0x257: {  	v46 =	vld [tilespmem:s30+$0xFFFFFFF0];
	v33 =	vbroadcast v2, $0x7;
	(xrf2) =	vadd.scan.msk.f32 $0xffff, v53;
	v53 =	vunpack.i.u.bf16.f32 v51;
	v50 =	vunpack.i.l.bf16.f32 v54  }
0x258: {  	v5 =	vunpack.i.l.bf16.f32 v48;
	v6 =	vunpack.i.u.bf16.f32 v62;
	v51 =	vunpack.i.l.bf16.f32 v47  }
0x259: {  	v0 =	vld [tilespmem:s12+$0x20];
	(xrf2) =	vadd.scan.msk.f32 $0xffff, v37;
	v37 =	vunpack.i.u.bf16.f32 v48;
	v48 =	vunpack.i.u.bf16.f32 v54;
	v32 =	vmul.f32 v33, v32  }
0x25a: {  	v3 =	vld [tilespmem:s30+$0x20];
	v30 =	vmul.f32 v51, v50;
	v51 =	vunpack.i.l.bf16.f32 v62;
	v62 =	vunpack.i.u.bf16.f32 v47  }
0x25b: {  	s6 =	sadd.s32 $0x120, s6;
	v21 =	vmul.f32 v42, v21;
	v55 =	vadd.f32 v55, v40;
	v33 =	vmul.f32 v62, v48  }
0x25c: {  	v13 =	vld [tilespmem:$0x1FFF0];
	v47 =	vunpack.i.u.bf16.f32 v63;
	v4, _, _ =	vpop (xrf2);
	v62 =	vunpack.i.u.bf16.f32 v46;
	[tilespmem:s6+$0x70] =	vst v32;
	(xrf2) =	vadd.scan.msk.f32 $0xffff, v30  }
0x25d: {  	v30 =	vunpack.i.l.bf16.f32 v63;
	v63 =	vunpack.i.l.bf16.f32 v46;
	v46 =	vmul.f32 v5, v52;
	v5 =	vld [tilespmem:s30+$0x30];
	(xrf2) =	vadd.scan.msk.f32 $0xffff, v33  }
0x25e: {  	v54 =	vunpack.i.l.bf16.f32 v0;
	v0 =	vunpack.i.u.bf16.f32 v0;
	v1 =	vmul.f32 v11, v1;
	v7 =	vld [tilespmem:s12+$0x30]  }
0x25f: {  	v11 =	vbroadcast v2, $0x5;
	v40 =	vmul.f32 v37, v53;
	v32 =	vunpack.i.l.bf16.f32 v3  }
0x260: {  	v57 =	vmul.f32 v57, v47;
	v3 =	vunpack.i.u.bf16.f32 v3;
	v32 =	vmul.f32 v32, v54  }
0x261: {  	v4 =	vbroadcast v4, $0xF;
	v3 =	vmul.f32 v3, v0  }
0x262: {  	v33 =	vmul.f32 v62, v6;
	v10 =	vunpack.i.l.bf16.f32 v5;
	v8, _, _ =	vpop (xrf2);
	(xrf2) =	vadd.scan.msk.f32 $0xffff, v32;
	v32 =	vmul.f32 v13, v61  }
0x263: {  	v5 =	vunpack.i.u.bf16.f32 v5;
	v61 =	vunpack.i.l.bf16.f32 v7;
	v62, _, _ =	vpop (xrf2);
	(xrf2) =	vadd.scan.msk.f32 $0xffff, v3;
	v3 =	vmul.f32 v9, v4  }
0x264: {  	v4 =	vmul.f32 v10, v61;
	v56 =	vadd.f32 v56, v32;
	v32 =	vunpack.i.u.bf16.f32 v7  }
0x265: {  	v11 =	vmul.f32 v11, v29;
	v5 =	vmul.f32 v5, v32  }
0x266: {  	v58 =	vmul.f32 v58, v30;
	v37 =	vmul.f32 v63, v51;
	v63, _, _ =	vpop (xrf2);
	(xrf2) =	vadd.scan.msk.f32 $0xffff, v4  }
0x267: {  	v9 =	vbroadcast v2, $0x0;
	v7, _, _ =	vpop (xrf2);
	(xrf2) =	vadd.scan.msk.f32 $0xffff, v5;
	v5 =	vmul.f32 v34, v22;
	v22 =	vld [tilespmem:$0x1FF40]  }
0x268: {  	[tilespmem:s23+$0xFFFFFFB0] =	vst v12;
	v10 =	vbroadcast v2, $0x2;
	v8 =	vbroadcast v8, $0xF;
	v1 =	vadd.f32 v1, v3  }
0x269: {  	[tilespmem:s23+$0xFFFFFFD0] =	vst v21;
	v29 =	vbroadcast v62, $0xF;
	v3 =	vbroadcast v2, $0x1  }
0x26a: {  	v9 =	vmul.f32 v9, v19;
	v10 =	vmul.f32 v10, v26;
	v1 =	vadd.f32 v1, v56;
	[tilespmem:s23+$0xFFFFFF80] =	vst v5;
	v5 =	vld [tilespmem:$0x1FF60]  }
0x26b: {  	v44 =	vmovc v60;
	v60 =	vmov v53;
	v53 =	vld [tilespmem:$0x1FFA0];
	[tilespmem:s6+$0x80] =	vst v2;
	v4 =	vbroadcast v2, $0x3;
	v56 =	vbroadcast v2, $0x4  }
0x26c: {  	[tilespmem:s6+$0x50] =	vst v11;
	v3 =	vmul.f32 v3, v25;
	v1 =	vadd.f32 v1, v55;
	v55 =	vld [tilespmem:$0x1FF50];
	v22 =	vmul.f32 v35, v22  }
0x26d: {  	v11 =	vld [tilespmem:$0x1FFD0];
	v25 =	vmov v49;
	[tilespmem:s6+$0x0] =	vst v9;
	v49 =	vmul.f32 v4, v27;
	v34, _, _ =	vpop (xrf2);
	(xrf2) =	vadd.scan.msk.f32 $0xffff, v58  }
0x26e: {  	v1 =	vmul.f32 $1.442695020e+00, v1;
	[tilespmem:s23+$0xFFFFFF90] =	vst v22;
	v22 =	vmul.f32 v45, v24;
	v45, _, _ =	vpop (xrf2);
	(xrf2) =	vadd.scan.msk.f32 $0xffff, v57;
	v57 =	vld [tilespmem:$0x1FFC0]  }
0x26f: {  	v62 =	vld [tilespmem:$0x1FF80];
	[tilespmem:s6+$0x20] =	vst v10;
	v4 =	vmul.f32 v56, v28;
	v5 =	vmul.f32 v39, v5;
	v24 =	vmov v17  }
0x270: {  	v2 =	vbroadcast v2, $0x6;
	[tilespmem:s6+$0x10] =	vst v3;
	v28 =	vmov v54;
	v54 =	vld [tilespmem:$0x1FFB0];
	(erf) = vpow2.f32 v1  }
0x271: {  	[tilespmem:s6+$0x40] =	vst v4;
	v9 =	vbroadcast v34, $0xF;
	v35 =	vmul.f32 v38, v55;
	v55 =	vmovc v15;
	v15 =	vmov v59;
	v59 =	vld [tilespmem:$0x1FF70]  }
0x272: {  	v7 =	vbroadcast v7, $0xF;
	[tilespmem:$0x1FF60] =	vst v24;
	v24 =	vmovc v16;
	v16 =	vmov v6;
	v6 =	vbroadcast v63, $0xF;
	v63 =	vld [tilespmem:$0x1FF90]  }
0x273: {  	v2 =	vmul.f32 v2, v31;
	[tilespmem:s23+$0xFFFFFFC0] =	vst v5;
	v5, _, _ =	vpop (xrf2);
	(xrf2) =	vadd.scan.msk.f32 $0xffff, v41;
	v4 =	vmul.f32 v57, v9;
	v9 =	vld [tilespmem:$0x1FFE0]  }
0x274: {  	v12 =	vmovc v18;
	v21 =	vmovc v20;
	v26 =	vmov v50;
	v8 =	vmul.f32 v62, v8;
	[tilespmem:s6+$0x30] =	vst v49;
	v50 =	vbroadcast v45, $0xF  }
0x275: {  	v20 =	vmov v51;
	v18 =	vmul.f32 v54, v7;
	[tilespmem:s23+$0xFFFFFFE0] =	vst v22;
	v22, _, _ =	vpop (xrf2);
	v51 =	vbroadcast v5, $0xF  }
0x276: {  	v19 =	vmovc v43;
	v27 =	vmov v48;
	[tilespmem:s6+$0x60] =	vst v2;
	v7 =	vmul.f32 v13, v50;
	v5 =	vbroadcast v22, $0xF  }
0x277: {  	v31 =	vmovc v61;
	[tilespmem:$0x1FF70] =	vst v44;
	v38 =	vmov v59;
	v58 =	vmul.f32 v53, v6;
	v3 =	vmul.f32 v11, v51  }
0x278: {  	s24 =	sadd.s32 $0x2, s24;
	[tilespmem:$0x1FF50] =	vst v55;
	v7 =	vadd.f32 v4, v7;
	v10 =	vmul.f32 v63, v29;
	v6, _, _ =	vpop (xrf2);
	v5 =	vmul.f32 v9, v5  }
0x279: {  	p1 =	slt.u32 s24, $0x26;
	[tilespmem:s23+$0xFFFFFFA0] =	vst v35;
	v29 =	vmov v0;
	v0 =	vadd.f32 v58, v18;
	v59 =	vbroadcast v6, $0xF;
	v61, _, _ =	vpop (xrf2)  }
.Ltmp0:
0x27a: {  	(xrf2) =	vadd.scan.msk.f32 $0xffff, v36;
	v36 =	vpop (erf);
	v8 =	vadd.f32 v8, v10;
	v1 =	vbroadcast v61, $0xF;
	v3 =	vadd.f32 v3, v5;
	(pc) =	sbr.rel @p1 .LBB2_3-.Ltmp0, $4  }
0x27b: {  	v17 =	vmovc v52;
	[tilespmem:$0x1FF40] =	vst v38;
	v22 =	vmovc v23;
	v23 =	vmov v47;
	v41 =	vbroadcast v36, $0x0;
	v2 =	vmul.f32 v62, v59  }
0x27c: {  	(xrf2) =	vadd.scan.msk.f32 $0xffff, v46;
	v0 =	vadd.f32 v0, v8;
	v1 =	vmul.f32 v63, v1;
	v3 =	vadd.f32 v3, v7  }
0x27d: {  	[tilespmem:s6+$0xFFFFFFF0] =	vst v36;
	v34 =	vbroadcast v36, $0x1;
	v35 =	vbroadcast v36, $0x2;
	(xrf2) =	vadd.scan.msk.f32 $0xffff, v40;
	v4, _, _ =	vpop (xrf2)  }
0x27e: {  	s12 =	sadd.s32 $0x80, s12;
	s23 =	smov.u32 s6;
	v6 =	vmovc v14;
	(xrf2) =	vadd.scan.msk.f32 $0xffff, v37;
	v38 =	vbroadcast v4, $0xF;
	v40 =	vadd.f32 v2, v1;
	v39 =	vadd.f32 v3, v0  }
0x27f: {  	_ = 	snop  }
0x280: {  	(xrf2) =	vadd.scan.msk.f32 $0xffff, v33;
	v0 =	vmul.f32 $1.442695020e+00, v39;
	_ =	sdelay $0x1  }
0x281: {  	(erf) = vpow2.f32 v0;
	_ =	sdelay $0x3  }
0x282: {  	v1, _, _ =	vpop (xrf2)  }
0x283: {  	v37, _, _ =	vpop (xrf2)  }
0x284: {  	v10 =	vld [tilespmem:$0x1FFF0];
	v44 =	vmul.f32 v41, v6;
	v33 =	vbroadcast v1, $0xF;
	v2, _, _ =	vpop (xrf2)  }
0x285: {  	v3 =	vmul.f32 v53, v38;
	v1 =	vbroadcast v37, $0xF;
	v4, _, _ =	vpop (xrf2)  }
0x286: {  	v0 =	vmul.f32 v54, v33;
	v2 =	vbroadcast v2, $0xF;
	v5, _, _ =	vpop (xrf2)  }
0x287: {  	v4 =	vbroadcast v4, $0xF;
	v1 =	vmul.f32 v57, v1;
	v39 =	vpop (erf)  }
0x288: {  	v5 =	vbroadcast v5, $0xF;
	v43 =	vbroadcast v39, $0x7  }
0x289: {  	v2 =	vmul.f32 v10, v2;
	v4 =	vmul.f32 v11, v4  }
0x28a: {  	s12 =	sadd.s32 $0x120, s6;
	[tilespmem:s6+$0xFFFFFF70] =	vst v44;
	v5 =	vmul.f32 v9, v5;
	v45 =	vmul.f32 v43, v32  }
0x28b: {  	v0 =	vadd.f32 v3, v0;
	[tilespmem:s12+$0x80] =	vst v39  }
0x28c: {  	v1 =	vadd.f32 v1, v2;
	v42 =	vadd.f32 v4, v5;
	[tilespmem:s12+$0x70] =	vst v45  }
0x28d: {  	v5 =	vld [tilespmem:$0x1FF40]  }
0x28e: {  	v0 =	vadd.f32 v0, v40;
	v1 =	vadd.f32 v42, v1;
	v8 =	vld [tilespmem:$0x1FF50];
	_ =	sdelay $0x1  }
0x28f: {  	v46 =	vbroadcast v36, $0x3;
	v47 =	vbroadcast v36, $0x4;
	v0 =	vadd.f32 v1, v0  }
0x290: {  	v49 =	vmul.f32 v34, v22;
	v7 =	vbroadcast v36, $0x6  }
0x291: {  	v0 =	vmul.f32 $1.442695020e+00, v0;
	v5 =	vmul.f32 v35, v5  }
0x292: {  	v51 =	vbroadcast v36, $0x7;
	[tilespmem:s23+$0xFFFFFF80] =	vst v49;
	v4 =	vmul.f32 v46, v8  }
0x293: {  	v50 =	vmul.f32 v47, v12;
	(erf) = vpow2.f32 v0;
	[tilespmem:s23+$0xFFFFFF90] =	vst v5  }
0x294: {  	v55 =	vmul.f32 v7, v21;
	v56 =	vbroadcast v39, $0x1;
	v5 =	vld [tilespmem:$0x1FF60];
	[tilespmem:s23+$0xFFFFFFA0] =	vst v4  }
0x295: {  	v32 =	vbroadcast v39, $0x5;
	v0 =	vmul.f32 v51, v24;
	[tilespmem:s23+$0xFFFFFFB0] =	vst v50  }
0x296: {  	v52 =	vbroadcast v39, $0x0;
	v2 =	vmul.f32 v56, v25;
	[tilespmem:s23+$0xFFFFFFD0] =	vst v55  }
0x297: {  	v61 =	vbroadcast v39, $0x4;
	v34 =	vmul.f32 v32, v29;
	[tilespmem:s23+$0xFFFFFFE0] =	vst v0  }
0x298: {  	v33 =	vbroadcast v39, $0x6;
	v4 =	vmul.f32 v52, v19;
	[tilespmem:s12+$0x10] =	vst v2  }
0x299: {  	v48 =	vbroadcast v36, $0x5;
	v0 =	vmul.f32 v61, v28;
	[tilespmem:s12+$0x50] =	vst v34  }
0x29a: {  	v59 =	vbroadcast v39, $0x3;
	v2 =	vmul.f32 v33, v31;
	[tilespmem:s12+$0x0] =	vst v4  }
0x29b: {  	[tilespmem:s12+$0x40] =	vst v0;
	v1 =	vmul.f32 v48, v5  }
0x29c: {  	v58 =	vbroadcast v39, $0x2;
	[tilespmem:s12+$0x60] =	vst v2;
	v5 =	vmul.f32 v59, v27;
	v35 =	vpop (erf)  }
0x29d: {  	[tilespmem:s23+$0xFFFFFFC0] =	vst v1;
	v36 =	vbroadcast v35, $0x0  }
0x29e: {  	v1 =	vmul.f32 v58, v26;
	[tilespmem:s12+$0x30] =	vst v5  }
0x29f: {  	[tilespmem:s12+$0xFFFFFFF0] =	vst v35;
	v0 =	vmul.f32 v36, v30  }
0x2a0: {  	[tilespmem:s12+$0x20] =	vst v1  }
0x2a1: {  	v37 =	vbroadcast v35, $0x1;
	[tilespmem:s12+$0xFFFFFF70] =	vst v0  }
0x2a2: {  	v39 =	vbroadcast v35, $0x3;
	v0 =	vld [tilespmem:$0x1FF70]  }
0x2a3: {  	v40 =	vbroadcast v35, $0x4;
	v1 =	vmul.f32 v37, v23  }
0x2a4: {  	v41 =	vbroadcast v35, $0x5;
	v4 =	vmul.f32 v39, v15  }
0x2a5: {  	v38 =	vbroadcast v35, $0x2;
	v5 =	vmul.f32 v40, v17;
	[tilespmem:s12+$0xFFFFFF80] =	vst v1  }
0x2a6: {  	v42 =	vbroadcast v35, $0x6;
	v2 =	vmul.f32 v41, v60;
	[tilespmem:s12+$0xFFFFFFA0] =	vst v4  }
0x2a7: {  	v43 =	vbroadcast v35, $0x7;
	[tilespmem:s12+$0xFFFFFFB0] =	vst v5;
	v0 =	vmul.f32 v38, v0  }
0x2a8: {  	v1 =	vmul.f32 v42, v20;
	[tilespmem:s12+$0xFFFFFFC0] =	vst v2  }
0x2a9: {  	[tilespmem:s12+$0xFFFFFF90] =	vst v0;
	v0 =	vmul.f32 v43, v16  }
0x2aa: {  	[tilespmem:s12+$0xFFFFFFD0] =	vst v1  }
0x2ab: {  	[tilespmem:s12+$0xFFFFFFE0] =	vst v0  }
0x2ac: {  	[spmem:s1] =	stream.indirect.scatter.add.f32 [tilespmem:s31], [sflag:$0x3], $0x90, s18, s7, $0xb8;
	[tilespmem:$0x1BDF0] =	vst v63  }
0x2ad: {  	_ =	swait.ge [sflag:s19], $0x28  }
0x2ae: {  	[sflag:s19] =	ssyncset.done $0x0  }
0x2af: {  	[sflag:s19] =	ssyncadd.s32 $0xFFFFFFD8  }
0x2b0: {  	_ =	swait.ge [sflag:s19], $0x28  }
0x2b1: {  	[sflag:s19] =	ssyncset.done $0x0  }
0x2b2: {  	[sflag:s19] =	ssyncadd.s32 $0xFFFFFFD8  }
0x2b3: {  	[tilespmem:s8], [sflag:$0x1] =	stream.indirect.gather [hbm4b:s4+s7], $0x40, s3, s7, $0xb8;
	[tilespmem:$0x1BDF0] =	vst v63  }
0x2b4: {  	_ = 	snop  }
0x2b5: {  	[tilespmem:s9], [sflag:$0x1] =	stream.indirect.gather [hbm4b:s4+s7], $0x40, s2, s7, $0xb8;
	[tilespmem:$0x1BDF0] =	vst v63  }
0x2b6: {  	_ =	swait.ge [sflag:s20], $0xA00  }
0x2b7: {  	[sflag:s20] =	ssyncset.done $0x0  }
0x2b8: {  	[sflag:s20] =	ssyncadd.s32 $0xFFFFF600  }
0x2b9: {  	_ =	swait.ge [sflag:s20], $0xA00  }
0x2ba: {  	[sflag:s20] =	ssyncset.done $0x0  }
0x2bb: {  	s6 =	simm.s32 @!p0 $0x4;
	[sflag:s20] =	ssyncadd.s32 $0xFFFFF600  }
0x2bc: {  	_ =	swait.ge @!p0 [sflag:s6], $0x1680  }
0x2bd: {  	[sflag:s6] =	ssyncset.done @!p0 $0x0  }
0x2be: {  	[sflag:s6] =	ssyncadd.s32 @!p0 $0xFFFFE980  }
0x2bf: {  	v44 =	vld [tilespmem:$0x78]  }
0x2c0: {  	v45 =	vld [tilespmem:$0x88]  }
0x2c1: {  	s23 =	smin.u32 s29, $0xF6;
	v46 =	vld [tilespmem:$0x90]  }
0x2c2: {  	s6 =	smul.u32 $0x28, s23;
	_ =	sdelay $0x1  }
0x2c3: {  	s6 =	sadd.s32 s6, s11;
	[tilespmem:$0xC8] =	vst v44  }
0x2c4: {  	s6 =	sshrl.u32 s6, $0x3;
	[tilespmem:$0xD8] =	vst v45  }
0x2c5: {  	s6 =	sadd.s32 s5, s6;
	[tilespmem:$0xE0] =	vst v46  }
0x2c6: {  	[tilespmem:s7], [sflag:$0x6] =	stream.linear.gather [hbm4b:s6+s3], $0x28, $0x38;
	[tilespmem:$0x1BDF0] =	vst v63  }
0x2c7: {  	s12 =	simm.s32 $0xB30;
	s6 =	sadd.s32 $0x9C40, s6  }
0x2c8: {  	[tilespmem:s13], [sflag:$0x6] =	stream.linear.gather [hbm4b:s6+s3], $0x28, $0x38;
	[tilespmem:$0x1BDF0] =	vst v63  }
0x2c9: {  	s24 =	simm.s32 $0x1F30;
	v0 =	vld [tilespmem:s12+$0x0]  }
0x2ca: {  	v1 =	vld [tilespmem:s24+$0x0]  }
0x2cb: {  	v2 =	vld [tilespmem:s12+$0x10]  }
0x2cc: {  	v47 =	vld [tilespmem:s24+$0x10]  }
0x2cd: {  	v48 =	vld [tilespmem:s12+$0x20]  }
0x2ce: {  	v49 =	vld [tilespmem:s24+$0x20]  }
0x2cf: {  	v51 =	vld [tilespmem:s12+$0x30];
	v34 =	vunpack.i.l.bf16.f32 v0;
	v50 =	vunpack.i.l.bf16.f32 v1  }
0x2d0: {  	v55 =	vld [tilespmem:s24+$0x30];
	v35 =	vunpack.i.u.bf16.f32 v0;
	v52 =	vunpack.i.u.bf16.f32 v1;
	v6 =	vmul.f32 v50, v34  }
0x2d1: {  	v36 =	vunpack.i.l.bf16.f32 v2;
	v8 =	vunpack.i.l.bf16.f32 v47;
	v0 =	vmul.f32 v52, v35  }
0x2d2: {  	v37 =	vunpack.i.u.bf16.f32 v2;
	v58 =	vunpack.i.u.bf16.f32 v47;
	v56 =	vmul.f32 v8, v36;
	(xrf2) =	vadd.scan.msk.f32 $0xffff, v6  }
0x2d3: {  	v32 =	vld [tilespmem:s24+$0xFFFFFFC0];
	v38 =	vunpack.i.l.bf16.f32 v48;
	v60 =	vunpack.i.l.bf16.f32 v49;
	v59 =	vmul.f32 v58, v37;
	(xrf2) =	vadd.scan.msk.f32 $0xffff, v0  }
0x2d4: {  	v42 =	vld [tilespmem:s12+$0xFFFFFFD0];
	v39 =	vunpack.i.u.bf16.f32 v48;
	v61 =	vunpack.i.u.bf16.f32 v49;
	v2 =	vmul.f32 v60, v38;
	(xrf2) =	vadd.scan.msk.f32 $0xffff, v56  }
0x2d5: {  	v44 =	vld [tilespmem:s24+$0xFFFFFFD0];
	v40 =	vunpack.i.l.bf16.f32 v51;
	v41 =	vunpack.i.l.bf16.f32 v55;
	v33 =	vmul.f32 v61, v39;
	(xrf2) =	vadd.scan.msk.f32 $0xffff, v59  }
0x2d6: {  	v46 =	vld [tilespmem:s12+$0xFFFFFFE0];
	v23 =	vunpack.i.u.bf16.f32 v51;
	v1 =	vunpack.i.u.bf16.f32 v55;
	v43 =	vmul.f32 v41, v40;
	(xrf2) =	vadd.scan.msk.f32 $0xffff, v2  }
0x2d7: {  	v47 =	vld [tilespmem:s12+$0xFFFFFFC0];
	v45 =	vmul.f32 v1, v23;
	(xrf2) =	vadd.scan.msk.f32 $0xffff, v33  }
0x2d8: {  	(xrf2) =	vadd.scan.msk.f32 $0xffff, v43  }
0x2d9: {  	v48 =	vld [tilespmem:s24+$0xFFFFFFE0];
	(xrf2) =	vadd.scan.msk.f32 $0xffff, v45  }
0x2da: {  	v49 =	vunpack.i.u.bf16.f32 v32;
	v4 =	vunpack.i.l.bf16.f32 v32  }
0x2db: {  	v12 =	vunpack.i.l.bf16.f32 v42;
	v51 =	vunpack.i.u.bf16.f32 v44;
	v3 =	vunpack.i.l.bf16.f32 v44  }
0x2dc: {  	v55 =	vunpack.i.l.bf16.f32 v46;
	[tilespmem:$0x1FF00] =	vst v12;
	v3 =	vmul.f32 v3, v12;
	v12 =	vunpack.i.l.bf16.f32 v47;
	v50, _, _ =	vpop (xrf2)  }
0x2dd: {  	v60 =	vunpack.i.u.bf16.f32 v42;
	v22 =	vunpack.i.u.bf16.f32 v47;
	v56 =	vmul.f32 v4, v12;
	v8, _, _ =	vpop (xrf2)  }
0x2de: {  	v7 =	vmul.f32 v51, v60;
	v14 =	vunpack.i.l.bf16.f32 v48;
	v6 =	vmul.f32 v49, v22;
	v13, _, _ =	vpop (xrf2)  }
0x2df: {  	v14 =	vmul.f32 v14, v55;
	v5 =	vbroadcast v50, $0xF;
	(xrf2) =	vadd.scan.msk.f32 $0xffff, v56;
	v58, _, _ =	vpop (xrf2)  }
0x2e0: {  	v8 =	vbroadcast v8, $0xF;
	v13 =	vbroadcast v13, $0xF;
	(xrf2) =	vadd.scan.msk.f32 $0xffff, v6;
	v15, _, _ =	vpop (xrf2)  }
0x2e1: {  	v5 =	vmul.f32 v62, v5;
	v4 =	vbroadcast v58, $0xF;
	(xrf2) =	vadd.scan.msk.f32 $0xffff, v3;
	v16, _, _ =	vpop (xrf2)  }
0x2e2: {  	v8 =	vmul.f32 v63, v8;
	v61 =	vbroadcast v15, $0xF;
	v59, _, _ =	vpop (xrf2)  }
0x2e3: {  	v41 =	vld [tilespmem:s24+$0xFFFFFFF0];
	v33 =	vmul.f32 v53, v13;
	v13 =	vunpack.i.u.bf16.f32 v46;
	v15 =	vbroadcast v16, $0xF;
	(xrf2) =	vadd.scan.msk.f32 $0xffff, v7;
	v16, _, _ =	vpop (xrf2)  }
0x2e4: {  	s30 =	simm.s32 $0xBB0;
	v0 =	vunpack.i.u.bf16.f32 v48;
	v4 =	vmul.f32 v54, v4;
	v32 =	vbroadcast v16, $0xF;
	v16 =	vld [tilespmem:s12+$0xFFFFFFF0];
	[tilespmem:$0x1FF10] =	vst v13  }
0x2e5: {  	s29 =	simm.s32 $0x1FB0;
	v0 =	vmul.f32 v0, v13;
	v2 =	vbroadcast v59, $0xF;
	v47 =	vld [tilespmem:s30+$0x0]  }
0x2e6: {  	v5 =	vadd.f32 v5, v8;
	v6 =	vmul.f32 v57, v61;
	(xrf2) =	vadd.scan.msk.f32 $0xffff, v14;
	v15 =	vmul.f32 v10, v15;
	v8 =	vld [tilespmem:s29+$0x0]  }
0x2e7: {  	v4 =	vadd.f32 v33, v4;
	v2 =	vmul.f32 v11, v2;
	v50 =	vld [tilespmem:s29+$0xFFFFFFC0];
	v3 =	vmul.f32 v9, v32  }
0x2e8: {  	v44 =	vunpack.i.l.bf16.f32 v41;
	v1 =	vunpack.i.u.bf16.f32 v41;
	(xrf2) =	vadd.scan.msk.f32 $0xffff, v0;
	v6 =	vadd.f32 v6, v15  }
0x2e9: {  	v51 =	vld [tilespmem:s29+$0xFFFFFFD0];
	v43 =	vadd.f32 v4, v5;
	v2 =	vadd.f32 v2, v3;
	v42, _, _ =	vpop (xrf2);
	v56 =	vunpack.i.l.bf16.f32 v16  }
0x2ea: {  	v3 =	vbroadcast v42, $0xF;
	v45, _, _ =	vpop (xrf2);
	v13 =	vunpack.i.u.bf16.f32 v16;
	v4 =	vmul.f32 v44, v56  }
0x2eb: {  	v52 =	vld [tilespmem:s30+$0x10];
	v2 =	vadd.f32 v2, v6;
	v5 =	vbroadcast v45, $0xF;
	v46, _, _ =	vpop (xrf2);
	v1 =	vmul.f32 v1, v13  }
0x2ec: {  	v17 =	vld [tilespmem:s30+$0xFFFFFFE0];
	v25 =	vmovc v13;
	v13 =	vunpack.i.l.bf16.f32 v47;
	v58 =	vunpack.i.l.bf16.f32 v8;
	v28 =	vunpack.i.u.bf16.f32 v50  }
0x2ed: {  	v15 =	vld [tilespmem:s30+$0xFFFFFFD0];
	v7 =	vunpack.i.l.bf16.f32 v50;
	v3 =	vmul.f32 v62, v3;
	v0 =	vadd.f32 v2, v43;
	v48, _, _ =	vpop (xrf2)  }
0x2ee: {  	v29 =	vld [tilespmem:s29+$0x10];
	v20 =	vunpack.i.u.bf16.f32 v51;
	v6 =	vbroadcast v46, $0xF;
	[tilespmem:$0x1FF20] =	vst v13;
	v49 =	vbroadcast v48, $0xF  }
0x2ef: {  	v59 =	vunpack.i.u.bf16.f32 v8;
	(xrf2) =	vadd.scan.msk.f32 $0xffff, v4;
	v5 =	vmul.f32 v63, v5;
	v18 =	vld [tilespmem:s29+$0xFFFFFFE0];
	v0 =	vmul.f32 $1.442695020e+00, v0  }
0x2f0: {  	v26 =	vunpack.i.l.bf16.f32 v52;
	v27 =	vld [tilespmem:s30+$0xFFFFFFF0];
	v6 =	vmul.f32 v53, v6;
	v14, _, _ =	vpop (xrf2);
	v4 =	vmul.f32 v54, v49  }
0x2f1: {  	v14 =	vbroadcast v14, $0xF;
	v3 =	vadd.f32 v3, v5;
	(erf) = vpow2.f32 v0  }
0x2f2: {  	v16, _, _ =	vpop (xrf2);
	v4 =	vadd.f32 v6, v4;
	v6 =	vmul.f32 v58, v13;
	v13 =	vunpack.i.u.bf16.f32 v15  }
0x2f3: {  	(xrf2) =	vadd.scan.msk.f32 $0xffff, v1;
	v32 =	vmul.f32 v57, v14;
	v14 =	vunpack.i.l.bf16.f32 v15;
	v15 =	vmovc v13;
	v13 =	vunpack.i.u.bf16.f32 v47  }
0x2f4: {  	v1 =	vbroadcast v16, $0xF;
	v0 =	vunpack.i.l.bf16.f32 v51;
	v16 =	vmovc v14;
	v14 =	vunpack.i.u.bf16.f32 v17;
	[tilespmem:$0x1FF30] =	vst v13  }
0x2f5: {  	v17 =	vunpack.i.l.bf16.f32 v17;
	v44 =	vunpack.i.u.bf16.f32 v18;
	v21 =	vunpack.i.l.bf16.f32 v27;
	v8 =	vld [tilespmem:s30+$0xFFFFFFC0]  }
0x2f6: {  	v1 =	vmul.f32 v10, v1;
	v0 =	vmul.f32 v0, v16;
	v47 =	vunpack.i.l.bf16.f32 v18;
	v31 =	vld [tilespmem:s29+$0xFFFFFFF0]  }
0x2f7: {  	v18 =	vunpack.i.u.bf16.f32 v27;
	v27 =	vunpack.i.u.bf16.f32 v52;
	v52 =	vunpack.i.u.bf16.f32 v29;
	v45 =	vld [tilespmem:s29+$0x20]  }
0x2f8: {  	v2 =	vmul.f32 v59, v13;
	v41 =	vmul.f32 v20, v15;
	v20 =	vunpack.i.l.bf16.f32 v29;
	v61 =	vld [tilespmem:s30+$0x20]  }
0x2f9: {  	v5 =	vmul.f32 v52, v27;
	v47 =	vmul.f32 v47, v17;
	v1 =	vadd.f32 v32, v1;
	v49 =	vld [tilespmem:s30+$0x30];
	v30, _, _ =	vpop (xrf2)  }
0x2fa: {  	v3 =	vadd.f32 v4, v3;
	v4 =	vmul.f32 v44, v14;
	v42 =	vbroadcast v30, $0xF  }
0x2fb: {  	(xrf2) =	vadd.scan.msk.f32 $0xffff, v6;
	v46 =	vmul.f32 v20, v26;
	v24 =	vunpack.i.u.bf16.f32 v8;
	v51 =	vunpack.i.l.bf16.f32 v31  }
0x2fc: {  	v50 =	vld [tilespmem:s29+$0x30];
	(xrf2) =	vadd.scan.msk.f32 $0xffff, v2;
	v43 =	vpop (erf);
	v29 =	vunpack.i.l.bf16.f32 v45;
	v59 =	vunpack.i.u.bf16.f32 v45;
	v42 =	vmul.f32 v11, v42  }
0x2fd: {  	(xrf2) =	vadd.scan.msk.f32 $0xffff, v46;
	v30 =	vbroadcast v43, $0x7;
	v52 =	vmul.f32 v28, v24;
	v28 =	vunpack.i.l.bf16.f32 v61  }
0x2fe: {  	(xrf2) =	vadd.scan.msk.f32 $0xffff, v5;
	v32 =	vunpack.i.u.bf16.f32 v49;
	v5 =	vbroadcast v43, $0x0;
	v6 =	vmul.f32 v29, v28  }
0x2ff: {  	v29 =	vunpack.i.u.bf16.f32 v61;
	v48 =	vmul.f32 v30, v23;
	v30 =	vunpack.i.l.bf16.f32 v8  }
0x300: {  	v8 =	vunpack.i.u.bf16.f32 v31;
	v31, _, _ =	vpop (xrf2);
	v2 =	vmul.f32 v59, v29;
	v59 =	vbroadcast v43, $0x6  }
0x301: {  	v61 =	vunpack.i.l.bf16.f32 v50;
	v5 =	vmul.f32 v5, v34;
	v58 =	vbroadcast v31, $0xF  }
0x302: {  	v31 =	vunpack.i.l.bf16.f32 v49;
	(xrf2) =	vadd.scan.msk.f32 $0xffff, v6;
	v49 =	vunpack.i.u.bf16.f32 v50;
	v6 =	vbroadcast v43, $0x1  }
0x303: {  	v45 =	vmul.f32 v61, v31;
	v50 =	vmul.f32 v49, v32  }
0x304: {  	(xrf2) =	vadd.scan.msk.f32 $0xffff, v2;
	v2 =	vbroadcast v43, $0x2;
	v33 =	vmul.f32 v9, v58  }
0x305: {  	v7 =	vmul.f32 v7, v30;
	v58 =	vbroadcast v43, $0x5;
	(xrf2) =	vadd.scan.msk.f32 $0xffff, v45  }
0x306: {  	v6 =	vmul.f32 v6, v35;
	v2 =	vmul.f32 v2, v36;
	v46 =	vadd.f32 v42, v33;
	(xrf2) =	vadd.scan.msk.f32 $0xffff, v50  }
0x307: {  	v33 =	vmul.f32 v8, v18;
	v8 =	vbroadcast v43, $0x3;
	v45, _, _ =	vpop (xrf2)  }
0x308: {  	v42 =	vmul.f32 v51, v21;
	v35 =	vmul.f32 v58, v39;
	v1 =	vadd.f32 v46, v1;
	v61, _, _ =	vpop (xrf2);
	(xrf2) =	vadd.scan.msk.f32 $0xffff, v7  }
0x309: {  	v50, _, _ =	vpop (xrf2);
	(xrf2) =	vadd.scan.msk.f32 $0xffff, v52;
	v52 =	vmul.f32 v8, v37;
	v37 =	vmul.f32 v59, v40  }
0x30a: {  	v59 =	vbroadcast v45, $0xF;
	v61 =	vbroadcast v61, $0xF;
	v1 =	vadd.f32 v1, v3  }
0x30b: {  	v3 =	vbroadcast v43, $0x4;
	v34 =	vbroadcast v50, $0xF  }
0x30c: {  	v51, _, _ =	vpop (xrf2);
	(xrf2) =	vadd.scan.msk.f32 $0xffff, v0;
	v39 =	vmul.f32 v63, v61;
	v1 =	vmul.f32 $1.442695020e+00, v1  }
0x30d: {  	s6 =	simm.s32 $0x4000;
	v3 =	vmul.f32 v3, v38;
	v8, _, _ =	vpop (xrf2);
	v38 =	vmul.f32 v62, v59  }
0x30e: {  	[tilespmem:s6+$0x80] =	vst v43;
	v58, _, _ =	vpop (xrf2);
	v45 =	vbroadcast v8, $0xF;
	(erf) = vpow2.f32 v1  }
0x30f: {  	[tilespmem:s6+$0x70] =	vst v48;
	v48 =	vmul.f32 v53, v34;
	v1 =	vbroadcast v51, $0xF;
	v44, _, _ =	vpop (xrf2)  }
0x310: {  	[tilespmem:s6+$0x0] =	vst v5;
	v8 =	vbroadcast v58, $0xF;
	v0 =	vmul.f32 v57, v45;
	v46, _, _ =	vpop (xrf2)  }
0x311: {  	[tilespmem:s6+$0x10] =	vst v6;
	v40 =	vbroadcast v44, $0xF;
	v36 =	vbroadcast v46, $0xF  }
0x312: {  	[tilespmem:s6+$0x20] =	vst v2;
	v1 =	vmul.f32 v54, v1;
	v49 =	vmul.f32 v10, v8;
	v50, _, _ =	vpop (xrf2)  }
0x313: {  	[tilespmem:s6+$0x50] =	vst v35;
	v8 =	vmul.f32 v11, v40;
	v51 =	vmul.f32 v9, v36;
	v58, _, _ =	vpop (xrf2)  }
0x314: {  	[tilespmem:s6+$0x30] =	vst v52;
	v52 =	vadd.f32 v38, v39;
	v1 =	vadd.f32 v48, v1;
	v59 =	vbroadcast v58, $0xF  }
0x315: {  	(xrf2) =	vadd.scan.msk.f32 $0xffff, v41;
	v0 =	vadd.f32 v0, v49;
	v2 =	vbroadcast v50, $0xF;
	v61 =	vadd.f32 v8, v51  }
0x316: {  	[tilespmem:s6+$0x40] =	vst v3;
	(xrf2) =	vadd.scan.msk.f32 $0xffff, v47;
	v1 =	vadd.f32 v1, v52;
	v3 =	vmul.f32 v63, v59;
	v63, _, _ =	vpop (xrf2)  }
0x317: {  	(xrf2) =	vadd.scan.msk.f32 $0xffff, v4;
	v2 =	vmul.f32 v62, v2;
	v36 =	vpop (erf);
	v0 =	vadd.f32 v61, v0;
	v38 =	vbroadcast v63, $0xF  }
0x318: {  	[tilespmem:s6+$0x60] =	vst v37;
	(xrf2) =	vadd.scan.msk.f32 $0xffff, v42;
	v41 =	vbroadcast v36, $0x0;
	v34 =	vbroadcast v36, $0x1  }
0x319: {  	s23 =	simm.s32 $0x4000;
	s24 =	simm.s32 $0x2;
	s12 =	simm.s32 $0xC30;
	[tilespmem:s6+$0xFFFFFFF0] =	vst v36;
	v40 =	vadd.f32 v2, v3;
	v35 =	vbroadcast v36, $0x2;
	v39 =	vadd.f32 v0, v1  }
.LBB2_5:
0x31a: {  	v0 =	vld [tilespmem:s12+$0x0]  }
0x31b: {  	s29 =	sadd.s32 $0x80, s29;
	v8 =	vld [tilespmem:s12+$0xFFFFFFE0]  }
0x31c: {  	v3 =	vld [tilespmem:s29+$0x0]  }
0x31d: {  	v44 =	vbroadcast v36, $0x4;
	v5 =	vld [tilespmem:s29+$0xFFFFFFC0]  }
0x31e: {  	v1 =	vmul.f32 v53, v38;
	v63 =	vld [tilespmem:s29+$0xFFFFFFD0];
	v53 =	vmul.f32 v41, v12  }
0x31f: {  	v42 =	vbroadcast v36, $0x6;
	v4 =	vmul.f32 $1.442695020e+00, v39;
	v46 =	vld [tilespmem:s29+$0x10]  }
0x320: {  	v6 =	vld [tilespmem:s12+$0xFFFFFFD0];
	v45 =	vbroadcast v36, $0x7;
	v20 =	vmov v18;
	v38 =	vbroadcast v36, $0x3;
	[tilespmem:s6+$0xFFFFFF70] =	vst v53  }
0x321: {  	v18 =	vmovc v30;
	v19 =	vmovc v17;
	v39 =	vbroadcast v36, $0x5;
	(erf) = vpow2.f32 v4;
	v47 =	vld [tilespmem:s29+$0xFFFFFFE0];
	v43 =	vunpack.i.l.bf16.f32 v0  }
0x322: {  	v17 =	vmovc v16;
	v16 =	vmovc v15;
	v49 =	vunpack.i.u.bf16.f32 v0;
	v53 =	vunpack.i.u.bf16.f32 v8;
	v52 =	vunpack.i.l.bf16.f32 v8  }
0x323: {  	v2, _, _ =	vpop (xrf2);
	v30 =	vunpack.i.l.bf16.f32 v3;
	v37 =	vunpack.i.u.bf16.f32 v5;
	v58 =	vunpack.i.u.bf16.f32 v3  }
0x324: {  	v4 =	vunpack.i.l.bf16.f32 v63;
	v61 =	vunpack.i.l.bf16.f32 v46;
	v2 =	vbroadcast v2, $0xF;
	v7, _, _ =	vpop (xrf2);
	(xrf2) =	vadd.scan.msk.f32 $0xffff, v33;
	v33 =	vld [tilespmem:s12+$0x10]  }
0x325: {  	v15 =	vmovc v55;
	v23 =	vmovc v56;
	v48 =	vld [tilespmem:s12+$0xFFFFFFF0];
	v62 =	vunpack.i.u.bf16.f32 v46;
	v30 =	vmul.f32 v30, v43;
	v7 =	vbroadcast v7, $0xF  }
0x326: {  	v8 =	vld [tilespmem:s12+$0x20];
	v0 =	vmul.f32 v58, v49;
	v2 =	vmul.f32 v54, v2;
	v54, _, _ =	vpop (xrf2);
	v56 =	vunpack.i.u.bf16.f32 v47  }
0x327: {  	v12 =	vmovc v60;
	(xrf2) =	vadd.scan.msk.f32 $0xffff, v30;
	v30 =	vld [tilespmem:s12+$0xFFFFFFC0];
	v60 =	vunpack.i.l.bf16.f32 v47;
	v7 =	vmul.f32 v57, v7;
	v55 =	vbroadcast v54, $0xF  }
0x328: {  	v57 =	vunpack.i.u.bf16.f32 v63;
	v54 =	vld [tilespmem:s29+$0xFFFFFFF0];
	v1 =	vadd.f32 v1, v2;
	v2 =	vunpack.i.u.bf16.f32 v6  }
0x329: {  	v59, _, _ =	vpop (xrf2);
	(xrf2) =	vadd.scan.msk.f32 $0xffff, v0;
	v6 =	vunpack.i.l.bf16.f32 v6;
	v36 =	vmul.f32 v57, v2;
	v50 =	vunpack.i.l.bf16.f32 v33;
	v57 =	vld [tilespmem:s29+$0x20]  }
0x32a: {  	v51 =	vunpack.i.l.bf16.f32 v48;
	v41 =	vmul.f32 v4, v6;
	v3 =	vpop (erf);
	v4 =	vmul.f32 v61, v50  }
0x32b: {  	v58 =	vbroadcast v3, $0x7;
	v61 =	vunpack.i.u.bf16.f32 v48;
	v48 =	vunpack.i.u.bf16.f32 v33  }
0x32c: {  	v0 =	vbroadcast v59, $0xF;
	v47 =	vunpack.i.u.bf16.f32 v30;
	v46 =	vmul.f32 v62, v48  }
0x32d: {  	v13 =	vld [tilespmem:$0x1FFF0];
	v63 =	vmul.f32 v58, v32;
	v33 =	vunpack.i.u.bf16.f32 v54;
	v58 =	vunpack.i.l.bf16.f32 v54  }
0x32e: {  	v54 =	vunpack.i.l.bf16.f32 v8;
	v59, _, _ =	vpop (xrf2);
	(xrf2) =	vadd.scan.msk.f32 $0xffff, v4;
	v4 =	vmul.f32 v37, v47;
	v37 =	vunpack.i.l.bf16.f32 v57  }
0x32f: {  	v32 =	vmul.f32 v37, v54  }
0x330: {  	s6 =	sadd.s32 $0x120, s6;
	v8 =	vunpack.i.u.bf16.f32 v8;
	v10 =	vunpack.i.u.bf16.f32 v57;
	(xrf2) =	vadd.scan.msk.f32 $0xffff, v46  }
0x331: {  	[tilespmem:s6+$0x70] =	vst v63;
	v57 =	vbroadcast v59, $0xF;
	v63, _, _ =	vpop (xrf2);
	(xrf2) =	vadd.scan.msk.f32 $0xffff, v32;
	v32 =	vmul.f32 v10, v8  }
0x332: {  	v55 =	vmul.f32 v13, v55;
	v1 =	vadd.f32 v1, v40;
	v40 =	vmul.f32 v56, v53  }
0x333: {  	v0 =	vmul.f32 v11, v0;
	v56, _, _ =	vpop (xrf2);
	(xrf2) =	vadd.scan.msk.f32 $0xffff, v32;
	v32 =	vmul.f32 v9, v57  }
0x334: {  	v62 =	vld [tilespmem:s12+$0x30]  }
0x335: {  	v7 =	vadd.f32 v7, v55;
	v46 =	vmul.f32 v60, v52;
	v60 =	vld [tilespmem:s29+$0x30];
	v0 =	vadd.f32 v0, v32  }
0x336: {  	v5 =	vunpack.i.l.bf16.f32 v5;
	v11 =	vbroadcast v3, $0x5  }
0x337: {  	v30 =	vunpack.i.l.bf16.f32 v30;
	v55 =	vbroadcast v3, $0x0;
	v0 =	vadd.f32 v0, v7  }
0x338: {  	v5 =	vmul.f32 v5, v30;
	v37 =	vmul.f32 v58, v51  }
0x339: {  	v9 =	vbroadcast v3, $0x1;
	v0 =	vadd.f32 v0, v1;
	v1 =	vmul.f32 v34, v22;
	v22 =	vld [tilespmem:$0x1FF00]  }
0x33a: {  	v58 =	vunpack.i.l.bf16.f32 v62;
	v10 =	vunpack.i.l.bf16.f32 v60;
	v60 =	vunpack.i.u.bf16.f32 v60  }
0x33b: {  	v57 =	vmul.f32 v10, v58;
	v10 =	vbroadcast v3, $0x2;
	v32 =	vunpack.i.u.bf16.f32 v62  }
0x33c: {  	v60 =	vmul.f32 v60, v32;
	v7 =	vbroadcast v3, $0x4  }
0x33d: {  	v10 =	vmul.f32 v10, v26;
	v59, _, _ =	vpop (xrf2);
	(xrf2) =	vadd.scan.msk.f32 $0xffff, v57;
	v57 =	vbroadcast v3, $0x3  }
0x33e: {  	[tilespmem:s6+$0x80] =	vst v3;
	v3 =	vbroadcast v3, $0x6;
	v22 =	vmul.f32 v35, v22  }
0x33f: {  	v14 =	vmov v14;
	[tilespmem:s6+$0x20] =	vst v10;
	v35 =	vmul.f32 v38, v12;
	v12 =	vmul.f32 v44, v15;
	v44 =	vld [tilespmem:$0x1FF10]  }
0x340: {  	v62, _, _ =	vpop (xrf2);
	(xrf2) =	vadd.scan.msk.f32 $0xffff, v60;
	v3 =	vmul.f32 v3, v31;
	[tilespmem:$0x1FF10] =	vst v14;
	v14 =	vld [tilespmem:$0x1FF20]  }
0x341: {  	v34, _, _ =	vpop (xrf2);
	[tilespmem:s23+$0xFFFFFF80] =	vst v1;
	(xrf2) =	vadd.scan.msk.f32 $0xffff, v5;
	v5 =	vmul.f32 v45, v25  }
0x342: {  	v33 =	vmul.f32 v33, v61;
	[tilespmem:s6+$0x60] =	vst v3  }
0x343: {  	v31 =	vbroadcast v62, $0xF;
	v62 =	vld [tilespmem:$0x1FF80];
	[tilespmem:s23+$0xFFFFFFE0] =	vst v5;
	v15 =	vmovc v2;
	v2 =	vmul.f32 v42, v23;
	v23 =	vmov v43  }
0x344: {  	v60 =	vmovc v16;
	v16 =	vmov v6;
	v45 =	vbroadcast v63, $0xF;
	v63 =	vld [tilespmem:$0x1FF90];
	v38 =	vmul.f32 $1.442695020e+00, v0;
	[tilespmem:$0x1FF20] =	vst v23  }
0x345: {  	v6, _, _ =	vpop (xrf2);
	(xrf2) =	vadd.scan.msk.f32 $0xffff, v4;
	v42 =	vmul.f32 v7, v28;
	[tilespmem:s23+$0xFFFFFF90] =	vst v22;
	v22 =	vmul.f32 v55, v14;
	v14 =	vld [tilespmem:$0x1FF30]  }
0x346: {  	v28 =	vmovc v54;
	v54 =	vld [tilespmem:$0x1FFB0];
	[tilespmem:s23+$0xFFFFFFA0] =	vst v35;
	v1 =	vmul.f32 v39, v44;
	v44 =	vmov v17;
	v39 =	vmul.f32 v57, v27  }
0x347: {  	v57 =	vld [tilespmem:$0x1FFC0];
	[tilespmem:$0x1FF00] =	vst v44;
	v44 =	vmul.f32 v11, v29;
	v11 =	vbroadcast v56, $0xF  }
0x348: {  	v34 =	vbroadcast v34, $0xF;
	(erf) = vpow2.f32 v38;
	[tilespmem:s23+$0xFFFFFFB0] =	vst v12;
	v17 =	vmov v52;
	v52 =	vld [tilespmem:$0x1FFE0]  }
0x349: {  	v6 =	vbroadcast v6, $0xF;
	[tilespmem:s23+$0xFFFFFFD0] =	vst v2;
	v10 =	vmul.f32 v63, v11;
	v11 =	vld [tilespmem:$0x1FFD0]  }
0x34a: {  	[tilespmem:s6+$0x40] =	vst v42;
	v43, _, _ =	vpop (xrf2);
	(xrf2) =	vadd.scan.msk.f32 $0xffff, v41;
	v9 =	vmul.f32 v9, v14;
	v14 =	vmov v53;
	v53 =	vld [tilespmem:$0x1FFA0]  }
0x34b: {  	v26 =	vmovc v50;
	v25 =	vmov v20;
	v2 =	vmul.f32 v62, v45;
	v6 =	vmul.f32 v13, v6;
	[tilespmem:s23+$0xFFFFFFC0] =	vst v1  }
0x34c: {  	v38 =	vmov v49;
	v49 =	vbroadcast v59, $0xF;
	[tilespmem:s6+$0x0] =	vst v22;
	v1 =	vbroadcast v43, $0xF;
	v22, _, _ =	vpop (xrf2)  }
0x34d: {  	v12 =	vmovc v18;
	v18 =	vmovc v61;
	v55 =	vmov v19;
	v19 =	vmul.f32 v54, v31;
	[tilespmem:s6+$0x10] =	vst v9;
	v9 =	vbroadcast v22, $0xF  }
0x34e: {  	v31 =	vmovc v58;
	v56 =	vmovc v21;
	v21 =	vmov v51;
	v51 =	vmul.f32 v57, v34;
	v1 =	vmul.f32 v11, v1  }
0x34f: {  	s24 =	sadd.s32 $0x2, s24;
	[tilespmem:$0x1FF30] =	vst v38;
	v29 =	vmov v8;
	v8, _, _ =	vpop (xrf2);
	v7 =	vmul.f32 v52, v9;
	v50 =	vmul.f32 v53, v49  }
0x350: {  	p0 =	slt.u32 s24, $0x26;
	[tilespmem:s6+$0x30] =	vst v39;
	v58 =	vbroadcast v8, $0xF;
	v8 =	vadd.f32 v2, v10;
	v59, _, _ =	vpop (xrf2);
	v4 =	vadd.f32 v51, v6  }
.Ltmp1:
0x351: {  	(xrf2) =	vadd.scan.msk.f32 $0xffff, v36;
	v36 =	vpop (erf);
	v5 =	vbroadcast v59, $0xF;
	v1 =	vadd.f32 v1, v7;
	v0 =	vadd.f32 v50, v19;
	(pc) =	sbr.rel @p0 .LBB2_5-.Ltmp1, $4  }
0x352: {  	v27 =	vmovc v48;
	[tilespmem:s6+$0x50] =	vst v44;
	(xrf2) =	vadd.scan.msk.f32 $0xffff, v46;
	v41 =	vbroadcast v36, $0x0;
	v3 =	vmul.f32 v62, v58  }
0x353: {  	(xrf2) =	vadd.scan.msk.f32 $0xffff, v40;
	v5 =	vmul.f32 v63, v5;
	v1 =	vadd.f32 v1, v4;
	v0 =	vadd.f32 v0, v8  }
0x354: {  	v22 =	vmov v24;
	[tilespmem:s6+$0xFFFFFFF0] =	vst v36;
	v34 =	vbroadcast v36, $0x1;
	v35 =	vbroadcast v36, $0x2;
	v61, _, _ =	vpop (xrf2)  }
0x355: {  	s12 =	sadd.s32 $0x80, s12;
	s23 =	smov.u32 s6;
	v24 =	vmovc v47;
	v9 =	vld [tilespmem:$0x1FFE0];
	(xrf2) =	vadd.scan.msk.f32 $0xffff, v37;
	v38 =	vbroadcast v61, $0xF;
	v40 =	vadd.f32 v3, v5;
	v39 =	vadd.f32 v1, v0  }
0x356: {  	(xrf2) =	vadd.scan.msk.f32 $0xffff, v33;
	_ =	sdelay $0x2  }
0x357: {  	v0 =	vmul.f32 $1.442695020e+00, v39;
	_ =	sdelay $0x1  }
0x358: {  	(erf) = vpow2.f32 v0  }
0x359: {  	v1, _, _ =	vpop (xrf2)  }
0x35a: {  	v8 =	vld [tilespmem:$0x1FFF0];
	v0 =	vbroadcast v1, $0xF;
	v1, _, _ =	vpop (xrf2)  }
0x35b: {  	v2, _, _ =	vpop (xrf2)  }
0x35c: {  	v3 =	vmul.f32 v53, v38;
	v1 =	vbroadcast v1, $0xF;
	v4, _, _ =	vpop (xrf2)  }
0x35d: {  	v0 =	vmul.f32 v54, v0;
	v2 =	vbroadcast v2, $0xF;
	v5, _, _ =	vpop (xrf2)  }
0x35e: {  	v4 =	vbroadcast v4, $0xF;
	v5 =	vbroadcast v5, $0xF  }
0x35f: {  	v1 =	vmul.f32 v57, v1;
	v2 =	vmul.f32 v8, v2  }
0x360: {  	v4 =	vmul.f32 v11, v4;
	v5 =	vmul.f32 v9, v5  }
0x361: {  	v49 =	vmul.f32 v41, v12;
	v0 =	vadd.f32 v3, v0;
	v3 =	vpop (erf)  }
0x362: {  	v1 =	vadd.f32 v1, v2;
	v48 =	vbroadcast v3, $0x7;
	v2 =	vadd.f32 v4, v5;
	_ =	sdelay $0x1  }
0x363: {  	s30 =	sadd.s32 $0x120, s6;
	[tilespmem:s6+$0xFFFFFF70] =	vst v49;
	v1 =	vadd.f32 v2, v1;
	v2 =	vmul.f32 v48, v32  }
0x364: {  	[tilespmem:s30+$0x80] =	vst v3  }
0x365: {  	[tilespmem:s30+$0x70] =	vst v2  }
0x366: {  	v5 =	vld [tilespmem:$0x1FF00];
	_ =	sdelay $0x3  }
0x367: {  	v2 =	vmul.f32 v34, v22  }
0x368: {  	v5 =	vmul.f32 v35, v5  }
0x369: {  	[tilespmem:s23+$0xFFFFFF80] =	vst v2  }
0x36a: {  	[tilespmem:s23+$0xFFFFFF90] =	vst v5  }
0x36b: {  	v5 =	vld [tilespmem:$0x1FF10]  }
0x36c: {  	v50 =	vbroadcast v36, $0x3;
	v0 =	vadd.f32 v0, v40  }
0x36d: {  	v6 =	vbroadcast v36, $0x4  }
0x36e: {  	v4 =	vmul.f32 v50, v60;
	v0 =	vadd.f32 v1, v0;
	v1 =	vbroadcast v36, $0x5  }
0x36f: {  	v7 =	vbroadcast v36, $0x6;
	v2 =	vmul.f32 v6, v55  }
0x370: {  	v0 =	vmul.f32 $1.442695020e+00, v0;
	[tilespmem:s23+$0xFFFFFFA0] =	vst v4;
	v1 =	vmul.f32 v1, v5  }
0x371: {  	v52 =	vmul.f32 v7, v56;
	[tilespmem:s23+$0xFFFFFFB0] =	vst v2  }
0x372: {  	(erf) = vpow2.f32 v0;
	v0 =	vbroadcast v36, $0x7;
	[tilespmem:s23+$0xFFFFFFC0] =	vst v1  }
0x373: {  	v55 =	vld [tilespmem:$0x1FF20];
	[tilespmem:s23+$0xFFFFFFD0] =	vst v52  }
0x374: {  	v56 =	vbroadcast v3, $0x3;
	v0 =	vmul.f32 v0, v25;
	v58 =	vld [tilespmem:$0x1FF30]  }
0x375: {  	v1 =	vbroadcast v3, $0x2  }
0x376: {  	v5 =	vmul.f32 v56, v27;
	[tilespmem:s23+$0xFFFFFFE0] =	vst v0;
	v0 =	vbroadcast v3, $0x4  }
0x377: {  	v2 =	vbroadcast v3, $0x1;
	v1 =	vmul.f32 v1, v26  }
0x378: {  	v59 =	vbroadcast v3, $0x5;
	[tilespmem:s30+$0x30] =	vst v5;
	v0 =	vmul.f32 v0, v28  }
0x379: {  	v51 =	vbroadcast v3, $0x0;
	[tilespmem:s30+$0x20] =	vst v1;
	v2 =	vmul.f32 v2, v58  }
0x37a: {  	v1 =	vmul.f32 v59, v29;
	[tilespmem:s30+$0x40] =	vst v0  }
0x37b: {  	v4 =	vmul.f32 v51, v55;
	[tilespmem:s30+$0x10] =	vst v2;
	v2 =	vbroadcast v3, $0x6;
	v3 =	vpop (erf)  }
0x37c: {  	[tilespmem:s30+$0x50] =	vst v1;
	v0 =	vbroadcast v3, $0x0  }
0x37d: {  	[tilespmem:s30+$0x0] =	vst v4;
	v1 =	vbroadcast v3, $0x1;
	v2 =	vmul.f32 v2, v31  }
0x37e: {  	[tilespmem:s30+$0xFFFFFFF0] =	vst v3;
	v60 =	vbroadcast v3, $0x3;
	v0 =	vmul.f32 v0, v30  }
0x37f: {  	v1 =	vmul.f32 v1, v24;
	[tilespmem:s30+$0x60] =	vst v2;
	v2 =	vbroadcast v3, $0x2  }
0x380: {  	v61 =	vbroadcast v3, $0x4;
	v4 =	vmul.f32 v60, v15;
	[tilespmem:s30+$0xFFFFFF70] =	vst v0  }
0x381: {  	[tilespmem:s30+$0xFFFFFF80] =	vst v1;
	v1 =	vbroadcast v3, $0x6;
	v0 =	vmul.f32 v2, v16  }
0x382: {  	s28 =	sadd.s32 $0x1, s28;
	v5 =	vmul.f32 v61, v17;
	[tilespmem:s30+$0xFFFFFFA0] =	vst v4;
	v2 =	vbroadcast v3, $0x5  }
0x383: {  	p0 =	sne.s32 s28, $0x7D;
	v1 =	vmul.f32 v1, v21;
	[tilespmem:s30+$0xFFFFFF90] =	vst v0;
	v0 =	vbroadcast v3, $0x7  }
.Ltmp2:
0x384: {  	[tilespmem:s30+$0xFFFFFFB0] =	vst v5;
	v2 =	vmul.f32 v2, v14;
	(pc) =	sbr.rel @p0 .LBB2_2-.Ltmp2, $4  }
0x385: {  	[tilespmem:s30+$0xFFFFFFD0] =	vst v1;
	v0 =	vmul.f32 v0, v18  }
0x386: {  	[tilespmem:s30+$0xFFFFFFC0] =	vst v2  }
0x387: {  	[tilespmem:s30+$0xFFFFFFE0] =	vst v0  }
0x388: {  	v1 =	vmov v8;
	[spmem:s1] =	stream.indirect.scatter.add.f32 [tilespmem:s22], [sflag:$0x4], $0x90, s21, s7, $0xb8;
	[tilespmem:$0x1BDF0] =	vst v63  }
0x389: {  	s6 =	simm.s32 $0x3  }
0x38a: {  	_ =	swait.ge [sflag:s6], $0x1680  }
0x38b: {  	[sflag:s6] =	ssyncset.done $0x0  }
0x38c: {  	s29 =	simm.s32 $0x4;
	[sflag:s6] =	ssyncadd.s32 $0xFFFFE980  }
0x38d: {  	_ =	swait.ge [sflag:s29], $0x1680  }
0x38e: {  	[sflag:s29] =	ssyncset.done $0x0  }
0x38f: {  	[sflag:s29] =	ssyncadd.s32 $0xFFFFE980  }
0x390: {  	_ =	swait.ge [sflag:s17], $0xA00  }
0x391: {  	[sflag:s17] =	ssyncset.done $0x0  }
0x392: {  	[sflag:s17] =	ssyncadd.s32 $0xFFFFF600  }
0x393: {  	_ =	swait.ge [sflag:s17], $0xA00  }
0x394: {  	[sflag:s17] =	ssyncset.done $0x0  }
0x395: {  	[sflag:s17] =	ssyncadd.s32 $0xFFFFF600  }
0x396: {  	_ =	swait.ge [sflag:s14], $0x28  }
0x397: {  	[sflag:s14] =	ssyncset.done $0x0  }
0x398: {  	[sflag:s14] =	ssyncadd.s32 $0xFFFFFFD8  }
0x399: {  	_ =	swait.ge [sflag:s14], $0x28  }
0x39a: {  	[sflag:s14] =	ssyncset.done $0x0  }
0x39b: {  	[sflag:s14] =	ssyncadd.s32 $0xFFFFFFD8  }
0x39c: {  	[bflag:$0x0] =	sbarrier.arrive $0xFFFF  }
0x39d: {  	s24 =	rddreg [dreg:$0x7]  }
0x39e: {  	[tilespmem:s31], [sflag:$0x7] =	stream.linear.gather [spmem:s24], $0x1680, $0x38;
	[tilespmem:$0x1BDF0] =	vst v63  }
0x39f: {  	_ =	swait.ge [sflag:s0], $0x1680  }
0x3a0: {  	[sflag:s0] =	ssyncset.done $0x0  }
0x3a1: {  	s30 =	sadd.s32 $0x0, s25;
	[sflag:s0] =	ssyncadd.s32 $0xFFFFE980  }
0x3a2: {  	[hbm4b:s30+s3] =	stream.linear.scatter [tilespmem:s31], [sflag:$0x7], $0x1680, $0x38;
	[tilespmem:$0x1BDF0] =	vst v63  }
0x3a3: {  	_ =	swait.ge [sflag:s0], $0x1680  }
0x3a4: {  	s6 =	simm.s32 $0x2D0;
	s12 =	smov.u32 s24;
	[sflag:s0] =	ssyncset.done $0x0  }
.LBB2_8:
0x3a5: {  	p0 =	sne.s32 s6, $0x2A30;
	[sflag:s0] =	ssyncadd.s32 $0xFFFFE980;
	s12 =	sadd.s32 $0x1680, s12  }
0x3a6: {  	[tilespmem:s31], [sflag:$0x7] =	stream.linear.gather [spmem:s12], $0x1680, $0x38;
	[tilespmem:$0x1BDF0] =	vst v63  }
0x3a7: {  	s23 =	smov.u32 s6;
	s6 =	sadd.s32 $0x2D0, s6;
	_ =	swait.ge [sflag:s0], $0x1680  }
.Ltmp3:
0x3a8: {  	[sflag:s0] =	ssyncset.done $0x0;
	(pc) =	sbr.rel @p0 .LBB2_8-.Ltmp3, $4  }
0x3a9: {  	s23 =	sadd.s32 s23, s25;
	[sflag:s0] =	ssyncadd.s32 $0xFFFFE980  }
0x3aa: {  	[hbm4b:s23+s3] =	stream.linear.scatter [tilespmem:s31], [sflag:$0x7], $0x1680, $0x38;
	[tilespmem:$0x1BDF0] =	vst v63  }
0x3ab: {  	_ =	swait.ge [sflag:s0], $0x1680  }
0x3ac: {  	[sflag:s0] =	ssyncset.done $0x0  }
0x3ad: {  	s26 =	sadd.s32 $0x1, s26;
	s6 =	rddreg [dreg:$0x8]  }
0x3ae: {  	p0 =	sne.s32 s26, s6  }
.Ltmp4:
0x3af: {  	_ = 	snop;
	(pc) =	sbr.rel @p0 .LBB2_1-.Ltmp4, $2  }
0x3b0: {  	_ =	sdelay $0x2  }
0x3b1: {  	[sflag:s0] =	ssyncadd.s32 $0xFFFFE980  }
0x3b2: {  	_ =	sfence.sel $0x180000  }
0x3b3: {  	[bflag:$0x0] =	sbarrier.arrive $0xFFFF  }
0x3b4: {  	_ =	strace $0x90000047  }
0x3b5: {  	s0 =	stileid.u32;
	[bflag:$0x2] =	sbarrier.arrive $0xFFFF  }
0x3b6: {  	p0 =	sne.s32 s0, $0x0;
	s0 =	rddreg [dreg:$0x2]  }
0x3b7: {  	s0 =	sadd.s32 @!p0 $0x100000, s0  }
0x3b8: {  	[sflag:s0] =	ssyncadd.tile.s32 @!p0 $0x1;
	_ =	shalt  }
.Lfunc_end2:
_tile_overlayer_lowered:
.L_overlay_start_2:
0x3b9: {  	(tag) =	ssettag $0x2  }
0x3ba: {  	s0 =	rddreg [dreg:$0x0];
	s2 =	stileid.u32  }
0x3bb: {  	s1 =	rddreg [dreg:$0x1];
	p0 =	sne.s32 s2, $0x0  }
0x3bc: {  	s3 =	rddreg [dreg:$0x2];
	[bflag:$0x3] =	sbarrier.arrive $0xFFFF;
	s2 =	simm.s32 @!p0 $0x1C07  }
0x3bd: {  	[timem:s3], [sflag:s2] =	dma.local @!p0 [hbm:s0], s1  }
0x3be: {  	s0 =	simm.s32 @!p0 $0x7  }
0x3bf: {  	_ =	swait.ge @!p0 [sflag:s0], s1  }
0x3c0: {  	s1 =	ssub.s32 @!p0 $0x0, s1;
	[sflag:s0] =	ssyncset.done @!p0 $0x0  }
0x3c1: {  	[sflag:s0] =	ssyncadd.s32 @!p0 s1  }
0x3c2: {  	[bflag:$0x3] =	sbarrier.arrive $0xFFFF  }
0x3c3: {  	_ =	shalt  }

</sc_bundles>
